<compile_context>
chip_gen: v7x
topology: tpu7x:2x2x1
jax: 0.10.2.dev20260603
libtpu: 0.0.44.dev20260713+nightly
codegen_flags: <defaults>
</compile_context>

<pallas_src>
import functools

import jax
import jax.numpy as jnp
from jax import lax
from jax.experimental import pallas as pl
from jax.experimental.pallas import tpu as pltpu
from jax.experimental.pallas import tpu_sc as plsc

EMBED_DIM = 128
N_NODES = 10000
N_EDGES = 320000
N_CONVS = 5
N_GRAPHS = 256
GAMMA = 10.0
DIST_UNIT = 0.1
N_RBF = 30

NC = 2
NS = 16
NW = NC * NS
EPW = N_EDGES // NW
C = 80
NWIN = EPW // C
NPAD = 10240
ZR = 128
RPS = NPAD // NS
NV = EMBED_DIM // 16

_HIGHEST = jax.lax.Precision.HIGHEST


def _dot(a, b):
  return jax.lax.dot(a, b, precision=_HIGHEST,
                     preferred_element_type=jnp.float32)


def _dot_bf16(a, b):
  return jax.lax.dot(a.astype(jnp.bfloat16), b.astype(jnp.bfloat16),
                     preferred_element_type=jnp.float32)


def _edge_body(e_hbm, src_hbm, dst_hbm, h_hbm, out_hbm,
               agg_sh, src_v, dst_v, e_v, hs_v, z_v, sem):
  c = lax.axis_index("c")
  s = lax.axis_index("s")
  wid = c * NS + s
  base0 = wid * EPW

  zero16 = jnp.zeros((16,), jnp.float32)

  def zrow(i, _):
    for j in range(NV):
      z_v[i, pl.ds(j * 16, 16)] = zero16
    return 0

  lax.fori_loop(0, ZR, zrow, 0)
  row0 = s * RPS
  for k in range(RPS // ZR):
    pltpu.sync_copy(z_v, agg_sh.at[pl.ds(row0 + k * ZR, ZR)])
  plsc.subcore_barrier()

  def window(w, _):
    base = base0 + w * C
    pltpu.sync_copy(src_hbm.at[pl.ds(base, C)], src_v)
    pltpu.sync_copy(dst_hbm.at[pl.ds(base, C)], dst_v)
    pltpu.sync_copy(e_hbm.at[pl.ds(base, C)], e_v)
    pltpu.async_copy(h_hbm.at[src_v], hs_v, sem).wait()

    def row(i, _):
      for j in range(NV):
        sl = pl.ds(j * 16, 16)
        e_v[i, sl] = jnp.maximum(e_v[i, sl] + hs_v[i, sl], 0.0)
      return 0

    lax.fori_loop(0, C, row, 0)
    pltpu.sync_copy(e_v, agg_sh.at[dst_v], add=True)
    return 0

  lax.fori_loop(0, NWIN, window, 0)
  plsc.subcore_barrier()
  pltpu.sync_copy(agg_sh.at[pl.ds(row0, RPS)],
                  out_hbm.at[c, pl.ds(row0, RPS)])


@functools.cache
def _edge_kernel():
  mesh = plsc.VectorSubcoreMesh(core_axis_name="c", subcore_axis_name="s",
                                num_cores=NC, num_subcores=NS)
  return pl.kernel(
      _edge_body,
      out_type=jax.ShapeDtypeStruct((NC, NPAD, EMBED_DIM), jnp.float32),
      mesh=mesh,
      scratch_types=[
          pltpu.VMEM_SHARED((NPAD, EMBED_DIM), jnp.float32),
          pltpu.VMEM((C,), jnp.int32),
          pltpu.VMEM((C,), jnp.int32),
          pltpu.VMEM((C, EMBED_DIM), jnp.float32),
          pltpu.VMEM((C, EMBED_DIM), jnp.float32),
          pltpu.VMEM((ZR, EMBED_DIM), jnp.float32),
          pltpu.SemaphoreType.DMA,
      ],
      name="sc_edge_stage",
  )


_NB = 2000


def _embed_body(at_ref, emb_ref, out_ref):
  ids = at_ref[...]
  io = lax.broadcasted_iota(jnp.int32, (_NB, 128), 1)
  oh = jnp.where(ids == io, 1.0, 0.0).astype(jnp.float32)
  out_ref[...] = _dot(oh, emb_ref[...])


def _embed(atom_types, atom_embed):
  at2 = atom_types.astype(jnp.int32).reshape(N_NODES, 1)
  emb = jnp.zeros((128, EMBED_DIM), jnp.float32).at[:120].set(atom_embed)
  return pl.pallas_call(
      _embed_body,
      grid=(N_NODES // _NB,),
      in_specs=[
          pl.BlockSpec((_NB, 1), lambda i: (i, 0)),
          pl.BlockSpec((128, EMBED_DIM), lambda i: (0, 0)),
      ],
      out_specs=pl.BlockSpec((_NB, EMBED_DIM), lambda i: (i, 0)),
      out_shape=jax.ShapeDtypeStruct((N_NODES, EMBED_DIM), jnp.float32),
  )(at2, emb)


_EB = 2560


def _e_body(bond_ref, w_ref, b_ref, out_ref):
  d = bond_ref[...]
  kc = (lax.broadcasted_iota(jnp.int32, (_EB, 32), 1).astype(jnp.float32)
        * DIST_UNIT)
  rbf = jnp.exp(-GAMMA * (d - kc) ** 2)
  out_ref[...] = _dot_bf16(rbf, w_ref[...]) + b_ref[...]


def _edge_features(bond2, w_pad_l, b_l):
  return pl.pallas_call(
      _e_body,
      grid=(N_EDGES // _EB,),
      in_specs=[
          pl.BlockSpec((_EB, 1), lambda i: (i, 0)),
          pl.BlockSpec((32, EMBED_DIM), lambda i: (0, 0)),
          pl.BlockSpec((1, EMBED_DIM), lambda i: (0, 0)),
      ],
      out_specs=pl.BlockSpec((_EB, EMBED_DIM), lambda i: (i, 0)),
      out_shape=jax.ShapeDtypeStruct((N_EDGES, EMBED_DIM), jnp.float32),
  )(bond2, w_pad_l, b_l)


def _update_body(a_ref, h_ref, w_ref, b_ref, out_ref, *, apply_relu):
  a = a_ref[0] + a_ref[1]
  upd = _dot_bf16(a, w_ref[...]) + b_ref[...]
  if apply_relu:
    upd = jnp.maximum(upd, 0.0)
  out_ref[...] = h_ref[...] + upd


def _node_update(agg2, h, w_l, b_l, apply_relu):
  return pl.pallas_call(
      functools.partial(_update_body, apply_relu=apply_relu),
      grid=(N_NODES // _NB,),
      in_specs=[
          pl.BlockSpec((NC, _NB, EMBED_DIM), lambda i: (0, i, 0)),
          pl.BlockSpec((_NB, EMBED_DIM), lambda i: (i, 0)),
          pl.BlockSpec((EMBED_DIM, EMBED_DIM), lambda i: (0, 0)),
          pl.BlockSpec((1, EMBED_DIM), lambda i: (0, 0)),
      ],
      out_specs=pl.BlockSpec((_NB, EMBED_DIM), lambda i: (i, 0)),
      out_shape=jax.ShapeDtypeStruct((N_NODES, EMBED_DIM), jnp.float32),
  )(agg2, h, w_l, b_l)


def _bn_relu(x, g, b):
  mu = jnp.mean(x, axis=0, keepdims=True)
  var = jnp.mean((x - mu) ** 2, axis=0, keepdims=True)
  x = (x - mu) / jnp.sqrt(var + 1e-5) * g + b
  return jnp.maximum(x, 0.0)


def _pool_mlp_body(gid_ref, h_ref, w0, b0, g0, bb0, w1, b1, g1, bb1,
                   w2, b2, g2, bb2, w3r, b3, out_ref, acc):
  i = pl.program_id(0)

  @pl.when(i == 0)
  def _():
    acc[...] = jnp.zeros_like(acc)

  ids = gid_ref[0]
  io = lax.broadcasted_iota(jnp.int32, (N_GRAPHS, _NB), 0)
  oh = jnp.where(ids == io, 1.0, 0.0).astype(jnp.float32)
  acc[...] += _dot(oh, h_ref[...])

  @pl.when(i == pl.num_programs(0) - 1)
  def _():
    x = acc[...]
    x = _bn_relu(_dot_bf16(x, w0[...]) + b0[...], g0[...], bb0[...])
    x = _bn_relu(_dot_bf16(x, w1[...]) + b1[...], g1[...], bb1[...])
    x = _bn_relu(_dot_bf16(x, w2[...]) + b2[...], g2[...], bb2[...])
    out_ref[...] = jnp.sum(x * w3r[...], axis=1, keepdims=True) + b3[...]


def _pool_mlp(h, graph_ids, w0, b0, g0, bb0, w1, b1, g1, bb1,
              w2, b2, g2, bb2, w3, b3):
  gid = graph_ids.astype(jnp.int32).reshape(N_NODES // _NB, 1, _NB)
  full = lambda shape: pl.BlockSpec(shape, lambda i: (0,) * len(shape))
  args = (
      gid, h,
      w0, b0.reshape(1, 256), g0.reshape(1, 256), bb0.reshape(1, 256),
      w1, b1.reshape(1, 256), g1.reshape(1, 256), bb1.reshape(1, 256),
      w2, b2.reshape(1, 256), g2.reshape(1, 256), bb2.reshape(1, 256),
      w3.reshape(1, 256), b3.reshape(1, 1),
  )
  in_specs = [
      pl.BlockSpec((1, 1, _NB), lambda i: (i, 0, 0)),
      pl.BlockSpec((_NB, EMBED_DIM), lambda i: (i, 0)),
      full((EMBED_DIM, 256)), full((1, 256)), full((1, 256)), full((1, 256)),
      full((256, 256)), full((1, 256)), full((1, 256)), full((1, 256)),
      full((256, 256)), full((1, 256)), full((1, 256)), full((1, 256)),
      full((1, 256)), full((1, 1)),
  ]
  return pl.pallas_call(
      _pool_mlp_body,
      grid=(N_NODES // _NB,),
      in_specs=in_specs,
      out_specs=pl.BlockSpec((N_GRAPHS, 1), lambda i: (0, 0)),
      out_shape=jax.ShapeDtypeStruct((N_GRAPHS, 1), jnp.float32),
      scratch_shapes=[pltpu.VMEM((N_GRAPHS, EMBED_DIM), jnp.float32)],
  )(*args)


def kernel(atom_types, edge_index, bond_lengths, graph_ids, atom_embed,
           W_rbf, b_rbf, W_node, b_node, W_mlp0, b_mlp0, bn_g0, bn_b0,
           W_mlp1, b_mlp1, bn_g1, bn_b1, W_mlp2, b_mlp2, bn_g2, bn_b2,
           W_mlp3, b_mlp3):
  src = edge_index[0].astype(jnp.int32)
  dst = edge_index[1].astype(jnp.int32)
  bond2 = bond_lengths.astype(jnp.float32).reshape(N_EDGES, 1)
  w_pad = jnp.zeros((N_CONVS, 32, EMBED_DIM), jnp.float32).at[:, :N_RBF].set(
      W_rbf)

  h = _embed(atom_types, atom_embed)
  edge_stage = _edge_kernel()
  for l in range(N_CONVS):
    e_l = _edge_features(bond2, w_pad[l], b_rbf[l].reshape(1, EMBED_DIM))
    agg2 = edge_stage(e_l, src, dst, h)
    h = _node_update(agg2, h, W_node[l], b_node[l].reshape(1, EMBED_DIM),
                     apply_relu=(l < N_CONVS - 1))

  return _pool_mlp(h, graph_ids, W_mlp0, b_mlp0, bn_g0, bn_b0,
                   W_mlp1, b_mlp1, bn_g1, bn_b1,
                   W_mlp2, b_mlp2, bn_g2, bn_b2, W_mlp3, b_mlp3)

# --- scband reference (transcript-rebuilt; emitter-appended) ---
"""Pipeline reference for scband-gem1-model-61031485276770 (READ-ONLY COPY).

The authoritative reference and input builder live on the scoring server;
editing this copy changes nothing except your own understanding.
"""

import jax, jax.numpy as jnp
import numpy as np

EMBED_DIM = 128
N_NODES = 10000
N_EDGES = 320000
N_CONVS = 5
N_GRAPHS = 256
ATOM_VOCAB = 120
GAMMA = 10.0
DIST_MAX = 3.0
DIST_UNIT = 0.1
LAST_ACT = False
N_RBF = 30
MLP_DIMS = [EMBED_DIM, 256, 256, 256, 1]


def setup_inputs(seed: int = 0) -> dict:
    key = jax.random.key(seed)
    ks = jax.random.split(key, 16)
    inp = {}
    inp["atom_types"] = jax.random.randint(ks[0], (N_NODES,), 0, ATOM_VOCAB)
    inp["edge_index"] = jax.random.randint(ks[1], (2, N_EDGES), 0, N_NODES)
    inp["bond_lengths"] = jax.random.uniform(ks[2], (N_EDGES,), dtype=jnp.float32) * DIST_MAX
    inp["graph_ids"] = jnp.sort(jax.random.randint(ks[3], (N_NODES,), 0, N_GRAPHS))
    inp["atom_embed"] = jax.random.normal(ks[4], (ATOM_VOCAB, EMBED_DIM), dtype=jnp.float32) * 0.02
    inp["W_rbf"] = jax.random.normal(ks[5], (N_CONVS, N_RBF, EMBED_DIM), dtype=jnp.float32) * 0.1
    inp["b_rbf"] = jnp.zeros((N_CONVS, EMBED_DIM), jnp.float32)
    inp["W_node"] = jax.random.normal(ks[6], (N_CONVS, EMBED_DIM, EMBED_DIM), dtype=jnp.float32) * (1.0 / np.sqrt(EMBED_DIM))
    inp["b_node"] = jnp.zeros((N_CONVS, EMBED_DIM), jnp.float32)
    for i in range(len(MLP_DIMS) - 1):
        inp[f"W_mlp{i}"] = jax.random.normal(ks[8 + i], (MLP_DIMS[i], MLP_DIMS[i + 1]), dtype=jnp.float32) * (1.0 / np.sqrt(MLP_DIMS[i]))
        inp[f"b_mlp{i}"] = jnp.zeros((MLP_DIMS[i + 1],), jnp.float32)
        if i < len(MLP_DIMS) - 2:
            inp[f"bn_g{i}"] = jnp.ones((MLP_DIMS[i + 1],), jnp.float32)
            inp[f"bn_b{i}"] = jnp.zeros((MLP_DIMS[i + 1],), jnp.float32)
    return inp


def _forward(atom_types, src, dst, graph_ids, floats):
    (bond_lengths, atom_embed, W_rbf, b_rbf, W_node, b_node,
     W_mlp0, b_mlp0, bn_g0, bn_b0, W_mlp1, b_mlp1, bn_g1, bn_b1,
     W_mlp2, b_mlp2, bn_g2, bn_b2, W_mlp3, b_mlp3) = floats
    centers = jnp.arange(N_RBF, dtype=jnp.float32) * DIST_UNIT
    h = atom_embed[atom_types]
    rbf = jnp.exp(-GAMMA * (bond_lengths[:, None] - centers[None, :]) ** 2)
    for l in range(N_CONVS):
        e = rbf @ W_rbf[l] + b_rbf[l]
        msg = jax.nn.relu(jnp.take(h, src, axis=0) + e)
        agg = jax.ops.segment_sum(msg, dst, num_segments=N_NODES)
        upd = agg @ W_node[l] + b_node[l]
        if l < N_CONVS - 1 or LAST_ACT:
            upd = jax.nn.relu(upd)
        h = h + upd
    g = jax.ops.segment_sum(h, graph_ids, num_segments=N_GRAPHS)
    Ws = [W_mlp0, W_mlp1, W_mlp2, W_mlp3]
    bs = [b_mlp0, b_mlp1, b_mlp2, b_mlp3]
    gs = [bn_g0, bn_g1, bn_g2]
    bbs = [bn_b0, bn_b1, bn_b2]
    x = g
    for i in range(3):
        x = x @ Ws[i] + bs[i]
        mu = jnp.mean(x, axis=0, keepdims=True)
        var = jnp.var(x, axis=0, keepdims=True)
        x = (x - mu) / jnp.sqrt(var + 1e-5) * gs[i] + bbs[i]
        x = jax.nn.relu(x)
    x = x @ Ws[3] + bs[3]
    return x


def reference(atom_types, edge_index, bond_lengths, graph_ids, atom_embed, W_rbf, b_rbf, W_node, b_node, W_mlp0, b_mlp0, bn_g0, bn_b0, W_mlp1, b_mlp1, bn_g1, bn_b1, W_mlp2, b_mlp2, bn_g2, bn_b2, W_mlp3, b_mlp3):
    floats = (bond_lengths, atom_embed, W_rbf, b_rbf, W_node, b_node,
              W_mlp0, b_mlp0, bn_g0, bn_b0, W_mlp1, b_mlp1, bn_g1, bn_b1,
              W_mlp2, b_mlp2, bn_g2, bn_b2, W_mlp3, b_mlp3)
    return _forward(atom_types, edge_index[0], edge_index[1], graph_ids, floats)

if __name__ == "__main__":
    import jax
    _d = setup_inputs()
    print(jax.jit(kernel)(*tuple(_d.values())))

</pallas_src>

<mosaic_0001>
#map = affine_map<(d0, d1) -> (0, 0)>
#map1 = affine_map<(d0, d1) -> (0)>
#map2 = affine_map<(d0, d1) -> (0, 0, 0)>
module attributes {stable_mosaic.version = 14 : i64} {
  func.func @sc_edge_stage(%arg0: i32, %arg1: i32, %arg2: memref<320000x128xf32, #tpu.memory_space<hbm>>, %arg3: memref<320000xi32, #tpu.memory_space<hbm>>, %arg4: memref<320000xi32, #tpu.memory_space<hbm>>, %arg5: memref<10000x128xf32, #tpu.memory_space<hbm>>, %arg6: memref<2x10240x128xf32, #tpu.memory_space<hbm>>, %arg7: memref<10240x128xf32, #tpu.memory_space<vmem_shared>>, %arg8: memref<80xi32, #tpu.memory_space<vmem>>, %arg9: memref<80xi32, #tpu.memory_space<vmem>>, %arg10: memref<80x128xf32, #tpu.memory_space<vmem>>, %arg11: memref<80x128xf32, #tpu.memory_space<vmem>>, %arg12: memref<128x128xf32, #tpu.memory_space<vmem>>, %arg13: memref<!tpu.dma_semaphore, #tpu.memory_space<semaphore_mem>>) attributes {dimension_semantics = [#tpu.dimension_semantics<core_parallel>, #tpu.dimension_semantics<subcore_parallel>], iteration_bounds = array<i64: 2, 16>, scalar_prefetch = 0 : i64, scratch_operands = 7 : i64, tpu.core_type = #tpu.core_type<sc_vector_subcore>, window_params = [{transform_indices = #map}, {transform_indices = #map1}, {transform_indices = #map1}, {transform_indices = #map}, {transform_indices = #map2}]} {
    %mul3A = arith.constant 16 : i32
    %mul3A_0 = arith.muli %arg0, %mul3A : i32
    %add3A = arith.addi %mul3A_0, %arg1 : i32
    %mul3A_1 = arith.constant 10000 : i32
    %mul3A_2 = arith.muli %add3A, %mul3A_1 : i32
    %broadcast_in_dim3A = arith.constant 0.000000e+00 : f32
    %broadcast_in_dim3A_3 = vector.broadcast %broadcast_in_dim3A : f32 to vector<16xf32>
    %scan3A = arith.constant 0 : i32
    %scan3A_4 = arith.constant 0 : i32
    %scan3A_5 = arith.constant 128 : i32
    %scan3A_6 = arith.addi %scan3A_4, %scan3A_5 : i32
    %scan3A_7 = arith.constant 1 : i32
    %scan3A_8 = scf.for %scan3A_30 = %scan3A_4 to %scan3A_6 step %scan3A_7 iter_args(%scan3A_31 = %scan3A) -> (i32)  : i32 {
      %swap3A = arith.index_cast %scan3A_30 : i32 to index
      %swap3A_32 = arith.constant 0 : index
      %swap3A_33 = tpu.vector_load %arg12[%swap3A, %swap3A_32] {strides = array<i32>} : memref<128x128xf32, #tpu.memory_space<vmem>>, vector<1x16xf32>,
      %swap3A_34 = vector.shape_cast %swap3A_33 : vector<1x16xf32> to vector<16xf32>
      %swap3A_35 = vector.shape_cast %broadcast_in_dim3A_3 : vector<16xf32> to vector<1x16xf32>
      tpu.vector_store %arg12[%swap3A, %swap3A_32], %swap3A_35 {strides = array<i32>} : memref<128x128xf32, #tpu.memory_space<vmem>>, vector<1x16xf32>,
      %swap3A_36 = arith.index_cast %scan3A_30 : i32 to index
      %swap3A_37 = arith.constant 16 : index
      %swap3A_38 = tpu.vector_load %arg12[%swap3A_36, %swap3A_37] {strides = array<i32>} : memref<128x128xf32, #tpu.memory_space<vmem>>, vector<1x16xf32>,
      %swap3A_39 = vector.shape_cast %swap3A_38 : vector<1x16xf32> to vector<16xf32>
      %swap3A_40 = vector.shape_cast %broadcast_in_dim3A_3 : vector<16xf32> to vector<1x16xf32>
      tpu.vector_store %arg12[%swap3A_36, %swap3A_37], %swap3A_40 {strides = array<i32>} : memref<128x128xf32, #tpu.memory_space<vmem>>, vector<1x16xf32>,
      %swap3A_41 = arith.index_cast %scan3A_30 : i32 to index
      %swap3A_42 = arith.constant 32 : index
      %swap3A_43 = tpu.vector_load %arg12[%swap3A_41, %swap3A_42] {strides = array<i32>} : memref<128x128xf32, #tpu.memory_space<vmem>>, vector<1x16xf32>,
      %swap3A_44 = vector.shape_cast %swap3A_43 : vector<1x16xf32> to vector<16xf32>
      %swap3A_45 = vector.shape_cast %broadcast_in_dim3A_3 : vector<16xf32> to vector<1x16xf32>
      tpu.vector_store %arg12[%swap3A_41, %swap3A_42], %swap3A_45 {strides = array<i32>} : memref<128x128xf32, #tpu.memory_space<vmem>>, vector<1x16xf32>,
      %swap3A_46 = arith.index_cast %scan3A_30 : i32 to index
      %swap3A_47 = arith.constant 48 : index
      %swap3A_48 = tpu.vector_load %arg12[%swap3A_46, %swap3A_47] {strides = array<i32>} : memref<128x128xf32, #tpu.memory_space<vmem>>, vector<1x16xf32>,
      %swap3A_49 = vector.shape_cast %swap3A_48 : vector<1x16xf32> to vector<16xf32>
      %swap3A_50 = vector.shape_cast %broadcast_in_dim3A_3 : vector<16xf32> to vector<1x16xf32>
      tpu.vector_store %arg12[%swap3A_46, %swap3A_47], %swap3A_50 {strides = array<i32>} : memref<128x128xf32, #tpu.memory_space<vmem>>, vector<1x16xf32>,
      %swap3A_51 = arith.index_cast %scan3A_30 : i32 to index
      %swap3A_52 = arith.constant 64 : index
      %swap3A_53 = tpu.vector_load %arg12[%swap3A_51, %swap3A_52] {strides = array<i32>} : memref<128x128xf32, #tpu.memory_space<vmem>>, vector<1x16xf32>,
      %swap3A_54 = vector.shape_cast %swap3A_53 : vector<1x16xf32> to vector<16xf32>
      %swap3A_55 = vector.shape_cast %broadcast_in_dim3A_3 : vector<16xf32> to vector<1x16xf32>
      tpu.vector_store %arg12[%swap3A_51, %swap3A_52], %swap3A_55 {strides = array<i32>} : memref<128x128xf32, #tpu.memory_space<vmem>>, vector<1x16xf32>,
      %swap3A_56 = arith.index_cast %scan3A_30 : i32 to index
      %swap3A_57 = arith.constant 80 : index
      %swap3A_58 = tpu.vector_load %arg12[%swap3A_56, %swap3A_57] {strides = array<i32>} : memref<128x128xf32, #tpu.memory_space<vmem>>, vector<1x16xf32>,
      %swap3A_59 = vector.shape_cast %swap3A_58 : vector<1x16xf32> to vector<16xf32>
      %swap3A_60 = vector.shape_cast %broadcast_in_dim3A_3 : vector<16xf32> to vector<1x16xf32>
      tpu.vector_store %arg12[%swap3A_56, %swap3A_57], %swap3A_60 {strides = array<i32>} : memref<128x128xf32, #tpu.memory_space<vmem>>, vector<1x16xf32>,
      %swap3A_61 = arith.index_cast %scan3A_30 : i32 to index
      %swap3A_62 = arith.constant 96 : index
      %swap3A_63 = tpu.vector_load %arg12[%swap3A_61, %swap3A_62] {strides = array<i32>} : memref<128x128xf32, #tpu.memory_space<vmem>>, vector<1x16xf32>,
      %swap3A_64 = vector.shape_cast %swap3A_63 : vector<1x16xf32> to vector<16xf32>
      %swap3A_65 = vector.shape_cast %broadcast_in_dim3A_3 : vector<16xf32> to vector<1x16xf32>
      tpu.vector_store %arg12[%swap3A_61, %swap3A_62], %swap3A_65 {strides = array<i32>} : memref<128x128xf32, #tpu.memory_space<vmem>>, vector<1x16xf32>,
      %swap3A_66 = arith.index_cast %scan3A_30 : i32 to index
      %swap3A_67 = arith.constant 112 : index
      %swap3A_68 = tpu.vector_load %arg12[%swap3A_66, %swap3A_67] {strides = array<i32>} : memref<128x128xf32, #tpu.memory_space<vmem>>, vector<1x16xf32>,
      %swap3A_69 = vector.shape_cast %swap3A_68 : vector<1x16xf32> to vector<16xf32>
      %swap3A_70 = vector.shape_cast %broadcast_in_dim3A_3 : vector<16xf32> to vector<1x16xf32>
      tpu.vector_store %arg12[%swap3A_66, %swap3A_67], %swap3A_70 {strides = array<i32>} : memref<128x128xf32, #tpu.memory_space<vmem>>, vector<1x16xf32>,
      %scan3A_71 = arith.constant 0 : i32
      scf.yield %scan3A_71 : i32
    }
    %scan3A_9 = arith.constant 128 : i32
    %mul3A_10 = arith.constant 640 : i32
    %mul3A_11 = arith.muli %arg1, %mul3A_10 : i32
    %add3A_12 = arith.constant 0 : i32
    %add3A_13 = arith.addi %mul3A_11, %add3A_12 : i32
    "tpu.region"() ({
      %run_scoped3A = tpu.sem_alloc : memref<!tpu.dma_semaphore, #tpu.memory_space<semaphore_mem>>
      %dma_start3A = arith.constant 0 : i32
      %dma_start3A_30 = tpu.memref_slice %arg7[%add3A_13, %dma_start3A] : memref<10240x128xf32, #tpu.memory_space<vmem_shared>> -> memref<128x128xf32, #tpu.memory_space<vmem_shared>>
      %dma_start3A_31 = arith.constant 0 : i32
      %dma_start3A_32 = tpu.memref_slice %arg7[%add3A_13, %dma_start3A_31] : memref<10240x128xf32, #tpu.memory_space<vmem_shared>> -> memref<128x128xf32, #tpu.memory_space<vmem_shared>>
      tpu.enqueue_dma source(%arg12 : memref<128x128xf32, #tpu.memory_space<vmem>>) target(%dma_start3A_32 : memref<128x128xf32, #tpu.memory_space<vmem_shared>>) target_semaphore(%run_scoped3A : memref<!tpu.dma_semaphore, #tpu.memory_space<semaphore_mem>>)
      %dma_wait3A = arith.constant 0 : i32
      %dma_wait3A_33 = tpu.memref_slice %arg7[%add3A_13, %dma_wait3A] : memref<10240x128xf32, #tpu.memory_space<vmem_shared>> -> memref<128x128xf32, #tpu.memory_space<vmem_shared>>
      %dma_wait3A_34 = arith.constant 0 : i32
      %dma_wait3A_35 = tpu.memref_slice %arg7[%add3A_13, %dma_wait3A_34] : memref<10240x128xf32, #tpu.memory_space<vmem_shared>> -> memref<128x128xf32, #tpu.memory_space<vmem_shared>>
      tpu.wait_dma2 semaphore(%run_scoped3A : memref<!tpu.dma_semaphore, #tpu.memory_space<semaphore_mem>>) src(%arg12 : memref<128x128xf32, #tpu.memory_space<vmem>>) dst(%dma_wait3A_35 : memref<128x128xf32, #tpu.memory_space<vmem_shared>>)
      tpu.yield
    }) : () -> ()
    %add3A_14 = arith.constant 128 : i32
    %add3A_15 = arith.addi %mul3A_11, %add3A_14 : i32
    "tpu.region"() ({
      %run_scoped3A = tpu.sem_alloc : memref<!tpu.dma_semaphore, #tpu.memory_space<semaphore_mem>>
      %dma_start3A = arith.constant 0 : i32
      %dma_start3A_30 = tpu.memref_slice %arg7[%add3A_15, %dma_start3A] : memref<10240x128xf32, #tpu.memory_space<vmem_shared>> -> memref<128x128xf32, #tpu.memory_space<vmem_shared>>
      %dma_start3A_31 = arith.constant 0 : i32
      %dma_start3A_32 = tpu.memref_slice %arg7[%add3A_15, %dma_start3A_31] : memref<10240x128xf32, #tpu.memory_space<vmem_shared>> -> memref<128x128xf32, #tpu.memory_space<vmem_shared>>
      tpu.enqueue_dma source(%arg12 : memref<128x128xf32, #tpu.memory_space<vmem>>) target(%dma_start3A_32 : memref<128x128xf32, #tpu.memory_space<vmem_shared>>) target_semaphore(%run_scoped3A : memref<!tpu.dma_semaphore, #tpu.memory_space<semaphore_mem>>)
      %dma_wait3A = arith.constant 0 : i32
      %dma_wait3A_33 = tpu.memref_slice %arg7[%add3A_15, %dma_wait3A] : memref<10240x128xf32, #tpu.memory_space<vmem_shared>> -> memref<128x128xf32, #tpu.memory_space<vmem_shared>>
      %dma_wait3A_34 = arith.constant 0 : i32
      %dma_wait3A_35 = tpu.memref_slice %arg7[%add3A_15, %dma_wait3A_34] : memref<10240x128xf32, #tpu.memory_space<vmem_shared>> -> memref<128x128xf32, #tpu.memory_space<vmem_shared>>
      tpu.wait_dma2 semaphore(%run_scoped3A : memref<!tpu.dma_semaphore, #tpu.memory_space<semaphore_mem>>) src(%arg12 : memref<128x128xf32, #tpu.memory_space<vmem>>) dst(%dma_wait3A_35 : memref<128x128xf32, #tpu.memory_space<vmem_shared>>)
      tpu.yield
    }) : () -> ()
    %add3A_16 = arith.constant 256 : i32
    %add3A_17 = arith.addi %mul3A_11, %add3A_16 : i32
    "tpu.region"() ({
      %run_scoped3A = tpu.sem_alloc : memref<!tpu.dma_semaphore, #tpu.memory_space<semaphore_mem>>
      %dma_start3A = arith.constant 0 : i32
      %dma_start3A_30 = tpu.memref_slice %arg7[%add3A_17, %dma_start3A] : memref<10240x128xf32, #tpu.memory_space<vmem_shared>> -> memref<128x128xf32, #tpu.memory_space<vmem_shared>>
      %dma_start3A_31 = arith.constant 0 : i32
      %dma_start3A_32 = tpu.memref_slice %arg7[%add3A_17, %dma_start3A_31] : memref<10240x128xf32, #tpu.memory_space<vmem_shared>> -> memref<128x128xf32, #tpu.memory_space<vmem_shared>>
      tpu.enqueue_dma source(%arg12 : memref<128x128xf32, #tpu.memory_space<vmem>>) target(%dma_start3A_32 : memref<128x128xf32, #tpu.memory_space<vmem_shared>>) target_semaphore(%run_scoped3A : memref<!tpu.dma_semaphore, #tpu.memory_space<semaphore_mem>>)
      %dma_wait3A = arith.constant 0 : i32
      %dma_wait3A_33 = tpu.memref_slice %arg7[%add3A_17, %dma_wait3A] : memref<10240x128xf32, #tpu.memory_space<vmem_shared>> -> memref<128x128xf32, #tpu.memory_space<vmem_shared>>
      %dma_wait3A_34 = arith.constant 0 : i32
      %dma_wait3A_35 = tpu.memref_slice %arg7[%add3A_17, %dma_wait3A_34] : memref<10240x128xf32, #tpu.memory_space<vmem_shared>> -> memref<128x128xf32, #tpu.memory_space<vmem_shared>>
      tpu.wait_dma2 semaphore(%run_scoped3A : memref<!tpu.dma_semaphore, #tpu.memory_space<semaphore_mem>>) src(%arg12 : memref<128x128xf32, #tpu.memory_space<vmem>>) dst(%dma_wait3A_35 : memref<128x128xf32, #tpu.memory_space<vmem_shared>>)
      tpu.yield
    }) : () -> ()
    %add3A_18 = arith.constant 384 : i32
    %add3A_19 = arith.addi %mul3A_11, %add3A_18 : i32
    "tpu.region"() ({
      %run_scoped3A = tpu.sem_alloc : memref<!tpu.dma_semaphore, #tpu.memory_space<semaphore_mem>>
      %dma_start3A = arith.constant 0 : i32
      %dma_start3A_30 = tpu.memref_slice %arg7[%add3A_19, %dma_start3A] : memref<10240x128xf32, #tpu.memory_space<vmem_shared>> -> memref<128x128xf32, #tpu.memory_space<vmem_shared>>
      %dma_start3A_31 = arith.constant 0 : i32
      %dma_start3A_32 = tpu.memref_slice %arg7[%add3A_19, %dma_start3A_31] : memref<10240x128xf32, #tpu.memory_space<vmem_shared>> -> memref<128x128xf32, #tpu.memory_space<vmem_shared>>
      tpu.enqueue_dma source(%arg12 : memref<128x128xf32, #tpu.memory_space<vmem>>) target(%dma_start3A_32 : memref<128x128xf32, #tpu.memory_space<vmem_shared>>) target_semaphore(%run_scoped3A : memref<!tpu.dma_semaphore, #tpu.memory_space<semaphore_mem>>)
      %dma_wait3A = arith.constant 0 : i32
      %dma_wait3A_33 = tpu.memref_slice %arg7[%add3A_19, %dma_wait3A] : memref<10240x128xf32, #tpu.memory_space<vmem_shared>> -> memref<128x128xf32, #tpu.memory_space<vmem_shared>>
      %dma_wait3A_34 = arith.constant 0 : i32
      %dma_wait3A_35 = tpu.memref_slice %arg7[%add3A_19, %dma_wait3A_34] : memref<10240x128xf32, #tpu.memory_space<vmem_shared>> -> memref<128x128xf32, #tpu.memory_space<vmem_shared>>
      tpu.wait_dma2 semaphore(%run_scoped3A : memref<!tpu.dma_semaphore, #tpu.memory_space<semaphore_mem>>) src(%arg12 : memref<128x128xf32, #tpu.memory_space<vmem>>) dst(%dma_wait3A_35 : memref<128x128xf32, #tpu.memory_space<vmem_shared>>)
      tpu.yield
    }) : () -> ()
    %add3A_20 = arith.constant 512 : i32
    %add3A_21 = arith.addi %mul3A_11, %add3A_20 : i32
    "tpu.region"() ({
      %run_scoped3A = tpu.sem_alloc : memref<!tpu.dma_semaphore, #tpu.memory_space<semaphore_mem>>
      %dma_start3A = arith.constant 0 : i32
      %dma_start3A_30 = tpu.memref_slice %arg7[%add3A_21, %dma_start3A] : memref<10240x128xf32, #tpu.memory_space<vmem_shared>> -> memref<128x128xf32, #tpu.memory_space<vmem_shared>>
      %dma_start3A_31 = arith.constant 0 : i32
      %dma_start3A_32 = tpu.memref_slice %arg7[%add3A_21, %dma_start3A_31] : memref<10240x128xf32, #tpu.memory_space<vmem_shared>> -> memref<128x128xf32, #tpu.memory_space<vmem_shared>>
      tpu.enqueue_dma source(%arg12 : memref<128x128xf32, #tpu.memory_space<vmem>>) target(%dma_start3A_32 : memref<128x128xf32, #tpu.memory_space<vmem_shared>>) target_semaphore(%run_scoped3A : memref<!tpu.dma_semaphore, #tpu.memory_space<semaphore_mem>>)
      %dma_wait3A = arith.constant 0 : i32
      %dma_wait3A_33 = tpu.memref_slice %arg7[%add3A_21, %dma_wait3A] : memref<10240x128xf32, #tpu.memory_space<vmem_shared>> -> memref<128x128xf32, #tpu.memory_space<vmem_shared>>
      %dma_wait3A_34 = arith.constant 0 : i32
      %dma_wait3A_35 = tpu.memref_slice %arg7[%add3A_21, %dma_wait3A_34] : memref<10240x128xf32, #tpu.memory_space<vmem_shared>> -> memref<128x128xf32, #tpu.memory_space<vmem_shared>>
      tpu.wait_dma2 semaphore(%run_scoped3A : memref<!tpu.dma_semaphore, #tpu.memory_space<semaphore_mem>>) src(%arg12 : memref<128x128xf32, #tpu.memory_space<vmem>>) dst(%dma_wait3A_35 : memref<128x128xf32, #tpu.memory_space<vmem_shared>>)
      tpu.yield
    }) : () -> ()
    %barrier3A = arith.constant 0 : index
    tpu.barrier barrier_id(%barrier3A)
    %scan3A_22 = arith.constant 0 : i32
    %scan3A_23 = arith.constant 0 : i32
    %scan3A_24 = arith.constant 125 : i32
    %scan3A_25 = arith.addi %scan3A_23, %scan3A_24 : i32
    %scan3A_26 = arith.constant 1 : i32
    %scan3A_27 = scf.for %scan3A_30 = %scan3A_23 to %scan3A_25 step %scan3A_26 iter_args(%scan3A_31 = %scan3A_22) -> (i32)  : i32 {
      %mul3A_32 = arith.constant 80 : i32
      %mul3A_33 = arith.muli %scan3A_30, %mul3A_32 : i32
      %add3A_34 = arith.addi %mul3A_2, %mul3A_33 : i32
      "tpu.region"() ({
        %run_scoped3A = tpu.sem_alloc : memref<!tpu.dma_semaphore, #tpu.memory_space<semaphore_mem>>
        %dma_start3A_47 = tpu.memref_slice %arg3[%add3A_34] : memref<320000xi32, #tpu.memory_space<hbm>> -> memref<80xi32, #tpu.memory_space<hbm>>
        %dma_start3A_48 = tpu.memref_slice %arg3[%add3A_34] : memref<320000xi32, #tpu.memory_space<hbm>> -> memref<80xi32, #tpu.memory_space<hbm>>
        tpu.enqueue_dma source(%dma_start3A_48 : memref<80xi32, #tpu.memory_space<hbm>>) target(%arg8 : memref<80xi32, #tpu.memory_space<vmem>>) target_semaphore(%run_scoped3A : memref<!tpu.dma_semaphore, #tpu.memory_space<semaphore_mem>>)
        %dma_wait3A_49 = tpu.memref_slice %arg3[%add3A_34] : memref<320000xi32, #tpu.memory_space<hbm>> -> memref<80xi32, #tpu.memory_space<hbm>>
        %dma_wait3A_50 = tpu.memref_slice %arg3[%add3A_34] : memref<320000xi32, #tpu.memory_space<hbm>> -> memref<80xi32, #tpu.memory_space<hbm>>
        tpu.wait_dma2 semaphore(%run_scoped3A : memref<!tpu.dma_semaphore, #tpu.memory_space<semaphore_mem>>) src(%dma_wait3A_50 : memref<80xi32, #tpu.memory_space<hbm>>) dst(%arg8 : memref<80xi32, #tpu.memory_space<vmem>>)
        tpu.yield
      }) : () -> ()
      "tpu.region"() ({
        %run_scoped3A = tpu.sem_alloc : memref<!tpu.dma_semaphore, #tpu.memory_space<semaphore_mem>>
        %dma_start3A_47 = tpu.memref_slice %arg4[%add3A_34] : memref<320000xi32, #tpu.memory_space<hbm>> -> memref<80xi32, #tpu.memory_space<hbm>>
        %dma_start3A_48 = tpu.memref_slice %arg4[%add3A_34] : memref<320000xi32, #tpu.memory_space<hbm>> -> memref<80xi32, #tpu.memory_space<hbm>>
        tpu.enqueue_dma source(%dma_start3A_48 : memref<80xi32, #tpu.memory_space<hbm>>) target(%arg9 : memref<80xi32, #tpu.memory_space<vmem>>) target_semaphore(%run_scoped3A : memref<!tpu.dma_semaphore, #tpu.memory_space<semaphore_mem>>)
        %dma_wait3A_49 = tpu.memref_slice %arg4[%add3A_34] : memref<320000xi32, #tpu.memory_space<hbm>> -> memref<80xi32, #tpu.memory_space<hbm>>
        %dma_wait3A_50 = tpu.memref_slice %arg4[%add3A_34] : memref<320000xi32, #tpu.memory_space<hbm>> -> memref<80xi32, #tpu.memory_space<hbm>>
        tpu.wait_dma2 semaphore(%run_scoped3A : memref<!tpu.dma_semaphore, #tpu.memory_space<semaphore_mem>>) src(%dma_wait3A_50 : memref<80xi32, #tpu.memory_space<hbm>>) dst(%arg9 : memref<80xi32, #tpu.memory_space<vmem>>)
        tpu.yield
      }) : () -> ()
      "tpu.region"() ({
        %run_scoped3A = tpu.sem_alloc : memref<!tpu.dma_semaphore, #tpu.memory_space<semaphore_mem>>
        %dma_start3A_47 = arith.constant 0 : i32
        %dma_start3A_48 = tpu.memref_slice %arg2[%add3A_34, %dma_start3A_47] : memref<320000x128xf32, #tpu.memory_space<hbm>> -> memref<80x128xf32, #tpu.memory_space<hbm>>
        %dma_start3A_49 = arith.constant 0 : i32
        %dma_start3A_50 = tpu.memref_slice %arg2[%add3A_34, %dma_start3A_49] : memref<320000x128xf32, #tpu.memory_space<hbm>> -> memref<80x128xf32, #tpu.memory_space<hbm>>
        tpu.enqueue_dma source(%dma_start3A_50 : memref<80x128xf32, #tpu.memory_space<hbm>>) target(%arg10 : memref<80x128xf32, #tpu.memory_space<vmem>>) target_semaphore(%run_scoped3A : memref<!tpu.dma_semaphore, #tpu.memory_space<semaphore_mem>>)
        %dma_wait3A_51 = arith.constant 0 : i32
        %dma_wait3A_52 = tpu.memref_slice %arg2[%add3A_34, %dma_wait3A_51] : memref<320000x128xf32, #tpu.memory_space<hbm>> -> memref<80x128xf32, #tpu.memory_space<hbm>>
        %dma_wait3A_53 = arith.constant 0 : i32
        %dma_wait3A_54 = tpu.memref_slice %arg2[%add3A_34, %dma_wait3A_53] : memref<320000x128xf32, #tpu.memory_space<hbm>> -> memref<80x128xf32, #tpu.memory_space<hbm>>
        tpu.wait_dma2 semaphore(%run_scoped3A : memref<!tpu.dma_semaphore, #tpu.memory_space<semaphore_mem>>) src(%dma_wait3A_54 : memref<80x128xf32, #tpu.memory_space<hbm>>) dst(%arg10 : memref<80x128xf32, #tpu.memory_space<vmem>>)
        tpu.yield
      }) : () -> ()
      %dma_start3A = arith.constant 0 : i32
      %dma_start3A_35 = arith.constant 0 : i32
      %dma_start3A_36 = tpu.memref_slice %arg5[%dma_start3A, %dma_start3A_35] : memref<10000x128xf32, #tpu.memory_space<hbm>> -> memref<10000x128xf32, #tpu.memory_space<hbm>>
      tpu.enqueue_indirect_dma source(%dma_start3A_36 : memref<10000x128xf32, #tpu.memory_space<hbm>>) target(%arg11 : memref<80x128xf32, #tpu.memory_space<vmem>>) offsets(%arg8 : memref<80xi32, #tpu.memory_space<vmem>>) semaphore(%arg13 : memref<!tpu.dma_semaphore, #tpu.memory_space<semaphore_mem>>)
      %dma_wait3A = arith.constant 0 : i32
      %dma_wait3A_37 = arith.constant 0 : i32
      %dma_wait3A_38 = tpu.memref_slice %arg5[%dma_wait3A, %dma_wait3A_37] : memref<10000x128xf32, #tpu.memory_space<hbm>> -> memref<10000x128xf32, #tpu.memory_space<hbm>>
      tpu.wait_indirect_dma semaphore(%arg13 : memref<!tpu.dma_semaphore, #tpu.memory_space<semaphore_mem>>) src(%dma_wait3A_38 : memref<10000x128xf32, #tpu.memory_space<hbm>>) dst(%arg11 : memref<80x128xf32, #tpu.memory_space<vmem>>)
      %scan3A_39 = arith.constant 0 : i32
      %scan3A_40 = arith.constant 0 : i32
      %scan3A_41 = arith.constant 80 : i32
      %scan3A_42 = arith.addi %scan3A_40, %scan3A_41 : i32
      %scan3A_43 = arith.constant 1 : i32
      %scan3A_44 = scf.for %scan3A_47 = %scan3A_40 to %scan3A_42 step %scan3A_43 iter_args(%scan3A_48 = %scan3A_39) -> (i32)  : i32 {
        %get3A = arith.index_cast %scan3A_47 : i32 to index
        %get3A_49 = arith.constant 0 : index
        %get3A_50 = tpu.vector_load %arg10[%get3A, %get3A_49] {strides = array<i32>} : memref<80x128xf32, #tpu.memory_space<vmem>>, vector<1x16xf32>,
        %get3A_51 = vector.shape_cast %get3A_50 : vector<1x16xf32> to vector<16xf32>
        %get3A_52 = arith.index_cast %scan3A_47 : i32 to index
        %get3A_53 = arith.constant 0 : index
        %get3A_54 = tpu.vector_load %arg11[%get3A_52, %get3A_53] {strides = array<i32>} : memref<80x128xf32, #tpu.memory_space<vmem>>, vector<1x16xf32>,
        %get3A_55 = vector.shape_cast %get3A_54 : vector<1x16xf32> to vector<16xf32>
        %add3A_56 = arith.addf %get3A_51, %get3A_55 : vector<16xf32>
        %max3A = arith.constant 0.000000e+00 : f32
        %max3A_57 = vector.broadcast %max3A : f32 to vector<16xf32>
        %max3A_58 = arith.maximumf %add3A_56, %max3A_57 : vector<16xf32>
        %swap3A = arith.index_cast %scan3A_47 : i32 to index
        %swap3A_59 = arith.constant 0 : index
        %swap3A_60 = tpu.vector_load %arg10[%swap3A, %swap3A_59] {strides = array<i32>} : memref<80x128xf32, #tpu.memory_space<vmem>>, vector<1x16xf32>,
        %swap3A_61 = vector.shape_cast %swap3A_60 : vector<1x16xf32> to vector<16xf32>
        %swap3A_62 = vector.shape_cast %max3A_58 : vector<16xf32> to vector<1x16xf32>
        tpu.vector_store %arg10[%swap3A, %swap3A_59], %swap3A_62 {strides = array<i32>} : memref<80x128xf32, #tpu.memory_space<vmem>>, vector<1x16xf32>,
        %get3A_63 = arith.index_cast %scan3A_47 : i32 to index
        %get3A_64 = arith.constant 16 : index
        %get3A_65 = tpu.vector_load %arg10[%get3A_63, %get3A_64] {strides = array<i32>} : memref<80x128xf32, #tpu.memory_space<vmem>>, vector<1x16xf32>,
        %get3A_66 = vector.shape_cast %get3A_65 : vector<1x16xf32> to vector<16xf32>
        %get3A_67 = arith.index_cast %scan3A_47 : i32 to index
        %get3A_68 = arith.constant 16 : index
        %get3A_69 = tpu.vector_load %arg11[%get3A_67, %get3A_68] {strides = array<i32>} : memref<80x128xf32, #tpu.memory_space<vmem>>, vector<1x16xf32>,
        %get3A_70 = vector.shape_cast %get3A_69 : vector<1x16xf32> to vector<16xf32>
        %add3A_71 = arith.addf %get3A_66, %get3A_70 : vector<16xf32>
        %max3A_72 = arith.constant 0.000000e+00 : f32
        %max3A_73 = vector.broadcast %max3A_72 : f32 to vector<16xf32>
        %max3A_74 = arith.maximumf %add3A_71, %max3A_73 : vector<16xf32>
        %swap3A_75 = arith.index_cast %scan3A_47 : i32 to index
        %swap3A_76 = arith.constant 16 : index
        %swap3A_77 = tpu.vector_load %arg10[%swap3A_75, %swap3A_76] {strides = array<i32>} : memref<80x128xf32, #tpu.memory_space<vmem>>, vector<1x16xf32>,
        %swap3A_78 = vector.shape_cast %swap3A_77 : vector<1x16xf32> to vector<16xf32>
        %swap3A_79 = vector.shape_cast %max3A_74 : vector<16xf32> to vector<1x16xf32>
        tpu.vector_store %arg10[%swap3A_75, %swap3A_76], %swap3A_79 {strides = array<i32>} : memref<80x128xf32, #tpu.memory_space<vmem>>, vector<1x16xf32>,
        %get3A_80 = arith.index_cast %scan3A_47 : i32 to index
        %get3A_81 = arith.constant 32 : index
        %get3A_82 = tpu.vector_load %arg10[%get3A_80, %get3A_81] {strides = array<i32>} : memref<80x128xf32, #tpu.memory_space<vmem>>, vector<1x16xf32>,
        %get3A_83 = vector.shape_cast %get3A_82 : vector<1x16xf32> to vector<16xf32>
        %get3A_84 = arith.index_cast %scan3A_47 : i32 to index
        %get3A_85 = arith.constant 32 : index
        %get3A_86 = tpu.vector_load %arg11[%get3A_84, %get3A_85] {strides = array<i32>} : memref<80x128xf32, #tpu.memory_space<vmem>>, vector<1x16xf32>,
        %get3A_87 = vector.shape_cast %get3A_86 : vector<1x16xf32> to vector<16xf32>
        %add3A_88 = arith.addf %get3A_83, %get3A_87 : vector<16xf32>
        %max3A_89 = arith.constant 0.000000e+00 : f32
        %max3A_90 = vector.broadcast %max3A_89 : f32 to vector<16xf32>
        %max3A_91 = arith.maximumf %add3A_88, %max3A_90 : vector<16xf32>
        %swap3A_92 = arith.index_cast %scan3A_47 : i32 to index
        %swap3A_93 = arith.constant 32 : index
        %swap3A_94 = tpu.vector_load %arg10[%swap3A_92, %swap3A_93] {strides = array<i32>} : memref<80x128xf32, #tpu.memory_space<vmem>>, vector<1x16xf32>,
        %swap3A_95 = vector.shape_cast %swap3A_94 : vector<1x16xf32> to vector<16xf32>
        %swap3A_96 = vector.shape_cast %max3A_91 : vector<16xf32> to vector<1x16xf32>
        tpu.vector_store %arg10[%swap3A_92, %swap3A_93], %swap3A_96 {strides = array<i32>} : memref<80x128xf32, #tpu.memory_space<vmem>>, vector<1x16xf32>,
        %get3A_97 = arith.index_cast %scan3A_47 : i32 to index
        %get3A_98 = arith.constant 48 : index
        %get3A_99 = tpu.vector_load %arg10[%get3A_97, %get3A_98] {strides = array<i32>} : memref<80x128xf32, #tpu.memory_space<vmem>>, vector<1x16xf32>,
        %get3A_100 = vector.shape_cast %get3A_99 : vector<1x16xf32> to vector<16xf32>
        %get3A_101 = arith.index_cast %scan3A_47 : i32 to index
        %get3A_102 = arith.constant 48 : index
        %get3A_103 = tpu.vector_load %arg11[%get3A_101, %get3A_102] {strides = array<i32>} : memref<80x128xf32, #tpu.memory_space<vmem>>, vector<1x16xf32>,
        %get3A_104 = vector.shape_cast %get3A_103 : vector<1x16xf32> to vector<16xf32>
        %add3A_105 = arith.addf %get3A_100, %get3A_104 : vector<16xf32>
        %max3A_106 = arith.constant 0.000000e+00 : f32
        %max3A_107 = vector.broadcast %max3A_106 : f32 to vector<16xf32>
        %max3A_108 = arith.maximumf %add3A_105, %max3A_107 : vector<16xf32>
        %swap3A_109 = arith.index_cast %scan3A_47 : i32 to index
        %swap3A_110 = arith.constant 48 : index
        %swap3A_111 = tpu.vector_load %arg10[%swap3A_109, %swap3A_110] {strides = array<i32>} : memref<80x128xf32, #tpu.memory_space<vmem>>, vector<1x16xf32>,
        %swap3A_112 = vector.shape_cast %swap3A_111 : vector<1x16xf32> to vector<16xf32>
        %swap3A_113 = vector.shape_cast %max3A_108 : vector<16xf32> to vector<1x16xf32>
        tpu.vector_store %arg10[%swap3A_109, %swap3A_110], %swap3A_113 {strides = array<i32>} : memref<80x128xf32, #tpu.memory_space<vmem>>, vector<1x16xf32>,
        %get3A_114 = arith.index_cast %scan3A_47 : i32 to index
        %get3A_115 = arith.constant 64 : index
        %get3A_116 = tpu.vector_load %arg10[%get3A_114, %get3A_115] {strides = array<i32>} : memref<80x128xf32, #tpu.memory_space<vmem>>, vector<1x16xf32>,
        %get3A_117 = vector.shape_cast %get3A_116 : vector<1x16xf32> to vector<16xf32>
        %get3A_118 = arith.index_cast %scan3A_47 : i32 to index
        %get3A_119 = arith.constant 64 : index
        %get3A_120 = tpu.vector_load %arg11[%get3A_118, %get3A_119] {strides = array<i32>} : memref<80x128xf32, #tpu.memory_space<vmem>>, vector<1x16xf32>,
        %get3A_121 = vector.shape_cast %get3A_120 : vector<1x16xf32> to vector<16xf32>
        %add3A_122 = arith.addf %get3A_117, %get3A_121 : vector<16xf32>
        %max3A_123 = arith.constant 0.000000e+00 : f32
        %max3A_124 = vector.broadcast %max3A_123 : f32 to vector<16xf32>
        %max3A_125 = arith.maximumf %add3A_122, %max3A_124 : vector<16xf32>
        %swap3A_126 = arith.index_cast %scan3A_47 : i32 to index
        %swap3A_127 = arith.constant 64 : index
        %swap3A_128 = tpu.vector_load %arg10[%swap3A_126, %swap3A_127] {strides = array<i32>} : memref<80x128xf32, #tpu.memory_space<vmem>>, vector<1x16xf32>,
        %swap3A_129 = vector.shape_cast %swap3A_128 : vector<1x16xf32> to vector<16xf32>
        %swap3A_130 = vector.shape_cast %max3A_125 : vector<16xf32> to vector<1x16xf32>
        tpu.vector_store %arg10[%swap3A_126, %swap3A_127], %swap3A_130 {strides = array<i32>} : memref<80x128xf32, #tpu.memory_space<vmem>>, vector<1x16xf32>,
        %get3A_131 = arith.index_cast %scan3A_47 : i32 to index
        %get3A_132 = arith.constant 80 : index
        %get3A_133 = tpu.vector_load %arg10[%get3A_131, %get3A_132] {strides = array<i32>} : memref<80x128xf32, #tpu.memory_space<vmem>>, vector<1x16xf32>,
        %get3A_134 = vector.shape_cast %get3A_133 : vector<1x16xf32> to vector<16xf32>
        %get3A_135 = arith.index_cast %scan3A_47 : i32 to index
        %get3A_136 = arith.constant 80 : index
        %get3A_137 = tpu.vector_load %arg11[%get3A_135, %get3A_136] {strides = array<i32>} : memref<80x128xf32, #tpu.memory_space<vmem>>, vector<1x16xf32>,
        %get3A_138 = vector.shape_cast %get3A_137 : vector<1x16xf32> to vector<16xf32>
        %add3A_139 = arith.addf %get3A_134, %get3A_138 : vector<16xf32>
        %max3A_140 = arith.constant 0.000000e+00 : f32
        %max3A_141 = vector.broadcast %max3A_140 : f32 to vector<16xf32>
        %max3A_142 = arith.maximumf %add3A_139, %max3A_141 : vector<16xf32>
        %swap3A_143 = arith.index_cast %scan3A_47 : i32 to index
        %swap3A_144 = arith.constant 80 : index
        %swap3A_145 = tpu.vector_load %arg10[%swap3A_143, %swap3A_144] {strides = array<i32>} : memref<80x128xf32, #tpu.memory_space<vmem>>, vector<1x16xf32>,
        %swap3A_146 = vector.shape_cast %swap3A_145 : vector<1x16xf32> to vector<16xf32>
        %swap3A_147 = vector.shape_cast %max3A_142 : vector<16xf32> to vector<1x16xf32>
        tpu.vector_store %arg10[%swap3A_143, %swap3A_144], %swap3A_147 {strides = array<i32>} : memref<80x128xf32, #tpu.memory_space<vmem>>, vector<1x16xf32>,
        %get3A_148 = arith.index_cast %scan3A_47 : i32 to index
        %get3A_149 = arith.constant 96 : index
        %get3A_150 = tpu.vector_load %arg10[%get3A_148, %get3A_149] {strides = array<i32>} : memref<80x128xf32, #tpu.memory_space<vmem>>, vector<1x16xf32>,
        %get3A_151 = vector.shape_cast %get3A_150 : vector<1x16xf32> to vector<16xf32>
        %get3A_152 = arith.index_cast %scan3A_47 : i32 to index
        %get3A_153 = arith.constant 96 : index
        %get3A_154 = tpu.vector_load %arg11[%get3A_152, %get3A_153] {strides = array<i32>} : memref<80x128xf32, #tpu.memory_space<vmem>>, vector<1x16xf32>,
        %get3A_155 = vector.shape_cast %get3A_154 : vector<1x16xf32> to vector<16xf32>
        %add3A_156 = arith.addf %get3A_151, %get3A_155 : vector<16xf32>
        %max3A_157 = arith.constant 0.000000e+00 : f32
        %max3A_158 = vector.broadcast %max3A_157 : f32 to vector<16xf32>
        %max3A_159 = arith.maximumf %add3A_156, %max3A_158 : vector<16xf32>
        %swap3A_160 = arith.index_cast %scan3A_47 : i32 to index
        %swap3A_161 = arith.constant 96 : index
        %swap3A_162 = tpu.vector_load %arg10[%swap3A_160, %swap3A_161] {strides = array<i32>} : memref<80x128xf32, #tpu.memory_space<vmem>>, vector<1x16xf32>,
        %swap3A_163 = vector.shape_cast %swap3A_162 : vector<1x16xf32> to vector<16xf32>
        %swap3A_164 = vector.shape_cast %max3A_159 : vector<16xf32> to vector<1x16xf32>
        tpu.vector_store %arg10[%swap3A_160, %swap3A_161], %swap3A_164 {strides = array<i32>} : memref<80x128xf32, #tpu.memory_space<vmem>>, vector<1x16xf32>,
        %get3A_165 = arith.index_cast %scan3A_47 : i32 to index
        %get3A_166 = arith.constant 112 : index
        %get3A_167 = tpu.vector_load %arg10[%get3A_165, %get3A_166] {strides = array<i32>} : memref<80x128xf32, #tpu.memory_space<vmem>>, vector<1x16xf32>,
        %get3A_168 = vector.shape_cast %get3A_167 : vector<1x16xf32> to vector<16xf32>
        %get3A_169 = arith.index_cast %scan3A_47 : i32 to index
        %get3A_170 = arith.constant 112 : index
        %get3A_171 = tpu.vector_load %arg11[%get3A_169, %get3A_170] {strides = array<i32>} : memref<80x128xf32, #tpu.memory_space<vmem>>, vector<1x16xf32>,
        %get3A_172 = vector.shape_cast %get3A_171 : vector<1x16xf32> to vector<16xf32>
        %add3A_173 = arith.addf %get3A_168, %get3A_172 : vector<16xf32>
        %max3A_174 = arith.constant 0.000000e+00 : f32
        %max3A_175 = vector.broadcast %max3A_174 : f32 to vector<16xf32>
        %max3A_176 = arith.maximumf %add3A_173, %max3A_175 : vector<16xf32>
        %swap3A_177 = arith.index_cast %scan3A_47 : i32 to index
        %swap3A_178 = arith.constant 112 : index
        %swap3A_179 = tpu.vector_load %arg10[%swap3A_177, %swap3A_178] {strides = array<i32>} : memref<80x128xf32, #tpu.memory_space<vmem>>, vector<1x16xf32>,
        %swap3A_180 = vector.shape_cast %swap3A_179 : vector<1x16xf32> to vector<16xf32>
        %swap3A_181 = vector.shape_cast %max3A_176 : vector<16xf32> to vector<1x16xf32>
        tpu.vector_store %arg10[%swap3A_177, %swap3A_178], %swap3A_181 {strides = array<i32>} : memref<80x128xf32, #tpu.memory_space<vmem>>, vector<1x16xf32>,
        %scan3A_182 = arith.constant 0 : i32
        scf.yield %scan3A_182 : i32
      }
      %scan3A_45 = arith.constant 80 : i32
      "tpu.region"() ({
        %run_scoped3A = tpu.sem_alloc : memref<!tpu.dma_semaphore, #tpu.memory_space<semaphore_mem>>
        %dma_start3A_47 = arith.constant 0 : i32
        %dma_start3A_48 = arith.constant 0 : i32
        %dma_start3A_49 = tpu.memref_slice %arg7[%dma_start3A_47, %dma_start3A_48] : memref<10240x128xf32, #tpu.memory_space<vmem_shared>> -> memref<10240x128xf32, #tpu.memory_space<vmem_shared>>
        tpu.enqueue_indirect_dma source(%arg10 : memref<80x128xf32, #tpu.memory_space<vmem>>) target(%dma_start3A_49 : memref<10240x128xf32, #tpu.memory_space<vmem_shared>>) offsets(%arg9 : memref<80xi32, #tpu.memory_space<vmem>>) semaphore(%run_scoped3A : memref<!tpu.dma_semaphore, #tpu.memory_space<semaphore_mem>>) {add = true}
        %dma_wait3A_50 = arith.constant 0 : i32
        %dma_wait3A_51 = arith.constant 0 : i32
        %dma_wait3A_52 = tpu.memref_slice %arg7[%dma_wait3A_50, %dma_wait3A_51] : memref<10240x128xf32, #tpu.memory_space<vmem_shared>> -> memref<10240x128xf32, #tpu.memory_space<vmem_shared>>
        tpu.wait_indirect_dma semaphore(%run_scoped3A : memref<!tpu.dma_semaphore, #tpu.memory_space<semaphore_mem>>) src(%arg10 : memref<80x128xf32, #tpu.memory_space<vmem>>) dst(%dma_wait3A_52 : memref<10240x128xf32, #tpu.memory_space<vmem_shared>>)
        tpu.yield
      }) : () -> ()
      %scan3A_46 = arith.constant 0 : i32
      scf.yield %scan3A_46 : i32
    }
    %scan3A_28 = arith.constant 125 : i32
    %barrier3A_29 = arith.constant 0 : index
    tpu.barrier barrier_id(%barrier3A_29)
    "tpu.region"() ({
      %run_scoped3A = tpu.sem_alloc : memref<!tpu.dma_semaphore, #tpu.memory_space<semaphore_mem>>
      %dma_start3A = arith.constant 0 : i32
      %dma_start3A_30 = tpu.memref_slice %arg6[%arg0, %mul3A_11, %dma_start3A] : memref<2x10240x128xf32, #tpu.memory_space<hbm>> -> memref<1x640x128xf32, #tpu.memory_space<hbm>>
      %dma_start3A_31 = tpu.memref_squeeze %dma_start3A_30 : memref<1x640x128xf32, #tpu.memory_space<hbm>> -> memref<640x128xf32, #tpu.memory_space<hbm>>
      %dma_start3A_32 = arith.constant 0 : i32
      %dma_start3A_33 = tpu.memref_slice %arg7[%mul3A_11, %dma_start3A_32] : memref<10240x128xf32, #tpu.memory_space<vmem_shared>> -> memref<640x128xf32, #tpu.memory_space<vmem_shared>>
      tpu.enqueue_dma source(%dma_start3A_33 : memref<640x128xf32, #tpu.memory_space<vmem_shared>>) target(%dma_start3A_31 : memref<640x128xf32, #tpu.memory_space<hbm>>) target_semaphore(%run_scoped3A : memref<!tpu.dma_semaphore, #tpu.memory_space<semaphore_mem>>)
      %dma_wait3A = arith.constant 0 : i32
      %dma_wait3A_34 = tpu.memref_slice %arg6[%arg0, %mul3A_11, %dma_wait3A] : memref<2x10240x128xf32, #tpu.memory_space<hbm>> -> memref<1x640x128xf32, #tpu.memory_space<hbm>>
      %dma_wait3A_35 = tpu.memref_squeeze %dma_wait3A_34 : memref<1x640x128xf32, #tpu.memory_space<hbm>> -> memref<640x128xf32, #tpu.memory_space<hbm>>
      %dma_wait3A_36 = arith.constant 0 : i32
      %dma_wait3A_37 = tpu.memref_slice %arg7[%mul3A_11, %dma_wait3A_36] : memref<10240x128xf32, #tpu.memory_space<vmem_shared>> -> memref<640x128xf32, #tpu.memory_space<vmem_shared>>
      tpu.wait_dma2 semaphore(%run_scoped3A : memref<!tpu.dma_semaphore, #tpu.memory_space<semaphore_mem>>) src(%dma_wait3A_37 : memref<640x128xf32, #tpu.memory_space<vmem_shared>>) dst(%dma_wait3A_35 : memref<640x128xf32, #tpu.memory_space<hbm>>)
      tpu.yield
    }) : () -> ()
    return
  }
}

#map = affine_map<(d0, d1) -> (0, 0)>
#map1 = affine_map<(d0, d1) -> (0)>
#map2 = affine_map<(d0, d1) -> (0, 0, 0)>
module attributes {stable_mosaic.version = 14 : i64} {
  func.func @sc_edge_stage(%arg0: i32, %arg1: i32, %arg2: memref<320000x128xf32, #tpu.memory_space<hbm>>, %arg3: memref<320000xi32, #tpu.memory_space<hbm>>, %arg4: memref<320000xi32, #tpu.memory_space<hbm>>, %arg5: memref<10000x128xf32, #tpu.memory_space<hbm>>, %arg6: memref<2x10240x128xf32, #tpu.memory_space<hbm>>, %arg7: memref<10240x128xf32, #tpu.memory_space<vmem_shared>>, %arg8: memref<80xi32, #tpu.memory_space<vmem>>, %arg9: memref<80xi32, #tpu.memory_space<vmem>>, %arg10: memref<80x128xf32, #tpu.memory_space<vmem>>, %arg11: memref<80x128xf32, #tpu.memory_space<vmem>>, %arg12: memref<128x128xf32, #tpu.memory_space<vmem>>, %arg13: memref<!tpu.dma_semaphore, #tpu.memory_space<semaphore_mem>>) attributes {dimension_semantics = [#tpu.dimension_semantics<core_parallel>, #tpu.dimension_semantics<subcore_parallel>], iteration_bounds = array<i64: 2, 16>, scalar_prefetch = 0 : i64, scratch_operands = 7 : i64, tpu.core_type = #tpu.core_type<sc_vector_subcore>, window_params = [{transform_indices = #map}, {transform_indices = #map1}, {transform_indices = #map1}, {transform_indices = #map}, {transform_indices = #map2}]} {
    %mul3A = arith.constant 16 : i32
    %mul3A_0 = arith.muli %arg0, %mul3A : i32
    %add3A = arith.addi %mul3A_0, %arg1 : i32
    %mul3A_1 = arith.constant 10000 : i32
    %mul3A_2 = arith.muli %add3A, %mul3A_1 : i32
    %broadcast_in_dim3A = arith.constant 0.000000e+00 : f32
    %broadcast_in_dim3A_3 = vector.broadcast %broadcast_in_dim3A : f32 to vector<16xf32>
    %scan3A = arith.constant 0 : i32
    %scan3A_4 = arith.constant 0 : i32
    %scan3A_5 = arith.constant 128 : i32
    %scan3A_6 = arith.addi %scan3A_4, %scan3A_5 : i32
    %scan3A_7 = arith.constant 1 : i32
    %scan3A_8 = scf.for %scan3A_30 = %scan3A_4 to %scan3A_6 step %scan3A_7 iter_args(%scan3A_31 = %scan3A) -> (i32)  : i32 {
      %swap3A = arith.index_cast %scan3A_30 : i32 to index
      %swap3A_32 = arith.constant 0 : index
      %swap3A_33 = tpu.vector_load %arg12[%swap3A, %swap3A_32] {strides = array<i32>} : memref<128x128xf32, #tpu.memory_space<vmem>>, vector<1x16xf32>,
      %swap3A_34 = vector.shape_cast %swap3A_33 : vector<1x16xf32> to vector<16xf32>
      %swap3A_35 = vector.shape_cast %broadcast_in_dim3A_3 : vector<16xf32> to vector<1x16xf32>
      tpu.vector_store %arg12[%swap3A, %swap3A_32], %swap3A_35 {strides = array<i32>} : memref<128x128xf32, #tpu.memory_space<vmem>>, vector<1x16xf32>,
      %swap3A_36 = arith.index_cast %scan3A_30 : i32 to index
      %swap3A_37 = arith.constant 16 : index
      %swap3A_38 = tpu.vector_load %arg12[%swap3A_36, %swap3A_37] {strides = array<i32>} : memref<128x128xf32, #tpu.memory_space<vmem>>, vector<1x16xf32>,
      %swap3A_39 = vector.shape_cast %swap3A_38 : vector<1x16xf32> to vector<16xf32>
      %swap3A_40 = vector.shape_cast %broadcast_in_dim3A_3 : vector<16xf32> to vector<1x16xf32>
      tpu.vector_store %arg12[%swap3A_36, %swap3A_37], %swap3A_40 {strides = array<i32>} : memref<128x128xf32, #tpu.memory_space<vmem>>, vector<1x16xf32>,
      %swap3A_41 = arith.index_cast %scan3A_30 : i32 to index
      %swap3A_42 = arith.constant 32 : index
      %swap3A_43 = tpu.vector_load %arg12[%swap3A_41, %swap3A_42] {strides = array<i32>} : memref<128x128xf32, #tpu.memory_space<vmem>>, vector<1x16xf32>,
      %swap3A_44 = vector.shape_cast %swap3A_43 : vector<1x16xf32> to vector<16xf32>
      %swap3A_45 = vector.shape_cast %broadcast_in_dim3A_3 : vector<16xf32> to vector<1x16xf32>
      tpu.vector_store %arg12[%swap3A_41, %swap3A_42], %swap3A_45 {strides = array<i32>} : memref<128x128xf32, #tpu.memory_space<vmem>>, vector<1x16xf32>,
      %swap3A_46 = arith.index_cast %scan3A_30 : i32 to index
      %swap3A_47 = arith.constant 48 : index
      %swap3A_48 = tpu.vector_load %arg12[%swap3A_46, %swap3A_47] {strides = array<i32>} : memref<128x128xf32, #tpu.memory_space<vmem>>, vector<1x16xf32>,
      %swap3A_49 = vector.shape_cast %swap3A_48 : vector<1x16xf32> to vector<16xf32>
      %swap3A_50 = vector.shape_cast %broadcast_in_dim3A_3 : vector<16xf32> to vector<1x16xf32>
      tpu.vector_store %arg12[%swap3A_46, %swap3A_47], %swap3A_50 {strides = array<i32>} : memref<128x128xf32, #tpu.memory_space<vmem>>, vector<1x16xf32>,
      %swap3A_51 = arith.index_cast %scan3A_30 : i32 to index
      %swap3A_52 = arith.constant 64 : index
      %swap3A_53 = tpu.vector_load %arg12[%swap3A_51, %swap3A_52] {strides = array<i32>} : memref<128x128xf32, #tpu.memory_space<vmem>>, vector<1x16xf32>,
      %swap3A_54 = vector.shape_cast %swap3A_53 : vector<1x16xf32> to vector<16xf32>
      %swap3A_55 = vector.shape_cast %broadcast_in_dim3A_3 : vector<16xf32> to vector<1x16xf32>
      tpu.vector_store %arg12[%swap3A_51, %swap3A_52], %swap3A_55 {strides = array<i32>} : memref<128x128xf32, #tpu.memory_space<vmem>>, vector<1x16xf32>,
      %swap3A_56 = arith.index_cast %scan3A_30 : i32 to index
      %swap3A_57 = arith.constant 80 : index
      %swap3A_58 = tpu.vector_load %arg12[%swap3A_56, %swap3A_57] {strides = array<i32>} : memref<128x128xf32, #tpu.memory_space<vmem>>, vector<1x16xf32>,
      %swap3A_59 = vector.shape_cast %swap3A_58 : vector<1x16xf32> to vector<16xf32>
      %swap3A_60 = vector.shape_cast %broadcast_in_dim3A_3 : vector<16xf32> to vector<1x16xf32>
      tpu.vector_store %arg12[%swap3A_56, %swap3A_57], %swap3A_60 {strides = array<i32>} : memref<128x128xf32, #tpu.memory_space<vmem>>, vector<1x16xf32>,
      %swap3A_61 = arith.index_cast %scan3A_30 : i32 to index
      %swap3A_62 = arith.constant 96 : index
      %swap3A_63 = tpu.vector_load %arg12[%swap3A_61, %swap3A_62] {strides = array<i32>} : memref<128x128xf32, #tpu.memory_space<vmem>>, vector<1x16xf32>,
      %swap3A_64 = vector.shape_cast %swap3A_63 : vector<1x16xf32> to vector<16xf32>
      %swap3A_65 = vector.shape_cast %broadcast_in_dim3A_3 : vector<16xf32> to vector<1x16xf32>
      tpu.vector_store %arg12[%swap3A_61, %swap3A_62], %swap3A_65 {strides = array<i32>} : memref<128x128xf32, #tpu.memory_space<vmem>>, vector<1x16xf32>,
      %swap3A_66 = arith.index_cast %scan3A_30 : i32 to index
      %swap3A_67 = arith.constant 112 : index
      %swap3A_68 = tpu.vector_load %arg12[%swap3A_66, %swap3A_67] {strides = array<i32>} : memref<128x128xf32, #tpu.memory_space<vmem>>, vector<1x16xf32>,
      %swap3A_69 = vector.shape_cast %swap3A_68 : vector<1x16xf32> to vector<16xf32>
      %swap3A_70 = vector.shape_cast %broadcast_in_dim3A_3 : vector<16xf32> to vector<1x16xf32>
      tpu.vector_store %arg12[%swap3A_66, %swap3A_67], %swap3A_70 {strides = array<i32>} : memref<128x128xf32, #tpu.memory_space<vmem>>, vector<1x16xf32>,
      %scan3A_71 = arith.constant 0 : i32
      scf.yield %scan3A_71 : i32
    }
    %scan3A_9 = arith.constant 128 : i32
    %mul3A_10 = arith.constant 640 : i32
    %mul3A_11 = arith.muli %arg1, %mul3A_10 : i32
    %add3A_12 = arith.constant 0 : i32
    %add3A_13 = arith.addi %mul3A_11, %add3A_12 : i32
    "tpu.region"() ({
      %run_scoped3A = tpu.sem_alloc : memref<!tpu.dma_semaphore, #tpu.memory_space<semaphore_mem>>
      %dma_start3A = arith.constant 0 : i32
      %dma_start3A_30 = tpu.memref_slice %arg7[%add3A_13, %dma_start3A] : memref<10240x128xf32, #tpu.memory_space<vmem_shared>> -> memref<128x128xf32, #tpu.memory_space<vmem_shared>>
      %dma_start3A_31 = arith.constant 0 : i32
      %dma_start3A_32 = tpu.memref_slice %arg7[%add3A_13, %dma_start3A_31] : memref<10240x128xf32, #tpu.memory_space<vmem_shared>> -> memref<128x128xf32, #tpu.memory_space<vmem_shared>>
      tpu.enqueue_dma source(%arg12 : memref<128x128xf32, #tpu.memory_space<vmem>>) target(%dma_start3A_32 : memref<128x128xf32, #tpu.memory_space<vmem_shared>>) target_semaphore(%run_scoped3A : memref<!tpu.dma_semaphore, #tpu.memory_space<semaphore_mem>>)
      %dma_wait3A = arith.constant 0 : i32
      %dma_wait3A_33 = tpu.memref_slice %arg7[%add3A_13, %dma_wait3A] : memref<10240x128xf32, #tpu.memory_space<vmem_shared>> -> memref<128x128xf32, #tpu.memory_space<vmem_shared>>
      %dma_wait3A_34 = arith.constant 0 : i32
      %dma_wait3A_35 = tpu.memref_slice %arg7[%add3A_13, %dma_wait3A_34] : memref<10240x128xf32, #tpu.memory_space<vmem_shared>> -> memref<128x128xf32, #tpu.memory_space<vmem_shared>>
      tpu.wait_dma2 semaphore(%run_scoped3A : memref<!tpu.dma_semaphore, #tpu.memory_space<semaphore_mem>>) src(%arg12 : memref<128x128xf32, #tpu.memory_space<vmem>>) dst(%dma_wait3A_35 : memref<128x128xf32, #tpu.memory_space<vmem_shared>>)
      tpu.yield
    }) : () -> ()
    %add3A_14 = arith.constant 128 : i32
    %add3A_15 = arith.addi %mul3A_11, %add3A_14 : i32
    "tpu.region"() ({
      %run_scoped3A = tpu.sem_alloc : memref<!tpu.dma_semaphore, #tpu.memory_space<semaphore_mem>>
      %dma_start3A = arith.constant 0 : i32
      %dma_start3A_30 = tpu.memref_slice %arg7[%add3A_15, %dma_start3A] : memref<10240x128xf32, #tpu.memory_space<vmem_shared>> -> memref<128x128xf32, #tpu.memory_space<vmem_shared>>
      %dma_start3A_31 = arith.constant 0 : i32
      %dma_start3A_32 = tpu.memref_slice %arg7[%add3A_15, %dma_start3A_31] : memref<10240x128xf32, #tpu.memory_space<vmem_shared>> -> memref<128x128xf32, #tpu.memory_space<vmem_shared>>
      tpu.enqueue_dma source(%arg12 : memref<128x128xf32, #tpu.memory_space<vmem>>) target(%dma_start3A_32 : memref<128x128xf32, #tpu.memory_space<vmem_shared>>) target_semaphore(%run_scoped3A : memref<!tpu.dma_semaphore, #tpu.memory_space<semaphore_mem>>)
      %dma_wait3A = arith.constant 0 : i32
      %dma_wait3A_33 = tpu.memref_slice %arg7[%add3A_15, %dma_wait3A] : memref<10240x128xf32, #tpu.memory_space<vmem_shared>> -> memref<128x128xf32, #tpu.memory_space<vmem_shared>>
      %dma_wait3A_34 = arith.constant 0 : i32
      %dma_wait3A_35 = tpu.memref_slice %arg7[%add3A_15, %dma_wait3A_34] : memref<10240x128xf32, #tpu.memory_space<vmem_shared>> -> memref<128x128xf32, #tpu.memory_space<vmem_shared>>
      tpu.wait_dma2 semaphore(%run_scoped3A : memref<!tpu.dma_semaphore, #tpu.memory_space<semaphore_mem>>) src(%arg12 : memref<128x128xf32, #tpu.memory_space<vmem>>) dst(%dma_wait3A_35 : memref<128x128xf32, #tpu.memory_space<vmem_shared>>)
      tpu.yield
    }) : () -> ()
    %add3A_16 = arith.constant 256 : i32
    %add3A_17 = arith.addi %mul3A_11, %add3A_16 : i32
    "tpu.region"() ({
      %run_scoped3A = tpu.sem_alloc : memref<!tpu.dma_semaphore, #tpu.memory_space<semaphore_mem>>
      %dma_start3A = arith.constant 0 : i32
      %dma_start3A_30 = tpu.memref_slice %arg7[%add3A_17, %dma_start3A] : memref<10240x128xf32, #tpu.memory_space<vmem_shared>> -> memref<128x128xf32, #tpu.memory_space<vmem_shared>>
      %dma_start3A_31 = arith.constant 0 : i32
      %dma_start3A_32 = tpu.memref_slice %arg7[%add3A_17, %dma_start3A_31] : memref<10240x128xf32, #tpu.memory_space<vmem_shared>> -> memref<128x128xf32, #tpu.memory_space<vmem_shared>>
      tpu.enqueue_dma source(%arg12 : memref<128x128xf32, #tpu.memory_space<vmem>>) target(%dma_start3A_32 : memref<128x128xf32, #tpu.memory_space<vmem_shared>>) target_semaphore(%run_scoped3A : memref<!tpu.dma_semaphore, #tpu.memory_space<semaphore_mem>>)
      %dma_wait3A = arith.constant 0 : i32
      %dma_wait3A_33 = tpu.memref_slice %arg7[%add3A_17, %dma_wait3A] : memref<10240x128xf32, #tpu.memory_space<vmem_shared>> -> memref<128x128xf32, #tpu.memory_space<vmem_shared>>
      %dma_wait3A_34 = arith.constant 0 : i32
      %dma_wait3A_35 = tpu.memref_slice %arg7[%add3A_17, %dma_wait3A_34] : memref<10240x128xf32, #tpu.memory_space<vmem_shared>> -> memref<128x128xf32, #tpu.memory_space<vmem_shared>>
      tpu.wait_dma2 semaphore(%run_scoped3A : memref<!tpu.dma_semaphore, #tpu.memory_space<semaphore_mem>>) src(%arg12 : memref<128x128xf32, #tpu.memory_space<vmem>>) dst(%dma_wait3A_35 : memref<128x128xf32, #tpu.memory_space<vmem_shared>>)
      tpu.yield
    }) : () -> ()
    %add3A_18 = arith.constant 384 : i32
    %add3A_19 = arith.addi %mul3A_11, %add3A_18 : i32
    "tpu.region"() ({
      %run_scoped3A = tpu.sem_alloc : memref<!tpu.dma_semaphore, #tpu.memory_space<semaphore_mem>>
      %dma_start3A = arith.constant 0 : i32
      %dma_start3A_30 = tpu.memref_slice %arg7[%add3A_19, %dma_start3A] : memref<10240x128xf32, #tpu.memory_space<vmem_shared>> -> memref<128x128xf32, #tpu.memory_space<vmem_shared>>
      %dma_start3A_31 = arith.constant 0 : i32
      %dma_start3A_32 = tpu.memref_slice %arg7[%add3A_19, %dma_start3A_31] : memref<10240x128xf32, #tpu.memory_space<vmem_shared>> -> memref<128x128xf32, #tpu.memory_space<vmem_shared>>
      tpu.enqueue_dma source(%arg12 : memref<128x128xf32, #tpu.memory_space<vmem>>) target(%dma_start3A_32 : memref<128x128xf32, #tpu.memory_space<vmem_shared>>) target_semaphore(%run_scoped3A : memref<!tpu.dma_semaphore, #tpu.memory_space<semaphore_mem>>)
      %dma_wait3A = arith.constant 0 : i32
      %dma_wait3A_33 = tpu.memref_slice %arg7[%add3A_19, %dma_wait3A] : memref<10240x128xf32, #tpu.memory_space<vmem_shared>> -> memref<128x128xf32, #tpu.memory_space<vmem_shared>>
      %dma_wait3A_34 = arith.constant 0 : i32
      %dma_wait3A_35 = tpu.memref_slice %arg7[%add3A_19, %dma_wait3A_34] : memref<10240x128xf32, #tpu.memory_space<vmem_shared>> -> memref<128x128xf32, #tpu.memory_space<vmem_shared>>
      tpu.wait_dma2 semaphore(%run_scoped3A : memref<!tpu.dma_semaphore, #tpu.memory_space<semaphore_mem>>) src(%arg12 : memref<128x128xf32, #tpu.memory_space<vmem>>) dst(%dma_wait3A_35 : memref<128x128xf32, #tpu.memory_space<vmem_shared>>)
      tpu.yield
    }) : () -> ()
    %add3A_20 = arith.constant 512 : i32
    %add3A_21 = arith.addi %mul3A_11, %add3A_20 : i32
    "tpu.region"() ({
      %run_scoped3A = tpu.sem_alloc : memref<!tpu.dma_semaphore, #tpu.memory_space<semaphore_mem>>
      %dma_start3A = arith.constant 0 : i32
      %dma_start3A_30 = tpu.memref_slice %arg7[%add3A_21, %dma_start3A] : memref<10240x128xf32, #tpu.memory_space<vmem_shared>> -> memref<128x128xf32, #tpu.memory_space<vmem_shared>>
      %dma_start3A_31 = arith.constant 0 : i32
      %dma_start3A_32 = tpu.memref_slice %arg7[%add3A_21, %dma_start3A_31] : memref<10240x128xf32, #tpu.memory_space<vmem_shared>> -> memref<128x128xf32, #tpu.memory_space<vmem_shared>>
      tpu.enqueue_dma source(%arg12 : memref<128x128xf32, #tpu.memory_space<vmem>>) target(%dma_start3A_32 : memref<128x128xf32, #tpu.memory_space<vmem_shared>>) target_semaphore(%run_scoped3A : memref<!tpu.dma_semaphore, #tpu.memory_space<semaphore_mem>>)
      %dma_wait3A = arith.constant 0 : i32
      %dma_wait3A_33 = tpu.memref_slice %arg7[%add3A_21, %dma_wait3A] : memref<10240x128xf32, #tpu.memory_space<vmem_shared>> -> memref<128x128xf32, #tpu.memory_space<vmem_shared>>
      %dma_wait3A_34 = arith.constant 0 : i32
      %dma_wait3A_35 = tpu.memref_slice %arg7[%add3A_21, %dma_wait3A_34] : memref<10240x128xf32, #tpu.memory_space<vmem_shared>> -> memref<128x128xf32, #tpu.memory_space<vmem_shared>>
      tpu.wait_dma2 semaphore(%run_scoped3A : memref<!tpu.dma_semaphore, #tpu.memory_space<semaphore_mem>>) src(%arg12 : memref<128x128xf32, #tpu.memory_space<vmem>>) dst(%dma_wait3A_35 : memref<128x128xf32, #tpu.memory_space<vmem_shared>>)
      tpu.yield
    }) : () -> ()
    %barrier3A = arith.constant 0 : index
    tpu.barrier barrier_id(%barrier3A)
    %scan3A_22 = arith.constant 0 : i32
    %scan3A_23 = arith.constant 0 : i32
    %scan3A_24 = arith.constant 125 : i32
    %scan3A_25 = arith.addi %scan3A_23, %scan3A_24 : i32
    %scan3A_26 = arith.constant 1 : i32
    %scan3A_27 = scf.for %scan3A_30 = %scan3A_23 to %scan3A_25 step %scan3A_26 iter_args(%scan3A_31 = %scan3A_22) -> (i32)  : i32 {
      %mul3A_32 = arith.constant 80 : i32
      %mul3A_33 = arith.muli %scan3A_30, %mul3A_32 : i32
      %add3A_34 = arith.addi %mul3A_2, %mul3A_33 : i32
      "tpu.region"() ({
        %run_scoped3A = tpu.sem_alloc : memref<!tpu.dma_semaphore, #tpu.memory_space<semaphore_mem>>
        %dma_start3A_47 = tpu.memref_slice %arg3[%add3A_34] : memref<320000xi32, #tpu.memory_space<hbm>> -> memref<80xi32, #tpu.memory_space<hbm>>
        %dma_start3A_48 = tpu.memref_slice %arg3[%add3A_34] : memref<320000xi32, #tpu.memory_space<hbm>> -> memref<80xi32, #tpu.memory_space<hbm>>
        tpu.enqueue_dma source(%dma_start3A_48 : memref<80xi32, #tpu.memory_space<hbm>>) target(%arg8 : memref<80xi32, #tpu.memory_space<vmem>>) target_semaphore(%run_scoped3A : memref<!tpu.dma_semaphore, #tpu.memory_space<semaphore_mem>>)
        %dma_wait3A_49 = tpu.memref_slice %arg3[%add3A_34] : memref<320000xi32, #tpu.memory_space<hbm>> -> memref<80xi32, #tpu.memory_space<hbm>>
        %dma_wait3A_50 = tpu.memref_slice %arg3[%add3A_34] : memref<320000xi32, #tpu.memory_space<hbm>> -> memref<80xi32, #tpu.memory_space<hbm>>
        tpu.wait_dma2 semaphore(%run_scoped3A : memref<!tpu.dma_semaphore, #tpu.memory_space<semaphore_mem>>) src(%dma_wait3A_50 : memref<80xi32, #tpu.memory_space<hbm>>) dst(%arg8 : memref<80xi32, #tpu.memory_space<vmem>>)
        tpu.yield
      }) : () -> ()
      "tpu.region"() ({
        %run_scoped3A = tpu.sem_alloc : memref<!tpu.dma_semaphore, #tpu.memory_space<semaphore_mem>>
        %dma_start3A_47 = tpu.memref_slice %arg4[%add3A_34] : memref<320000xi32, #tpu.memory_space<hbm>> -> memref<80xi32, #tpu.memory_space<hbm>>
        %dma_start3A_48 = tpu.memref_slice %arg4[%add3A_34] : memref<320000xi32, #tpu.memory_space<hbm>> -> memref<80xi32, #tpu.memory_space<hbm>>
        tpu.enqueue_dma source(%dma_start3A_48 : memref<80xi32, #tpu.memory_space<hbm>>) target(%arg9 : memref<80xi32, #tpu.memory_space<vmem>>) target_semaphore(%run_scoped3A : memref<!tpu.dma_semaphore, #tpu.memory_space<semaphore_mem>>)
        %dma_wait3A_49 = tpu.memref_slice %arg4[%add3A_34] : memref<320000xi32, #tpu.memory_space<hbm>> -> memref<80xi32, #tpu.memory_space<hbm>>
        %dma_wait3A_50 = tpu.memref_slice %arg4[%add3A_34] : memref<320000xi32, #tpu.memory_space<hbm>> -> memref<80xi32, #tpu.memory_space<hbm>>
        tpu.wait_dma2 semaphore(%run_scoped3A : memref<!tpu.dma_semaphore, #tpu.memory_space<semaphore_mem>>) src(%dma_wait3A_50 : memref<80xi32, #tpu.memory_space<hbm>>) dst(%arg9 : memref<80xi32, #tpu.memory_space<vmem>>)
        tpu.yield
      }) : () -> ()
      "tpu.region"() ({
        %run_scoped3A = tpu.sem_alloc : memref<!tpu.dma_semaphore, #tpu.memory_space<semaphore_mem>>
        %dma_start3A_47 = arith.constant 0 : i32
        %dma_start3A_48 = tpu.memref_slice %arg2[%add3A_34, %dma_start3A_47] : memref<320000x128xf32, #tpu.memory_space<hbm>> -> memref<80x128xf32, #tpu.memory_space<hbm>>
        %dma_start3A_49 = arith.constant 0 : i32
        %dma_start3A_50 = tpu.memref_slice %arg2[%add3A_34, %dma_start3A_49] : memref<320000x128xf32, #tpu.memory_space<hbm>> -> memref<80x128xf32, #tpu.memory_space<hbm>>
        tpu.enqueue_dma source(%dma_start3A_50 : memref<80x128xf32, #tpu.memory_space<hbm>>) target(%arg10 : memref<80x128xf32, #tpu.memory_space<vmem>>) target_semaphore(%run_scoped3A : memref<!tpu.dma_semaphore, #tpu.memory_space<semaphore_mem>>)
        %dma_wait3A_51 = arith.constant 0 : i32
        %dma_wait3A_52 = tpu.memref_slice %arg2[%add3A_34, %dma_wait3A_51] : memref<320000x128xf32, #tpu.memory_space<hbm>> -> memref<80x128xf32, #tpu.memory_space<hbm>>
        %dma_wait3A_53 = arith.constant 0 : i32
        %dma_wait3A_54 = tpu.memref_slice %arg2[%add3A_34, %dma_wait3A_53] : memref<320000x128xf32, #tpu.memory_space<hbm>> -> memref<80x128xf32, #tpu.memory_space<hbm>>
        tpu.wait_dma2 semaphore(%run_scoped3A : memref<!tpu.dma_semaphore, #tpu.memory_space<semaphore_mem>>) src(%dma_wait3A_54 : memref<80x128xf32, #tpu.memory_space<hbm>>) dst(%arg10 : memref<80x128xf32, #tpu.memory_space<vmem>>)
        tpu.yield
      }) : () -> ()
      %dma_start3A = arith.constant 0 : i32
      %dma_start3A_35 = arith.constant 0 : i32
      %dma_start3A_36 = tpu.memref_slice %arg5[%dma_start3A, %dma_start3A_35] : memref<10000x128xf32, #tpu.memory_space<hbm>> -> memref<10000x128xf32, #tpu.memory_space<hbm>>
      tpu.enqueue_indirect_dma source(%dma_start3A_36 : memref<10000x128xf32, #tpu.memory_space<hbm>>) target(%arg11 : memref<80x128xf32, #tpu.memory_space<vmem>>) offsets(%arg8 : memref<80xi32, #tpu.memory_space<vmem>>) semaphore(%arg13 : memref<!tpu.dma_semaphore, #tpu.memory_space<semaphore_mem>>)
      %dma_wait3A = arith.constant 0 : i32
      %dma_wait3A_37 = arith.constant 0 : i32
      %dma_wait3A_38 = tpu.memref_slice %arg5[%dma_wait3A, %dma_wait3A_37] : memref<10000x128xf32, #tpu.memory_space<hbm>> -> memref<10000x128xf32, #tpu.memory_space<hbm>>
      tpu.wait_indirect_dma semaphore(%arg13 : memref<!tpu.dma_semaphore, #tpu.memory_space<semaphore_mem>>) src(%dma_wait3A_38 : memref<10000x128xf32, #tpu.memory_space<hbm>>) dst(%arg11 : memref<80x128xf32, #tpu.memory_space<vmem>>)
      %scan3A_39 = arith.constant 0 : i32
      %scan3A_40 = arith.constant 0 : i32
      %scan3A_41 = arith.constant 80 : i32
      %scan3A_42 = arith.addi %scan3A_40, %scan3A_41 : i32
      %scan3A_43 = arith.constant 1 : i32
      %scan3A_44 = scf.for %scan3A_47 = %scan3A_40 to %scan3A_42 step %scan3A_43 iter_args(%scan3A_48 = %scan3A_39) -> (i32)  : i32 {
        %get3A = arith.index_cast %scan3A_47 : i32 to index
        %get3A_49 = arith.constant 0 : index
        %get3A_50 = tpu.vector_load %arg10[%get3A, %get3A_49] {strides = array<i32>} : memref<80x128xf32, #tpu.memory_space<vmem>>, vector<1x16xf32>,
        %get3A_51 = vector.shape_cast %get3A_50 : vector<1x16xf32> to vector<16xf32>
        %get3A_52 = arith.index_cast %scan3A_47 : i32 to index
        %get3A_53 = arith.constant 0 : index
        %get3A_54 = tpu.vector_load %arg11[%get3A_52, %get3A_53] {strides = array<i32>} : memref<80x128xf32, #tpu.memory_space<vmem>>, vector<1x16xf32>,
        %get3A_55 = vector.shape_cast %get3A_54 : vector<1x16xf32> to vector<16xf32>
        %add3A_56 = arith.addf %get3A_51, %get3A_55 : vector<16xf32>
        %max3A = arith.constant 0.000000e+00 : f32
        %max3A_57 = vector.broadcast %max3A : f32 to vector<16xf32>
        %max3A_58 = arith.maximumf %add3A_56, %max3A_57 : vector<16xf32>
        %swap3A = arith.index_cast %scan3A_47 : i32 to index
        %swap3A_59 = arith.constant 0 : index
        %swap3A_60 = tpu.vector_load %arg10[%swap3A, %swap3A_59] {strides = array<i32>} : memref<80x128xf32, #tpu.memory_space<vmem>>, vector<1x16xf32>,
        %swap3A_61 = vector.shape_cast %swap3A_60 : vector<1x16xf32> to vector<16xf32>
        %swap3A_62 = vector.shape_cast %max3A_58 : vector<16xf32> to vector<1x16xf32>
        tpu.vector_store %arg10[%swap3A, %swap3A_59], %swap3A_62 {strides = array<i32>} : memref<80x128xf32, #tpu.memory_space<vmem>>, vector<1x16xf32>,
        %get3A_63 = arith.index_cast %scan3A_47 : i32 to index
        %get3A_64 = arith.constant 16 : index
        %get3A_65 = tpu.vector_load %arg10[%get3A_63, %get3A_64] {strides = array<i32>} : memref<80x128xf32, #tpu.memory_space<vmem>>, vector<1x16xf32>,
        %get3A_66 = vector.shape_cast %get3A_65 : vector<1x16xf32> to vector<16xf32>
        %get3A_67 = arith.index_cast %scan3A_47 : i32 to index
        %get3A_68 = arith.constant 16 : index
        %get3A_69 = tpu.vector_load %arg11[%get3A_67, %get3A_68] {strides = array<i32>} : memref<80x128xf32, #tpu.memory_space<vmem>>, vector<1x16xf32>,
        %get3A_70 = vector.shape_cast %get3A_69 : vector<1x16xf32> to vector<16xf32>
        %add3A_71 = arith.addf %get3A_66, %get3A_70 : vector<16xf32>
        %max3A_72 = arith.constant 0.000000e+00 : f32
        %max3A_73 = vector.broadcast %max3A_72 : f32 to vector<16xf32>
        %max3A_74 = arith.maximumf %add3A_71, %max3A_73 : vector<16xf32>
        %swap3A_75 = arith.index_cast %scan3A_47 : i32 to index
        %swap3A_76 = arith.constant 16 : index
        %swap3A_77 = tpu.vector_load %arg10[%swap3A_75, %swap3A_76] {strides = array<i32>} : memref<80x128xf32, #tpu.memory_space<vmem>>, vector<1x16xf32>,
        %swap3A_78 = vector.shape_cast %swap3A_77 : vector<1x16xf32> to vector<16xf32>
        %swap3A_79 = vector.shape_cast %max3A_74 : vector<16xf32> to vector<1x16xf32>
        tpu.vector_store %arg10[%swap3A_75, %swap3A_76], %swap3A_79 {strides = array<i32>} : memref<80x128xf32, #tpu.memory_space<vmem>>, vector<1x16xf32>,
        %get3A_80 = arith.index_cast %scan3A_47 : i32 to index
        %get3A_81 = arith.constant 32 : index
        %get3A_82 = tpu.vector_load %arg10[%get3A_80, %get3A_81] {strides = array<i32>} : memref<80x128xf32, #tpu.memory_space<vmem>>, vector<1x16xf32>,
        %get3A_83 = vector.shape_cast %get3A_82 : vector<1x16xf32> to vector<16xf32>
        %get3A_84 = arith.index_cast %scan3A_47 : i32 to index
        %get3A_85 = arith.constant 32 : index
        %get3A_86 = tpu.vector_load %arg11[%get3A_84, %get3A_85] {strides = array<i32>} : memref<80x128xf32, #tpu.memory_space<vmem>>, vector<1x16xf32>,
        %get3A_87 = vector.shape_cast %get3A_86 : vector<1x16xf32> to vector<16xf32>
        %add3A_88 = arith.addf %get3A_83, %get3A_87 : vector<16xf32>
        %max3A_89 = arith.constant 0.000000e+00 : f32
        %max3A_90 = vector.broadcast %max3A_89 : f32 to vector<16xf32>
        %max3A_91 = arith.maximumf %add3A_88, %max3A_90 : vector<16xf32>
        %swap3A_92 = arith.index_cast %scan3A_47 : i32 to index
        %swap3A_93 = arith.constant 32 : index
        %swap3A_94 = tpu.vector_load %arg10[%swap3A_92, %swap3A_93] {strides = array<i32>} : memref<80x128xf32, #tpu.memory_space<vmem>>, vector<1x16xf32>,
        %swap3A_95 = vector.shape_cast %swap3A_94 : vector<1x16xf32> to vector<16xf32>
        %swap3A_96 = vector.shape_cast %max3A_91 : vector<16xf32> to vector<1x16xf32>
        tpu.vector_store %arg10[%swap3A_92, %swap3A_93], %swap3A_96 {strides = array<i32>} : memref<80x128xf32, #tpu.memory_space<vmem>>, vector<1x16xf32>,
        %get3A_97 = arith.index_cast %scan3A_47 : i32 to index
        %get3A_98 = arith.constant 48 : index
        %get3A_99 = tpu.vector_load %arg10[%get3A_97, %get3A_98] {strides = array<i32>} : memref<80x128xf32, #tpu.memory_space<vmem>>, vector<1x16xf32>,
        %get3A_100 = vector.shape_cast %get3A_99 : vector<1x16xf32> to vector<16xf32>
        %get3A_101 = arith.index_cast %scan3A_47 : i32 to index
        %get3A_102 = arith.constant 48 : index
        %get3A_103 = tpu.vector_load %arg11[%get3A_101, %get3A_102] {strides = array<i32>} : memref<80x128xf32, #tpu.memory_space<vmem>>, vector<1x16xf32>,
        %get3A_104 = vector.shape_cast %get3A_103 : vector<1x16xf32> to vector<16xf32>
        %add3A_105 = arith.addf %get3A_100, %get3A_104 : vector<16xf32>
        %max3A_106 = arith.constant 0.000000e+00 : f32
        %max3A_107 = vector.broadcast %max3A_106 : f32 to vector<16xf32>
        %max3A_108 = arith.maximumf %add3A_105, %max3A_107 : vector<16xf32>
        %swap3A_109 = arith.index_cast %scan3A_47 : i32 to index
        %swap3A_110 = arith.constant 48 : index
        %swap3A_111 = tpu.vector_load %arg10[%swap3A_109, %swap3A_110] {strides = array<i32>} : memref<80x128xf32, #tpu.memory_space<vmem>>, vector<1x16xf32>,
        %swap3A_112 = vector.shape_cast %swap3A_111 : vector<1x16xf32> to vector<16xf32>
        %swap3A_113 = vector.shape_cast %max3A_108 : vector<16xf32> to vector<1x16xf32>
        tpu.vector_store %arg10[%swap3A_109, %swap3A_110], %swap3A_113 {strides = array<i32>} : memref<80x128xf32, #tpu.memory_space<vmem>>, vector<1x16xf32>,
        %get3A_114 = arith.index_cast %scan3A_47 : i32 to index
        %get3A_115 = arith.constant 64 : index
        %get3A_116 = tpu.vector_load %arg10[%get3A_114, %get3A_115] {strides = array<i32>} : memref<80x128xf32, #tpu.memory_space<vmem>>, vector<1x16xf32>,
        %get3A_117 = vector.shape_cast %get3A_116 : vector<1x16xf32> to vector<16xf32>
        %get3A_118 = arith.index_cast %scan3A_47 : i32 to index
        %get3A_119 = arith.constant 64 : index
        %get3A_120 = tpu.vector_load %arg11[%get3A_118, %get3A_119] {strides = array<i32>} : memref<80x128xf32, #tpu.memory_space<vmem>>, vector<1x16xf32>,
        %get3A_121 = vector.shape_cast %get3A_120 : vector<1x16xf32> to vector<16xf32>
        %add3A_122 = arith.addf %get3A_117, %get3A_121 : vector<16xf32>
        %max3A_123 = arith.constant 0.000000e+00 : f32
        %max3A_124 = vector.broadcast %max3A_123 : f32 to vector<16xf32>
        %max3A_125 = arith.maximumf %add3A_122, %max3A_124 : vector<16xf32>
        %swap3A_126 = arith.index_cast %scan3A_47 : i32 to index
        %swap3A_127 = arith.constant 64 : index
        %swap3A_128 = tpu.vector_load %arg10[%swap3A_126, %swap3A_127] {strides = array<i32>} : memref<80x128xf32, #tpu.memory_space<vmem>>, vector<1x16xf32>,
        %swap3A_129 = vector.shape_cast %swap3A_128 : vector<1x16xf32> to vector<16xf32>
        %swap3A_130 = vector.shape_cast %max3A_125 : vector<16xf32> to vector<1x16xf32>
        tpu.vector_store %arg10[%swap3A_126, %swap3A_127], %swap3A_130 {strides = array<i32>} : memref<80x128xf32, #tpu.memory_space<vmem>>, vector<1x16xf32>,
        %get3A_131 = arith.index_cast %scan3A_47 : i32 to index
        %get3A_132 = arith.constant 80 : index
        %get3A_133 = tpu.vector_load %arg10[%get3A_131, %get3A_132] {strides = array<i32>} : memref<80x128xf32, #tpu.memory_space<vmem>>, vector<1x16xf32>,
        %get3A_134 = vector.shape_cast %get3A_133 : vector<1x16xf32> to vector<16xf32>
        %get3A_135 = arith.index_cast %scan3A_47 : i32 to index
        %get3A_136 = arith.constant 80 : index
        %get3A_137 = tpu.vector_load %arg11[%get3A_135, %get3A_136] {strides = array<i32>} : memref<80x128xf32, #tpu.memory_space<vmem>>, vector<1x16xf32>,
        %get3A_138 = vector.shape_cast %get3A_137 : vector<1x16xf32> to vector<16xf32>
        %add3A_139 = arith.addf %get3A_134, %get3A_138 : vector<16xf32>
        %max3A_140 = arith.constant 0.000000e+00 : f32
        %max3A_141 = vector.broadcast %max3A_140 : f32 to vector<16xf32>
        %max3A_142 = arith.maximumf %add3A_139, %max3A_141 : vector<16xf32>
        %swap3A_143 = arith.index_cast %scan3A_47 : i32 to index
        %swap3A_144 = arith.constant 80 : index
        %swap3A_145 = tpu.vector_load %arg10[%swap3A_143, %swap3A_144] {strides = array<i32>} : memref<80x128xf32, #tpu.memory_space<vmem>>, vector<1x16xf32>,
        %swap3A_146 = vector.shape_cast %swap3A_145 : vector<1x16xf32> to vector<16xf32>
        %swap3A_147 = vector.shape_cast %max3A_142 : vector<16xf32> to vector<1x16xf32>
        tpu.vector_store %arg10[%swap3A_143, %swap3A_144], %swap3A_147 {strides = array<i32>} : memref<80x128xf32, #tpu.memory_space<vmem>>, vector<1x16xf32>,
        %get3A_148 = arith.index_cast %scan3A_47 : i32 to index
        %get3A_149 = arith.constant 96 : index
        %get3A_150 = tpu.vector_load %arg10[%get3A_148, %get3A_149] {strides = array<i32>} : memref<80x128xf32, #tpu.memory_space<vmem>>, vector<1x16xf32>,
        %get3A_151 = vector.shape_cast %get3A_150 : vector<1x16xf32> to vector<16xf32>
        %get3A_152 = arith.index_cast %scan3A_47 : i32 to index
        %get3A_153 = arith.constant 96 : index
        %get3A_154 = tpu.vector_load %arg11[%get3A_152, %get3A_153] {strides = array<i32>} : memref<80x128xf32, #tpu.memory_space<vmem>>, vector<1x16xf32>,
        %get3A_155 = vector.shape_cast %get3A_154 : vector<1x16xf32> to vector<16xf32>
        %add3A_156 = arith.addf %get3A_151, %get3A_155 : vector<16xf32>
        %max3A_157 = arith.constant 0.000000e+00 : f32
        %max3A_158 = vector.broadcast %max3A_157 : f32 to vector<16xf32>
        %max3A_159 = arith.maximumf %add3A_156, %max3A_158 : vector<16xf32>
        %swap3A_160 = arith.index_cast %scan3A_47 : i32 to index
        %swap3A_161 = arith.constant 96 : index
        %swap3A_162 = tpu.vector_load %arg10[%swap3A_160, %swap3A_161] {strides = array<i32>} : memref<80x128xf32, #tpu.memory_space<vmem>>, vector<1x16xf32>,
        %swap3A_163 = vector.shape_cast %swap3A_162 : vector<1x16xf32> to vector<16xf32>
        %swap3A_164 = vector.shape_cast %max3A_159 : vector<16xf32> to vector<1x16xf32>
        tpu.vector_store %arg10[%swap3A_160, %swap3A_161], %swap3A_164 {strides = array<i32>} : memref<80x128xf32, #tpu.memory_space<vmem>>, vector<1x16xf32>,
        %get3A_165 = arith.index_cast %scan3A_47 : i32 to index
        %get3A_166 = arith.constant 112 : index
        %get3A_167 = tpu.vector_load %arg10[%get3A_165, %get3A_166] {strides = array<i32>} : memref<80x128xf32, #tpu.memory_space<vmem>>, vector<1x16xf32>,
        %get3A_168 = vector.shape_cast %get3A_167 : vector<1x16xf32> to vector<16xf32>
        %get3A_169 = arith.index_cast %scan3A_47 : i32 to index
        %get3A_170 = arith.constant 112 : index
        %get3A_171 = tpu.vector_load %arg11[%get3A_169, %get3A_170] {strides = array<i32>} : memref<80x128xf32, #tpu.memory_space<vmem>>, vector<1x16xf32>,
        %get3A_172 = vector.shape_cast %get3A_171 : vector<1x16xf32> to vector<16xf32>
        %add3A_173 = arith.addf %get3A_168, %get3A_172 : vector<16xf32>
        %max3A_174 = arith.constant 0.000000e+00 : f32
        %max3A_175 = vector.broadcast %max3A_174 : f32 to vector<16xf32>
        %max3A_176 = arith.maximumf %add3A_173, %max3A_175 : vector<16xf32>
        %swap3A_177 = arith.index_cast %scan3A_47 : i32 to index
        %swap3A_178 = arith.constant 112 : index
        %swap3A_179 = tpu.vector_load %arg10[%swap3A_177, %swap3A_178] {strides = array<i32>} : memref<80x128xf32, #tpu.memory_space<vmem>>, vector<1x16xf32>,
        %swap3A_180 = vector.shape_cast %swap3A_179 : vector<1x16xf32> to vector<16xf32>
        %swap3A_181 = vector.shape_cast %max3A_176 : vector<16xf32> to vector<1x16xf32>
        tpu.vector_store %arg10[%swap3A_177, %swap3A_178], %swap3A_181 {strides = array<i32>} : memref<80x128xf32, #tpu.memory_space<vmem>>, vector<1x16xf32>,
        %scan3A_182 = arith.constant 0 : i32
        scf.yield %scan3A_182 : i32
      }
      %scan3A_45 = arith.constant 80 : i32
      "tpu.region"() ({
        %run_scoped3A = tpu.sem_alloc : memref<!tpu.dma_semaphore, #tpu.memory_space<semaphore_mem>>
        %dma_start3A_47 = arith.constant 0 : i32
        %dma_start3A_48 = arith.constant 0 : i32
        %dma_start3A_49 = tpu.memref_slice %arg7[%dma_start3A_47, %dma_start3A_48] : memref<10240x128xf32, #tpu.memory_space<vmem_shared>> -> memref<10240x128xf32, #tpu.memory_space<vmem_shared>>
        tpu.enqueue_indirect_dma source(%arg10 : memref<80x128xf32, #tpu.memory_space<vmem>>) target(%dma_start3A_49 : memref<10240x128xf32, #tpu.memory_space<vmem_shared>>) offsets(%arg9 : memref<80xi32, #tpu.memory_space<vmem>>) semaphore(%run_scoped3A : memref<!tpu.dma_semaphore, #tpu.memory_space<semaphore_mem>>) {add = true}
        %dma_wait3A_50 = arith.constant 0 : i32
        %dma_wait3A_51 = arith.constant 0 : i32
        %dma_wait3A_52 = tpu.memref_slice %arg7[%dma_wait3A_50, %dma_wait3A_51] : memref<10240x128xf32, #tpu.memory_space<vmem_shared>> -> memref<10240x128xf32, #tpu.memory_space<vmem_shared>>
        tpu.wait_indirect_dma semaphore(%run_scoped3A : memref<!tpu.dma_semaphore, #tpu.memory_space<semaphore_mem>>) src(%arg10 : memref<80x128xf32, #tpu.memory_space<vmem>>) dst(%dma_wait3A_52 : memref<10240x128xf32, #tpu.memory_space<vmem_shared>>)
        tpu.yield
      }) : () -> ()
      %scan3A_46 = arith.constant 0 : i32
      scf.yield %scan3A_46 : i32
    }
    %scan3A_28 = arith.constant 125 : i32
    %barrier3A_29 = arith.constant 0 : index
    tpu.barrier barrier_id(%barrier3A_29)
    "tpu.region"() ({
      %run_scoped3A = tpu.sem_alloc : memref<!tpu.dma_semaphore, #tpu.memory_space<semaphore_mem>>
      %dma_start3A = arith.constant 0 : i32
      %dma_start3A_30 = tpu.memref_slice %arg6[%arg0, %mul3A_11, %dma_start3A] : memref<2x10240x128xf32, #tpu.memory_space<hbm>> -> memref<1x640x128xf32, #tpu.memory_space<hbm>>
      %dma_start3A_31 = tpu.memref_squeeze %dma_start3A_30 : memref<1x640x128xf32, #tpu.memory_space<hbm>> -> memref<640x128xf32, #tpu.memory_space<hbm>>
      %dma_start3A_32 = arith.constant 0 : i32
      %dma_start3A_33 = tpu.memref_slice %arg7[%mul3A_11, %dma_start3A_32] : memref<10240x128xf32, #tpu.memory_space<vmem_shared>> -> memref<640x128xf32, #tpu.memory_space<vmem_shared>>
      tpu.enqueue_dma source(%dma_start3A_33 : memref<640x128xf32, #tpu.memory_space<vmem_shared>>) target(%dma_start3A_31 : memref<640x128xf32, #tpu.memory_space<hbm>>) target_semaphore(%run_scoped3A : memref<!tpu.dma_semaphore, #tpu.memory_space<semaphore_mem>>)
      %dma_wait3A = arith.constant 0 : i32
      %dma_wait3A_34 = tpu.memref_slice %arg6[%arg0, %mul3A_11, %dma_wait3A] : memref<2x10240x128xf32, #tpu.memory_space<hbm>> -> memref<1x640x128xf32, #tpu.memory_space<hbm>>
      %dma_wait3A_35 = tpu.memref_squeeze %dma_wait3A_34 : memref<1x640x128xf32, #tpu.memory_space<hbm>> -> memref<640x128xf32, #tpu.memory_space<hbm>>
      %dma_wait3A_36 = arith.constant 0 : i32
      %dma_wait3A_37 = tpu.memref_slice %arg7[%mul3A_11, %dma_wait3A_36] : memref<10240x128xf32, #tpu.memory_space<vmem_shared>> -> memref<640x128xf32, #tpu.memory_space<vmem_shared>>
      tpu.wait_dma2 semaphore(%run_scoped3A : memref<!tpu.dma_semaphore, #tpu.memory_space<semaphore_mem>>) src(%dma_wait3A_37 : memref<640x128xf32, #tpu.memory_space<vmem_shared>>) dst(%dma_wait3A_35 : memref<640x128xf32, #tpu.memory_space<hbm>>)
      tpu.yield
    }) : () -> ()
    return
  }
}

#map = affine_map<(d0, d1) -> (0, 0)>
#map1 = affine_map<(d0, d1) -> (0)>
#map2 = affine_map<(d0, d1) -> (0, 0, 0)>
module attributes {stable_mosaic.version = 14 : i64} {
  func.func @sc_edge_stage(%arg0: i32, %arg1: i32, %arg2: memref<320000x128xf32, #tpu.memory_space<hbm>>, %arg3: memref<320000xi32, #tpu.memory_space<hbm>>, %arg4: memref<320000xi32, #tpu.memory_space<hbm>>, %arg5: memref<10000x128xf32, #tpu.memory_space<hbm>>, %arg6: memref<2x10240x128xf32, #tpu.memory_space<hbm>>, %arg7: memref<10240x128xf32, #tpu.memory_space<vmem_shared>>, %arg8: memref<80xi32, #tpu.memory_space<vmem>>, %arg9: memref<80xi32, #tpu.memory_space<vmem>>, %arg10: memref<80x128xf32, #tpu.memory_space<vmem>>, %arg11: memref<80x128xf32, #tpu.memory_space<vmem>>, %arg12: memref<128x128xf32, #tpu.memory_space<vmem>>, %arg13: memref<!tpu.dma_semaphore, #tpu.memory_space<semaphore_mem>>) attributes {dimension_semantics = [#tpu.dimension_semantics<core_parallel>, #tpu.dimension_semantics<subcore_parallel>], iteration_bounds = array<i64: 2, 16>, scalar_prefetch = 0 : i64, scratch_operands = 7 : i64, tpu.core_type = #tpu.core_type<sc_vector_subcore>, window_params = [{transform_indices = #map}, {transform_indices = #map1}, {transform_indices = #map1}, {transform_indices = #map}, {transform_indices = #map2}]} {
    %mul3A = arith.constant 16 : i32
    %mul3A_0 = arith.muli %arg0, %mul3A : i32
    %add3A = arith.addi %mul3A_0, %arg1 : i32
    %mul3A_1 = arith.constant 10000 : i32
    %mul3A_2 = arith.muli %add3A, %mul3A_1 : i32
    %broadcast_in_dim3A = arith.constant 0.000000e+00 : f32
    %broadcast_in_dim3A_3 = vector.broadcast %broadcast_in_dim3A : f32 to vector<16xf32>
    %scan3A = arith.constant 0 : i32
    %scan3A_4 = arith.constant 0 : i32
    %scan3A_5 = arith.constant 128 : i32
    %scan3A_6 = arith.addi %scan3A_4, %scan3A_5 : i32
    %scan3A_7 = arith.constant 1 : i32
    %scan3A_8 = scf.for %scan3A_30 = %scan3A_4 to %scan3A_6 step %scan3A_7 iter_args(%scan3A_31 = %scan3A) -> (i32)  : i32 {
      %swap3A = arith.index_cast %scan3A_30 : i32 to index
      %swap3A_32 = arith.constant 0 : index
      %swap3A_33 = tpu.vector_load %arg12[%swap3A, %swap3A_32] {strides = array<i32>} : memref<128x128xf32, #tpu.memory_space<vmem>>, vector<1x16xf32>,
      %swap3A_34 = vector.shape_cast %swap3A_33 : vector<1x16xf32> to vector<16xf32>
      %swap3A_35 = vector.shape_cast %broadcast_in_dim3A_3 : vector<16xf32> to vector<1x16xf32>
      tpu.vector_store %arg12[%swap3A, %swap3A_32], %swap3A_35 {strides = array<i32>} : memref<128x128xf32, #tpu.memory_space<vmem>>, vector<1x16xf32>,
      %swap3A_36 = arith.index_cast %scan3A_30 : i32 to index
      %swap3A_37 = arith.constant 16 : index
      %swap3A_38 = tpu.vector_load %arg12[%swap3A_36, %swap3A_37] {strides = array<i32>} : memref<128x128xf32, #tpu.memory_space<vmem>>, vector<1x16xf32>,
      %swap3A_39 = vector.shape_cast %swap3A_38 : vector<1x16xf32> to vector<16xf32>
      %swap3A_40 = vector.shape_cast %broadcast_in_dim3A_3 : vector<16xf32> to vector<1x16xf32>
      tpu.vector_store %arg12[%swap3A_36, %swap3A_37], %swap3A_40 {strides = array<i32>} : memref<128x128xf32, #tpu.memory_space<vmem>>, vector<1x16xf32>,
      %swap3A_41 = arith.index_cast %scan3A_30 : i32 to index
      %swap3A_42 = arith.constant 32 : index
      %swap3A_43 = tpu.vector_load %arg12[%swap3A_41, %swap3A_42] {strides = array<i32>} : memref<128x128xf32, #tpu.memory_space<vmem>>, vector<1x16xf32>,
      %swap3A_44 = vector.shape_cast %swap3A_43 : vector<1x16xf32> to vector<16xf32>
      %swap3A_45 = vector.shape_cast %broadcast_in_dim3A_3 : vector<16xf32> to vector<1x16xf32>
      tpu.vector_store %arg12[%swap3A_41, %swap3A_42], %swap3A_45 {strides = array<i32>} : memref<128x128xf32, #tpu.memory_space<vmem>>, vector<1x16xf32>,
      %swap3A_46 = arith.index_cast %scan3A_30 : i32 to index
      %swap3A_47 = arith.constant 48 : index
      %swap3A_48 = tpu.vector_load %arg12[%swap3A_46, %swap3A_47] {strides = array<i32>} : memref<128x128xf32, #tpu.memory_space<vmem>>, vector<1x16xf32>,
      %swap3A_49 = vector.shape_cast %swap3A_48 : vector<1x16xf32> to vector<16xf32>
      %swap3A_50 = vector.shape_cast %broadcast_in_dim3A_3 : vector<16xf32> to vector<1x16xf32>
      tpu.vector_store %arg12[%swap3A_46, %swap3A_47], %swap3A_50 {strides = array<i32>} : memref<128x128xf32, #tpu.memory_space<vmem>>, vector<1x16xf32>,
      %swap3A_51 = arith.index_cast %scan3A_30 : i32 to index
      %swap3A_52 = arith.constant 64 : index
      %swap3A_53 = tpu.vector_load %arg12[%swap3A_51, %swap3A_52] {strides = array<i32>} : memref<128x128xf32, #tpu.memory_space<vmem>>, vector<1x16xf32>,
      %swap3A_54 = vector.shape_cast %swap3A_53 : vector<1x16xf32> to vector<16xf32>
      %swap3A_55 = vector.shape_cast %broadcast_in_dim3A_3 : vector<16xf32> to vector<1x16xf32>
      tpu.vector_store %arg12[%swap3A_51, %swap3A_52], %swap3A_55 {strides = array<i32>} : memref<128x128xf32, #tpu.memory_space<vmem>>, vector<1x16xf32>,
      %swap3A_56 = arith.index_cast %scan3A_30 : i32 to index
      %swap3A_57 = arith.constant 80 : index
      %swap3A_58 = tpu.vector_load %arg12[%swap3A_56, %swap3A_57] {strides = array<i32>} : memref<128x128xf32, #tpu.memory_space<vmem>>, vector<1x16xf32>,
      %swap3A_59 = vector.shape_cast %swap3A_58 : vector<1x16xf32> to vector<16xf32>
      %swap3A_60 = vector.shape_cast %broadcast_in_dim3A_3 : vector<16xf32> to vector<1x16xf32>
      tpu.vector_store %arg12[%swap3A_56, %swap3A_57], %swap3A_60 {strides = array<i32>} : memref<128x128xf32, #tpu.memory_space<vmem>>, vector<1x16xf32>,
      %swap3A_61 = arith.index_cast %scan3A_30 : i32 to index
      %swap3A_62 = arith.constant 96 : index
      %swap3A_63 = tpu.vector_load %arg12[%swap3A_61, %swap3A_62] {strides = array<i32>} : memref<128x128xf32, #tpu.memory_space<vmem>>, vector<1x16xf32>,
      %swap3A_64 = vector.shape_cast %swap3A_63 : vector<1x16xf32> to vector<16xf32>
      %swap3A_65 = vector.shape_cast %broadcast_in_dim3A_3 : vector<16xf32> to vector<1x16xf32>
      tpu.vector_store %arg12[%swap3A_61, %swap3A_62], %swap3A_65 {strides = array<i32>} : memref<128x128xf32, #tpu.memory_space<vmem>>, vector<1x16xf32>,
      %swap3A_66 = arith.index_cast %scan3A_30 : i32 to index
      %swap3A_67 = arith.constant 112 : index
      %swap3A_68 = tpu.vector_load %arg12[%swap3A_66, %swap3A_67] {strides = array<i32>} : memref<128x128xf32, #tpu.memory_space<vmem>>, vector<1x16xf32>,
      %swap3A_69 = vector.shape_cast %swap3A_68 : vector<1x16xf32> to vector<16xf32>
      %swap3A_70 = vector.shape_cast %broadcast_in_dim3A_3 : vector<16xf32> to vector<1x16xf32>
      tpu.vector_store %arg12[%swap3A_66, %swap3A_67], %swap3A_70 {strides = array<i32>} : memref<128x128xf32, #tpu.memory_space<vmem>>, vector<1x16xf32>,
      %scan3A_71 = arith.constant 0 : i32
      scf.yield %scan3A_71 : i32
    }
    %scan3A_9 = arith.constant 128 : i32
    %mul3A_10 = arith.constant 640 : i32
    %mul3A_11 = arith.muli %arg1, %mul3A_10 : i32
    %add3A_12 = arith.constant 0 : i32
    %add3A_13 = arith.addi %mul3A_11, %add3A_12 : i32
    "tpu.region"() ({
      %run_scoped3A = tpu.sem_alloc : memref<!tpu.dma_semaphore, #tpu.memory_space<semaphore_mem>>
      %dma_start3A = arith.constant 0 : i32
      %dma_start3A_30 = tpu.memref_slice %arg7[%add3A_13, %dma_start3A] : memref<10240x128xf32, #tpu.memory_space<vmem_shared>> -> memref<128x128xf32, #tpu.memory_space<vmem_shared>>
      %dma_start3A_31 = arith.constant 0 : i32
      %dma_start3A_32 = tpu.memref_slice %arg7[%add3A_13, %dma_start3A_31] : memref<10240x128xf32, #tpu.memory_space<vmem_shared>> -> memref<128x128xf32, #tpu.memory_space<vmem_shared>>
      tpu.enqueue_dma source(%arg12 : memref<128x128xf32, #tpu.memory_space<vmem>>) target(%dma_start3A_32 : memref<128x128xf32, #tpu.memory_space<vmem_shared>>) target_semaphore(%run_scoped3A : memref<!tpu.dma_semaphore, #tpu.memory_space<semaphore_mem>>)
      %dma_wait3A = arith.constant 0 : i32
      %dma_wait3A_33 = tpu.memref_slice %arg7[%add3A_13, %dma_wait3A] : memref<10240x128xf32, #tpu.memory_space<vmem_shared>> -> memref<128x128xf32, #tpu.memory_space<vmem_shared>>
      %dma_wait3A_34 = arith.constant 0 : i32
      %dma_wait3A_35 = tpu.memref_slice %arg7[%add3A_13, %dma_wait3A_34] : memref<10240x128xf32, #tpu.memory_space<vmem_shared>> -> memref<128x128xf32, #tpu.memory_space<vmem_shared>>
      tpu.wait_dma2 semaphore(%run_scoped3A : memref<!tpu.dma_semaphore, #tpu.memory_space<semaphore_mem>>) src(%arg12 : memref<128x128xf32, #tpu.memory_space<vmem>>) dst(%dma_wait3A_35 : memref<128x128xf32, #tpu.memory_space<vmem_shared>>)
      tpu.yield
    }) : () -> ()
    %add3A_14 = arith.constant 128 : i32
    %add3A_15 = arith.addi %mul3A_11, %add3A_14 : i32
    "tpu.region"() ({
      %run_scoped3A = tpu.sem_alloc : memref<!tpu.dma_semaphore, #tpu.memory_space<semaphore_mem>>
      %dma_start3A = arith.constant 0 : i32
      %dma_start3A_30 = tpu.memref_slice %arg7[%add3A_15, %dma_start3A] : memref<10240x128xf32, #tpu.memory_space<vmem_shared>> -> memref<128x128xf32, #tpu.memory_space<vmem_shared>>
      %dma_start3A_31 = arith.constant 0 : i32
      %dma_start3A_32 = tpu.memref_slice %arg7[%add3A_15, %dma_start3A_31] : memref<10240x128xf32, #tpu.memory_space<vmem_shared>> -> memref<128x128xf32, #tpu.memory_space<vmem_shared>>
      tpu.enqueue_dma source(%arg12 : memref<128x128xf32, #tpu.memory_space<vmem>>) target(%dma_start3A_32 : memref<128x128xf32, #tpu.memory_space<vmem_shared>>) target_semaphore(%run_scoped3A : memref<!tpu.dma_semaphore, #tpu.memory_space<semaphore_mem>>)
      %dma_wait3A = arith.constant 0 : i32
      %dma_wait3A_33 = tpu.memref_slice %arg7[%add3A_15, %dma_wait3A] : memref<10240x128xf32, #tpu.memory_space<vmem_shared>> -> memref<128x128xf32, #tpu.memory_space<vmem_shared>>
      %dma_wait3A_34 = arith.constant 0 : i32
      %dma_wait3A_35 = tpu.memref_slice %arg7[%add3A_15, %dma_wait3A_34] : memref<10240x128xf32, #tpu.memory_space<vmem_shared>> -> memref<128x128xf32, #tpu.memory_space<vmem_shared>>
      tpu.wait_dma2 semaphore(%run_scoped3A : memref<!tpu.dma_semaphore, #tpu.memory_space<semaphore_mem>>) src(%arg12 : memref<128x128xf32, #tpu.memory_space<vmem>>) dst(%dma_wait3A_35 : memref<128x128xf32, #tpu.memory_space<vmem_shared>>)
      tpu.yield
    }) : () -> ()
    %add3A_16 = arith.constant 256 : i32
    %add3A_17 = arith.addi %mul3A_11, %add3A_16 : i32
    "tpu.region"() ({
      %run_scoped3A = tpu.sem_alloc : memref<!tpu.dma_semaphore, #tpu.memory_space<semaphore_mem>>
      %dma_start3A = arith.constant 0 : i32
      %dma_start3A_30 = tpu.memref_slice %arg7[%add3A_17, %dma_start3A] : memref<10240x128xf32, #tpu.memory_space<vmem_shared>> -> memref<128x128xf32, #tpu.memory_space<vmem_shared>>
      %dma_start3A_31 = arith.constant 0 : i32
      %dma_start3A_32 = tpu.memref_slice %arg7[%add3A_17, %dma_start3A_31] : memref<10240x128xf32, #tpu.memory_space<vmem_shared>> -> memref<128x128xf32, #tpu.memory_space<vmem_shared>>
      tpu.enqueue_dma source(%arg12 : memref<128x128xf32, #tpu.memory_space<vmem>>) target(%dma_start3A_32 : memref<128x128xf32, #tpu.memory_space<vmem_shared>>) target_semaphore(%run_scoped3A : memref<!tpu.dma_semaphore, #tpu.memory_space<semaphore_mem>>)
      %dma_wait3A = arith.constant 0 : i32
      %dma_wait3A_33 = tpu.memref_slice %arg7[%add3A_17, %dma_wait3A] : memref<10240x128xf32, #tpu.memory_space<vmem_shared>> -> memref<128x128xf32, #tpu.memory_space<vmem_shared>>
      %dma_wait3A_34 = arith.constant 0 : i32
      %dma_wait3A_35 = tpu.memref_slice %arg7[%add3A_17, %dma_wait3A_34] : memref<10240x128xf32, #tpu.memory_space<vmem_shared>> -> memref<128x128xf32, #tpu.memory_space<vmem_shared>>
      tpu.wait_dma2 semaphore(%run_scoped3A : memref<!tpu.dma_semaphore, #tpu.memory_space<semaphore_mem>>) src(%arg12 : memref<128x128xf32, #tpu.memory_space<vmem>>) dst(%dma_wait3A_35 : memref<128x128xf32, #tpu.memory_space<vmem_shared>>)
      tpu.yield
    }) : () -> ()
    %add3A_18 = arith.constant 384 : i32
    %add3A_19 = arith.addi %mul3A_11, %add3A_18 : i32
    "tpu.region"() ({
      %run_scoped3A = tpu.sem_alloc : memref<!tpu.dma_semaphore, #tpu.memory_space<semaphore_mem>>
      %dma_start3A = arith.constant 0 : i32
      %dma_start3A_30 = tpu.memref_slice %arg7[%add3A_19, %dma_start3A] : memref<10240x128xf32, #tpu.memory_space<vmem_shared>> -> memref<128x128xf32, #tpu.memory_space<vmem_shared>>
      %dma_start3A_31 = arith.constant 0 : i32
      %dma_start3A_32 = tpu.memref_slice %arg7[%add3A_19, %dma_start3A_31] : memref<10240x128xf32, #tpu.memory_space<vmem_shared>> -> memref<128x128xf32, #tpu.memory_space<vmem_shared>>
      tpu.enqueue_dma source(%arg12 : memref<128x128xf32, #tpu.memory_space<vmem>>) target(%dma_start3A_32 : memref<128x128xf32, #tpu.memory_space<vmem_shared>>) target_semaphore(%run_scoped3A : memref<!tpu.dma_semaphore, #tpu.memory_space<semaphore_mem>>)
      %dma_wait3A = arith.constant 0 : i32
      %dma_wait3A_33 = tpu.memref_slice %arg7[%add3A_19, %dma_wait3A] : memref<10240x128xf32, #tpu.memory_space<vmem_shared>> -> memref<128x128xf32, #tpu.memory_space<vmem_shared>>
      %dma_wait3A_34 = arith.constant 0 : i32
      %dma_wait3A_35 = tpu.memref_slice %arg7[%add3A_19, %dma_wait3A_34] : memref<10240x128xf32, #tpu.memory_space<vmem_shared>> -> memref<128x128xf32, #tpu.memory_space<vmem_shared>>
      tpu.wait_dma2 semaphore(%run_scoped3A : memref<!tpu.dma_semaphore, #tpu.memory_space<semaphore_mem>>) src(%arg12 : memref<128x128xf32, #tpu.memory_space<vmem>>) dst(%dma_wait3A_35 : memref<128x128xf32, #tpu.memory_space<vmem_shared>>)
      tpu.yield
    }) : () -> ()
    %add3A_20 = arith.constant 512 : i32
    %add3A_21 = arith.addi %mul3A_11, %add3A_20 : i32
    "tpu.region"() ({
      %run_scoped3A = tpu.sem_alloc : memref<!tpu.dma_semaphore, #tpu.memory_space<semaphore_mem>>
      %dma_start3A = arith.constant 0 : i32
      %dma_start3A_30 = tpu.memref_slice %arg7[%add3A_21, %dma_start3A] : memref<10240x128xf32, #tpu.memory_space<vmem_shared>> -> memref<128x128xf32, #tpu.memory_space<vmem_shared>>
      %dma_start3A_31 = arith.constant 0 : i32
      %dma_start3A_32 = tpu.memref_slice %arg7[%add3A_21, %dma_start3A_31] : memref<10240x128xf32, #tpu.memory_space<vmem_shared>> -> memref<128x128xf32, #tpu.memory_space<vmem_shared>>
      tpu.enqueue_dma source(%arg12 : memref<128x128xf32, #tpu.memory_space<vmem>>) target(%dma_start3A_32 : memref<128x128xf32, #tpu.memory_space<vmem_shared>>) target_semaphore(%run_scoped3A : memref<!tpu.dma_semaphore, #tpu.memory_space<semaphore_mem>>)
      %dma_wait3A = arith.constant 0 : i32
      %dma_wait3A_33 = tpu.memref_slice %arg7[%add3A_21, %dma_wait3A] : memref<10240x128xf32, #tpu.memory_space<vmem_shared>> -> memref<128x128xf32, #tpu.memory_space<vmem_shared>>
      %dma_wait3A_34 = arith.constant 0 : i32
      %dma_wait3A_35 = tpu.memref_slice %arg7[%add3A_21, %dma_wait3A_34] : memref<10240x128xf32, #tpu.memory_space<vmem_shared>> -> memref<128x128xf32, #tpu.memory_space<vmem_shared>>
      tpu.wait_dma2 semaphore(%run_scoped3A : memref<!tpu.dma_semaphore, #tpu.memory_space<semaphore_mem>>) src(%arg12 : memref<128x128xf32, #tpu.memory_space<vmem>>) dst(%dma_wait3A_35 : memref<128x128xf32, #tpu.memory_space<vmem_shared>>)
      tpu.yield
    }) : () -> ()
    %barrier3A = arith.constant 0 : index
    tpu.barrier barrier_id(%barrier3A)
    %scan3A_22 = arith.constant 0 : i32
    %scan3A_23 = arith.constant 0 : i32
    %scan3A_24 = arith.constant 125 : i32
    %scan3A_25 = arith.addi %scan3A_23, %scan3A_24 : i32
    %scan3A_26 = arith.constant 1 : i32
    %scan3A_27 = scf.for %scan3A_30 = %scan3A_23 to %scan3A_25 step %scan3A_26 iter_args(%scan3A_31 = %scan3A_22) -> (i32)  : i32 {
      %mul3A_32 = arith.constant 80 : i32
      %mul3A_33 = arith.muli %scan3A_30, %mul3A_32 : i32
      %add3A_34 = arith.addi %mul3A_2, %mul3A_33 : i32
      "tpu.region"() ({
        %run_scoped3A = tpu.sem_alloc : memref<!tpu.dma_semaphore, #tpu.memory_space<semaphore_mem>>
        %dma_start3A_47 = tpu.memref_slice %arg3[%add3A_34] : memref<320000xi32, #tpu.memory_space<hbm>> -> memref<80xi32, #tpu.memory_space<hbm>>
        %dma_start3A_48 = tpu.memref_slice %arg3[%add3A_34] : memref<320000xi32, #tpu.memory_space<hbm>> -> memref<80xi32, #tpu.memory_space<hbm>>
        tpu.enqueue_dma source(%dma_start3A_48 : memref<80xi32, #tpu.memory_space<hbm>>) target(%arg8 : memref<80xi32, #tpu.memory_space<vmem>>) target_semaphore(%run_scoped3A : memref<!tpu.dma_semaphore, #tpu.memory_space<semaphore_mem>>)
        %dma_wait3A_49 = tpu.memref_slice %arg3[%add3A_34] : memref<320000xi32, #tpu.memory_space<hbm>> -> memref<80xi32, #tpu.memory_space<hbm>>
        %dma_wait3A_50 = tpu.memref_slice %arg3[%add3A_34] : memref<320000xi32, #tpu.memory_space<hbm>> -> memref<80xi32, #tpu.memory_space<hbm>>
        tpu.wait_dma2 semaphore(%run_scoped3A : memref<!tpu.dma_semaphore, #tpu.memory_space<semaphore_mem>>) src(%dma_wait3A_50 : memref<80xi32, #tpu.memory_space<hbm>>) dst(%arg8 : memref<80xi32, #tpu.memory_space<vmem>>)
        tpu.yield
      }) : () -> ()
      "tpu.region"() ({
        %run_scoped3A = tpu.sem_alloc : memref<!tpu.dma_semaphore, #tpu.memory_space<semaphore_mem>>
        %dma_start3A_47 = tpu.memref_slice %arg4[%add3A_34] : memref<320000xi32, #tpu.memory_space<hbm>> -> memref<80xi32, #tpu.memory_space<hbm>>
        %dma_start3A_48 = tpu.memref_slice %arg4[%add3A_34] : memref<320000xi32, #tpu.memory_space<hbm>> -> memref<80xi32, #tpu.memory_space<hbm>>
        tpu.enqueue_dma source(%dma_start3A_48 : memref<80xi32, #tpu.memory_space<hbm>>) target(%arg9 : memref<80xi32, #tpu.memory_space<vmem>>) target_semaphore(%run_scoped3A : memref<!tpu.dma_semaphore, #tpu.memory_space<semaphore_mem>>)
        %dma_wait3A_49 = tpu.memref_slice %arg4[%add3A_34] : memref<320000xi32, #tpu.memory_space<hbm>> -> memref<80xi32, #tpu.memory_space<hbm>>
        %dma_wait3A_50 = tpu.memref_slice %arg4[%add3A_34] : memref<320000xi32, #tpu.memory_space<hbm>> -> memref<80xi32, #tpu.memory_space<hbm>>
        tpu.wait_dma2 semaphore(%run_scoped3A : memref<!tpu.dma_semaphore, #tpu.memory_space<semaphore_mem>>) src(%dma_wait3A_50 : memref<80xi32, #tpu.memory_space<hbm>>) dst(%arg9 : memref<80xi32, #tpu.memory_space<vmem>>)
        tpu.yield
      }) : () -> ()
      "tpu.region"() ({
        %run_scoped3A = tpu.sem_alloc : memref<!tpu.dma_semaphore, #tpu.memory_space<semaphore_mem>>
        %dma_start3A_47 = arith.constant 0 : i32
        %dma_start3A_48 = tpu.memref_slice %arg2[%add3A_34, %dma_start3A_47] : memref<320000x128xf32, #tpu.memory_space<hbm>> -> memref<80x128xf32, #tpu.memory_space<hbm>>
        %dma_start3A_49 = arith.constant 0 : i32
        %dma_start3A_50 = tpu.memref_slice %arg2[%add3A_34, %dma_start3A_49] : memref<320000x128xf32, #tpu.memory_space<hbm>> -> memref<80x128xf32, #tpu.memory_space<hbm>>
        tpu.enqueue_dma source(%dma_start3A_50 : memref<80x128xf32, #tpu.memory_space<hbm>>) target(%arg10 : memref<80x128xf32, #tpu.memory_space<vmem>>) target_semaphore(%run_scoped3A : memref<!tpu.dma_semaphore, #tpu.memory_space<semaphore_mem>>)
        %dma_wait3A_51 = arith.constant 0 : i32
        %dma_wait3A_52 = tpu.memref_slice %arg2[%add3A_34, %dma_wait3A_51] : memref<320000x128xf32, #tpu.memory_space<hbm>> -> memref<80x128xf32, #tpu.memory_space<hbm>>
        %dma_wait3A_53 = arith.constant 0 : i32
        %dma_wait3A_54 = tpu.memref_slice %arg2[%add3A_34, %dma_wait3A_53] : memref<320000x128xf32, #tpu.memory_space<hbm>> -> memref<80x128xf32, #tpu.memory_space<hbm>>
        tpu.wait_dma2 semaphore(%run_scoped3A : memref<!tpu.dma_semaphore, #tpu.memory_space<semaphore_mem>>) src(%dma_wait3A_54 : memref<80x128xf32, #tpu.memory_space<hbm>>) dst(%arg10 : memref<80x128xf32, #tpu.memory_space<vmem>>)
        tpu.yield
      }) : () -> ()
      %dma_start3A = arith.constant 0 : i32
      %dma_start3A_35 = arith.constant 0 : i32
      %dma_start3A_36 = tpu.memref_slice %arg5[%dma_start3A, %dma_start3A_35] : memref<10000x128xf32, #tpu.memory_space<hbm>> -> memref<10000x128xf32, #tpu.memory_space<hbm>>
      tpu.enqueue_indirect_dma source(%dma_start3A_36 : memref<10000x128xf32, #tpu.memory_space<hbm>>) target(%arg11 : memref<80x128xf32, #tpu.memory_space<vmem>>) offsets(%arg8 : memref<80xi32, #tpu.memory_space<vmem>>) semaphore(%arg13 : memref<!tpu.dma_semaphore, #tpu.memory_space<semaphore_mem>>)
      %dma_wait3A = arith.constant 0 : i32
      %dma_wait3A_37 = arith.constant 0 : i32
      %dma_wait3A_38 = tpu.memref_slice %arg5[%dma_wait3A, %dma_wait3A_37] : memref<10000x128xf32, #tpu.memory_space<hbm>> -> memref<10000x128xf32, #tpu.memory_space<hbm>>
      tpu.wait_indirect_dma semaphore(%arg13 : memref<!tpu.dma_semaphore, #tpu.memory_space<semaphore_mem>>) src(%dma_wait3A_38 : memref<10000x128xf32, #tpu.memory_space<hbm>>) dst(%arg11 : memref<80x128xf32, #tpu.memory_space<vmem>>)
      %scan3A_39 = arith.constant 0 : i32
      %scan3A_40 = arith.constant 0 : i32
      %scan3A_41 = arith.constant 80 : i32
      %scan3A_42 = arith.addi %scan3A_40, %scan3A_41 : i32
      %scan3A_43 = arith.constant 1 : i32
      %scan3A_44 = scf.for %scan3A_47 = %scan3A_40 to %scan3A_42 step %scan3A_43 iter_args(%scan3A_48 = %scan3A_39) -> (i32)  : i32 {
        %get3A = arith.index_cast %scan3A_47 : i32 to index
        %get3A_49 = arith.constant 0 : index
        %get3A_50 = tpu.vector_load %arg10[%get3A, %get3A_49] {strides = array<i32>} : memref<80x128xf32, #tpu.memory_space<vmem>>, vector<1x16xf32>,
        %get3A_51 = vector.shape_cast %get3A_50 : vector<1x16xf32> to vector<16xf32>
        %get3A_52 = arith.index_cast %scan3A_47 : i32 to index
        %get3A_53 = arith.constant 0 : index
        %get3A_54 = tpu.vector_load %arg11[%get3A_52, %get3A_53] {strides = array<i32>} : memref<80x128xf32, #tpu.memory_space<vmem>>, vector<1x16xf32>,
        %get3A_55 = vector.shape_cast %get3A_54 : vector<1x16xf32> to vector<16xf32>
        %add3A_56 = arith.addf %get3A_51, %get3A_55 : vector<16xf32>
        %max3A = arith.constant 0.000000e+00 : f32
        %max3A_57 = vector.broadcast %max3A : f32 to vector<16xf32>
        %max3A_58 = arith.maximumf %add3A_56, %max3A_57 : vector<16xf32>
        %swap3A = arith.index_cast %scan3A_47 : i32 to index
        %swap3A_59 = arith.constant 0 : index
        %swap3A_60 = tpu.vector_load %arg10[%swap3A, %swap3A_59] {strides = array<i32>} : memref<80x128xf32, #tpu.memory_space<vmem>>, vector<1x16xf32>,
        %swap3A_61 = vector.shape_cast %swap3A_60 : vector<1x16xf32> to vector<16xf32>
        %swap3A_62 = vector.shape_cast %max3A_58 : vector<16xf32> to vector<1x16xf32>
        tpu.vector_store %arg10[%swap3A, %swap3A_59], %swap3A_62 {strides = array<i32>} : memref<80x128xf32, #tpu.memory_space<vmem>>, vector<1x16xf32>,
        %get3A_63 = arith.index_cast %scan3A_47 : i32 to index
        %get3A_64 = arith.constant 16 : index
        %get3A_65 = tpu.vector_load %arg10[%get3A_63, %get3A_64] {strides = array<i32>} : memref<80x128xf32, #tpu.memory_space<vmem>>, vector<1x16xf32>,
        %get3A_66 = vector.shape_cast %get3A_65 : vector<1x16xf32> to vector<16xf32>
        %get3A_67 = arith.index_cast %scan3A_47 : i32 to index
        %get3A_68 = arith.constant 16 : index
        %get3A_69 = tpu.vector_load %arg11[%get3A_67, %get3A_68] {strides = array<i32>} : memref<80x128xf32, #tpu.memory_space<vmem>>, vector<1x16xf32>,
        %get3A_70 = vector.shape_cast %get3A_69 : vector<1x16xf32> to vector<16xf32>
        %add3A_71 = arith.addf %get3A_66, %get3A_70 : vector<16xf32>
        %max3A_72 = arith.constant 0.000000e+00 : f32
        %max3A_73 = vector.broadcast %max3A_72 : f32 to vector<16xf32>
        %max3A_74 = arith.maximumf %add3A_71, %max3A_73 : vector<16xf32>
        %swap3A_75 = arith.index_cast %scan3A_47 : i32 to index
        %swap3A_76 = arith.constant 16 : index
        %swap3A_77 = tpu.vector_load %arg10[%swap3A_75, %swap3A_76] {strides = array<i32>} : memref<80x128xf32, #tpu.memory_space<vmem>>, vector<1x16xf32>,
        %swap3A_78 = vector.shape_cast %swap3A_77 : vector<1x16xf32> to vector<16xf32>
        %swap3A_79 = vector.shape_cast %max3A_74 : vector<16xf32> to vector<1x16xf32>
        tpu.vector_store %arg10[%swap3A_75, %swap3A_76], %swap3A_79 {strides = array<i32>} : memref<80x128xf32, #tpu.memory_space<vmem>>, vector<1x16xf32>,
        %get3A_80 = arith.index_cast %scan3A_47 : i32 to index
        %get3A_81 = arith.constant 32 : index
        %get3A_82 = tpu.vector_load %arg10[%get3A_80, %get3A_81] {strides = array<i32>} : memref<80x128xf32, #tpu.memory_space<vmem>>, vector<1x16xf32>,
        %get3A_83 = vector.shape_cast %get3A_82 : vector<1x16xf32> to vector<16xf32>
        %get3A_84 = arith.index_cast %scan3A_47 : i32 to index
        %get3A_85 = arith.constant 32 : index
        %get3A_86 = tpu.vector_load %arg11[%get3A_84, %get3A_85] {strides = array<i32>} : memref<80x128xf32, #tpu.memory_space<vmem>>, vector<1x16xf32>,
        %get3A_87 = vector.shape_cast %get3A_86 : vector<1x16xf32> to vector<16xf32>
        %add3A_88 = arith.addf %get3A_83, %get3A_87 : vector<16xf32>
        %max3A_89 = arith.constant 0.000000e+00 : f32
        %max3A_90 = vector.broadcast %max3A_89 : f32 to vector<16xf32>
        %max3A_91 = arith.maximumf %add3A_88, %max3A_90 : vector<16xf32>
        %swap3A_92 = arith.index_cast %scan3A_47 : i32 to index
        %swap3A_93 = arith.constant 32 : index
        %swap3A_94 = tpu.vector_load %arg10[%swap3A_92, %swap3A_93] {strides = array<i32>} : memref<80x128xf32, #tpu.memory_space<vmem>>, vector<1x16xf32>,
        %swap3A_95 = vector.shape_cast %swap3A_94 : vector<1x16xf32> to vector<16xf32>
        %swap3A_96 = vector.shape_cast %max3A_91 : vector<16xf32> to vector<1x16xf32>
        tpu.vector_store %arg10[%swap3A_92, %swap3A_93], %swap3A_96 {strides = array<i32>} : memref<80x128xf32, #tpu.memory_space<vmem>>, vector<1x16xf32>,
        %get3A_97 = arith.index_cast %scan3A_47 : i32 to index
        %get3A_98 = arith.constant 48 : index
        %get3A_99 = tpu.vector_load %arg10[%get3A_97, %get3A_98] {strides = array<i32>} : memref<80x128xf32, #tpu.memory_space<vmem>>, vector<1x16xf32>,
        %get3A_100 = vector.shape_cast %get3A_99 : vector<1x16xf32> to vector<16xf32>
        %get3A_101 = arith.index_cast %scan3A_47 : i32 to index
        %get3A_102 = arith.constant 48 : index
        %get3A_103 = tpu.vector_load %arg11[%get3A_101, %get3A_102] {strides = array<i32>} : memref<80x128xf32, #tpu.memory_space<vmem>>, vector<1x16xf32>,
        %get3A_104 = vector.shape_cast %get3A_103 : vector<1x16xf32> to vector<16xf32>
        %add3A_105 = arith.addf %get3A_100, %get3A_104 : vector<16xf32>
        %max3A_106 = arith.constant 0.000000e+00 : f32
        %max3A_107 = vector.broadcast %max3A_106 : f32 to vector<16xf32>
        %max3A_108 = arith.maximumf %add3A_105, %max3A_107 : vector<16xf32>
        %swap3A_109 = arith.index_cast %scan3A_47 : i32 to index
        %swap3A_110 = arith.constant 48 : index
        %swap3A_111 = tpu.vector_load %arg10[%swap3A_109, %swap3A_110] {strides = array<i32>} : memref<80x128xf32, #tpu.memory_space<vmem>>, vector<1x16xf32>,
        %swap3A_112 = vector.shape_cast %swap3A_111 : vector<1x16xf32> to vector<16xf32>
        %swap3A_113 = vector.shape_cast %max3A_108 : vector<16xf32> to vector<1x16xf32>
        tpu.vector_store %arg10[%swap3A_109, %swap3A_110], %swap3A_113 {strides = array<i32>} : memref<80x128xf32, #tpu.memory_space<vmem>>, vector<1x16xf32>,
        %get3A_114 = arith.index_cast %scan3A_47 : i32 to index
        %get3A_115 = arith.constant 64 : index
        %get3A_116 = tpu.vector_load %arg10[%get3A_114, %get3A_115] {strides = array<i32>} : memref<80x128xf32, #tpu.memory_space<vmem>>, vector<1x16xf32>,
        %get3A_117 = vector.shape_cast %get3A_116 : vector<1x16xf32> to vector<16xf32>
        %get3A_118 = arith.index_cast %scan3A_47 : i32 to index
        %get3A_119 = arith.constant 64 : index
        %get3A_120 = tpu.vector_load %arg11[%get3A_118, %get3A_119] {strides = array<i32>} : memref<80x128xf32, #tpu.memory_space<vmem>>, vector<1x16xf32>,
        %get3A_121 = vector.shape_cast %get3A_120 : vector<1x16xf32> to vector<16xf32>
        %add3A_122 = arith.addf %get3A_117, %get3A_121 : vector<16xf32>
        %max3A_123 = arith.constant 0.000000e+00 : f32
        %max3A_124 = vector.broadcast %max3A_123 : f32 to vector<16xf32>
        %max3A_125 = arith.maximumf %add3A_122, %max3A_124 : vector<16xf32>
        %swap3A_126 = arith.index_cast %scan3A_47 : i32 to index
        %swap3A_127 = arith.constant 64 : index
        %swap3A_128 = tpu.vector_load %arg10[%swap3A_126, %swap3A_127] {strides = array<i32>} : memref<80x128xf32, #tpu.memory_space<vmem>>, vector<1x16xf32>,
        %swap3A_129 = vector.shape_cast %swap3A_128 : vector<1x16xf32> to vector<16xf32>
        %swap3A_130 = vector.shape_cast %max3A_125 : vector<16xf32> to vector<1x16xf32>
        tpu.vector_store %arg10[%swap3A_126, %swap3A_127], %swap3A_130 {strides = array<i32>} : memref<80x128xf32, #tpu.memory_space<vmem>>, vector<1x16xf32>,
        %get3A_131 = arith.index_cast %scan3A_47 : i32 to index
        %get3A_132 = arith.constant 80 : index
        %get3A_133 = tpu.vector_load %arg10[%get3A_131, %get3A_132] {strides = array<i32>} : memref<80x128xf32, #tpu.memory_space<vmem>>, vector<1x16xf32>,
        %get3A_134 = vector.shape_cast %get3A_133 : vector<1x16xf32> to vector<16xf32>
        %get3A_135 = arith.index_cast %scan3A_47 : i32 to index
        %get3A_136 = arith.constant 80 : index
        %get3A_137 = tpu.vector_load %arg11[%get3A_135, %get3A_136] {strides = array<i32>} : memref<80x128xf32, #tpu.memory_space<vmem>>, vector<1x16xf32>,
        %get3A_138 = vector.shape_cast %get3A_137 : vector<1x16xf32> to vector<16xf32>
        %add3A_139 = arith.addf %get3A_134, %get3A_138 : vector<16xf32>
        %max3A_140 = arith.constant 0.000000e+00 : f32
        %max3A_141 = vector.broadcast %max3A_140 : f32 to vector<16xf32>
        %max3A_142 = arith.maximumf %add3A_139, %max3A_141 : vector<16xf32>
        %swap3A_143 = arith.index_cast %scan3A_47 : i32 to index
        %swap3A_144 = arith.constant 80 : index
        %swap3A_145 = tpu.vector_load %arg10[%swap3A_143, %swap3A_144] {strides = array<i32>} : memref<80x128xf32, #tpu.memory_space<vmem>>, vector<1x16xf32>,
        %swap3A_146 = vector.shape_cast %swap3A_145 : vector<1x16xf32> to vector<16xf32>
        %swap3A_147 = vector.shape_cast %max3A_142 : vector<16xf32> to vector<1x16xf32>
        tpu.vector_store %arg10[%swap3A_143, %swap3A_144], %swap3A_147 {strides = array<i32>} : memref<80x128xf32, #tpu.memory_space<vmem>>, vector<1x16xf32>,
        %get3A_148 = arith.index_cast %scan3A_47 : i32 to index
        %get3A_149 = arith.constant 96 : index
        %get3A_150 = tpu.vector_load %arg10[%get3A_148, %get3A_149] {strides = array<i32>} : memref<80x128xf32, #tpu.memory_space<vmem>>, vector<1x16xf32>,
        %get3A_151 = vector.shape_cast %get3A_150 : vector<1x16xf32> to vector<16xf32>
        %get3A_152 = arith.index_cast %scan3A_47 : i32 to index
        %get3A_153 = arith.constant 96 : index
        %get3A_154 = tpu.vector_load %arg11[%get3A_152, %get3A_153] {strides = array<i32>} : memref<80x128xf32, #tpu.memory_space<vmem>>, vector<1x16xf32>,
        %get3A_155 = vector.shape_cast %get3A_154 : vector<1x16xf32> to vector<16xf32>
        %add3A_156 = arith.addf %get3A_151, %get3A_155 : vector<16xf32>
        %max3A_157 = arith.constant 0.000000e+00 : f32
        %max3A_158 = vector.broadcast %max3A_157 : f32 to vector<16xf32>
        %max3A_159 = arith.maximumf %add3A_156, %max3A_158 : vector<16xf32>
        %swap3A_160 = arith.index_cast %scan3A_47 : i32 to index
        %swap3A_161 = arith.constant 96 : index
        %swap3A_162 = tpu.vector_load %arg10[%swap3A_160, %swap3A_161] {strides = array<i32>} : memref<80x128xf32, #tpu.memory_space<vmem>>, vector<1x16xf32>,
        %swap3A_163 = vector.shape_cast %swap3A_162 : vector<1x16xf32> to vector<16xf32>
        %swap3A_164 = vector.shape_cast %max3A_159 : vector<16xf32> to vector<1x16xf32>
        tpu.vector_store %arg10[%swap3A_160, %swap3A_161], %swap3A_164 {strides = array<i32>} : memref<80x128xf32, #tpu.memory_space<vmem>>, vector<1x16xf32>,
        %get3A_165 = arith.index_cast %scan3A_47 : i32 to index
        %get3A_166 = arith.constant 112 : index
        %get3A_167 = tpu.vector_load %arg10[%get3A_165, %get3A_166] {strides = array<i32>} : memref<80x128xf32, #tpu.memory_space<vmem>>, vector<1x16xf32>,
        %get3A_168 = vector.shape_cast %get3A_167 : vector<1x16xf32> to vector<16xf32>
        %get3A_169 = arith.index_cast %scan3A_47 : i32 to index
        %get3A_170 = arith.constant 112 : index
        %get3A_171 = tpu.vector_load %arg11[%get3A_169, %get3A_170] {strides = array<i32>} : memref<80x128xf32, #tpu.memory_space<vmem>>, vector<1x16xf32>,
        %get3A_172 = vector.shape_cast %get3A_171 : vector<1x16xf32> to vector<16xf32>
        %add3A_173 = arith.addf %get3A_168, %get3A_172 : vector<16xf32>
        %max3A_174 = arith.constant 0.000000e+00 : f32
        %max3A_175 = vector.broadcast %max3A_174 : f32 to vector<16xf32>
        %max3A_176 = arith.maximumf %add3A_173, %max3A_175 : vector<16xf32>
        %swap3A_177 = arith.index_cast %scan3A_47 : i32 to index
        %swap3A_178 = arith.constant 112 : index
        %swap3A_179 = tpu.vector_load %arg10[%swap3A_177, %swap3A_178] {strides = array<i32>} : memref<80x128xf32, #tpu.memory_space<vmem>>, vector<1x16xf32>,
        %swap3A_180 = vector.shape_cast %swap3A_179 : vector<1x16xf32> to vector<16xf32>
        %swap3A_181 = vector.shape_cast %max3A_176 : vector<16xf32> to vector<1x16xf32>
        tpu.vector_store %arg10[%swap3A_177, %swap3A_178], %swap3A_181 {strides = array<i32>} : memref<80x128xf32, #tpu.memory_space<vmem>>, vector<1x16xf32>,
        %scan3A_182 = arith.constant 0 : i32
        scf.yield %scan3A_182 : i32
      }
      %scan3A_45 = arith.constant 80 : i32
      "tpu.region"() ({
        %run_scoped3A = tpu.sem_alloc : memref<!tpu.dma_semaphore, #tpu.memory_space<semaphore_mem>>
        %dma_start3A_47 = arith.constant 0 : i32
        %dma_start3A_48 = arith.constant 0 : i32
        %dma_start3A_49 = tpu.memref_slice %arg7[%dma_start3A_47, %dma_start3A_48] : memref<10240x128xf32, #tpu.memory_space<vmem_shared>> -> memref<10240x128xf32, #tpu.memory_space<vmem_shared>>
        tpu.enqueue_indirect_dma source(%arg10 : memref<80x128xf32, #tpu.memory_space<vmem>>) target(%dma_start3A_49 : memref<10240x128xf32, #tpu.memory_space<vmem_shared>>) offsets(%arg9 : memref<80xi32, #tpu.memory_space<vmem>>) semaphore(%run_scoped3A : memref<!tpu.dma_semaphore, #tpu.memory_space<semaphore_mem>>) {add = true}
        %dma_wait3A_50 = arith.constant 0 : i32
        %dma_wait3A_51 = arith.constant 0 : i32
        %dma_wait3A_52 = tpu.memref_slice %arg7[%dma_wait3A_50, %dma_wait3A_51] : memref<10240x128xf32, #tpu.memory_space<vmem_shared>> -> memref<10240x128xf32, #tpu.memory_space<vmem_shared>>
        tpu.wait_indirect_dma semaphore(%run_scoped3A : memref<!tpu.dma_semaphore, #tpu.memory_space<semaphore_mem>>) src(%arg10 : memref<80x128xf32, #tpu.memory_space<vmem>>) dst(%dma_wait3A_52 : memref<10240x128xf32, #tpu.memory_space<vmem_shared>>)
        tpu.yield
      }) : () -> ()
      %scan3A_46 = arith.constant 0 : i32
      scf.yield %scan3A_46 : i32
    }
    %scan3A_28 = arith.constant 125 : i32
    %barrier3A_29 = arith.constant 0 : index
    tpu.barrier barrier_id(%barrier3A_29)
    "tpu.region"() ({
      %run_scoped3A = tpu.sem_alloc : memref<!tpu.dma_semaphore, #tpu.memory_space<semaphore_mem>>
      %dma_start3A = arith.constant 0 : i32
      %dma_start3A_30 = tpu.memref_slice %arg6[%arg0, %mul3A_11, %dma_start3A] : memref<2x10240x128xf32, #tpu.memory_space<hbm>> -> memref<1x640x128xf32, #tpu.memory_space<hbm>>
      %dma_start3A_31 = tpu.memref_squeeze %dma_start3A_30 : memref<1x640x128xf32, #tpu.memory_space<hbm>> -> memref<640x128xf32, #tpu.memory_space<hbm>>
      %dma_start3A_32 = arith.constant 0 : i32
      %dma_start3A_33 = tpu.memref_slice %arg7[%mul3A_11, %dma_start3A_32] : memref<10240x128xf32, #tpu.memory_space<vmem_shared>> -> memref<640x128xf32, #tpu.memory_space<vmem_shared>>
      tpu.enqueue_dma source(%dma_start3A_33 : memref<640x128xf32, #tpu.memory_space<vmem_shared>>) target(%dma_start3A_31 : memref<640x128xf32, #tpu.memory_space<hbm>>) target_semaphore(%run_scoped3A : memref<!tpu.dma_semaphore, #tpu.memory_space<semaphore_mem>>)
      %dma_wait3A = arith.constant 0 : i32
      %dma_wait3A_34 = tpu.memref_slice %arg6[%arg0, %mul3A_11, %dma_wait3A] : memref<2x10240x128xf32, #tpu.memory_space<hbm>> -> memref<1x640x128xf32, #tpu.memory_space<hbm>>
      %dma_wait3A_35 = tpu.memref_squeeze %dma_wait3A_34 : memref<1x640x128xf32, #tpu.memory_space<hbm>> -> memref<640x128xf32, #tpu.memory_space<hbm>>
      %dma_wait3A_36 = arith.constant 0 : i32
      %dma_wait3A_37 = tpu.memref_slice %arg7[%mul3A_11, %dma_wait3A_36] : memref<10240x128xf32, #tpu.memory_space<vmem_shared>> -> memref<640x128xf32, #tpu.memory_space<vmem_shared>>
      tpu.wait_dma2 semaphore(%run_scoped3A : memref<!tpu.dma_semaphore, #tpu.memory_space<semaphore_mem>>) src(%dma_wait3A_37 : memref<640x128xf32, #tpu.memory_space<vmem_shared>>) dst(%dma_wait3A_35 : memref<640x128xf32, #tpu.memory_space<hbm>>)
      tpu.yield
    }) : () -> ()
    return
  }
}

#map = affine_map<(d0, d1) -> (0, 0)>
#map1 = affine_map<(d0, d1) -> (0)>
#map2 = affine_map<(d0, d1) -> (0, 0, 0)>
module attributes {stable_mosaic.version = 14 : i64} {
  func.func @sc_edge_stage(%arg0: i32, %arg1: i32, %arg2: memref<320000x128xf32, #tpu.memory_space<hbm>>, %arg3: memref<320000xi32, #tpu.memory_space<hbm>>, %arg4: memref<320000xi32, #tpu.memory_space<hbm>>, %arg5: memref<10000x128xf32, #tpu.memory_space<hbm>>, %arg6: memref<2x10240x128xf32, #tpu.memory_space<hbm>>, %arg7: memref<10240x128xf32, #tpu.memory_space<vmem_shared>>, %arg8: memref<80xi32, #tpu.memory_space<vmem>>, %arg9: memref<80xi32, #tpu.memory_space<vmem>>, %arg10: memref<80x128xf32, #tpu.memory_space<vmem>>, %arg11: memref<80x128xf32, #tpu.memory_space<vmem>>, %arg12: memref<128x128xf32, #tpu.memory_space<vmem>>, %arg13: memref<!tpu.dma_semaphore, #tpu.memory_space<semaphore_mem>>) attributes {dimension_semantics = [#tpu.dimension_semantics<core_parallel>, #tpu.dimension_semantics<subcore_parallel>], iteration_bounds = array<i64: 2, 16>, scalar_prefetch = 0 : i64, scratch_operands = 7 : i64, tpu.core_type = #tpu.core_type<sc_vector_subcore>, window_params = [{transform_indices = #map}, {transform_indices = #map1}, {transform_indices = #map1}, {transform_indices = #map}, {transform_indices = #map2}]} {
    %mul3A = arith.constant 16 : i32
    %mul3A_0 = arith.muli %arg0, %mul3A : i32
    %add3A = arith.addi %mul3A_0, %arg1 : i32
    %mul3A_1 = arith.constant 10000 : i32
    %mul3A_2 = arith.muli %add3A, %mul3A_1 : i32
    %broadcast_in_dim3A = arith.constant 0.000000e+00 : f32
    %broadcast_in_dim3A_3 = vector.broadcast %broadcast_in_dim3A : f32 to vector<16xf32>
    %scan3A = arith.constant 0 : i32
    %scan3A_4 = arith.constant 0 : i32
    %scan3A_5 = arith.constant 128 : i32
    %scan3A_6 = arith.addi %scan3A_4, %scan3A_5 : i32
    %scan3A_7 = arith.constant 1 : i32
    %scan3A_8 = scf.for %scan3A_30 = %scan3A_4 to %scan3A_6 step %scan3A_7 iter_args(%scan3A_31 = %scan3A) -> (i32)  : i32 {
      %swap3A = arith.index_cast %scan3A_30 : i32 to index
      %swap3A_32 = arith.constant 0 : index
      %swap3A_33 = tpu.vector_load %arg12[%swap3A, %swap3A_32] {strides = array<i32>} : memref<128x128xf32, #tpu.memory_space<vmem>>, vector<1x16xf32>,
      %swap3A_34 = vector.shape_cast %swap3A_33 : vector<1x16xf32> to vector<16xf32>
      %swap3A_35 = vector.shape_cast %broadcast_in_dim3A_3 : vector<16xf32> to vector<1x16xf32>
      tpu.vector_store %arg12[%swap3A, %swap3A_32], %swap3A_35 {strides = array<i32>} : memref<128x128xf32, #tpu.memory_space<vmem>>, vector<1x16xf32>,
      %swap3A_36 = arith.index_cast %scan3A_30 : i32 to index
      %swap3A_37 = arith.constant 16 : index
      %swap3A_38 = tpu.vector_load %arg12[%swap3A_36, %swap3A_37] {strides = array<i32>} : memref<128x128xf32, #tpu.memory_space<vmem>>, vector<1x16xf32>,
      %swap3A_39 = vector.shape_cast %swap3A_38 : vector<1x16xf32> to vector<16xf32>
      %swap3A_40 = vector.shape_cast %broadcast_in_dim3A_3 : vector<16xf32> to vector<1x16xf32>
      tpu.vector_store %arg12[%swap3A_36, %swap3A_37], %swap3A_40 {strides = array<i32>} : memref<128x128xf32, #tpu.memory_space<vmem>>, vector<1x16xf32>,
      %swap3A_41 = arith.index_cast %scan3A_30 : i32 to index
      %swap3A_42 = arith.constant 32 : index
      %swap3A_43 = tpu.vector_load %arg12[%swap3A_41, %swap3A_42] {strides = array<i32>} : memref<128x128xf32, #tpu.memory_space<vmem>>, vector<1x16xf32>,
      %swap3A_44 = vector.shape_cast %swap3A_43 : vector<1x16xf32> to vector<16xf32>
      %swap3A_45 = vector.shape_cast %broadcast_in_dim3A_3 : vector<16xf32> to vector<1x16xf32>
      tpu.vector_store %arg12[%swap3A_41, %swap3A_42], %swap3A_45 {strides = array<i32>} : memref<128x128xf32, #tpu.memory_space<vmem>>, vector<1x16xf32>,
      %swap3A_46 = arith.index_cast %scan3A_30 : i32 to index
      %swap3A_47 = arith.constant 48 : index
      %swap3A_48 = tpu.vector_load %arg12[%swap3A_46, %swap3A_47] {strides = array<i32>} : memref<128x128xf32, #tpu.memory_space<vmem>>, vector<1x16xf32>,
      %swap3A_49 = vector.shape_cast %swap3A_48 : vector<1x16xf32> to vector<16xf32>
      %swap3A_50 = vector.shape_cast %broadcast_in_dim3A_3 : vector<16xf32> to vector<1x16xf32>
      tpu.vector_store %arg12[%swap3A_46, %swap3A_47], %swap3A_50 {strides = array<i32>} : memref<128x128xf32, #tpu.memory_space<vmem>>, vector<1x16xf32>,
      %swap3A_51 = arith.index_cast %scan3A_30 : i32 to index
      %swap3A_52 = arith.constant 64 : index
      %swap3A_53 = tpu.vector_load %arg12[%swap3A_51, %swap3A_52] {strides = array<i32>} : memref<128x128xf32, #tpu.memory_space<vmem>>, vector<1x16xf32>,
      %swap3A_54 = vector.shape_cast %swap3A_53 : vector<1x16xf32> to vector<16xf32>
      %swap3A_55 = vector.shape_cast %broadcast_in_dim3A_3 : vector<16xf32> to vector<1x16xf32>
      tpu.vector_store %arg12[%swap3A_51, %swap3A_52], %swap3A_55 {strides = array<i32>} : memref<128x128xf32, #tpu.memory_space<vmem>>, vector<1x16xf32>,
      %swap3A_56 = arith.index_cast %scan3A_30 : i32 to index
      %swap3A_57 = arith.constant 80 : index
      %swap3A_58 = tpu.vector_load %arg12[%swap3A_56, %swap3A_57] {strides = array<i32>} : memref<128x128xf32, #tpu.memory_space<vmem>>, vector<1x16xf32>,
      %swap3A_59 = vector.shape_cast %swap3A_58 : vector<1x16xf32> to vector<16xf32>
      %swap3A_60 = vector.shape_cast %broadcast_in_dim3A_3 : vector<16xf32> to vector<1x16xf32>
      tpu.vector_store %arg12[%swap3A_56, %swap3A_57], %swap3A_60 {strides = array<i32>} : memref<128x128xf32, #tpu.memory_space<vmem>>, vector<1x16xf32>,
      %swap3A_61 = arith.index_cast %scan3A_30 : i32 to index
      %swap3A_62 = arith.constant 96 : index
      %swap3A_63 = tpu.vector_load %arg12[%swap3A_61, %swap3A_62] {strides = array<i32>} : memref<128x128xf32, #tpu.memory_space<vmem>>, vector<1x16xf32>,
      %swap3A_64 = vector.shape_cast %swap3A_63 : vector<1x16xf32> to vector<16xf32>
      %swap3A_65 = vector.shape_cast %broadcast_in_dim3A_3 : vector<16xf32> to vector<1x16xf32>
      tpu.vector_store %arg12[%swap3A_61, %swap3A_62], %swap3A_65 {strides = array<i32>} : memref<128x128xf32, #tpu.memory_space<vmem>>, vector<1x16xf32>,
      %swap3A_66 = arith.index_cast %scan3A_30 : i32 to index
      %swap3A_67 = arith.constant 112 : index
      %swap3A_68 = tpu.vector_load %arg12[%swap3A_66, %swap3A_67] {strides = array<i32>} : memref<128x128xf32, #tpu.memory_space<vmem>>, vector<1x16xf32>,
      %swap3A_69 = vector.shape_cast %swap3A_68 : vector<1x16xf32> to vector<16xf32>
      %swap3A_70 = vector.shape_cast %broadcast_in_dim3A_3 : vector<16xf32> to vector<1x16xf32>
      tpu.vector_store %arg12[%swap3A_66, %swap3A_67], %swap3A_70 {strides = array<i32>} : memref<128x128xf32, #tpu.memory_space<vmem>>, vector<1x16xf32>,
      %scan3A_71 = arith.constant 0 : i32
      scf.yield %scan3A_71 : i32
    }
    %scan3A_9 = arith.constant 128 : i32
    %mul3A_10 = arith.constant 640 : i32
    %mul3A_11 = arith.muli %arg1, %mul3A_10 : i32
    %add3A_12 = arith.constant 0 : i32
    %add3A_13 = arith.addi %mul3A_11, %add3A_12 : i32
    "tpu.region"() ({
      %run_scoped3A = tpu.sem_alloc : memref<!tpu.dma_semaphore, #tpu.memory_space<semaphore_mem>>
      %dma_start3A = arith.constant 0 : i32
      %dma_start3A_30 = tpu.memref_slice %arg7[%add3A_13, %dma_start3A] : memref<10240x128xf32, #tpu.memory_space<vmem_shared>> -> memref<128x128xf32, #tpu.memory_space<vmem_shared>>
      %dma_start3A_31 = arith.constant 0 : i32
      %dma_start3A_32 = tpu.memref_slice %arg7[%add3A_13, %dma_start3A_31] : memref<10240x128xf32, #tpu.memory_space<vmem_shared>> -> memref<128x128xf32, #tpu.memory_space<vmem_shared>>
      tpu.enqueue_dma source(%arg12 : memref<128x128xf32, #tpu.memory_space<vmem>>) target(%dma_start3A_32 : memref<128x128xf32, #tpu.memory_space<vmem_shared>>) target_semaphore(%run_scoped3A : memref<!tpu.dma_semaphore, #tpu.memory_space<semaphore_mem>>)
      %dma_wait3A = arith.constant 0 : i32
      %dma_wait3A_33 = tpu.memref_slice %arg7[%add3A_13, %dma_wait3A] : memref<10240x128xf32, #tpu.memory_space<vmem_shared>> -> memref<128x128xf32, #tpu.memory_space<vmem_shared>>
      %dma_wait3A_34 = arith.constant 0 : i32
      %dma_wait3A_35 = tpu.memref_slice %arg7[%add3A_13, %dma_wait3A_34] : memref<10240x128xf32, #tpu.memory_space<vmem_shared>> -> memref<128x128xf32, #tpu.memory_space<vmem_shared>>
      tpu.wait_dma2 semaphore(%run_scoped3A : memref<!tpu.dma_semaphore, #tpu.memory_space<semaphore_mem>>) src(%arg12 : memref<128x128xf32, #tpu.memory_space<vmem>>) dst(%dma_wait3A_35 : memref<128x128xf32, #tpu.memory_space<vmem_shared>>)
      tpu.yield
    }) : () -> ()
    %add3A_14 = arith.constant 128 : i32
    %add3A_15 = arith.addi %mul3A_11, %add3A_14 : i32
    "tpu.region"() ({
      %run_scoped3A = tpu.sem_alloc : memref<!tpu.dma_semaphore, #tpu.memory_space<semaphore_mem>>
      %dma_start3A = arith.constant 0 : i32
      %dma_start3A_30 = tpu.memref_slice %arg7[%add3A_15, %dma_start3A] : memref<10240x128xf32, #tpu.memory_space<vmem_shared>> -> memref<128x128xf32, #tpu.memory_space<vmem_shared>>
      %dma_start3A_31 = arith.constant 0 : i32
      %dma_start3A_32 = tpu.memref_slice %arg7[%add3A_15, %dma_start3A_31] : memref<10240x128xf32, #tpu.memory_space<vmem_shared>> -> memref<128x128xf32, #tpu.memory_space<vmem_shared>>
      tpu.enqueue_dma source(%arg12 : memref<128x128xf32, #tpu.memory_space<vmem>>) target(%dma_start3A_32 : memref<128x128xf32, #tpu.memory_space<vmem_shared>>) target_semaphore(%run_scoped3A : memref<!tpu.dma_semaphore, #tpu.memory_space<semaphore_mem>>)
      %dma_wait3A = arith.constant 0 : i32
      %dma_wait3A_33 = tpu.memref_slice %arg7[%add3A_15, %dma_wait3A] : memref<10240x128xf32, #tpu.memory_space<vmem_shared>> -> memref<128x128xf32, #tpu.memory_space<vmem_shared>>
      %dma_wait3A_34 = arith.constant 0 : i32
      %dma_wait3A_35 = tpu.memref_slice %arg7[%add3A_15, %dma_wait3A_34] : memref<10240x128xf32, #tpu.memory_space<vmem_shared>> -> memref<128x128xf32, #tpu.memory_space<vmem_shared>>
      tpu.wait_dma2 semaphore(%run_scoped3A : memref<!tpu.dma_semaphore, #tpu.memory_space<semaphore_mem>>) src(%arg12 : memref<128x128xf32, #tpu.memory_space<vmem>>) dst(%dma_wait3A_35 : memref<128x128xf32, #tpu.memory_space<vmem_shared>>)
      tpu.yield
    }) : () -> ()
    %add3A_16 = arith.constant 256 : i32
    %add3A_17 = arith.addi %mul3A_11, %add3A_16 : i32
    "tpu.region"() ({
      %run_scoped3A = tpu.sem_alloc : memref<!tpu.dma_semaphore, #tpu.memory_space<semaphore_mem>>
      %dma_start3A = arith.constant 0 : i32
      %dma_start3A_30 = tpu.memref_slice %arg7[%add3A_17, %dma_start3A] : memref<10240x128xf32, #tpu.memory_space<vmem_shared>> -> memref<128x128xf32, #tpu.memory_space<vmem_shared>>
      %dma_start3A_31 = arith.constant 0 : i32
      %dma_start3A_32 = tpu.memref_slice %arg7[%add3A_17, %dma_start3A_31] : memref<10240x128xf32, #tpu.memory_space<vmem_shared>> -> memref<128x128xf32, #tpu.memory_space<vmem_shared>>
      tpu.enqueue_dma source(%arg12 : memref<128x128xf32, #tpu.memory_space<vmem>>) target(%dma_start3A_32 : memref<128x128xf32, #tpu.memory_space<vmem_shared>>) target_semaphore(%run_scoped3A : memref<!tpu.dma_semaphore, #tpu.memory_space<semaphore_mem>>)
      %dma_wait3A = arith.constant 0 : i32
      %dma_wait3A_33 = tpu.memref_slice %arg7[%add3A_17, %dma_wait3A] : memref<10240x128xf32, #tpu.memory_space<vmem_shared>> -> memref<128x128xf32, #tpu.memory_space<vmem_shared>>
      %dma_wait3A_34 = arith.constant 0 : i32
      %dma_wait3A_35 = tpu.memref_slice %arg7[%add3A_17, %dma_wait3A_34] : memref<10240x128xf32, #tpu.memory_space<vmem_shared>> -> memref<128x128xf32, #tpu.memory_space<vmem_shared>>
      tpu.wait_dma2 semaphore(%run_scoped3A : memref<!tpu.dma_semaphore, #tpu.memory_space<semaphore_mem>>) src(%arg12 : memref<128x128xf32, #tpu.memory_space<vmem>>) dst(%dma_wait3A_35 : memref<128x128xf32, #tpu.memory_space<vmem_shared>>)
      tpu.yield
    }) : () -> ()
    %add3A_18 = arith.constant 384 : i32
    %add3A_19 = arith.addi %mul3A_11, %add3A_18 : i32
    "tpu.region"() ({
      %run_scoped3A = tpu.sem_alloc : memref<!tpu.dma_semaphore, #tpu.memory_space<semaphore_mem>>
      %dma_start3A = arith.constant 0 : i32
      %dma_start3A_30 = tpu.memref_slice %arg7[%add3A_19, %dma_start3A] : memref<10240x128xf32, #tpu.memory_space<vmem_shared>> -> memref<128x128xf32, #tpu.memory_space<vmem_shared>>
      %dma_start3A_31 = arith.constant 0 : i32
      %dma_start3A_32 = tpu.memref_slice %arg7[%add3A_19, %dma_start3A_31] : memref<10240x128xf32, #tpu.memory_space<vmem_shared>> -> memref<128x128xf32, #tpu.memory_space<vmem_shared>>
      tpu.enqueue_dma source(%arg12 : memref<128x128xf32, #tpu.memory_space<vmem>>) target(%dma_start3A_32 : memref<128x128xf32, #tpu.memory_space<vmem_shared>>) target_semaphore(%run_scoped3A : memref<!tpu.dma_semaphore, #tpu.memory_space<semaphore_mem>>)
      %dma_wait3A = arith.constant 0 : i32
      %dma_wait3A_33 = tpu.memref_slice %arg7[%add3A_19, %dma_wait3A] : memref<10240x128xf32, #tpu.memory_space<vmem_shared>> -> memref<128x128xf32, #tpu.memory_space<vmem_shared>>
      %dma_wait3A_34 = arith.constant 0 : i32
      %dma_wait3A_35 = tpu.memref_slice %arg7[%add3A_19, %dma_wait3A_34] : memref<10240x128xf32, #tpu.memory_space<vmem_shared>> -> memref<128x128xf32, #tpu.memory_space<vmem_shared>>
      tpu.wait_dma2 semaphore(%run_scoped3A : memref<!tpu.dma_semaphore, #tpu.memory_space<semaphore_mem>>) src(%arg12 : memref<128x128xf32, #tpu.memory_space<vmem>>) dst(%dma_wait3A_35 : memref<128x128xf32, #tpu.memory_space<vmem_shared>>)
      tpu.yield
    }) : () -> ()
    %add3A_20 = arith.constant 512 : i32
    %add3A_21 = arith.addi %mul3A_11, %add3A_20 : i32
    "tpu.region"() ({
      %run_scoped3A = tpu.sem_alloc : memref<!tpu.dma_semaphore, #tpu.memory_space<semaphore_mem>>
      %dma_start3A = arith.constant 0 : i32
      %dma_start3A_30 = tpu.memref_slice %arg7[%add3A_21, %dma_start3A] : memref<10240x128xf32, #tpu.memory_space<vmem_shared>> -> memref<128x128xf32, #tpu.memory_space<vmem_shared>>
      %dma_start3A_31 = arith.constant 0 : i32
      %dma_start3A_32 = tpu.memref_slice %arg7[%add3A_21, %dma_start3A_31] : memref<10240x128xf32, #tpu.memory_space<vmem_shared>> -> memref<128x128xf32, #tpu.memory_space<vmem_shared>>
      tpu.enqueue_dma source(%arg12 : memref<128x128xf32, #tpu.memory_space<vmem>>) target(%dma_start3A_32 : memref<128x128xf32, #tpu.memory_space<vmem_shared>>) target_semaphore(%run_scoped3A : memref<!tpu.dma_semaphore, #tpu.memory_space<semaphore_mem>>)
      %dma_wait3A = arith.constant 0 : i32
      %dma_wait3A_33 = tpu.memref_slice %arg7[%add3A_21, %dma_wait3A] : memref<10240x128xf32, #tpu.memory_space<vmem_shared>> -> memref<128x128xf32, #tpu.memory_space<vmem_shared>>
      %dma_wait3A_34 = arith.constant 0 : i32
      %dma_wait3A_35 = tpu.memref_slice %arg7[%add3A_21, %dma_wait3A_34] : memref<10240x128xf32, #tpu.memory_space<vmem_shared>> -> memref<128x128xf32, #tpu.memory_space<vmem_shared>>
      tpu.wait_dma2 semaphore(%run_scoped3A : memref<!tpu.dma_semaphore, #tpu.memory_space<semaphore_mem>>) src(%arg12 : memref<128x128xf32, #tpu.memory_space<vmem>>) dst(%dma_wait3A_35 : memref<128x128xf32, #tpu.memory_space<vmem_shared>>)
      tpu.yield
    }) : () -> ()
    %barrier3A = arith.constant 0 : index
    tpu.barrier barrier_id(%barrier3A)
    %scan3A_22 = arith.constant 0 : i32
    %scan3A_23 = arith.constant 0 : i32
    %scan3A_24 = arith.constant 125 : i32
    %scan3A_25 = arith.addi %scan3A_23, %scan3A_24 : i32
    %scan3A_26 = arith.constant 1 : i32
    %scan3A_27 = scf.for %scan3A_30 = %scan3A_23 to %scan3A_25 step %scan3A_26 iter_args(%scan3A_31 = %scan3A_22) -> (i32)  : i32 {
      %mul3A_32 = arith.constant 80 : i32
      %mul3A_33 = arith.muli %scan3A_30, %mul3A_32 : i32
      %add3A_34 = arith.addi %mul3A_2, %mul3A_33 : i32
      "tpu.region"() ({
        %run_scoped3A = tpu.sem_alloc : memref<!tpu.dma_semaphore, #tpu.memory_space<semaphore_mem>>
        %dma_start3A_47 = tpu.memref_slice %arg3[%add3A_34] : memref<320000xi32, #tpu.memory_space<hbm>> -> memref<80xi32, #tpu.memory_space<hbm>>
        %dma_start3A_48 = tpu.memref_slice %arg3[%add3A_34] : memref<320000xi32, #tpu.memory_space<hbm>> -> memref<80xi32, #tpu.memory_space<hbm>>
        tpu.enqueue_dma source(%dma_start3A_48 : memref<80xi32, #tpu.memory_space<hbm>>) target(%arg8 : memref<80xi32, #tpu.memory_space<vmem>>) target_semaphore(%run_scoped3A : memref<!tpu.dma_semaphore, #tpu.memory_space<semaphore_mem>>)
        %dma_wait3A_49 = tpu.memref_slice %arg3[%add3A_34] : memref<320000xi32, #tpu.memory_space<hbm>> -> memref<80xi32, #tpu.memory_space<hbm>>
        %dma_wait3A_50 = tpu.memref_slice %arg3[%add3A_34] : memref<320000xi32, #tpu.memory_space<hbm>> -> memref<80xi32, #tpu.memory_space<hbm>>
        tpu.wait_dma2 semaphore(%run_scoped3A : memref<!tpu.dma_semaphore, #tpu.memory_space<semaphore_mem>>) src(%dma_wait3A_50 : memref<80xi32, #tpu.memory_space<hbm>>) dst(%arg8 : memref<80xi32, #tpu.memory_space<vmem>>)
        tpu.yield
      }) : () -> ()
      "tpu.region"() ({
        %run_scoped3A = tpu.sem_alloc : memref<!tpu.dma_semaphore, #tpu.memory_space<semaphore_mem>>
        %dma_start3A_47 = tpu.memref_slice %arg4[%add3A_34] : memref<320000xi32, #tpu.memory_space<hbm>> -> memref<80xi32, #tpu.memory_space<hbm>>
        %dma_start3A_48 = tpu.memref_slice %arg4[%add3A_34] : memref<320000xi32, #tpu.memory_space<hbm>> -> memref<80xi32, #tpu.memory_space<hbm>>
        tpu.enqueue_dma source(%dma_start3A_48 : memref<80xi32, #tpu.memory_space<hbm>>) target(%arg9 : memref<80xi32, #tpu.memory_space<vmem>>) target_semaphore(%run_scoped3A : memref<!tpu.dma_semaphore, #tpu.memory_space<semaphore_mem>>)
        %dma_wait3A_49 = tpu.memref_slice %arg4[%add3A_34] : memref<320000xi32, #tpu.memory_space<hbm>> -> memref<80xi32, #tpu.memory_space<hbm>>
        %dma_wait3A_50 = tpu.memref_slice %arg4[%add3A_34] : memref<320000xi32, #tpu.memory_space<hbm>> -> memref<80xi32, #tpu.memory_space<hbm>>
        tpu.wait_dma2 semaphore(%run_scoped3A : memref<!tpu.dma_semaphore, #tpu.memory_space<semaphore_mem>>) src(%dma_wait3A_50 : memref<80xi32, #tpu.memory_space<hbm>>) dst(%arg9 : memref<80xi32, #tpu.memory_space<vmem>>)
        tpu.yield
      }) : () -> ()
      "tpu.region"() ({
        %run_scoped3A = tpu.sem_alloc : memref<!tpu.dma_semaphore, #tpu.memory_space<semaphore_mem>>
        %dma_start3A_47 = arith.constant 0 : i32
        %dma_start3A_48 = tpu.memref_slice %arg2[%add3A_34, %dma_start3A_47] : memref<320000x128xf32, #tpu.memory_space<hbm>> -> memref<80x128xf32, #tpu.memory_space<hbm>>
        %dma_start3A_49 = arith.constant 0 : i32
        %dma_start3A_50 = tpu.memref_slice %arg2[%add3A_34, %dma_start3A_49] : memref<320000x128xf32, #tpu.memory_space<hbm>> -> memref<80x128xf32, #tpu.memory_space<hbm>>
        tpu.enqueue_dma source(%dma_start3A_50 : memref<80x128xf32, #tpu.memory_space<hbm>>) target(%arg10 : memref<80x128xf32, #tpu.memory_space<vmem>>) target_semaphore(%run_scoped3A : memref<!tpu.dma_semaphore, #tpu.memory_space<semaphore_mem>>)
        %dma_wait3A_51 = arith.constant 0 : i32
        %dma_wait3A_52 = tpu.memref_slice %arg2[%add3A_34, %dma_wait3A_51] : memref<320000x128xf32, #tpu.memory_space<hbm>> -> memref<80x128xf32, #tpu.memory_space<hbm>>
        %dma_wait3A_53 = arith.constant 0 : i32
        %dma_wait3A_54 = tpu.memref_slice %arg2[%add3A_34, %dma_wait3A_53] : memref<320000x128xf32, #tpu.memory_space<hbm>> -> memref<80x128xf32, #tpu.memory_space<hbm>>
        tpu.wait_dma2 semaphore(%run_scoped3A : memref<!tpu.dma_semaphore, #tpu.memory_space<semaphore_mem>>) src(%dma_wait3A_54 : memref<80x128xf32, #tpu.memory_space<hbm>>) dst(%arg10 : memref<80x128xf32, #tpu.memory_space<vmem>>)
        tpu.yield
      }) : () -> ()
      %dma_start3A = arith.constant 0 : i32
      %dma_start3A_35 = arith.constant 0 : i32
      %dma_start3A_36 = tpu.memref_slice %arg5[%dma_start3A, %dma_start3A_35] : memref<10000x128xf32, #tpu.memory_space<hbm>> -> memref<10000x128xf32, #tpu.memory_space<hbm>>
      tpu.enqueue_indirect_dma source(%dma_start3A_36 : memref<10000x128xf32, #tpu.memory_space<hbm>>) target(%arg11 : memref<80x128xf32, #tpu.memory_space<vmem>>) offsets(%arg8 : memref<80xi32, #tpu.memory_space<vmem>>) semaphore(%arg13 : memref<!tpu.dma_semaphore, #tpu.memory_space<semaphore_mem>>)
      %dma_wait3A = arith.constant 0 : i32
      %dma_wait3A_37 = arith.constant 0 : i32
      %dma_wait3A_38 = tpu.memref_slice %arg5[%dma_wait3A, %dma_wait3A_37] : memref<10000x128xf32, #tpu.memory_space<hbm>> -> memref<10000x128xf32, #tpu.memory_space<hbm>>
      tpu.wait_indirect_dma semaphore(%arg13 : memref<!tpu.dma_semaphore, #tpu.memory_space<semaphore_mem>>) src(%dma_wait3A_38 : memref<10000x128xf32, #tpu.memory_space<hbm>>) dst(%arg11 : memref<80x128xf32, #tpu.memory_space<vmem>>)
      %scan3A_39 = arith.constant 0 : i32
      %scan3A_40 = arith.constant 0 : i32
      %scan3A_41 = arith.constant 80 : i32
      %scan3A_42 = arith.addi %scan3A_40, %scan3A_41 : i32
      %scan3A_43 = arith.constant 1 : i32
      %scan3A_44 = scf.for %scan3A_47 = %scan3A_40 to %scan3A_42 step %scan3A_43 iter_args(%scan3A_48 = %scan3A_39) -> (i32)  : i32 {
        %get3A = arith.index_cast %scan3A_47 : i32 to index
        %get3A_49 = arith.constant 0 : index
        %get3A_50 = tpu.vector_load %arg10[%get3A, %get3A_49] {strides = array<i32>} : memref<80x128xf32, #tpu.memory_space<vmem>>, vector<1x16xf32>,
        %get3A_51 = vector.shape_cast %get3A_50 : vector<1x16xf32> to vector<16xf32>
        %get3A_52 = arith.index_cast %scan3A_47 : i32 to index
        %get3A_53 = arith.constant 0 : index
        %get3A_54 = tpu.vector_load %arg11[%get3A_52, %get3A_53] {strides = array<i32>} : memref<80x128xf32, #tpu.memory_space<vmem>>, vector<1x16xf32>,
        %get3A_55 = vector.shape_cast %get3A_54 : vector<1x16xf32> to vector<16xf32>
        %add3A_56 = arith.addf %get3A_51, %get3A_55 : vector<16xf32>
        %max3A = arith.constant 0.000000e+00 : f32
        %max3A_57 = vector.broadcast %max3A : f32 to vector<16xf32>
        %max3A_58 = arith.maximumf %add3A_56, %max3A_57 : vector<16xf32>
        %swap3A = arith.index_cast %scan3A_47 : i32 to index
        %swap3A_59 = arith.constant 0 : index
        %swap3A_60 = tpu.vector_load %arg10[%swap3A, %swap3A_59] {strides = array<i32>} : memref<80x128xf32, #tpu.memory_space<vmem>>, vector<1x16xf32>,
        %swap3A_61 = vector.shape_cast %swap3A_60 : vector<1x16xf32> to vector<16xf32>
        %swap3A_62 = vector.shape_cast %max3A_58 : vector<16xf32> to vector<1x16xf32>
        tpu.vector_store %arg10[%swap3A, %swap3A_59], %swap3A_62 {strides = array<i32>} : memref<80x128xf32, #tpu.memory_space<vmem>>, vector<1x16xf32>,
        %get3A_63 = arith.index_cast %scan3A_47 : i32 to index
        %get3A_64 = arith.constant 16 : index
        %get3A_65 = tpu.vector_load %arg10[%get3A_63, %get3A_64] {strides = array<i32>} : memref<80x128xf32, #tpu.memory_space<vmem>>, vector<1x16xf32>,
        %get3A_66 = vector.shape_cast %get3A_65 : vector<1x16xf32> to vector<16xf32>
        %get3A_67 = arith.index_cast %scan3A_47 : i32 to index
        %get3A_68 = arith.constant 16 : index
        %get3A_69 = tpu.vector_load %arg11[%get3A_67, %get3A_68] {strides = array<i32>} : memref<80x128xf32, #tpu.memory_space<vmem>>, vector<1x16xf32>,
        %get3A_70 = vector.shape_cast %get3A_69 : vector<1x16xf32> to vector<16xf32>
        %add3A_71 = arith.addf %get3A_66, %get3A_70 : vector<16xf32>
        %max3A_72 = arith.constant 0.000000e+00 : f32
        %max3A_73 = vector.broadcast %max3A_72 : f32 to vector<16xf32>
        %max3A_74 = arith.maximumf %add3A_71, %max3A_73 : vector<16xf32>
        %swap3A_75 = arith.index_cast %scan3A_47 : i32 to index
        %swap3A_76 = arith.constant 16 : index
        %swap3A_77 = tpu.vector_load %arg10[%swap3A_75, %swap3A_76] {strides = array<i32>} : memref<80x128xf32, #tpu.memory_space<vmem>>, vector<1x16xf32>,
        %swap3A_78 = vector.shape_cast %swap3A_77 : vector<1x16xf32> to vector<16xf32>
        %swap3A_79 = vector.shape_cast %max3A_74 : vector<16xf32> to vector<1x16xf32>
        tpu.vector_store %arg10[%swap3A_75, %swap3A_76], %swap3A_79 {strides = array<i32>} : memref<80x128xf32, #tpu.memory_space<vmem>>, vector<1x16xf32>,
        %get3A_80 = arith.index_cast %scan3A_47 : i32 to index
        %get3A_81 = arith.constant 32 : index
        %get3A_82 = tpu.vector_load %arg10[%get3A_80, %get3A_81] {strides = array<i32>} : memref<80x128xf32, #tpu.memory_space<vmem>>, vector<1x16xf32>,
        %get3A_83 = vector.shape_cast %get3A_82 : vector<1x16xf32> to vector<16xf32>
        %get3A_84 = arith.index_cast %scan3A_47 : i32 to index
        %get3A_85 = arith.constant 32 : index
        %get3A_86 = tpu.vector_load %arg11[%get3A_84, %get3A_85] {strides = array<i32>} : memref<80x128xf32, #tpu.memory_space<vmem>>, vector<1x16xf32>,
        %get3A_87 = vector.shape_cast %get3A_86 : vector<1x16xf32> to vector<16xf32>
        %add3A_88 = arith.addf %get3A_83, %get3A_87 : vector<16xf32>
        %max3A_89 = arith.constant 0.000000e+00 : f32
        %max3A_90 = vector.broadcast %max3A_89 : f32 to vector<16xf32>
        %max3A_91 = arith.maximumf %add3A_88, %max3A_90 : vector<16xf32>
        %swap3A_92 = arith.index_cast %scan3A_47 : i32 to index
        %swap3A_93 = arith.constant 32 : index
        %swap3A_94 = tpu.vector_load %arg10[%swap3A_92, %swap3A_93] {strides = array<i32>} : memref<80x128xf32, #tpu.memory_space<vmem>>, vector<1x16xf32>,
        %swap3A_95 = vector.shape_cast %swap3A_94 : vector<1x16xf32> to vector<16xf32>
        %swap3A_96 = vector.shape_cast %max3A_91 : vector<16xf32> to vector<1x16xf32>
        tpu.vector_store %arg10[%swap3A_92, %swap3A_93], %swap3A_96 {strides = array<i32>} : memref<80x128xf32, #tpu.memory_space<vmem>>, vector<1x16xf32>,
        %get3A_97 = arith.index_cast %scan3A_47 : i32 to index
        %get3A_98 = arith.constant 48 : index
        %get3A_99 = tpu.vector_load %arg10[%get3A_97, %get3A_98] {strides = array<i32>} : memref<80x128xf32, #tpu.memory_space<vmem>>, vector<1x16xf32>,
        %get3A_100 = vector.shape_cast %get3A_99 : vector<1x16xf32> to vector<16xf32>
        %get3A_101 = arith.index_cast %scan3A_47 : i32 to index
        %get3A_102 = arith.constant 48 : index
        %get3A_103 = tpu.vector_load %arg11[%get3A_101, %get3A_102] {strides = array<i32>} : memref<80x128xf32, #tpu.memory_space<vmem>>, vector<1x16xf32>,
        %get3A_104 = vector.shape_cast %get3A_103 : vector<1x16xf32> to vector<16xf32>
        %add3A_105 = arith.addf %get3A_100, %get3A_104 : vector<16xf32>
        %max3A_106 = arith.constant 0.000000e+00 : f32
        %max3A_107 = vector.broadcast %max3A_106 : f32 to vector<16xf32>
        %max3A_108 = arith.maximumf %add3A_105, %max3A_107 : vector<16xf32>
        %swap3A_109 = arith.index_cast %scan3A_47 : i32 to index
        %swap3A_110 = arith.constant 48 : index
        %swap3A_111 = tpu.vector_load %arg10[%swap3A_109, %swap3A_110] {strides = array<i32>} : memref<80x128xf32, #tpu.memory_space<vmem>>, vector<1x16xf32>,
        %swap3A_112 = vector.shape_cast %swap3A_111 : vector<1x16xf32> to vector<16xf32>
        %swap3A_113 = vector.shape_cast %max3A_108 : vector<16xf32> to vector<1x16xf32>
        tpu.vector_store %arg10[%swap3A_109, %swap3A_110], %swap3A_113 {strides = array<i32>} : memref<80x128xf32, #tpu.memory_space<vmem>>, vector<1x16xf32>,
        %get3A_114 = arith.index_cast %scan3A_47 : i32 to index
        %get3A_115 = arith.constant 64 : index
        %get3A_116 = tpu.vector_load %arg10[%get3A_114, %get3A_115] {strides = array<i32>} : memref<80x128xf32, #tpu.memory_space<vmem>>, vector<1x16xf32>,
        %get3A_117 = vector.shape_cast %get3A_116 : vector<1x16xf32> to vector<16xf32>
        %get3A_118 = arith.index_cast %scan3A_47 : i32 to index
        %get3A_119 = arith.constant 64 : index
        %get3A_120 = tpu.vector_load %arg11[%get3A_118, %get3A_119] {strides = array<i32>} : memref<80x128xf32, #tpu.memory_space<vmem>>, vector<1x16xf32>,
        %get3A_121 = vector.shape_cast %get3A_120 : vector<1x16xf32> to vector<16xf32>
        %add3A_122 = arith.addf %get3A_117, %get3A_121 : vector<16xf32>
        %max3A_123 = arith.constant 0.000000e+00 : f32
        %max3A_124 = vector.broadcast %max3A_123 : f32 to vector<16xf32>
        %max3A_125 = arith.maximumf %add3A_122, %max3A_124 : vector<16xf32>
        %swap3A_126 = arith.index_cast %scan3A_47 : i32 to index
        %swap3A_127 = arith.constant 64 : index
        %swap3A_128 = tpu.vector_load %arg10[%swap3A_126, %swap3A_127] {strides = array<i32>} : memref<80x128xf32, #tpu.memory_space<vmem>>, vector<1x16xf32>,
        %swap3A_129 = vector.shape_cast %swap3A_128 : vector<1x16xf32> to vector<16xf32>
        %swap3A_130 = vector.shape_cast %max3A_125 : vector<16xf32> to vector<1x16xf32>
        tpu.vector_store %arg10[%swap3A_126, %swap3A_127], %swap3A_130 {strides = array<i32>} : memref<80x128xf32, #tpu.memory_space<vmem>>, vector<1x16xf32>,
        %get3A_131 = arith.index_cast %scan3A_47 : i32 to index
        %get3A_132 = arith.constant 80 : index
        %get3A_133 = tpu.vector_load %arg10[%get3A_131, %get3A_132] {strides = array<i32>} : memref<80x128xf32, #tpu.memory_space<vmem>>, vector<1x16xf32>,
        %get3A_134 = vector.shape_cast %get3A_133 : vector<1x16xf32> to vector<16xf32>
        %get3A_135 = arith.index_cast %scan3A_47 : i32 to index
        %get3A_136 = arith.constant 80 : index
        %get3A_137 = tpu.vector_load %arg11[%get3A_135, %get3A_136] {strides = array<i32>} : memref<80x128xf32, #tpu.memory_space<vmem>>, vector<1x16xf32>,
        %get3A_138 = vector.shape_cast %get3A_137 : vector<1x16xf32> to vector<16xf32>
        %add3A_139 = arith.addf %get3A_134, %get3A_138 : vector<16xf32>
        %max3A_140 = arith.constant 0.000000e+00 : f32
        %max3A_141 = vector.broadcast %max3A_140 : f32 to vector<16xf32>
        %max3A_142 = arith.maximumf %add3A_139, %max3A_141 : vector<16xf32>
        %swap3A_143 = arith.index_cast %scan3A_47 : i32 to index
        %swap3A_144 = arith.constant 80 : index
        %swap3A_145 = tpu.vector_load %arg10[%swap3A_143, %swap3A_144] {strides = array<i32>} : memref<80x128xf32, #tpu.memory_space<vmem>>, vector<1x16xf32>,
        %swap3A_146 = vector.shape_cast %swap3A_145 : vector<1x16xf32> to vector<16xf32>
        %swap3A_147 = vector.shape_cast %max3A_142 : vector<16xf32> to vector<1x16xf32>
        tpu.vector_store %arg10[%swap3A_143, %swap3A_144], %swap3A_147 {strides = array<i32>} : memref<80x128xf32, #tpu.memory_space<vmem>>, vector<1x16xf32>,
        %get3A_148 = arith.index_cast %scan3A_47 : i32 to index
        %get3A_149 = arith.constant 96 : index
        %get3A_150 = tpu.vector_load %arg10[%get3A_148, %get3A_149] {strides = array<i32>} : memref<80x128xf32, #tpu.memory_space<vmem>>, vector<1x16xf32>,
        %get3A_151 = vector.shape_cast %get3A_150 : vector<1x16xf32> to vector<16xf32>
        %get3A_152 = arith.index_cast %scan3A_47 : i32 to index
        %get3A_153 = arith.constant 96 : index
        %get3A_154 = tpu.vector_load %arg11[%get3A_152, %get3A_153] {strides = array<i32>} : memref<80x128xf32, #tpu.memory_space<vmem>>, vector<1x16xf32>,
        %get3A_155 = vector.shape_cast %get3A_154 : vector<1x16xf32> to vector<16xf32>
        %add3A_156 = arith.addf %get3A_151, %get3A_155 : vector<16xf32>
        %max3A_157 = arith.constant 0.000000e+00 : f32
        %max3A_158 = vector.broadcast %max3A_157 : f32 to vector<16xf32>
        %max3A_159 = arith.maximumf %add3A_156, %max3A_158 : vector<16xf32>
        %swap3A_160 = arith.index_cast %scan3A_47 : i32 to index
        %swap3A_161 = arith.constant 96 : index
        %swap3A_162 = tpu.vector_load %arg10[%swap3A_160, %swap3A_161] {strides = array<i32>} : memref<80x128xf32, #tpu.memory_space<vmem>>, vector<1x16xf32>,
        %swap3A_163 = vector.shape_cast %swap3A_162 : vector<1x16xf32> to vector<16xf32>
        %swap3A_164 = vector.shape_cast %max3A_159 : vector<16xf32> to vector<1x16xf32>
        tpu.vector_store %arg10[%swap3A_160, %swap3A_161], %swap3A_164 {strides = array<i32>} : memref<80x128xf32, #tpu.memory_space<vmem>>, vector<1x16xf32>,
        %get3A_165 = arith.index_cast %scan3A_47 : i32 to index
        %get3A_166 = arith.constant 112 : index
        %get3A_167 = tpu.vector_load %arg10[%get3A_165, %get3A_166] {strides = array<i32>} : memref<80x128xf32, #tpu.memory_space<vmem>>, vector<1x16xf32>,
        %get3A_168 = vector.shape_cast %get3A_167 : vector<1x16xf32> to vector<16xf32>
        %get3A_169 = arith.index_cast %scan3A_47 : i32 to index
        %get3A_170 = arith.constant 112 : index
        %get3A_171 = tpu.vector_load %arg11[%get3A_169, %get3A_170] {strides = array<i32>} : memref<80x128xf32, #tpu.memory_space<vmem>>, vector<1x16xf32>,
        %get3A_172 = vector.shape_cast %get3A_171 : vector<1x16xf32> to vector<16xf32>
        %add3A_173 = arith.addf %get3A_168, %get3A_172 : vector<16xf32>
        %max3A_174 = arith.constant 0.000000e+00 : f32
        %max3A_175 = vector.broadcast %max3A_174 : f32 to vector<16xf32>
        %max3A_176 = arith.maximumf %add3A_173, %max3A_175 : vector<16xf32>
        %swap3A_177 = arith.index_cast %scan3A_47 : i32 to index
        %swap3A_178 = arith.constant 112 : index
        %swap3A_179 = tpu.vector_load %arg10[%swap3A_177, %swap3A_178] {strides = array<i32>} : memref<80x128xf32, #tpu.memory_space<vmem>>, vector<1x16xf32>,
        %swap3A_180 = vector.shape_cast %swap3A_179 : vector<1x16xf32> to vector<16xf32>
        %swap3A_181 = vector.shape_cast %max3A_176 : vector<16xf32> to vector<1x16xf32>
        tpu.vector_store %arg10[%swap3A_177, %swap3A_178], %swap3A_181 {strides = array<i32>} : memref<80x128xf32, #tpu.memory_space<vmem>>, vector<1x16xf32>,
        %scan3A_182 = arith.constant 0 : i32
        scf.yield %scan3A_182 : i32
      }
      %scan3A_45 = arith.constant 80 : i32
      "tpu.region"() ({
        %run_scoped3A = tpu.sem_alloc : memref<!tpu.dma_semaphore, #tpu.memory_space<semaphore_mem>>
        %dma_start3A_47 = arith.constant 0 : i32
        %dma_start3A_48 = arith.constant 0 : i32
        %dma_start3A_49 = tpu.memref_slice %arg7[%dma_start3A_47, %dma_start3A_48] : memref<10240x128xf32, #tpu.memory_space<vmem_shared>> -> memref<10240x128xf32, #tpu.memory_space<vmem_shared>>
        tpu.enqueue_indirect_dma source(%arg10 : memref<80x128xf32, #tpu.memory_space<vmem>>) target(%dma_start3A_49 : memref<10240x128xf32, #tpu.memory_space<vmem_shared>>) offsets(%arg9 : memref<80xi32, #tpu.memory_space<vmem>>) semaphore(%run_scoped3A : memref<!tpu.dma_semaphore, #tpu.memory_space<semaphore_mem>>) {add = true}
        %dma_wait3A_50 = arith.constant 0 : i32
        %dma_wait3A_51 = arith.constant 0 : i32
        %dma_wait3A_52 = tpu.memref_slice %arg7[%dma_wait3A_50, %dma_wait3A_51] : memref<10240x128xf32, #tpu.memory_space<vmem_shared>> -> memref<10240x128xf32, #tpu.memory_space<vmem_shared>>
        tpu.wait_indirect_dma semaphore(%run_scoped3A : memref<!tpu.dma_semaphore, #tpu.memory_space<semaphore_mem>>) src(%arg10 : memref<80x128xf32, #tpu.memory_space<vmem>>) dst(%dma_wait3A_52 : memref<10240x128xf32, #tpu.memory_space<vmem_shared>>)
        tpu.yield
      }) : () -> ()
      %scan3A_46 = arith.constant 0 : i32
      scf.yield %scan3A_46 : i32
    }
    %scan3A_28 = arith.constant 125 : i32
    %barrier3A_29 = arith.constant 0 : index
    tpu.barrier barrier_id(%barrier3A_29)
    "tpu.region"() ({
      %run_scoped3A = tpu.sem_alloc : memref<!tpu.dma_semaphore, #tpu.memory_space<semaphore_mem>>
      %dma_start3A = arith.constant 0 : i32
      %dma_start3A_30 = tpu.memref_slice %arg6[%arg0, %mul3A_11, %dma_start3A] : memref<2x10240x128xf32, #tpu.memory_space<hbm>> -> memref<1x640x128xf32, #tpu.memory_space<hbm>>
      %dma_start3A_31 = tpu.memref_squeeze %dma_start3A_30 : memref<1x640x128xf32, #tpu.memory_space<hbm>> -> memref<640x128xf32, #tpu.memory_space<hbm>>
      %dma_start3A_32 = arith.constant 0 : i32
      %dma_start3A_33 = tpu.memref_slice %arg7[%mul3A_11, %dma_start3A_32] : memref<10240x128xf32, #tpu.memory_space<vmem_shared>> -> memref<640x128xf32, #tpu.memory_space<vmem_shared>>
      tpu.enqueue_dma source(%dma_start3A_33 : memref<640x128xf32, #tpu.memory_space<vmem_shared>>) target(%dma_start3A_31 : memref<640x128xf32, #tpu.memory_space<hbm>>) target_semaphore(%run_scoped3A : memref<!tpu.dma_semaphore, #tpu.memory_space<semaphore_mem>>)
      %dma_wait3A = arith.constant 0 : i32
      %dma_wait3A_34 = tpu.memref_slice %arg6[%arg0, %mul3A_11, %dma_wait3A] : memref<2x10240x128xf32, #tpu.memory_space<hbm>> -> memref<1x640x128xf32, #tpu.memory_space<hbm>>
      %dma_wait3A_35 = tpu.memref_squeeze %dma_wait3A_34 : memref<1x640x128xf32, #tpu.memory_space<hbm>> -> memref<640x128xf32, #tpu.memory_space<hbm>>
      %dma_wait3A_36 = arith.constant 0 : i32
      %dma_wait3A_37 = tpu.memref_slice %arg7[%mul3A_11, %dma_wait3A_36] : memref<10240x128xf32, #tpu.memory_space<vmem_shared>> -> memref<640x128xf32, #tpu.memory_space<vmem_shared>>
      tpu.wait_dma2 semaphore(%run_scoped3A : memref<!tpu.dma_semaphore, #tpu.memory_space<semaphore_mem>>) src(%dma_wait3A_37 : memref<640x128xf32, #tpu.memory_space<vmem_shared>>) dst(%dma_wait3A_35 : memref<640x128xf32, #tpu.memory_space<hbm>>)
      tpu.yield
    }) : () -> ()
    return
  }
}

#map = affine_map<(d0, d1) -> (0, 0)>
#map1 = affine_map<(d0, d1) -> (0)>
#map2 = affine_map<(d0, d1) -> (0, 0, 0)>
module attributes {stable_mosaic.version = 14 : i64} {
  func.func @sc_edge_stage(%arg0: i32, %arg1: i32, %arg2: memref<320000x128xf32, #tpu.memory_space<hbm>>, %arg3: memref<320000xi32, #tpu.memory_space<hbm>>, %arg4: memref<320000xi32, #tpu.memory_space<hbm>>, %arg5: memref<10000x128xf32, #tpu.memory_space<hbm>>, %arg6: memref<2x10240x128xf32, #tpu.memory_space<hbm>>, %arg7: memref<10240x128xf32, #tpu.memory_space<vmem_shared>>, %arg8: memref<80xi32, #tpu.memory_space<vmem>>, %arg9: memref<80xi32, #tpu.memory_space<vmem>>, %arg10: memref<80x128xf32, #tpu.memory_space<vmem>>, %arg11: memref<80x128xf32, #tpu.memory_space<vmem>>, %arg12: memref<128x128xf32, #tpu.memory_space<vmem>>, %arg13: memref<!tpu.dma_semaphore, #tpu.memory_space<semaphore_mem>>) attributes {dimension_semantics = [#tpu.dimension_semantics<core_parallel>, #tpu.dimension_semantics<subcore_parallel>], iteration_bounds = array<i64: 2, 16>, scalar_prefetch = 0 : i64, scratch_operands = 7 : i64, tpu.core_type = #tpu.core_type<sc_vector_subcore>, window_params = [{transform_indices = #map}, {transform_indices = #map1}, {transform_indices = #map1}, {transform_indices = #map}, {transform_indices = #map2}]} {
    %mul3A = arith.constant 16 : i32
    %mul3A_0 = arith.muli %arg0, %mul3A : i32
    %add3A = arith.addi %mul3A_0, %arg1 : i32
    %mul3A_1 = arith.constant 10000 : i32
    %mul3A_2 = arith.muli %add3A, %mul3A_1 : i32
    %broadcast_in_dim3A = arith.constant 0.000000e+00 : f32
    %broadcast_in_dim3A_3 = vector.broadcast %broadcast_in_dim3A : f32 to vector<16xf32>
    %scan3A = arith.constant 0 : i32
    %scan3A_4 = arith.constant 0 : i32
    %scan3A_5 = arith.constant 128 : i32
    %scan3A_6 = arith.addi %scan3A_4, %scan3A_5 : i32
    %scan3A_7 = arith.constant 1 : i32
    %scan3A_8 = scf.for %scan3A_30 = %scan3A_4 to %scan3A_6 step %scan3A_7 iter_args(%scan3A_31 = %scan3A) -> (i32)  : i32 {
      %swap3A = arith.index_cast %scan3A_30 : i32 to index
      %swap3A_32 = arith.constant 0 : index
      %swap3A_33 = tpu.vector_load %arg12[%swap3A, %swap3A_32] {strides = array<i32>} : memref<128x128xf32, #tpu.memory_space<vmem>>, vector<1x16xf32>,
      %swap3A_34 = vector.shape_cast %swap3A_33 : vector<1x16xf32> to vector<16xf32>
      %swap3A_35 = vector.shape_cast %broadcast_in_dim3A_3 : vector<16xf32> to vector<1x16xf32>
      tpu.vector_store %arg12[%swap3A, %swap3A_32], %swap3A_35 {strides = array<i32>} : memref<128x128xf32, #tpu.memory_space<vmem>>, vector<1x16xf32>,
      %swap3A_36 = arith.index_cast %scan3A_30 : i32 to index
      %swap3A_37 = arith.constant 16 : index
      %swap3A_38 = tpu.vector_load %arg12[%swap3A_36, %swap3A_37] {strides = array<i32>} : memref<128x128xf32, #tpu.memory_space<vmem>>, vector<1x16xf32>,
      %swap3A_39 = vector.shape_cast %swap3A_38 : vector<1x16xf32> to vector<16xf32>
      %swap3A_40 = vector.shape_cast %broadcast_in_dim3A_3 : vector<16xf32> to vector<1x16xf32>
      tpu.vector_store %arg12[%swap3A_36, %swap3A_37], %swap3A_40 {strides = array<i32>} : memref<128x128xf32, #tpu.memory_space<vmem>>, vector<1x16xf32>,
      %swap3A_41 = arith.index_cast %scan3A_30 : i32 to index
      %swap3A_42 = arith.constant 32 : index
      %swap3A_43 = tpu.vector_load %arg12[%swap3A_41, %swap3A_42] {strides = array<i32>} : memref<128x128xf32, #tpu.memory_space<vmem>>, vector<1x16xf32>,
      %swap3A_44 = vector.shape_cast %swap3A_43 : vector<1x16xf32> to vector<16xf32>
      %swap3A_45 = vector.shape_cast %broadcast_in_dim3A_3 : vector<16xf32> to vector<1x16xf32>
      tpu.vector_store %arg12[%swap3A_41, %swap3A_42], %swap3A_45 {strides = array<i32>} : memref<128x128xf32, #tpu.memory_space<vmem>>, vector<1x16xf32>,
      %swap3A_46 = arith.index_cast %scan3A_30 : i32 to index
      %swap3A_47 = arith.constant 48 : index
      %swap3A_48 = tpu.vector_load %arg12[%swap3A_46, %swap3A_47] {strides = array<i32>} : memref<128x128xf32, #tpu.memory_space<vmem>>, vector<1x16xf32>,
      %swap3A_49 = vector.shape_cast %swap3A_48 : vector<1x16xf32> to vector<16xf32>
      %swap3A_50 = vector.shape_cast %broadcast_in_dim3A_3 : vector<16xf32> to vector<1x16xf32>
      tpu.vector_store %arg12[%swap3A_46, %swap3A_47], %swap3A_50 {strides = array<i32>} : memref<128x128xf32, #tpu.memory_space<vmem>>, vector<1x16xf32>,
      %swap3A_51 = arith.index_cast %scan3A_30 : i32 to index
      %swap3A_52 = arith.constant 64 : index
      %swap3A_53 = tpu.vector_load %arg12[%swap3A_51, %swap3A_52] {strides = array<i32>} : memref<128x128xf32, #tpu.memory_space<vmem>>, vector<1x16xf32>,
      %swap3A_54 = vector.shape_cast %swap3A_53 : vector<1x16xf32> to vector<16xf32>
      %swap3A_55 = vector.shape_cast %broadcast_in_dim3A_3 : vector<16xf32> to vector<1x16xf32>
      tpu.vector_store %arg12[%swap3A_51, %swap3A_52], %swap3A_55 {strides = array<i32>} : memref<128x128xf32, #tpu.memory_space<vmem>>, vector<1x16xf32>,
      %swap3A_56 = arith.index_cast %scan3A_30 : i32 to index
      %swap3A_57 = arith.constant 80 : index
      %swap3A_58 = tpu.vector_load %arg12[%swap3A_56, %swap3A_57] {strides = array<i32>} : memref<128x128xf32, #tpu.memory_space<vmem>>, vector<1x16xf32>,
      %swap3A_59 = vector.shape_cast %swap3A_58 : vector<1x16xf32> to vector<16xf32>
      %swap3A_60 = vector.shape_cast %broadcast_in_dim3A_3 : vector<16xf32> to vector<1x16xf32>
      tpu.vector_store %arg12[%swap3A_56, %swap3A_57], %swap3A_60 {strides = array<i32>} : memref<128x128xf32, #tpu.memory_space<vmem>>, vector<1x16xf32>,
      %swap3A_61 = arith.index_cast %scan3A_30 : i32 to index
      %swap3A_62 = arith.constant 96 : index
      %swap3A_63 = tpu.vector_load %arg12[%swap3A_61, %swap3A_62] {strides = array<i32>} : memref<128x128xf32, #tpu.memory_space<vmem>>, vector<1x16xf32>,
      %swap3A_64 = vector.shape_cast %swap3A_63 : vector<1x16xf32> to vector<16xf32>
      %swap3A_65 = vector.shape_cast %broadcast_in_dim3A_3 : vector<16xf32> to vector<1x16xf32>
      tpu.vector_store %arg12[%swap3A_61, %swap3A_62], %swap3A_65 {strides = array<i32>} : memref<128x128xf32, #tpu.memory_space<vmem>>, vector<1x16xf32>,
      %swap3A_66 = arith.index_cast %scan3A_30 : i32 to index
      %swap3A_67 = arith.constant 112 : index
      %swap3A_68 = tpu.vector_load %arg12[%swap3A_66, %swap3A_67] {strides = array<i32>} : memref<128x128xf32, #tpu.memory_space<vmem>>, vector<1x16xf32>,
      %swap3A_69 = vector.shape_cast %swap3A_68 : vector<1x16xf32> to vector<16xf32>
      %swap3A_70 = vector.shape_cast %broadcast_in_dim3A_3 : vector<16xf32> to vector<1x16xf32>
      tpu.vector_store %arg12[%swap3A_66, %swap3A_67], %swap3A_70 {strides = array<i32>} : memref<128x128xf32, #tpu.memory_space<vmem>>, vector<1x16xf32>,
      %scan3A_71 = arith.constant 0 : i32
      scf.yield %scan3A_71 : i32
    }
    %scan3A_9 = arith.constant 128 : i32
    %mul3A_10 = arith.constant 640 : i32
    %mul3A_11 = arith.muli %arg1, %mul3A_10 : i32
    %add3A_12 = arith.constant 0 : i32
    %add3A_13 = arith.addi %mul3A_11, %add3A_12 : i32
    "tpu.region"() ({
      %run_scoped3A = tpu.sem_alloc : memref<!tpu.dma_semaphore, #tpu.memory_space<semaphore_mem>>
      %dma_start3A = arith.constant 0 : i32
      %dma_start3A_30 = tpu.memref_slice %arg7[%add3A_13, %dma_start3A] : memref<10240x128xf32, #tpu.memory_space<vmem_shared>> -> memref<128x128xf32, #tpu.memory_space<vmem_shared>>
      %dma_start3A_31 = arith.constant 0 : i32
      %dma_start3A_32 = tpu.memref_slice %arg7[%add3A_13, %dma_start3A_31] : memref<10240x128xf32, #tpu.memory_space<vmem_shared>> -> memref<128x128xf32, #tpu.memory_space<vmem_shared>>
      tpu.enqueue_dma source(%arg12 : memref<128x128xf32, #tpu.memory_space<vmem>>) target(%dma_start3A_32 : memref<128x128xf32, #tpu.memory_space<vmem_shared>>) target_semaphore(%run_scoped3A : memref<!tpu.dma_semaphore, #tpu.memory_space<semaphore_mem>>)
      %dma_wait3A = arith.constant 0 : i32
      %dma_wait3A_33 = tpu.memref_slice %arg7[%add3A_13, %dma_wait3A] : memref<10240x128xf32, #tpu.memory_space<vmem_shared>> -> memref<128x128xf32, #tpu.memory_space<vmem_shared>>
      %dma_wait3A_34 = arith.constant 0 : i32
      %dma_wait3A_35 = tpu.memref_slice %arg7[%add3A_13, %dma_wait3A_34] : memref<10240x128xf32, #tpu.memory_space<vmem_shared>> -> memref<128x128xf32, #tpu.memory_space<vmem_shared>>
      tpu.wait_dma2 semaphore(%run_scoped3A : memref<!tpu.dma_semaphore, #tpu.memory_space<semaphore_mem>>) src(%arg12 : memref<128x128xf32, #tpu.memory_space<vmem>>) dst(%dma_wait3A_35 : memref<128x128xf32, #tpu.memory_space<vmem_shared>>)
      tpu.yield
    }) : () -> ()
    %add3A_14 = arith.constant 128 : i32
    %add3A_15 = arith.addi %mul3A_11, %add3A_14 : i32
    "tpu.region"() ({
      %run_scoped3A = tpu.sem_alloc : memref<!tpu.dma_semaphore, #tpu.memory_space<semaphore_mem>>
      %dma_start3A = arith.constant 0 : i32
      %dma_start3A_30 = tpu.memref_slice %arg7[%add3A_15, %dma_start3A] : memref<10240x128xf32, #tpu.memory_space<vmem_shared>> -> memref<128x128xf32, #tpu.memory_space<vmem_shared>>
      %dma_start3A_31 = arith.constant 0 : i32
      %dma_start3A_32 = tpu.memref_slice %arg7[%add3A_15, %dma_start3A_31] : memref<10240x128xf32, #tpu.memory_space<vmem_shared>> -> memref<128x128xf32, #tpu.memory_space<vmem_shared>>
      tpu.enqueue_dma source(%arg12 : memref<128x128xf32, #tpu.memory_space<vmem>>) target(%dma_start3A_32 : memref<128x128xf32, #tpu.memory_space<vmem_shared>>) target_semaphore(%run_scoped3A : memref<!tpu.dma_semaphore, #tpu.memory_space<semaphore_mem>>)
      %dma_wait3A = arith.constant 0 : i32
      %dma_wait3A_33 = tpu.memref_slice %arg7[%add3A_15, %dma_wait3A] : memref<10240x128xf32, #tpu.memory_space<vmem_shared>> -> memref<128x128xf32, #tpu.memory_space<vmem_shared>>
      %dma_wait3A_34 = arith.constant 0 : i32
      %dma_wait3A_35 = tpu.memref_slice %arg7[%add3A_15, %dma_wait3A_34] : memref<10240x128xf32, #tpu.memory_space<vmem_shared>> -> memref<128x128xf32, #tpu.memory_space<vmem_shared>>
      tpu.wait_dma2 semaphore(%run_scoped3A : memref<!tpu.dma_semaphore, #tpu.memory_space<semaphore_mem>>) src(%arg12 : memref<128x128xf32, #tpu.memory_space<vmem>>) dst(%dma_wait3A_35 : memref<128x128xf32, #tpu.memory_space<vmem_shared>>)
      tpu.yield
    }) : () -> ()
    %add3A_16 = arith.constant 256 : i32
    %add3A_17 = arith.addi %mul3A_11, %add3A_16 : i32
    "tpu.region"() ({
      %run_scoped3A = tpu.sem_alloc : memref<!tpu.dma_semaphore, #tpu.memory_space<semaphore_mem>>
      %dma_start3A = arith.constant 0 : i32
      %dma_start3A_30 = tpu.memref_slice %arg7[%add3A_17, %dma_start3A] : memref<10240x128xf32, #tpu.memory_space<vmem_shared>> -> memref<128x128xf32, #tpu.memory_space<vmem_shared>>
      %dma_start3A_31 = arith.constant 0 : i32
      %dma_start3A_32 = tpu.memref_slice %arg7[%add3A_17, %dma_start3A_31] : memref<10240x128xf32, #tpu.memory_space<vmem_shared>> -> memref<128x128xf32, #tpu.memory_space<vmem_shared>>
      tpu.enqueue_dma source(%arg12 : memref<128x128xf32, #tpu.memory_space<vmem>>) target(%dma_start3A_32 : memref<128x128xf32, #tpu.memory_space<vmem_shared>>) target_semaphore(%run_scoped3A : memref<!tpu.dma_semaphore, #tpu.memory_space<semaphore_mem>>)
      %dma_wait3A = arith.constant 0 : i32
      %dma_wait3A_33 = tpu.memref_slice %arg7[%add3A_17, %dma_wait3A] : memref<10240x128xf32, #tpu.memory_space<vmem_shared>> -> memref<128x128xf32, #tpu.memory_space<vmem_shared>>
      %dma_wait3A_34 = arith.constant 0 : i32
      %dma_wait3A_35 = tpu.memref_slice %arg7[%add3A_17, %dma_wait3A_34] : memref<10240x128xf32, #tpu.memory_space<vmem_shared>> -> memref<128x128xf32, #tpu.memory_space<vmem_shared>>
      tpu.wait_dma2 semaphore(%run_scoped3A : memref<!tpu.dma_semaphore, #tpu.memory_space<semaphore_mem>>) src(%arg12 : memref<128x128xf32, #tpu.memory_space<vmem>>) dst(%dma_wait3A_35 : memref<128x128xf32, #tpu.memory_space<vmem_shared>>)
      tpu.yield
    }) : () -> ()
    %add3A_18 = arith.constant 384 : i32
    %add3A_19 = arith.addi %mul3A_11, %add3A_18 : i32
    "tpu.region"() ({
      %run_scoped3A = tpu.sem_alloc : memref<!tpu.dma_semaphore, #tpu.memory_space<semaphore_mem>>
      %dma_start3A = arith.constant 0 : i32
      %dma_start3A_30 = tpu.memref_slice %arg7[%add3A_19, %dma_start3A] : memref<10240x128xf32, #tpu.memory_space<vmem_shared>> -> memref<128x128xf32, #tpu.memory_space<vmem_shared>>
      %dma_start3A_31 = arith.constant 0 : i32
      %dma_start3A_32 = tpu.memref_slice %arg7[%add3A_19, %dma_start3A_31] : memref<10240x128xf32, #tpu.memory_space<vmem_shared>> -> memref<128x128xf32, #tpu.memory_space<vmem_shared>>
      tpu.enqueue_dma source(%arg12 : memref<128x128xf32, #tpu.memory_space<vmem>>) target(%dma_start3A_32 : memref<128x128xf32, #tpu.memory_space<vmem_shared>>) target_semaphore(%run_scoped3A : memref<!tpu.dma_semaphore, #tpu.memory_space<semaphore_mem>>)
      %dma_wait3A = arith.constant 0 : i32
      %dma_wait3A_33 = tpu.memref_slice %arg7[%add3A_19, %dma_wait3A] : memref<10240x128xf32, #tpu.memory_space<vmem_shared>> -> memref<128x128xf32, #tpu.memory_space<vmem_shared>>
      %dma_wait3A_34 = arith.constant 0 : i32
      %dma_wait3A_35 = tpu.memref_slice %arg7[%add3A_19, %dma_wait3A_34] : memref<10240x128xf32, #tpu.memory_space<vmem_shared>> -> memref<128x128xf32, #tpu.memory_space<vmem_shared>>
      tpu.wait_dma2 semaphore(%run_scoped3A : memref<!tpu.dma_semaphore, #tpu.memory_space<semaphore_mem>>) src(%arg12 : memref<128x128xf32, #tpu.memory_space<vmem>>) dst(%dma_wait3A_35 : memref<128x128xf32, #tpu.memory_space<vmem_shared>>)
      tpu.yield
    }) : () -> ()
    %add3A_20 = arith.constant 512 : i32
    %add3A_21 = arith.addi %mul3A_11, %add3A_20 : i32
    "tpu.region"() ({
      %run_scoped3A = tpu.sem_alloc : memref<!tpu.dma_semaphore, #tpu.memory_space<semaphore_mem>>
      %dma_start3A = arith.constant 0 : i32
      %dma_start3A_30 = tpu.memref_slice %arg7[%add3A_21, %dma_start3A] : memref<10240x128xf32, #tpu.memory_space<vmem_shared>> -> memref<128x128xf32, #tpu.memory_space<vmem_shared>>
      %dma_start3A_31 = arith.constant 0 : i32
      %dma_start3A_32 = tpu.memref_slice %arg7[%add3A_21, %dma_start3A_31] : memref<10240x128xf32, #tpu.memory_space<vmem_shared>> -> memref<128x128xf32, #tpu.memory_space<vmem_shared>>
      tpu.enqueue_dma source(%arg12 : memref<128x128xf32, #tpu.memory_space<vmem>>) target(%dma_start3A_32 : memref<128x128xf32, #tpu.memory_space<vmem_shared>>) target_semaphore(%run_scoped3A : memref<!tpu.dma_semaphore, #tpu.memory_space<semaphore_mem>>)
      %dma_wait3A = arith.constant 0 : i32
      %dma_wait3A_33 = tpu.memref_slice %arg7[%add3A_21, %dma_wait3A] : memref<10240x128xf32, #tpu.memory_space<vmem_shared>> -> memref<128x128xf32, #tpu.memory_space<vmem_shared>>
      %dma_wait3A_34 = arith.constant 0 : i32
      %dma_wait3A_35 = tpu.memref_slice %arg7[%add3A_21, %dma_wait3A_34] : memref<10240x128xf32, #tpu.memory_space<vmem_shared>> -> memref<128x128xf32, #tpu.memory_space<vmem_shared>>
      tpu.wait_dma2 semaphore(%run_scoped3A : memref<!tpu.dma_semaphore, #tpu.memory_space<semaphore_mem>>) src(%arg12 : memref<128x128xf32, #tpu.memory_space<vmem>>) dst(%dma_wait3A_35 : memref<128x128xf32, #tpu.memory_space<vmem_shared>>)
      tpu.yield
    }) : () -> ()
    %barrier3A = arith.constant 0 : index
    tpu.barrier barrier_id(%barrier3A)
    %scan3A_22 = arith.constant 0 : i32
    %scan3A_23 = arith.constant 0 : i32
    %scan3A_24 = arith.constant 125 : i32
    %scan3A_25 = arith.addi %scan3A_23, %scan3A_24 : i32
    %scan3A_26 = arith.constant 1 : i32
    %scan3A_27 = scf.for %scan3A_30 = %scan3A_23 to %scan3A_25 step %scan3A_26 iter_args(%scan3A_31 = %scan3A_22) -> (i32)  : i32 {
      %mul3A_32 = arith.constant 80 : i32
      %mul3A_33 = arith.muli %scan3A_30, %mul3A_32 : i32
      %add3A_34 = arith.addi %mul3A_2, %mul3A_33 : i32
      "tpu.region"() ({
        %run_scoped3A = tpu.sem_alloc : memref<!tpu.dma_semaphore, #tpu.memory_space<semaphore_mem>>
        %dma_start3A_47 = tpu.memref_slice %arg3[%add3A_34] : memref<320000xi32, #tpu.memory_space<hbm>> -> memref<80xi32, #tpu.memory_space<hbm>>
        %dma_start3A_48 = tpu.memref_slice %arg3[%add3A_34] : memref<320000xi32, #tpu.memory_space<hbm>> -> memref<80xi32, #tpu.memory_space<hbm>>
        tpu.enqueue_dma source(%dma_start3A_48 : memref<80xi32, #tpu.memory_space<hbm>>) target(%arg8 : memref<80xi32, #tpu.memory_space<vmem>>) target_semaphore(%run_scoped3A : memref<!tpu.dma_semaphore, #tpu.memory_space<semaphore_mem>>)
        %dma_wait3A_49 = tpu.memref_slice %arg3[%add3A_34] : memref<320000xi32, #tpu.memory_space<hbm>> -> memref<80xi32, #tpu.memory_space<hbm>>
        %dma_wait3A_50 = tpu.memref_slice %arg3[%add3A_34] : memref<320000xi32, #tpu.memory_space<hbm>> -> memref<80xi32, #tpu.memory_space<hbm>>
        tpu.wait_dma2 semaphore(%run_scoped3A : memref<!tpu.dma_semaphore, #tpu.memory_space<semaphore_mem>>) src(%dma_wait3A_50 : memref<80xi32, #tpu.memory_space<hbm>>) dst(%arg8 : memref<80xi32, #tpu.memory_space<vmem>>)
        tpu.yield
      }) : () -> ()
      "tpu.region"() ({
        %run_scoped3A = tpu.sem_alloc : memref<!tpu.dma_semaphore, #tpu.memory_space<semaphore_mem>>
        %dma_start3A_47 = tpu.memref_slice %arg4[%add3A_34] : memref<320000xi32, #tpu.memory_space<hbm>> -> memref<80xi32, #tpu.memory_space<hbm>>
        %dma_start3A_48 = tpu.memref_slice %arg4[%add3A_34] : memref<320000xi32, #tpu.memory_space<hbm>> -> memref<80xi32, #tpu.memory_space<hbm>>
        tpu.enqueue_dma source(%dma_start3A_48 : memref<80xi32, #tpu.memory_space<hbm>>) target(%arg9 : memref<80xi32, #tpu.memory_space<vmem>>) target_semaphore(%run_scoped3A : memref<!tpu.dma_semaphore, #tpu.memory_space<semaphore_mem>>)
        %dma_wait3A_49 = tpu.memref_slice %arg4[%add3A_34] : memref<320000xi32, #tpu.memory_space<hbm>> -> memref<80xi32, #tpu.memory_space<hbm>>
        %dma_wait3A_50 = tpu.memref_slice %arg4[%add3A_34] : memref<320000xi32, #tpu.memory_space<hbm>> -> memref<80xi32, #tpu.memory_space<hbm>>
        tpu.wait_dma2 semaphore(%run_scoped3A : memref<!tpu.dma_semaphore, #tpu.memory_space<semaphore_mem>>) src(%dma_wait3A_50 : memref<80xi32, #tpu.memory_space<hbm>>) dst(%arg9 : memref<80xi32, #tpu.memory_space<vmem>>)
        tpu.yield
      }) : () -> ()
      "tpu.region"() ({
        %run_scoped3A = tpu.sem_alloc : memref<!tpu.dma_semaphore, #tpu.memory_space<semaphore_mem>>
        %dma_start3A_47 = arith.constant 0 : i32
        %dma_start3A_48 = tpu.memref_slice %arg2[%add3A_34, %dma_start3A_47] : memref<320000x128xf32, #tpu.memory_space<hbm>> -> memref<80x128xf32, #tpu.memory_space<hbm>>
        %dma_start3A_49 = arith.constant 0 : i32
        %dma_start3A_50 = tpu.memref_slice %arg2[%add3A_34, %dma_start3A_49] : memref<320000x128xf32, #tpu.memory_space<hbm>> -> memref<80x128xf32, #tpu.memory_space<hbm>>
        tpu.enqueue_dma source(%dma_start3A_50 : memref<80x128xf32, #tpu.memory_space<hbm>>) target(%arg10 : memref<80x128xf32, #tpu.memory_space<vmem>>) target_semaphore(%run_scoped3A : memref<!tpu.dma_semaphore, #tpu.memory_space<semaphore_mem>>)
        %dma_wait3A_51 = arith.constant 0 : i32
        %dma_wait3A_52 = tpu.memref_slice %arg2[%add3A_34, %dma_wait3A_51] : memref<320000x128xf32, #tpu.memory_space<hbm>> -> memref<80x128xf32, #tpu.memory_space<hbm>>
        %dma_wait3A_53 = arith.constant 0 : i32
        %dma_wait3A_54 = tpu.memref_slice %arg2[%add3A_34, %dma_wait3A_53] : memref<320000x128xf32, #tpu.memory_space<hbm>> -> memref<80x128xf32, #tpu.memory_space<hbm>>
        tpu.wait_dma2 semaphore(%run_scoped3A : memref<!tpu.dma_semaphore, #tpu.memory_space<semaphore_mem>>) src(%dma_wait3A_54 : memref<80x128xf32, #tpu.memory_space<hbm>>) dst(%arg10 : memref<80x128xf32, #tpu.memory_space<vmem>>)
        tpu.yield
      }) : () -> ()
      %dma_start3A = arith.constant 0 : i32
      %dma_start3A_35 = arith.constant 0 : i32
      %dma_start3A_36 = tpu.memref_slice %arg5[%dma_start3A, %dma_start3A_35] : memref<10000x128xf32, #tpu.memory_space<hbm>> -> memref<10000x128xf32, #tpu.memory_space<hbm>>
      tpu.enqueue_indirect_dma source(%dma_start3A_36 : memref<10000x128xf32, #tpu.memory_space<hbm>>) target(%arg11 : memref<80x128xf32, #tpu.memory_space<vmem>>) offsets(%arg8 : memref<80xi32, #tpu.memory_space<vmem>>) semaphore(%arg13 : memref<!tpu.dma_semaphore, #tpu.memory_space<semaphore_mem>>)
      %dma_wait3A = arith.constant 0 : i32
      %dma_wait3A_37 = arith.constant 0 : i32
      %dma_wait3A_38 = tpu.memref_slice %arg5[%dma_wait3A, %dma_wait3A_37] : memref<10000x128xf32, #tpu.memory_space<hbm>> -> memref<10000x128xf32, #tpu.memory_space<hbm>>
      tpu.wait_indirect_dma semaphore(%arg13 : memref<!tpu.dma_semaphore, #tpu.memory_space<semaphore_mem>>) src(%dma_wait3A_38 : memref<10000x128xf32, #tpu.memory_space<hbm>>) dst(%arg11 : memref<80x128xf32, #tpu.memory_space<vmem>>)
      %scan3A_39 = arith.constant 0 : i32
      %scan3A_40 = arith.constant 0 : i32
      %scan3A_41 = arith.constant 80 : i32
      %scan3A_42 = arith.addi %scan3A_40, %scan3A_41 : i32
      %scan3A_43 = arith.constant 1 : i32
      %scan3A_44 = scf.for %scan3A_47 = %scan3A_40 to %scan3A_42 step %scan3A_43 iter_args(%scan3A_48 = %scan3A_39) -> (i32)  : i32 {
        %get3A = arith.index_cast %scan3A_47 : i32 to index
        %get3A_49 = arith.constant 0 : index
        %get3A_50 = tpu.vector_load %arg10[%get3A, %get3A_49] {strides = array<i32>} : memref<80x128xf32, #tpu.memory_space<vmem>>, vector<1x16xf32>,
        %get3A_51 = vector.shape_cast %get3A_50 : vector<1x16xf32> to vector<16xf32>
        %get3A_52 = arith.index_cast %scan3A_47 : i32 to index
        %get3A_53 = arith.constant 0 : index
        %get3A_54 = tpu.vector_load %arg11[%get3A_52, %get3A_53] {strides = array<i32>} : memref<80x128xf32, #tpu.memory_space<vmem>>, vector<1x16xf32>,
        %get3A_55 = vector.shape_cast %get3A_54 : vector<1x16xf32> to vector<16xf32>
        %add3A_56 = arith.addf %get3A_51, %get3A_55 : vector<16xf32>
        %max3A = arith.constant 0.000000e+00 : f32
        %max3A_57 = vector.broadcast %max3A : f32 to vector<16xf32>
        %max3A_58 = arith.maximumf %add3A_56, %max3A_57 : vector<16xf32>
        %swap3A = arith.index_cast %scan3A_47 : i32 to index
        %swap3A_59 = arith.constant 0 : index
        %swap3A_60 = tpu.vector_load %arg10[%swap3A, %swap3A_59] {strides = array<i32>} : memref<80x128xf32, #tpu.memory_space<vmem>>, vector<1x16xf32>,
        %swap3A_61 = vector.shape_cast %swap3A_60 : vector<1x16xf32> to vector<16xf32>
        %swap3A_62 = vector.shape_cast %max3A_58 : vector<16xf32> to vector<1x16xf32>
        tpu.vector_store %arg10[%swap3A, %swap3A_59], %swap3A_62 {strides = array<i32>} : memref<80x128xf32, #tpu.memory_space<vmem>>, vector<1x16xf32>,
        %get3A_63 = arith.index_cast %scan3A_47 : i32 to index
        %get3A_64 = arith.constant 16 : index
        %get3A_65 = tpu.vector_load %arg10[%get3A_63, %get3A_64] {strides = array<i32>} : memref<80x128xf32, #tpu.memory_space<vmem>>, vector<1x16xf32>,
        %get3A_66 = vector.shape_cast %get3A_65 : vector<1x16xf32> to vector<16xf32>
        %get3A_67 = arith.index_cast %scan3A_47 : i32 to index
        %get3A_68 = arith.constant 16 : index
        %get3A_69 = tpu.vector_load %arg11[%get3A_67, %get3A_68] {strides = array<i32>} : memref<80x128xf32, #tpu.memory_space<vmem>>, vector<1x16xf32>,
        %get3A_70 = vector.shape_cast %get3A_69 : vector<1x16xf32> to vector<16xf32>
        %add3A_71 = arith.addf %get3A_66, %get3A_70 : vector<16xf32>
        %max3A_72 = arith.constant 0.000000e+00 : f32
        %max3A_73 = vector.broadcast %max3A_72 : f32 to vector<16xf32>
        %max3A_74 = arith.maximumf %add3A_71, %max3A_73 : vector<16xf32>
        %swap3A_75 = arith.index_cast %scan3A_47 : i32 to index
        %swap3A_76 = arith.constant 16 : index
        %swap3A_77 = tpu.vector_load %arg10[%swap3A_75, %swap3A_76] {strides = array<i32>} : memref<80x128xf32, #tpu.memory_space<vmem>>, vector<1x16xf32>,
        %swap3A_78 = vector.shape_cast %swap3A_77 : vector<1x16xf32> to vector<16xf32>
        %swap3A_79 = vector.shape_cast %max3A_74 : vector<16xf32> to vector<1x16xf32>
        tpu.vector_store %arg10[%swap3A_75, %swap3A_76], %swap3A_79 {strides = array<i32>} : memref<80x128xf32, #tpu.memory_space<vmem>>, vector<1x16xf32>,
        %get3A_80 = arith.index_cast %scan3A_47 : i32 to index
        %get3A_81 = arith.constant 32 : index
        %get3A_82 = tpu.vector_load %arg10[%get3A_80, %get3A_81] {strides = array<i32>} : memref<80x128xf32, #tpu.memory_space<vmem>>, vector<1x16xf32>,
        %get3A_83 = vector.shape_cast %get3A_82 : vector<1x16xf32> to vector<16xf32>
        %get3A_84 = arith.index_cast %scan3A_47 : i32 to index
        %get3A_85 = arith.constant 32 : index
        %get3A_86 = tpu.vector_load %arg11[%get3A_84, %get3A_85] {strides = array<i32>} : memref<80x128xf32, #tpu.memory_space<vmem>>, vector<1x16xf32>,
        %get3A_87 = vector.shape_cast %get3A_86 : vector<1x16xf32> to vector<16xf32>
        %add3A_88 = arith.addf %get3A_83, %get3A_87 : vector<16xf32>
        %max3A_89 = arith.constant 0.000000e+00 : f32
        %max3A_90 = vector.broadcast %max3A_89 : f32 to vector<16xf32>
        %max3A_91 = arith.maximumf %add3A_88, %max3A_90 : vector<16xf32>
        %swap3A_92 = arith.index_cast %scan3A_47 : i32 to index
        %swap3A_93 = arith.constant 32 : index
        %swap3A_94 = tpu.vector_load %arg10[%swap3A_92, %swap3A_93] {strides = array<i32>} : memref<80x128xf32, #tpu.memory_space<vmem>>, vector<1x16xf32>,
        %swap3A_95 = vector.shape_cast %swap3A_94 : vector<1x16xf32> to vector<16xf32>
        %swap3A_96 = vector.shape_cast %max3A_91 : vector<16xf32> to vector<1x16xf32>
        tpu.vector_store %arg10[%swap3A_92, %swap3A_93], %swap3A_96 {strides = array<i32>} : memref<80x128xf32, #tpu.memory_space<vmem>>, vector<1x16xf32>,
        %get3A_97 = arith.index_cast %scan3A_47 : i32 to index
        %get3A_98 = arith.constant 48 : index
        %get3A_99 = tpu.vector_load %arg10[%get3A_97, %get3A_98] {strides = array<i32>} : memref<80x128xf32, #tpu.memory_space<vmem>>, vector<1x16xf32>,
        %get3A_100 = vector.shape_cast %get3A_99 : vector<1x16xf32> to vector<16xf32>
        %get3A_101 = arith.index_cast %scan3A_47 : i32 to index
        %get3A_102 = arith.constant 48 : index
        %get3A_103 = tpu.vector_load %arg11[%get3A_101, %get3A_102] {strides = array<i32>} : memref<80x128xf32, #tpu.memory_space<vmem>>, vector<1x16xf32>,
        %get3A_104 = vector.shape_cast %get3A_103 : vector<1x16xf32> to vector<16xf32>
        %add3A_105 = arith.addf %get3A_100, %get3A_104 : vector<16xf32>
        %max3A_106 = arith.constant 0.000000e+00 : f32
        %max3A_107 = vector.broadcast %max3A_106 : f32 to vector<16xf32>
        %max3A_108 = arith.maximumf %add3A_105, %max3A_107 : vector<16xf32>
        %swap3A_109 = arith.index_cast %scan3A_47 : i32 to index
        %swap3A_110 = arith.constant 48 : index
        %swap3A_111 = tpu.vector_load %arg10[%swap3A_109, %swap3A_110] {strides = array<i32>} : memref<80x128xf32, #tpu.memory_space<vmem>>, vector<1x16xf32>,
        %swap3A_112 = vector.shape_cast %swap3A_111 : vector<1x16xf32> to vector<16xf32>
        %swap3A_113 = vector.shape_cast %max3A_108 : vector<16xf32> to vector<1x16xf32>
        tpu.vector_store %arg10[%swap3A_109, %swap3A_110], %swap3A_113 {strides = array<i32>} : memref<80x128xf32, #tpu.memory_space<vmem>>, vector<1x16xf32>,
        %get3A_114 = arith.index_cast %scan3A_47 : i32 to index
        %get3A_115 = arith.constant 64 : index
        %get3A_116 = tpu.vector_load %arg10[%get3A_114, %get3A_115] {strides = array<i32>} : memref<80x128xf32, #tpu.memory_space<vmem>>, vector<1x16xf32>,
        %get3A_117 = vector.shape_cast %get3A_116 : vector<1x16xf32> to vector<16xf32>
        %get3A_118 = arith.index_cast %scan3A_47 : i32 to index
        %get3A_119 = arith.constant 64 : index
        %get3A_120 = tpu.vector_load %arg11[%get3A_118, %get3A_119] {strides = array<i32>} : memref<80x128xf32, #tpu.memory_space<vmem>>, vector<1x16xf32>,
        %get3A_121 = vector.shape_cast %get3A_120 : vector<1x16xf32> to vector<16xf32>
        %add3A_122 = arith.addf %get3A_117, %get3A_121 : vector<16xf32>
        %max3A_123 = arith.constant 0.000000e+00 : f32
        %max3A_124 = vector.broadcast %max3A_123 : f32 to vector<16xf32>
        %max3A_125 = arith.maximumf %add3A_122, %max3A_124 : vector<16xf32>
        %swap3A_126 = arith.index_cast %scan3A_47 : i32 to index
        %swap3A_127 = arith.constant 64 : index
        %swap3A_128 = tpu.vector_load %arg10[%swap3A_126, %swap3A_127] {strides = array<i32>} : memref<80x128xf32, #tpu.memory_space<vmem>>, vector<1x16xf32>,
        %swap3A_129 = vector.shape_cast %swap3A_128 : vector<1x16xf32> to vector<16xf32>
        %swap3A_130 = vector.shape_cast %max3A_125 : vector<16xf32> to vector<1x16xf32>
        tpu.vector_store %arg10[%swap3A_126, %swap3A_127], %swap3A_130 {strides = array<i32>} : memref<80x128xf32, #tpu.memory_space<vmem>>, vector<1x16xf32>,
        %get3A_131 = arith.index_cast %scan3A_47 : i32 to index
        %get3A_132 = arith.constant 80 : index
        %get3A_133 = tpu.vector_load %arg10[%get3A_131, %get3A_132] {strides = array<i32>} : memref<80x128xf32, #tpu.memory_space<vmem>>, vector<1x16xf32>,
        %get3A_134 = vector.shape_cast %get3A_133 : vector<1x16xf32> to vector<16xf32>
        %get3A_135 = arith.index_cast %scan3A_47 : i32 to index
        %get3A_136 = arith.constant 80 : index
        %get3A_137 = tpu.vector_load %arg11[%get3A_135, %get3A_136] {strides = array<i32>} : memref<80x128xf32, #tpu.memory_space<vmem>>, vector<1x16xf32>,
        %get3A_138 = vector.shape_cast %get3A_137 : vector<1x16xf32> to vector<16xf32>
        %add3A_139 = arith.addf %get3A_134, %get3A_138 : vector<16xf32>
        %max3A_140 = arith.constant 0.000000e+00 : f32
        %max3A_141 = vector.broadcast %max3A_140 : f32 to vector<16xf32>
        %max3A_142 = arith.maximumf %add3A_139, %max3A_141 : vector<16xf32>
        %swap3A_143 = arith.index_cast %scan3A_47 : i32 to index
        %swap3A_144 = arith.constant 80 : index
        %swap3A_145 = tpu.vector_load %arg10[%swap3A_143, %swap3A_144] {strides = array<i32>} : memref<80x128xf32, #tpu.memory_space<vmem>>, vector<1x16xf32>,
        %swap3A_146 = vector.shape_cast %swap3A_145 : vector<1x16xf32> to vector<16xf32>
        %swap3A_147 = vector.shape_cast %max3A_142 : vector<16xf32> to vector<1x16xf32>
        tpu.vector_store %arg10[%swap3A_143, %swap3A_144], %swap3A_147 {strides = array<i32>} : memref<80x128xf32, #tpu.memory_space<vmem>>, vector<1x16xf32>,
        %get3A_148 = arith.index_cast %scan3A_47 : i32 to index
        %get3A_149 = arith.constant 96 : index
        %get3A_150 = tpu.vector_load %arg10[%get3A_148, %get3A_149] {strides = array<i32>} : memref<80x128xf32, #tpu.memory_space<vmem>>, vector<1x16xf32>,
        %get3A_151 = vector.shape_cast %get3A_150 : vector<1x16xf32> to vector<16xf32>
        %get3A_152 = arith.index_cast %scan3A_47 : i32 to index
        %get3A_153 = arith.constant 96 : index
        %get3A_154 = tpu.vector_load %arg11[%get3A_152, %get3A_153] {strides = array<i32>} : memref<80x128xf32, #tpu.memory_space<vmem>>, vector<1x16xf32>,
        %get3A_155 = vector.shape_cast %get3A_154 : vector<1x16xf32> to vector<16xf32>
        %add3A_156 = arith.addf %get3A_151, %get3A_155 : vector<16xf32>
        %max3A_157 = arith.constant 0.000000e+00 : f32
        %max3A_158 = vector.broadcast %max3A_157 : f32 to vector<16xf32>
        %max3A_159 = arith.maximumf %add3A_156, %max3A_158 : vector<16xf32>
        %swap3A_160 = arith.index_cast %scan3A_47 : i32 to index
        %swap3A_161 = arith.constant 96 : index
        %swap3A_162 = tpu.vector_load %arg10[%swap3A_160, %swap3A_161] {strides = array<i32>} : memref<80x128xf32, #tpu.memory_space<vmem>>, vector<1x16xf32>,
        %swap3A_163 = vector.shape_cast %swap3A_162 : vector<1x16xf32> to vector<16xf32>
        %swap3A_164 = vector.shape_cast %max3A_159 : vector<16xf32> to vector<1x16xf32>
        tpu.vector_store %arg10[%swap3A_160, %swap3A_161], %swap3A_164 {strides = array<i32>} : memref<80x128xf32, #tpu.memory_space<vmem>>, vector<1x16xf32>,
        %get3A_165 = arith.index_cast %scan3A_47 : i32 to index
        %get3A_166 = arith.constant 112 : index
        %get3A_167 = tpu.vector_load %arg10[%get3A_165, %get3A_166] {strides = array<i32>} : memref<80x128xf32, #tpu.memory_space<vmem>>, vector<1x16xf32>,
        %get3A_168 = vector.shape_cast %get3A_167 : vector<1x16xf32> to vector<16xf32>
        %get3A_169 = arith.index_cast %scan3A_47 : i32 to index
        %get3A_170 = arith.constant 112 : index
        %get3A_171 = tpu.vector_load %arg11[%get3A_169, %get3A_170] {strides = array<i32>} : memref<80x128xf32, #tpu.memory_space<vmem>>, vector<1x16xf32>,
        %get3A_172 = vector.shape_cast %get3A_171 : vector<1x16xf32> to vector<16xf32>
        %add3A_173 = arith.addf %get3A_168, %get3A_172 : vector<16xf32>
        %max3A_174 = arith.constant 0.000000e+00 : f32
        %max3A_175 = vector.broadcast %max3A_174 : f32 to vector<16xf32>
        %max3A_176 = arith.maximumf %add3A_173, %max3A_175 : vector<16xf32>
        %swap3A_177 = arith.index_cast %scan3A_47 : i32 to index
        %swap3A_178 = arith.constant 112 : index
        %swap3A_179 = tpu.vector_load %arg10[%swap3A_177, %swap3A_178] {strides = array<i32>} : memref<80x128xf32, #tpu.memory_space<vmem>>, vector<1x16xf32>,
        %swap3A_180 = vector.shape_cast %swap3A_179 : vector<1x16xf32> to vector<16xf32>
        %swap3A_181 = vector.shape_cast %max3A_176 : vector<16xf32> to vector<1x16xf32>
        tpu.vector_store %arg10[%swap3A_177, %swap3A_178], %swap3A_181 {strides = array<i32>} : memref<80x128xf32, #tpu.memory_space<vmem>>, vector<1x16xf32>,
        %scan3A_182 = arith.constant 0 : i32
        scf.yield %scan3A_182 : i32
      }
      %scan3A_45 = arith.constant 80 : i32
      "tpu.region"() ({
        %run_scoped3A = tpu.sem_alloc : memref<!tpu.dma_semaphore, #tpu.memory_space<semaphore_mem>>
        %dma_start3A_47 = arith.constant 0 : i32
        %dma_start3A_48 = arith.constant 0 : i32
        %dma_start3A_49 = tpu.memref_slice %arg7[%dma_start3A_47, %dma_start3A_48] : memref<10240x128xf32, #tpu.memory_space<vmem_shared>> -> memref<10240x128xf32, #tpu.memory_space<vmem_shared>>
        tpu.enqueue_indirect_dma source(%arg10 : memref<80x128xf32, #tpu.memory_space<vmem>>) target(%dma_start3A_49 : memref<10240x128xf32, #tpu.memory_space<vmem_shared>>) offsets(%arg9 : memref<80xi32, #tpu.memory_space<vmem>>) semaphore(%run_scoped3A : memref<!tpu.dma_semaphore, #tpu.memory_space<semaphore_mem>>) {add = true}
        %dma_wait3A_50 = arith.constant 0 : i32
        %dma_wait3A_51 = arith.constant 0 : i32
        %dma_wait3A_52 = tpu.memref_slice %arg7[%dma_wait3A_50, %dma_wait3A_51] : memref<10240x128xf32, #tpu.memory_space<vmem_shared>> -> memref<10240x128xf32, #tpu.memory_space<vmem_shared>>
        tpu.wait_indirect_dma semaphore(%run_scoped3A : memref<!tpu.dma_semaphore, #tpu.memory_space<semaphore_mem>>) src(%arg10 : memref<80x128xf32, #tpu.memory_space<vmem>>) dst(%dma_wait3A_52 : memref<10240x128xf32, #tpu.memory_space<vmem_shared>>)
        tpu.yield
      }) : () -> ()
      %scan3A_46 = arith.constant 0 : i32
      scf.yield %scan3A_46 : i32
    }
    %scan3A_28 = arith.constant 125 : i32
    %barrier3A_29 = arith.constant 0 : index
    tpu.barrier barrier_id(%barrier3A_29)
    "tpu.region"() ({
      %run_scoped3A = tpu.sem_alloc : memref<!tpu.dma_semaphore, #tpu.memory_space<semaphore_mem>>
      %dma_start3A = arith.constant 0 : i32
      %dma_start3A_30 = tpu.memref_slice %arg6[%arg0, %mul3A_11, %dma_start3A] : memref<2x10240x128xf32, #tpu.memory_space<hbm>> -> memref<1x640x128xf32, #tpu.memory_space<hbm>>
      %dma_start3A_31 = tpu.memref_squeeze %dma_start3A_30 : memref<1x640x128xf32, #tpu.memory_space<hbm>> -> memref<640x128xf32, #tpu.memory_space<hbm>>
      %dma_start3A_32 = arith.constant 0 : i32
      %dma_start3A_33 = tpu.memref_slice %arg7[%mul3A_11, %dma_start3A_32] : memref<10240x128xf32, #tpu.memory_space<vmem_shared>> -> memref<640x128xf32, #tpu.memory_space<vmem_shared>>
      tpu.enqueue_dma source(%dma_start3A_33 : memref<640x128xf32, #tpu.memory_space<vmem_shared>>) target(%dma_start3A_31 : memref<640x128xf32, #tpu.memory_space<hbm>>) target_semaphore(%run_scoped3A : memref<!tpu.dma_semaphore, #tpu.memory_space<semaphore_mem>>)
      %dma_wait3A = arith.constant 0 : i32
      %dma_wait3A_34 = tpu.memref_slice %arg6[%arg0, %mul3A_11, %dma_wait3A] : memref<2x10240x128xf32, #tpu.memory_space<hbm>> -> memref<1x640x128xf32, #tpu.memory_space<hbm>>
      %dma_wait3A_35 = tpu.memref_squeeze %dma_wait3A_34 : memref<1x640x128xf32, #tpu.memory_space<hbm>> -> memref<640x128xf32, #tpu.memory_space<hbm>>
      %dma_wait3A_36 = arith.constant 0 : i32
      %dma_wait3A_37 = tpu.memref_slice %arg7[%mul3A_11, %dma_wait3A_36] : memref<10240x128xf32, #tpu.memory_space<vmem_shared>> -> memref<640x128xf32, #tpu.memory_space<vmem_shared>>
      tpu.wait_dma2 semaphore(%run_scoped3A : memref<!tpu.dma_semaphore, #tpu.memory_space<semaphore_mem>>) src(%dma_wait3A_37 : memref<640x128xf32, #tpu.memory_space<vmem_shared>>) dst(%dma_wait3A_35 : memref<640x128xf32, #tpu.memory_space<hbm>>)
      tpu.yield
    }) : () -> ()
    return
  }
}

module attributes {stable_mosaic.version = 14 : i64} {
  func.func @_embed_body(%arg0: i32, %arg1: memref<2000x1xi32, #tpu.memory_space<vmem>>, %arg2: memref<128x128xf32, #tpu.memory_space<vmem>>, %arg3: memref<2000x128xf32, #tpu.memory_space<vmem>>) attributes {dimension_semantics = [#tpu.dimension_semantics<arbitrary>], iteration_bounds = array<i64: 5>, scalar_prefetch = 0 : i64, scratch_operands = 0 : i64, tpu.core_type = #tpu.core_type<tc>, window_params = [{transform_indices = @transform_0, window_bounds = array<i64: 2000, 1>}, {pipeline_mode = #tpu.pipeline_mode<synchronous>, transform_indices = @transform_1, window_bounds = array<i64: 128, 128>}, {transform_indices = @transform_2, window_bounds = array<i64: 2000, 128>}]} {
    %get3A = arith.constant 0 : index
    %get3A_0 = arith.constant 0 : index
    %get3A_1 = vector.load %arg1[%get3A, %get3A_0] : memref<2000x1xi32, #tpu.memory_space<vmem>>, vector<2000x1xi32>
    %iota3A = tpu.iota {dimensions = array<i32: 1>} : vector<2000x128xi32>
    %eq3A = vector.broadcast %get3A_1 : vector<2000x1xi32> to vector<2000x128xi32>
    %eq3A_2 = arith.cmpi eq, %eq3A, %iota3A : vector<2000x128xi32>
    %jit3A = arith.constant 1.000000e+00 : f32
    %jit3A_3 = arith.constant 0.000000e+00 : f32
    %broadcast_in_dim3A = vector.broadcast %jit3A : f32 to vector<2000x128xf32>
    %broadcast_in_dim3A_4 = vector.broadcast %jit3A_3 : f32 to vector<2000x128xf32>
    %select_n3A = arith.select %eq3A_2, %broadcast_in_dim3A, %broadcast_in_dim3A_4 : vector<2000x128xi1>, vector<2000x128xf32>
    %get3A_5 = arith.constant 0 : index
    %get3A_6 = arith.constant 0 : index
    %get3A_7 = vector.load %arg2[%get3A_5, %get3A_6] : memref<128x128xf32, #tpu.memory_space<vmem>>, vector<128x128xf32>
    %dot_general3A = arith.constant dense<0.000000e+00> : vector<2000x128xf32>
    %dot_general3A_8 = tpu.matmul %select_n3A, %get3A_7, %dot_general3A {dimension_numbers = #tpu.dot_dimension_numbers<[1], [0], [0], [1], [0, 0, 1, 1], [], []>, precision = #tpu.contract_precision<fp32>, transpose_lhs_hint = false} : vector<2000x128xf32>, vector<128x128xf32>, vector<2000x128xf32> -> vector<2000x128xf32>
    %swap3A = arith.constant 0 : index
    %swap3A_9 = arith.constant 0 : index
    %swap3A_10 = vector.load %arg3[%swap3A, %swap3A_9] : memref<2000x128xf32, #tpu.memory_space<vmem>>, vector<2000x128xf32>
    tpu.vector_store %arg3[%swap3A, %swap3A_9], %dot_general3A_8 {strides = array<i32>} : memref<2000x128xf32, #tpu.memory_space<vmem>>, vector<2000x128xf32>,
    return
  }
  func.func @transform_0(%arg0: i32) -> (i32, i32) {
    %c0_i32 = arith.constant 0 : i32
    %c0_i32_0 = arith.constant 0 : i32
    return %arg0, %c0_i32 : i32, i32
  }
  func.func @transform_1(%arg0: i32) -> (i32, i32) {
    %c0_i32 = arith.constant 0 : i32
    %c0_i32_0 = arith.constant 0 : i32
    %c0_i32_1 = arith.constant 0 : i32
    return %c0_i32, %c0_i32_0 : i32, i32
  }
  func.func @transform_2(%arg0: i32) -> (i32, i32) {
    %c0_i32 = arith.constant 0 : i32
    %c0_i32_0 = arith.constant 0 : i32
    return %arg0, %c0_i32 : i32, i32
  }
}

module attributes {stable_mosaic.version = 14 : i64} {
  func.func @_e_body(%arg0: i32, %arg1: memref<2560x1xf32, #tpu.memory_space<vmem>>, %arg2: memref<32x128xf32, #tpu.memory_space<vmem>>, %arg3: memref<1x128xf32, #tpu.memory_space<vmem>>, %arg4: memref<2560x128xf32, #tpu.memory_space<vmem>>) attributes {dimension_semantics = [#tpu.dimension_semantics<arbitrary>], iteration_bounds = array<i64: 125>, scalar_prefetch = 0 : i64, scratch_operands = 0 : i64, tpu.core_type = #tpu.core_type<tc>, window_params = [{transform_indices = @transform_0, window_bounds = array<i64: 2560, 1>}, {pipeline_mode = #tpu.pipeline_mode<synchronous>, transform_indices = @transform_1, window_bounds = array<i64: 32, 128>}, {pipeline_mode = #tpu.pipeline_mode<synchronous>, transform_indices = @transform_2, window_bounds = array<i64: 1, 128>}, {transform_indices = @transform_3, window_bounds = array<i64: 2560, 128>}]} {
    %get3A = arith.constant 0 : index
    %get3A_0 = arith.constant 0 : index
    %get3A_1 = vector.load %arg1[%get3A, %get3A_0] : memref<2560x1xf32, #tpu.memory_space<vmem>>, vector<2560x1xf32>
    %iota3A = tpu.iota {dimensions = array<i32: 1>} : vector<2560x32xi32>
    %convert_element_type3A = arith.sitofp %iota3A : vector<2560x32xi32> to vector<2560x32xf32>
    %mul3A = arith.constant 1.000000e-01 : f32
    %mul3A_2 = vector.broadcast %mul3A : f32 to vector<2560x32xf32>
    %mul3A_3 = arith.mulf %convert_element_type3A, %mul3A_2 : vector<2560x32xf32>
    %sub3A = vector.broadcast %get3A_1 : vector<2560x1xf32> to vector<2560x32xf32>
    %sub3A_4 = arith.subf %sub3A, %mul3A_3 : vector<2560x32xf32>
    %integer_pow3A = arith.mulf %sub3A_4, %sub3A_4 : vector<2560x32xf32>
    %mul3A_5 = arith.constant -1.000000e+01 : f32
    %mul3A_6 = vector.broadcast %mul3A_5 : f32 to vector<2560x32xf32>
    %mul3A_7 = arith.mulf %mul3A_6, %integer_pow3A : vector<2560x32xf32>
    %exp3A = math.exp %mul3A_7 : vector<2560x32xf32>
    %get3A_8 = arith.constant 0 : index
    %get3A_9 = arith.constant 0 : index
    %get3A_10 = vector.load %arg2[%get3A_8, %get3A_9] : memref<32x128xf32, #tpu.memory_space<vmem>>, vector<32x128xf32>
    %convert_element_type3A_11 = arith.truncf %exp3A : vector<2560x32xf32> to vector<2560x32xbf16>
    %convert_element_type3A_12 = arith.truncf %get3A_10 : vector<32x128xf32> to vector<32x128xbf16>
    %dot_general3A = arith.constant dense<0.000000e+00> : vector<2560x128xf32>
    %dot_general3A_13 = tpu.matmul %convert_element_type3A_11, %convert_element_type3A_12, %dot_general3A {dimension_numbers = #tpu.dot_dimension_numbers<[1], [0], [0], [1], [0, 0, 1, 1], [], []>, transpose_lhs_hint = false} : vector<2560x32xbf16>, vector<32x128xbf16>, vector<2560x128xf32> -> vector<2560x128xf32>
    %get3A_14 = arith.constant 0 : index
    %get3A_15 = arith.constant 0 : index
    %get3A_16 = vector.load %arg3[%get3A_14, %get3A_15] : memref<1x128xf32, #tpu.memory_space<vmem>>, vector<1x128xf32>
    %add3A = vector.broadcast %get3A_16 : vector<1x128xf32> to vector<2560x128xf32>
    %add3A_17 = arith.addf %dot_general3A_13, %add3A : vector<2560x128xf32>
    %swap3A = arith.constant 0 : index
    %swap3A_18 = arith.constant 0 : index
    %swap3A_19 = vector.load %arg4[%swap3A, %swap3A_18] : memref<2560x128xf32, #tpu.memory_space<vmem>>, vector<2560x128xf32>
    tpu.vector_store %arg4[%swap3A, %swap3A_18], %add3A_17 {strides = array<i32>} : memref<2560x128xf32, #tpu.memory_space<vmem>>, vector<2560x128xf32>,
    return
  }
  func.func @transform_0(%arg0: i32) -> (i32, i32) {
    %c0_i32 = arith.constant 0 : i32
    %c0_i32_0 = arith.constant 0 : i32
    return %arg0, %c0_i32 : i32, i32
  }
  func.func @transform_1(%arg0: i32) -> (i32, i32) {
    %c0_i32 = arith.constant 0 : i32
    %c0_i32_0 = arith.constant 0 : i32
    %c0_i32_1 = arith.constant 0 : i32
    return %c0_i32, %c0_i32_0 : i32, i32
  }
  func.func @transform_2(%arg0: i32) -> (i32, i32) {
    %c0_i32 = arith.constant 0 : i32
    %c0_i32_0 = arith.constant 0 : i32
    %c0_i32_1 = arith.constant 0 : i32
    return %c0_i32, %c0_i32_0 : i32, i32
  }
  func.func @transform_3(%arg0: i32) -> (i32, i32) {
    %c0_i32 = arith.constant 0 : i32
    %c0_i32_0 = arith.constant 0 : i32
    return %arg0, %c0_i32 : i32, i32
  }
}

module attributes {stable_mosaic.version = 14 : i64} {
  func.func @_update_body(%arg0: i32, %arg1: memref<2x2000x128xf32, #tpu.memory_space<vmem>>, %arg2: memref<2000x128xf32, #tpu.memory_space<vmem>>, %arg3: memref<128x128xf32, #tpu.memory_space<vmem>>, %arg4: memref<1x128xf32, #tpu.memory_space<vmem>>, %arg5: memref<2000x128xf32, #tpu.memory_space<vmem>>) attributes {dimension_semantics = [#tpu.dimension_semantics<arbitrary>], iteration_bounds = array<i64: 5>, scalar_prefetch = 0 : i64, scratch_operands = 0 : i64, tpu.core_type = #tpu.core_type<tc>, window_params = [{transform_indices = @transform_0, window_bounds = array<i64: 2, 2000, 128>}, {transform_indices = @transform_1, window_bounds = array<i64: 2000, 128>}, {pipeline_mode = #tpu.pipeline_mode<synchronous>, transform_indices = @transform_2, window_bounds = array<i64: 128, 128>}, {pipeline_mode = #tpu.pipeline_mode<synchronous>, transform_indices = @transform_3, window_bounds = array<i64: 1, 128>}, {transform_indices = @transform_4, window_bounds = array<i64: 2000, 128>}]} {
    %get3A = arith.constant 0 : index
    %get3A_0 = arith.constant 0 : index
    %get3A_1 = arith.constant 0 : index
    %get3A_2 = vector.load %arg1[%get3A, %get3A_0, %get3A_1] : memref<2x2000x128xf32, #tpu.memory_space<vmem>>, vector<1x2000x128xf32>
    %get3A_3 = vector.shape_cast %get3A_2 : vector<1x2000x128xf32> to vector<2000x128xf32>
    %get3A_4 = arith.constant 1 : index
    %get3A_5 = arith.constant 0 : index
    %get3A_6 = arith.constant 0 : index
    %get3A_7 = vector.load %arg1[%get3A_4, %get3A_5, %get3A_6] : memref<2x2000x128xf32, #tpu.memory_space<vmem>>, vector<1x2000x128xf32>
    %get3A_8 = vector.shape_cast %get3A_7 : vector<1x2000x128xf32> to vector<2000x128xf32>
    %add3A = arith.addf %get3A_3, %get3A_8 : vector<2000x128xf32>
    %get3A_9 = arith.constant 0 : index
    %get3A_10 = arith.constant 0 : index
    %get3A_11 = vector.load %arg3[%get3A_9, %get3A_10] : memref<128x128xf32, #tpu.memory_space<vmem>>, vector<128x128xf32>
    %convert_element_type3A = arith.truncf %add3A : vector<2000x128xf32> to vector<2000x128xbf16>
    %convert_element_type3A_12 = arith.truncf %get3A_11 : vector<128x128xf32> to vector<128x128xbf16>
    %dot_general3A = arith.constant dense<0.000000e+00> : vector<2000x128xf32>
    %dot_general3A_13 = tpu.matmul %convert_element_type3A, %convert_element_type3A_12, %dot_general3A {dimension_numbers = #tpu.dot_dimension_numbers<[1], [0], [0], [1], [0, 0, 1, 1], [], []>, transpose_lhs_hint = false} : vector<2000x128xbf16>, vector<128x128xbf16>, vector<2000x128xf32> -> vector<2000x128xf32>
    %get3A_14 = arith.constant 0 : index
    %get3A_15 = arith.constant 0 : index
    %get3A_16 = vector.load %arg4[%get3A_14, %get3A_15] : memref<1x128xf32, #tpu.memory_space<vmem>>, vector<1x128xf32>
    %add3A_17 = vector.broadcast %get3A_16 : vector<1x128xf32> to vector<2000x128xf32>
    %add3A_18 = arith.addf %dot_general3A_13, %add3A_17 : vector<2000x128xf32>
    %max3A = arith.constant 0.000000e+00 : f32
    %max3A_19 = vector.broadcast %max3A : f32 to vector<2000x128xf32>
    %max3A_20 = arith.maximumf %add3A_18, %max3A_19 : vector<2000x128xf32>
    %get3A_21 = arith.constant 0 : index
    %get3A_22 = arith.constant 0 : index
    %get3A_23 = vector.load %arg2[%get3A_21, %get3A_22] : memref<2000x128xf32, #tpu.memory_space<vmem>>, vector<2000x128xf32>
    %add3A_24 = arith.addf %get3A_23, %max3A_20 : vector<2000x128xf32>
    %swap3A = arith.constant 0 : index
    %swap3A_25 = arith.constant 0 : index
    %swap3A_26 = vector.load %arg5[%swap3A, %swap3A_25] : memref<2000x128xf32, #tpu.memory_space<vmem>>, vector<2000x128xf32>
    tpu.vector_store %arg5[%swap3A, %swap3A_25], %add3A_24 {strides = array<i32>} : memref<2000x128xf32, #tpu.memory_space<vmem>>, vector<2000x128xf32>,
    return
  }
  func.func @transform_0(%arg0: i32) -> (i32, i32, i32) {
    %c0_i32 = arith.constant 0 : i32
    %c0_i32_0 = arith.constant 0 : i32
    %c0_i32_1 = arith.constant 0 : i32
    return %c0_i32, %arg0, %c0_i32_0 : i32, i32, i32
  }
  func.func @transform_1(%arg0: i32) -> (i32, i32) {
    %c0_i32 = arith.constant 0 : i32
    %c0_i32_0 = arith.constant 0 : i32
    return %arg0, %c0_i32 : i32, i32
  }
  func.func @transform_2(%arg0: i32) -> (i32, i32) {
    %c0_i32 = arith.constant 0 : i32
    %c0_i32_0 = arith.constant 0 : i32
    %c0_i32_1 = arith.constant 0 : i32
    return %c0_i32, %c0_i32_0 : i32, i32
  }
  func.func @transform_3(%arg0: i32) -> (i32, i32) {
    %c0_i32 = arith.constant 0 : i32
    %c0_i32_0 = arith.constant 0 : i32
    %c0_i32_1 = arith.constant 0 : i32
    return %c0_i32, %c0_i32_0 : i32, i32
  }
  func.func @transform_4(%arg0: i32) -> (i32, i32) {
    %c0_i32 = arith.constant 0 : i32
    %c0_i32_0 = arith.constant 0 : i32
    return %arg0, %c0_i32 : i32, i32
  }
}

module attributes {stable_mosaic.version = 14 : i64} {
  func.func @_update_body(%arg0: i32, %arg1: memref<2x2000x128xf32, #tpu.memory_space<vmem>>, %arg2: memref<2000x128xf32, #tpu.memory_space<vmem>>, %arg3: memref<128x128xf32, #tpu.memory_space<vmem>>, %arg4: memref<1x128xf32, #tpu.memory_space<vmem>>, %arg5: memref<2000x128xf32, #tpu.memory_space<vmem>>) attributes {dimension_semantics = [#tpu.dimension_semantics<arbitrary>], iteration_bounds = array<i64: 5>, scalar_prefetch = 0 : i64, scratch_operands = 0 : i64, tpu.core_type = #tpu.core_type<tc>, window_params = [{transform_indices = @transform_0, window_bounds = array<i64: 2, 2000, 128>}, {transform_indices = @transform_1, window_bounds = array<i64: 2000, 128>}, {pipeline_mode = #tpu.pipeline_mode<synchronous>, transform_indices = @transform_2, window_bounds = array<i64: 128, 128>}, {pipeline_mode = #tpu.pipeline_mode<synchronous>, transform_indices = @transform_3, window_bounds = array<i64: 1, 128>}, {transform_indices = @transform_4, window_bounds = array<i64: 2000, 128>}]} {
    %get3A = arith.constant 0 : index
    %get3A_0 = arith.constant 0 : index
    %get3A_1 = arith.constant 0 : index
    %get3A_2 = vector.load %arg1[%get3A, %get3A_0, %get3A_1] : memref<2x2000x128xf32, #tpu.memory_space<vmem>>, vector<1x2000x128xf32>
    %get3A_3 = vector.shape_cast %get3A_2 : vector<1x2000x128xf32> to vector<2000x128xf32>
    %get3A_4 = arith.constant 1 : index
    %get3A_5 = arith.constant 0 : index
    %get3A_6 = arith.constant 0 : index
    %get3A_7 = vector.load %arg1[%get3A_4, %get3A_5, %get3A_6] : memref<2x2000x128xf32, #tpu.memory_space<vmem>>, vector<1x2000x128xf32>
    %get3A_8 = vector.shape_cast %get3A_7 : vector<1x2000x128xf32> to vector<2000x128xf32>
    %add3A = arith.addf %get3A_3, %get3A_8 : vector<2000x128xf32>
    %get3A_9 = arith.constant 0 : index
    %get3A_10 = arith.constant 0 : index
    %get3A_11 = vector.load %arg3[%get3A_9, %get3A_10] : memref<128x128xf32, #tpu.memory_space<vmem>>, vector<128x128xf32>
    %convert_element_type3A = arith.truncf %add3A : vector<2000x128xf32> to vector<2000x128xbf16>
    %convert_element_type3A_12 = arith.truncf %get3A_11 : vector<128x128xf32> to vector<128x128xbf16>
    %dot_general3A = arith.constant dense<0.000000e+00> : vector<2000x128xf32>
    %dot_general3A_13 = tpu.matmul %convert_element_type3A, %convert_element_type3A_12, %dot_general3A {dimension_numbers = #tpu.dot_dimension_numbers<[1], [0], [0], [1], [0, 0, 1, 1], [], []>, transpose_lhs_hint = false} : vector<2000x128xbf16>, vector<128x128xbf16>, vector<2000x128xf32> -> vector<2000x128xf32>
    %get3A_14 = arith.constant 0 : index
    %get3A_15 = arith.constant 0 : index
    %get3A_16 = vector.load %arg4[%get3A_14, %get3A_15] : memref<1x128xf32, #tpu.memory_space<vmem>>, vector<1x128xf32>
    %add3A_17 = vector.broadcast %get3A_16 : vector<1x128xf32> to vector<2000x128xf32>
    %add3A_18 = arith.addf %dot_general3A_13, %add3A_17 : vector<2000x128xf32>
    %get3A_19 = arith.constant 0 : index
    %get3A_20 = arith.constant 0 : index
    %get3A_21 = vector.load %arg2[%get3A_19, %get3A_20] : memref<2000x128xf32, #tpu.memory_space<vmem>>, vector<2000x128xf32>
    %add3A_22 = arith.addf %get3A_21, %add3A_18 : vector<2000x128xf32>
    %swap3A = arith.constant 0 : index
    %swap3A_23 = arith.constant 0 : index
    %swap3A_24 = vector.load %arg5[%swap3A, %swap3A_23] : memref<2000x128xf32, #tpu.memory_space<vmem>>, vector<2000x128xf32>
    tpu.vector_store %arg5[%swap3A, %swap3A_23], %add3A_22 {strides = array<i32>} : memref<2000x128xf32, #tpu.memory_space<vmem>>, vector<2000x128xf32>,
    return
  }
  func.func @transform_0(%arg0: i32) -> (i32, i32, i32) {
    %c0_i32 = arith.constant 0 : i32
    %c0_i32_0 = arith.constant 0 : i32
    %c0_i32_1 = arith.constant 0 : i32
    return %c0_i32, %arg0, %c0_i32_0 : i32, i32, i32
  }
  func.func @transform_1(%arg0: i32) -> (i32, i32) {
    %c0_i32 = arith.constant 0 : i32
    %c0_i32_0 = arith.constant 0 : i32
    return %arg0, %c0_i32 : i32, i32
  }
  func.func @transform_2(%arg0: i32) -> (i32, i32) {
    %c0_i32 = arith.constant 0 : i32
    %c0_i32_0 = arith.constant 0 : i32
    %c0_i32_1 = arith.constant 0 : i32
    return %c0_i32, %c0_i32_0 : i32, i32
  }
  func.func @transform_3(%arg0: i32) -> (i32, i32) {
    %c0_i32 = arith.constant 0 : i32
    %c0_i32_0 = arith.constant 0 : i32
    %c0_i32_1 = arith.constant 0 : i32
    return %c0_i32, %c0_i32_0 : i32, i32
  }
  func.func @transform_4(%arg0: i32) -> (i32, i32) {
    %c0_i32 = arith.constant 0 : i32
    %c0_i32_0 = arith.constant 0 : i32
    return %arg0, %c0_i32 : i32, i32
  }
}

module attributes {stable_mosaic.version = 14 : i64} {
  func.func @_pool_mlp_body(%arg0: i32, %arg1: memref<1x1x2000xi32, #tpu.memory_space<vmem>>, %arg2: memref<2000x128xf32, #tpu.memory_space<vmem>>, %arg3: memref<128x256xf32, #tpu.memory_space<vmem>>, %arg4: memref<1x256xf32, #tpu.memory_space<vmem>>, %arg5: memref<1x256xf32, #tpu.memory_space<vmem>>, %arg6: memref<1x256xf32, #tpu.memory_space<vmem>>, %arg7: memref<256x256xf32, #tpu.memory_space<vmem>>, %arg8: memref<1x256xf32, #tpu.memory_space<vmem>>, %arg9: memref<1x256xf32, #tpu.memory_space<vmem>>, %arg10: memref<1x256xf32, #tpu.memory_space<vmem>>, %arg11: memref<256x256xf32, #tpu.memory_space<vmem>>, %arg12: memref<1x256xf32, #tpu.memory_space<vmem>>, %arg13: memref<1x256xf32, #tpu.memory_space<vmem>>, %arg14: memref<1x256xf32, #tpu.memory_space<vmem>>, %arg15: memref<1x256xf32, #tpu.memory_space<vmem>>, %arg16: memref<1x1xf32, #tpu.memory_space<vmem>>, %arg17: memref<256x1xf32, #tpu.memory_space<vmem>>, %arg18: memref<256x128xf32, #tpu.memory_space<vmem>>) attributes {dimension_semantics = [#tpu.dimension_semantics<arbitrary>], iteration_bounds = array<i64: 5>, scalar_prefetch = 0 : i64, scratch_operands = 1 : i64, tpu.core_type = #tpu.core_type<tc>, window_params = [{transform_indices = @transform_0, window_bounds = array<i64: 1, 1, 2000>}, {transform_indices = @transform_1, window_bounds = array<i64: 2000, 128>}, {pipeline_mode = #tpu.pipeline_mode<synchronous>, transform_indices = @transform_2, window_bounds = array<i64: 128, 256>}, {pipeline_mode = #tpu.pipeline_mode<synchronous>, transform_indices = @transform_3, window_bounds = array<i64: 1, 256>}, {pipeline_mode = #tpu.pipeline_mode<synchronous>, transform_indices = @transform_4, window_bounds = array<i64: 1, 256>}, {pipeline_mode = #tpu.pipeline_mode<synchronous>, transform_indices = @transform_5, window_bounds = array<i64: 1, 256>}, {pipeline_mode = #tpu.pipeline_mode<synchronous>, transform_indices = @transform_6, window_bounds = array<i64: 256, 256>}, {pipeline_mode = #tpu.pipeline_mode<synchronous>, transform_indices = @transform_7, window_bounds = array<i64: 1, 256>}, {pipeline_mode = #tpu.pipeline_mode<synchronous>, transform_indices = @transform_8, window_bounds = array<i64: 1, 256>}, {pipeline_mode = #tpu.pipeline_mode<synchronous>, transform_indices = @transform_9, window_bounds = array<i64: 1, 256>}, {pipeline_mode = #tpu.pipeline_mode<synchronous>, transform_indices = @transform_10, window_bounds = array<i64: 256, 256>}, {pipeline_mode = #tpu.pipeline_mode<synchronous>, transform_indices = @transform_11, window_bounds = array<i64: 1, 256>}, {pipeline_mode = #tpu.pipeline_mode<synchronous>, transform_indices = @transform_12, window_bounds = array<i64: 1, 256>}, {pipeline_mode = #tpu.pipeline_mode<synchronous>, transform_indices = @transform_13, window_bounds = array<i64: 1, 256>}, {pipeline_mode = #tpu.pipeline_mode<synchronous>, transform_indices = @transform_14, window_bounds = array<i64: 1, 256>}, {pipeline_mode = #tpu.pipeline_mode<synchronous>, transform_indices = @transform_15, window_bounds = array<i64: 1, 1>}, {pipeline_mode = #tpu.pipeline_mode<synchronous>, transform_indices = @transform_16, window_bounds = array<i64: 256, 1>}]} {
    %eq3A = arith.constant 0 : i32
    %eq3A_0 = arith.cmpi eq, %arg0, %eq3A : i32
    %convert_element_type3A = arith.extui %eq3A_0 : i1 to i32
    %cond3A = arith.constant 0 : i32
    %cond3A_1 = arith.cmpi ne, %convert_element_type3A, %cond3A : i32
    scf.if %cond3A_1 {
      %broadcast_in_dim3A_24 = arith.constant 0.000000e+00 : f32
      %broadcast_in_dim3A_25 = vector.broadcast %broadcast_in_dim3A_24 : f32 to vector<256x128xf32>
      %swap3A_26 = arith.constant 0 : index
      %swap3A_27 = arith.constant 0 : index
      %swap3A_28 = vector.load %arg18[%swap3A_26, %swap3A_27] : memref<256x128xf32, #tpu.memory_space<vmem>>, vector<256x128xf32>
      tpu.vector_store %arg18[%swap3A_26, %swap3A_27], %broadcast_in_dim3A_25 {strides = array<i32>} : memref<256x128xf32, #tpu.memory_space<vmem>>, vector<256x128xf32>,
    } else {
    }
    %get3A = arith.constant 0 : index
    %get3A_2 = arith.constant 0 : index
    %get3A_3 = arith.constant 0 : index
    %get3A_4 = vector.load %arg1[%get3A, %get3A_2, %get3A_3] : memref<1x1x2000xi32, #tpu.memory_space<vmem>>, vector<1x1x2000xi32>
    %get3A_5 = vector.shape_cast %get3A_4 : vector<1x1x2000xi32> to vector<1x2000xi32>
    %iota3A = tpu.iota {dimensions = array<i32: 0>} : vector<256x2000xi32>
    %eq3A_6 = vector.broadcast %get3A_5 : vector<1x2000xi32> to vector<256x2000xi32>
    %eq3A_7 = arith.cmpi eq, %eq3A_6, %iota3A : vector<256x2000xi32>
    %jit3A = arith.constant 1.000000e+00 : f32
    %jit3A_8 = arith.constant 0.000000e+00 : f32
    %broadcast_in_dim3A = vector.broadcast %jit3A : f32 to vector<256x2000xf32>
    %broadcast_in_dim3A_9 = vector.broadcast %jit3A_8 : f32 to vector<256x2000xf32>
    %select_n3A = arith.select %eq3A_7, %broadcast_in_dim3A, %broadcast_in_dim3A_9 : vector<256x2000xi1>, vector<256x2000xf32>
    %get3A_10 = arith.constant 0 : index
    %get3A_11 = arith.constant 0 : index
    %get3A_12 = vector.load %arg18[%get3A_10, %get3A_11] : memref<256x128xf32, #tpu.memory_space<vmem>>, vector<256x128xf32>
    %get3A_13 = arith.constant 0 : index
    %get3A_14 = arith.constant 0 : index
    %get3A_15 = vector.load %arg2[%get3A_13, %get3A_14] : memref<2000x128xf32, #tpu.memory_space<vmem>>, vector<2000x128xf32>
    %dot_general3A = arith.constant dense<0.000000e+00> : vector<256x128xf32>
    %dot_general3A_16 = tpu.matmul %select_n3A, %get3A_15, %dot_general3A {dimension_numbers = #tpu.dot_dimension_numbers<[1], [0], [0], [1], [0, 0, 1, 1], [], []>, precision = #tpu.contract_precision<fp32>, transpose_lhs_hint = false} : vector<256x2000xf32>, vector<2000x128xf32>, vector<256x128xf32> -> vector<256x128xf32>
    %add3A = arith.addf %get3A_12, %dot_general3A_16 : vector<256x128xf32>
    %swap3A = arith.constant 0 : index
    %swap3A_17 = arith.constant 0 : index
    %swap3A_18 = vector.load %arg18[%swap3A, %swap3A_17] : memref<256x128xf32, #tpu.memory_space<vmem>>, vector<256x128xf32>
    tpu.vector_store %arg18[%swap3A, %swap3A_17], %add3A {strides = array<i32>} : memref<256x128xf32, #tpu.memory_space<vmem>>, vector<256x128xf32>,
    %eq3A_19 = arith.constant 4 : i32
    %eq3A_20 = arith.cmpi eq, %arg0, %eq3A_19 : i32
    %convert_element_type3A_21 = arith.extui %eq3A_20 : i1 to i32
    %cond3A_22 = arith.constant 0 : i32
    %cond3A_23 = arith.cmpi ne, %convert_element_type3A_21, %cond3A_22 : i32
    scf.if %cond3A_23 {
      %get3A_24 = arith.constant 0 : index
      %get3A_25 = arith.constant 0 : index
      %get3A_26 = vector.load %arg18[%get3A_24, %get3A_25] : memref<256x128xf32, #tpu.memory_space<vmem>>, vector<256x128xf32>
      %get3A_27 = arith.constant 0 : index
      %get3A_28 = arith.constant 0 : index
      %get3A_29 = vector.load %arg3[%get3A_27, %get3A_28] : memref<128x256xf32, #tpu.memory_space<vmem>>, vector<128x256xf32>
      %convert_element_type3A_30 = arith.truncf %get3A_26 : vector<256x128xf32> to vector<256x128xbf16>
      %convert_element_type3A_31 = arith.truncf %get3A_29 : vector<128x256xf32> to vector<128x256xbf16>
      %dot_general3A_32 = arith.constant dense<0.000000e+00> : vector<256x256xf32>
      %dot_general3A_33 = tpu.matmul %convert_element_type3A_30, %convert_element_type3A_31, %dot_general3A_32 {dimension_numbers = #tpu.dot_dimension_numbers<[1], [0], [0], [1], [0, 0, 1, 1], [], []>, transpose_lhs_hint = false} : vector<256x128xbf16>, vector<128x256xbf16>, vector<256x256xf32> -> vector<256x256xf32>
      %get3A_34 = arith.constant 0 : index
      %get3A_35 = arith.constant 0 : index
      %get3A_36 = vector.load %arg4[%get3A_34, %get3A_35] : memref<1x256xf32, #tpu.memory_space<vmem>>, vector<1x256xf32>
      %add3A_37 = vector.broadcast %get3A_36 : vector<1x256xf32> to vector<256x256xf32>
      %add3A_38 = arith.addf %dot_general3A_33, %add3A_37 : vector<256x256xf32>
      %get3A_39 = arith.constant 0 : index
      %get3A_40 = arith.constant 0 : index
      %get3A_41 = vector.load %arg5[%get3A_39, %get3A_40] : memref<1x256xf32, #tpu.memory_space<vmem>>, vector<1x256xf32>
      %get3A_42 = arith.constant 0 : index
      %get3A_43 = arith.constant 0 : index
      %get3A_44 = vector.load %arg6[%get3A_42, %get3A_43] : memref<1x256xf32, #tpu.memory_space<vmem>>, vector<1x256xf32>
      %reduce_sum3A = arith.constant dense<0.000000e+00> : vector<256xf32>
      %reduce_sum3A_45 = vector.multi_reduction <add>, %add3A_38, %reduce_sum3A [0] : vector<256x256xf32> to vector<256xf32>
      %broadcast_in_dim3A_46 = vector.shape_cast %reduce_sum3A_45 : vector<256xf32> to vector<1x256xf32>
      %div3A = arith.constant 2.560000e+02 : f32
      %div3A_47 = vector.broadcast %div3A : f32 to vector<1x256xf32>
      %div3A_48 = arith.divf %broadcast_in_dim3A_46, %div3A_47 : vector<1x256xf32>
      %sub3A = vector.broadcast %div3A_48 : vector<1x256xf32> to vector<256x256xf32>
      %sub3A_49 = arith.subf %add3A_38, %sub3A : vector<256x256xf32>
      %integer_pow3A = arith.mulf %sub3A_49, %sub3A_49 : vector<256x256xf32>
      %reduce_sum3A_50 = arith.constant dense<0.000000e+00> : vector<256xf32>
      %reduce_sum3A_51 = vector.multi_reduction <add>, %integer_pow3A, %reduce_sum3A_50 [0] : vector<256x256xf32> to vector<256xf32>
      %broadcast_in_dim3A_52 = vector.shape_cast %reduce_sum3A_51 : vector<256xf32> to vector<1x256xf32>
      %div3A_53 = arith.constant 2.560000e+02 : f32
      %div3A_54 = vector.broadcast %div3A_53 : f32 to vector<1x256xf32>
      %div3A_55 = arith.divf %broadcast_in_dim3A_52, %div3A_54 : vector<1x256xf32>
      %sub3A_56 = vector.broadcast %div3A_48 : vector<1x256xf32> to vector<256x256xf32>
      %sub3A_57 = arith.subf %add3A_38, %sub3A_56 : vector<256x256xf32>
      %add3A_58 = arith.constant 9.99999974E-6 : f32
      %add3A_59 = vector.broadcast %add3A_58 : f32 to vector<1x256xf32>
      %add3A_60 = arith.addf %div3A_55, %add3A_59 : vector<1x256xf32>
      %sqrt3A = math.sqrt %add3A_60 : vector<1x256xf32>
      %div3A_61 = vector.broadcast %sqrt3A : vector<1x256xf32> to vector<256x256xf32>
      %div3A_62 = arith.divf %sub3A_57, %div3A_61 : vector<256x256xf32>
      %mul3A = vector.broadcast %get3A_41 : vector<1x256xf32> to vector<256x256xf32>
      %mul3A_63 = arith.mulf %div3A_62, %mul3A : vector<256x256xf32>
      %add3A_64 = vector.broadcast %get3A_44 : vector<1x256xf32> to vector<256x256xf32>
      %add3A_65 = arith.addf %mul3A_63, %add3A_64 : vector<256x256xf32>
      %max3A = arith.constant 0.000000e+00 : f32
      %max3A_66 = vector.broadcast %max3A : f32 to vector<256x256xf32>
      %max3A_67 = arith.maximumf %add3A_65, %max3A_66 : vector<256x256xf32>
      %get3A_68 = arith.constant 0 : index
      %get3A_69 = arith.constant 0 : index
      %get3A_70 = vector.load %arg7[%get3A_68, %get3A_69] : memref<256x256xf32, #tpu.memory_space<vmem>>, vector<256x256xf32>
      %convert_element_type3A_71 = arith.truncf %max3A_67 : vector<256x256xf32> to vector<256x256xbf16>
      %convert_element_type3A_72 = arith.truncf %get3A_70 : vector<256x256xf32> to vector<256x256xbf16>
      %dot_general3A_73 = arith.constant dense<0.000000e+00> : vector<256x256xf32>
      %dot_general3A_74 = tpu.matmul %convert_element_type3A_71, %convert_element_type3A_72, %dot_general3A_73 {dimension_numbers = #tpu.dot_dimension_numbers<[1], [0], [0], [1], [0, 0, 1, 1], [], []>, transpose_lhs_hint = false} : vector<256x256xbf16>, vector<256x256xbf16>, vector<256x256xf32> -> vector<256x256xf32>
      %get3A_75 = arith.constant 0 : index
      %get3A_76 = arith.constant 0 : index
      %get3A_77 = vector.load %arg8[%get3A_75, %get3A_76] : memref<1x256xf32, #tpu.memory_space<vmem>>, vector<1x256xf32>
      %add3A_78 = vector.broadcast %get3A_77 : vector<1x256xf32> to vector<256x256xf32>
      %add3A_79 = arith.addf %dot_general3A_74, %add3A_78 : vector<256x256xf32>
      %get3A_80 = arith.constant 0 : index
      %get3A_81 = arith.constant 0 : index
      %get3A_82 = vector.load %arg9[%get3A_80, %get3A_81] : memref<1x256xf32, #tpu.memory_space<vmem>>, vector<1x256xf32>
      %get3A_83 = arith.constant 0 : index
      %get3A_84 = arith.constant 0 : index
      %get3A_85 = vector.load %arg10[%get3A_83, %get3A_84] : memref<1x256xf32, #tpu.memory_space<vmem>>, vector<1x256xf32>
      %reduce_sum3A_86 = arith.constant dense<0.000000e+00> : vector<256xf32>
      %reduce_sum3A_87 = vector.multi_reduction <add>, %add3A_79, %reduce_sum3A_86 [0] : vector<256x256xf32> to vector<256xf32>
      %broadcast_in_dim3A_88 = vector.shape_cast %reduce_sum3A_87 : vector<256xf32> to vector<1x256xf32>
      %div3A_89 = arith.constant 2.560000e+02 : f32
      %div3A_90 = vector.broadcast %div3A_89 : f32 to vector<1x256xf32>
      %div3A_91 = arith.divf %broadcast_in_dim3A_88, %div3A_90 : vector<1x256xf32>
      %sub3A_92 = vector.broadcast %div3A_91 : vector<1x256xf32> to vector<256x256xf32>
      %sub3A_93 = arith.subf %add3A_79, %sub3A_92 : vector<256x256xf32>
      %integer_pow3A_94 = arith.mulf %sub3A_93, %sub3A_93 : vector<256x256xf32>
      %reduce_sum3A_95 = arith.constant dense<0.000000e+00> : vector<256xf32>
      %reduce_sum3A_96 = vector.multi_reduction <add>, %integer_pow3A_94, %reduce_sum3A_95 [0] : vector<256x256xf32> to vector<256xf32>
      %broadcast_in_dim3A_97 = vector.shape_cast %reduce_sum3A_96 : vector<256xf32> to vector<1x256xf32>
      %div3A_98 = arith.constant 2.560000e+02 : f32
      %div3A_99 = vector.broadcast %div3A_98 : f32 to vector<1x256xf32>
      %div3A_100 = arith.divf %broadcast_in_dim3A_97, %div3A_99 : vector<1x256xf32>
      %sub3A_101 = vector.broadcast %div3A_91 : vector<1x256xf32> to vector<256x256xf32>
      %sub3A_102 = arith.subf %add3A_79, %sub3A_101 : vector<256x256xf32>
      %add3A_103 = arith.constant 9.99999974E-6 : f32
      %add3A_104 = vector.broadcast %add3A_103 : f32 to vector<1x256xf32>
      %add3A_105 = arith.addf %div3A_100, %add3A_104 : vector<1x256xf32>
      %sqrt3A_106 = math.sqrt %add3A_105 : vector<1x256xf32>
      %div3A_107 = vector.broadcast %sqrt3A_106 : vector<1x256xf32> to vector<256x256xf32>
      %div3A_108 = arith.divf %sub3A_102, %div3A_107 : vector<256x256xf32>
      %mul3A_109 = vector.broadcast %get3A_82 : vector<1x256xf32> to vector<256x256xf32>
      %mul3A_110 = arith.mulf %div3A_108, %mul3A_109 : vector<256x256xf32>
      %add3A_111 = vector.broadcast %get3A_85 : vector<1x256xf32> to vector<256x256xf32>
      %add3A_112 = arith.addf %mul3A_110, %add3A_111 : vector<256x256xf32>
      %max3A_113 = arith.constant 0.000000e+00 : f32
      %max3A_114 = vector.broadcast %max3A_113 : f32 to vector<256x256xf32>
      %max3A_115 = arith.maximumf %add3A_112, %max3A_114 : vector<256x256xf32>
      %get3A_116 = arith.constant 0 : index
      %get3A_117 = arith.constant 0 : index
      %get3A_118 = vector.load %arg11[%get3A_116, %get3A_117] : memref<256x256xf32, #tpu.memory_space<vmem>>, vector<256x256xf32>
      %convert_element_type3A_119 = arith.truncf %max3A_115 : vector<256x256xf32> to vector<256x256xbf16>
      %convert_element_type3A_120 = arith.truncf %get3A_118 : vector<256x256xf32> to vector<256x256xbf16>
      %dot_general3A_121 = arith.constant dense<0.000000e+00> : vector<256x256xf32>
      %dot_general3A_122 = tpu.matmul %convert_element_type3A_119, %convert_element_type3A_120, %dot_general3A_121 {dimension_numbers = #tpu.dot_dimension_numbers<[1], [0], [0], [1], [0, 0, 1, 1], [], []>, transpose_lhs_hint = false} : vector<256x256xbf16>, vector<256x256xbf16>, vector<256x256xf32> -> vector<256x256xf32>
      %get3A_123 = arith.constant 0 : index
      %get3A_124 = arith.constant 0 : index
      %get3A_125 = vector.load %arg12[%get3A_123, %get3A_124] : memref<1x256xf32, #tpu.memory_space<vmem>>, vector<1x256xf32>
      %add3A_126 = vector.broadcast %get3A_125 : vector<1x256xf32> to vector<256x256xf32>
      %add3A_127 = arith.addf %dot_general3A_122, %add3A_126 : vector<256x256xf32>
      %get3A_128 = arith.constant 0 : index
      %get3A_129 = arith.constant 0 : index
      %get3A_130 = vector.load %arg13[%get3A_128, %get3A_129] : memref<1x256xf32, #tpu.memory_space<vmem>>, vector<1x256xf32>
      %get3A_131 = arith.constant 0 : index
      %get3A_132 = arith.constant 0 : index
      %get3A_133 = vector.load %arg14[%get3A_131, %get3A_132] : memref<1x256xf32, #tpu.memory_space<vmem>>, vector<1x256xf32>
      %reduce_sum3A_134 = arith.constant dense<0.000000e+00> : vector<256xf32>
      %reduce_sum3A_135 = vector.multi_reduction <add>, %add3A_127, %reduce_sum3A_134 [0] : vector<256x256xf32> to vector<256xf32>
      %broadcast_in_dim3A_136 = vector.shape_cast %reduce_sum3A_135 : vector<256xf32> to vector<1x256xf32>
      %div3A_137 = arith.constant 2.560000e+02 : f32
      %div3A_138 = vector.broadcast %div3A_137 : f32 to vector<1x256xf32>
      %div3A_139 = arith.divf %broadcast_in_dim3A_136, %div3A_138 : vector<1x256xf32>
      %sub3A_140 = vector.broadcast %div3A_139 : vector<1x256xf32> to vector<256x256xf32>
      %sub3A_141 = arith.subf %add3A_127, %sub3A_140 : vector<256x256xf32>
      %integer_pow3A_142 = arith.mulf %sub3A_141, %sub3A_141 : vector<256x256xf32>
      %reduce_sum3A_143 = arith.constant dense<0.000000e+00> : vector<256xf32>
      %reduce_sum3A_144 = vector.multi_reduction <add>, %integer_pow3A_142, %reduce_sum3A_143 [0] : vector<256x256xf32> to vector<256xf32>
      %broadcast_in_dim3A_145 = vector.shape_cast %reduce_sum3A_144 : vector<256xf32> to vector<1x256xf32>
      %div3A_146 = arith.constant 2.560000e+02 : f32
      %div3A_147 = vector.broadcast %div3A_146 : f32 to vector<1x256xf32>
      %div3A_148 = arith.divf %broadcast_in_dim3A_145, %div3A_147 : vector<1x256xf32>
      %sub3A_149 = vector.broadcast %div3A_139 : vector<1x256xf32> to vector<256x256xf32>
      %sub3A_150 = arith.subf %add3A_127, %sub3A_149 : vector<256x256xf32>
      %add3A_151 = arith.constant 9.99999974E-6 : f32
      %add3A_152 = vector.broadcast %add3A_151 : f32 to vector<1x256xf32>
      %add3A_153 = arith.addf %div3A_148, %add3A_152 : vector<1x256xf32>
      %sqrt3A_154 = math.sqrt %add3A_153 : vector<1x256xf32>
      %div3A_155 = vector.broadcast %sqrt3A_154 : vector<1x256xf32> to vector<256x256xf32>
      %div3A_156 = arith.divf %sub3A_150, %div3A_155 : vector<256x256xf32>
      %mul3A_157 = vector.broadcast %get3A_130 : vector<1x256xf32> to vector<256x256xf32>
      %mul3A_158 = arith.mulf %div3A_156, %mul3A_157 : vector<256x256xf32>
      %add3A_159 = vector.broadcast %get3A_133 : vector<1x256xf32> to vector<256x256xf32>
      %add3A_160 = arith.addf %mul3A_158, %add3A_159 : vector<256x256xf32>
      %max3A_161 = arith.constant 0.000000e+00 : f32
      %max3A_162 = vector.broadcast %max3A_161 : f32 to vector<256x256xf32>
      %max3A_163 = arith.maximumf %add3A_160, %max3A_162 : vector<256x256xf32>
      %get3A_164 = arith.constant 0 : index
      %get3A_165 = arith.constant 0 : index
      %get3A_166 = vector.load %arg15[%get3A_164, %get3A_165] : memref<1x256xf32, #tpu.memory_space<vmem>>, vector<1x256xf32>
      %mul3A_167 = vector.broadcast %get3A_166 : vector<1x256xf32> to vector<256x256xf32>
      %mul3A_168 = arith.mulf %max3A_163, %mul3A_167 : vector<256x256xf32>
      %reduce_sum3A_169 = arith.constant dense<0.000000e+00> : vector<256xf32>
      %reduce_sum3A_170 = vector.multi_reduction <add>, %mul3A_168, %reduce_sum3A_169 [1] : vector<256x256xf32> to vector<256xf32>
      %broadcast_in_dim3A_171 = vector.shape_cast %reduce_sum3A_170 : vector<256xf32> to vector<256x1xf32>
      %get3A_172 = arith.constant 0 : index
      %get3A_173 = arith.constant 0 : index
      %get3A_174 = vector.load %arg16[%get3A_172, %get3A_173] : memref<1x1xf32, #tpu.memory_space<vmem>>, vector<1x1xf32>
      %add3A_175 = vector.broadcast %get3A_174 : vector<1x1xf32> to vector<256x1xf32>
      %add3A_176 = arith.addf %broadcast_in_dim3A_171, %add3A_175 : vector<256x1xf32>
      %swap3A_177 = arith.constant 0 : index
      %swap3A_178 = arith.constant 0 : index
      %swap3A_179 = vector.load %arg17[%swap3A_177, %swap3A_178] : memref<256x1xf32, #tpu.memory_space<vmem>>, vector<256x1xf32>
      tpu.vector_store %arg17[%swap3A_177, %swap3A_178], %add3A_176 {strides = array<i32>} : memref<256x1xf32, #tpu.memory_space<vmem>>, vector<256x1xf32>,
    } else {
    }
    return
  }
  func.func @transform_0(%arg0: i32) -> (i32, i32, i32) {
    %c0_i32 = arith.constant 0 : i32
    %c0_i32_0 = arith.constant 0 : i32
    %c0_i32_1 = arith.constant 0 : i32
    return %arg0, %c0_i32, %c0_i32_0 : i32, i32, i32
  }
  func.func @transform_1(%arg0: i32) -> (i32, i32) {
    %c0_i32 = arith.constant 0 : i32
    %c0_i32_0 = arith.constant 0 : i32
    return %arg0, %c0_i32 : i32, i32
  }
  func.func @transform_2(%arg0: i32) -> (i32, i32) {
    %c0_i32 = arith.constant 0 : i32
    %c0_i32_0 = arith.constant 0 : i32
    %c0_i32_1 = arith.constant 0 : i32
    return %c0_i32, %c0_i32_0 : i32, i32
  }
  func.func @transform_3(%arg0: i32) -> (i32, i32) {
    %c0_i32 = arith.constant 0 : i32
    %c0_i32_0 = arith.constant 0 : i32
    %c0_i32_1 = arith.constant 0 : i32
    return %c0_i32, %c0_i32_0 : i32, i32
  }
  func.func @transform_4(%arg0: i32) -> (i32, i32) {
    %c0_i32 = arith.constant 0 : i32
    %c0_i32_0 = arith.constant 0 : i32
    %c0_i32_1 = arith.constant 0 : i32
    return %c0_i32, %c0_i32_0 : i32, i32
  }
  func.func @transform_5(%arg0: i32) -> (i32, i32) {
    %c0_i32 = arith.constant 0 : i32
    %c0_i32_0 = arith.constant 0 : i32
    %c0_i32_1 = arith.constant 0 : i32
    return %c0_i32, %c0_i32_0 : i32, i32
  }
  func.func @transform_6(%arg0: i32) -> (i32, i32) {
    %c0_i32 = arith.constant 0 : i32
    %c0_i32_0 = arith.constant 0 : i32
    %c0_i32_1 = arith.constant 0 : i32
    return %c0_i32, %c0_i32_0 : i32, i32
  }
  func.func @transform_7(%arg0: i32) -> (i32, i32) {
    %c0_i32 = arith.constant 0 : i32
    %c0_i32_0 = arith.constant 0 : i32
    %c0_i32_1 = arith.constant 0 : i32
    return %c0_i32, %c0_i32_0 : i32, i32
  }
  func.func @transform_8(%arg0: i32) -> (i32, i32) {
    %c0_i32 = arith.constant 0 : i32
    %c0_i32_0 = arith.constant 0 : i32
    %c0_i32_1 = arith.constant 0 : i32
    return %c0_i32, %c0_i32_0 : i32, i32
  }
  func.func @transform_9(%arg0: i32) -> (i32, i32) {
    %c0_i32 = arith.constant 0 : i32
    %c0_i32_0 = arith.constant 0 : i32
    %c0_i32_1 = arith.constant 0 : i32
    return %c0_i32, %c0_i32_0 : i32, i32
  }
  func.func @transform_10(%arg0: i32) -> (i32, i32) {
    %c0_i32 = arith.constant 0 : i32
    %c0_i32_0 = arith.constant 0 : i32
    %c0_i32_1 = arith.constant 0 : i32
    return %c0_i32, %c0_i32_0 : i32, i32
  }
  func.func @transform_11(%arg0: i32) -> (i32, i32) {
    %c0_i32 = arith.constant 0 : i32
    %c0_i32_0 = arith.constant 0 : i32
    %c0_i32_1 = arith.constant 0 : i32
    return %c0_i32, %c0_i32_0 : i32, i32
  }
  func.func @transform_12(%arg0: i32) -> (i32, i32) {
    %c0_i32 = arith.constant 0 : i32
    %c0_i32_0 = arith.constant 0 : i32
    %c0_i32_1 = arith.constant 0 : i32
    return %c0_i32, %c0_i32_0 : i32, i32
  }
  func.func @transform_13(%arg0: i32) -> (i32, i32) {
    %c0_i32 = arith.constant 0 : i32
    %c0_i32_0 = arith.constant 0 : i32
    %c0_i32_1 = arith.constant 0 : i32
    return %c0_i32, %c0_i32_0 : i32, i32
  }
  func.func @transform_14(%arg0: i32) -> (i32, i32) {
    %c0_i32 = arith.constant 0 : i32
    %c0_i32_0 = arith.constant 0 : i32
    %c0_i32_1 = arith.constant 0 : i32
    return %c0_i32, %c0_i32_0 : i32, i32
  }
  func.func @transform_15(%arg0: i32) -> (i32, i32) {
    %c0_i32 = arith.constant 0 : i32
    %c0_i32_0 = arith.constant 0 : i32
    %c0_i32_1 = arith.constant 0 : i32
    return %c0_i32, %c0_i32_0 : i32, i32
  }
  func.func @transform_16(%arg0: i32) -> (i32, i32) {
    %c0_i32 = arith.constant 0 : i32
    %c0_i32_0 = arith.constant 0 : i32
    %c0_i32_1 = arith.constant 0 : i32
    return %c0_i32, %c0_i32_0 : i32, i32
  }
}

</mosaic_0001>

<sc_bundles>
// kernel: sc_edge_stage.10.cloned.1.call-start
scs
__scs_entry_jumppad:
0x0: {  	(pc) =	sbr.rel $0x88, $3  }
0x1: {  	(tag) =	ssettag $0x0;
	lr =	simm.s32 $0x1  }
0x2: {  	[smem:$0x3F8A] =	sst lr;
	_ =	strace $0xD0000000  }
0x3: {  	_ = 	snop  }
0x4: {  	_ = 	snop  }
0x5: {  	_ = 	snop  }
0x6: {  	_ = 	snop  }
0x7: {  	_ = 	snop  }
__scs_overlays_trampoline_lowered:
0x8: {  	[smem:$0x3F99] =	sst s0  }
0x9: {  	[smem:$0x3F9A] =	sst s1  }
0xa: {  	[smem:$0x3F9B] =	sst s2  }
0xb: {  	[smem:$0x3F9C] =	sst s3  }
0xc: {  	[smem:$0x3F9D] =	sst s4  }
0xd: {  	[smem:$0x3F9E] =	sst s5  }
0xe: {  	[smem:$0x3F9F] =	sst s6  }
0xf: {  	[smem:$0x3FA0] =	sst s7  }
0x10: {  	[smem:$0x3FA1] =	sst s8  }
0x11: {  	[smem:$0x3FA2] =	sst s9;
	s0 =	simm.s32 @!p0 $0x0  }
0x12: {  	s1 =	sld [smem:$0x3F88];
	s0 =	simm.s32 @p0 $0x1  }
0x13: {  	[smem:$0x3FA3] =	sst s0;
	s0 =	simm.s32 @!p1 $0x0  }
0x14: {  	s2 =	sld [smem:$0x3F87];
	s0 =	simm.s32 @p1 $0x1  }
0x15: {  	[smem:$0x3FA4] =	sst s0;
	s0 =	simm.s32 @!p2 $0x0  }
0x16: {  	s3 =	sld [smem:$0x3FDB];
	s0 =	simm.s32 @p2 $0x1  }
0x17: {  	s4 =	simm.s32 $0x1BF5;
	[smem:$0x3FA6] =	sst s0  }
0x18: {  	s0 =	sld [smem:$0x3F89];
	_ =	swait.ge [sflag:s4], $0x0  }
0x19: {  	s7 =	sld [smem:$0x3F8A]  }
0x1a: {  	s8 =	sadd.s32 $0xFFFFE003, lr  }
0x1b: {  	s9 =	sadd.s32 $0xFFFFFEF7, lr;
	s5 =	simm.s32 $0xFFFFFFFF;
	p2 =	slt.u32 s8, $0xFFFFF086  }
0x1c: {  	p1 =	slt.u32 s9, $0xF7A;
	s5 =	simm.s32 @!p2 $0x0  }
0x1d: {  	s5 =	simm.s32 @p1 $0x1;
	p0 =	seq.s32 s7, s2  }
0x1e: {  	s7 =	smul.u32 @!p0 $0xF7A, s2;
	p2 =	seq.s32 @!p0 s5, $0x0  }
0x1f: {  	s9 =	smul.u32 $0xF7A, s1;
	s8 =	simm.s32 @!p0 $0x1BF5;
	p2 =	por !p2, p0  }
0x20: {  	[sflag:s8] =	ssyncset.s32 @!p0 $0xFFFFF086;
	s6 =	sadd.s32 @!p0 s3, s7;
	s7 =	simm.s32 @!p0 $0x108  }
0x21: {  	s3 =	sadd.s32 s3, s9;
	s6 =	sadd.s32 @!p0 $0x88, s6;
	s7 =	simm.s32 @p2 $0x1082  }
0x22: {  	[simem:s7], [sflag:s8] =	dma.local @!p0 [hbm:s6], $0xF7A  }
0x23: {  	s9 =	sor.u32 $0xD0000000, s2;
	s6 =	simm.s32 $0x108;
	_ =	swait.ge @!p0 [sflag:s8], $0x0  }
0x24: {  	s3 =	sadd.s32 $0x88, s3;
	s6 =	simm.s32 @!p1 $0x1082;
	[sflag:s4] =	ssyncset.s32 $0xFFFFF086  }
0x25: {  	[simem:s6], [sflag:s4] =	dma.local [hbm:s3], $0xF7A  }
0x26: {  	[smem:$0x3F8A] =	sst s1;
	(tag) =	ssettag s2;
	_ =	strace s9  }
0x27: {  	s1 =	sld [smem:$0x3F9A]  }
0x28: {  	s2 =	sld [smem:$0x3F9B]  }
0x29: {  	s4 =	sld [smem:$0x3F9D]  }
0x2a: {  	p0 =	seq.s32 s5, $0x0;
	s5 =	sld [smem:$0x3F9E]  }
0x2b: {  	s6 =	sld [smem:$0x3F9F]  }
0x2c: {  	s7 =	sld [smem:$0x3FA0]  }
0x2d: {  	s3 =	simm.s32 $0x108;
	s8 =	sld [smem:$0x3FA1]  }
0x2e: {  	s3 =	simm.s32 @!p0 $0x1082;
	s9 =	sld [smem:$0x3FA2]  }
0x2f: {  	lr =	sadd.s32 s0, s3;
	s0 =	sld [smem:$0x3F99]  }
0x30: {  	s3 =	sld [smem:$0x3F9C]  }
0x31: {  	[smem:$0x3FA5] =	sst s10  }
0x32: {  	s10 =	sld [smem:$0x3FA3];
	_ =	sdelay $0x3  }
0x33: {  	p0 =	seq.s32 s10, $0x1;
	s10 =	sld [smem:$0x3FA5];
	_ =	sdelay $0x3  }
0x34: {  	[smem:$0x3FA5] =	sst s10  }
0x35: {  	s10 =	sld [smem:$0x3FA4];
	_ =	sdelay $0x3  }
0x36: {  	p1 =	seq.s32 s10, $0x1;
	s10 =	sld [smem:$0x3FA5];
	_ =	sdelay $0x3  }
0x37: {  	[smem:$0x3FA5] =	sst s10  }
0x38: {  	s10 =	sld [smem:$0x3FA6]  }
0x39: {  	_ = 	snop;
	(pc) =	sbr.ind lr, $3  }
0x3a: {  	_ = 	snop  }
0x3b: {  	_ = 	snop  }
0x3c: {  	p2 =	seq.s32 s10, $0x1;
	s10 =	sld [smem:$0x3FA5]  }
0x3d: {  	_ =	shalt  }
0x3e: {  	_ =	shalt  }
0x3f: {  	_ =	shalt  }
0x40: {  	_ =	shalt  }
0x41: {  	_ =	shalt  }
0x42: {  	_ =	shalt  }
0x43: {  	_ =	shalt  }
0x44: {  	_ =	shalt  }
0x45: {  	_ =	shalt  }
0x46: {  	_ =	shalt  }
0x47: {  	_ =	shalt  }
0x48: {  	_ =	shalt  }
0x49: {  	_ =	shalt  }
0x4a: {  	_ =	shalt  }
0x4b: {  	_ =	shalt  }
0x4c: {  	_ =	shalt  }
0x4d: {  	_ =	shalt  }
0x4e: {  	_ =	shalt  }
0x4f: {  	_ =	shalt  }
0x50: {  	_ =	shalt  }
0x51: {  	_ =	shalt  }
0x52: {  	_ =	shalt  }
0x53: {  	_ =	shalt  }
0x54: {  	_ =	shalt  }
0x55: {  	_ =	shalt  }
0x56: {  	_ =	shalt  }
0x57: {  	_ =	shalt  }
0x58: {  	_ =	shalt  }
0x59: {  	_ =	shalt  }
0x5a: {  	_ =	shalt  }
0x5b: {  	_ =	shalt  }
0x5c: {  	_ =	shalt  }
0x5d: {  	_ =	shalt  }
0x5e: {  	_ =	shalt  }
0x5f: {  	_ =	shalt  }
0x60: {  	_ =	shalt  }
0x61: {  	_ =	shalt  }
0x62: {  	_ =	shalt  }
0x63: {  	_ =	shalt  }
0x64: {  	_ =	shalt  }
0x65: {  	_ =	shalt  }
0x66: {  	_ =	shalt  }
0x67: {  	_ =	shalt  }
0x68: {  	_ =	shalt  }
0x69: {  	_ =	shalt  }
0x6a: {  	_ =	shalt  }
0x6b: {  	_ =	shalt  }
0x6c: {  	_ =	shalt  }
0x6d: {  	_ =	shalt  }
0x6e: {  	_ =	shalt  }
0x6f: {  	_ =	shalt  }
0x70: {  	_ =	shalt  }
0x71: {  	_ =	shalt  }
0x72: {  	_ =	shalt  }
0x73: {  	_ =	shalt  }
0x74: {  	_ =	shalt  }
0x75: {  	_ =	shalt  }
0x76: {  	_ =	shalt  }
0x77: {  	_ =	shalt  }
0x78: {  	_ =	shalt  }
0x79: {  	_ =	shalt  }
0x7a: {  	_ =	shalt  }
0x7b: {  	_ =	shalt  }
0x7c: {  	_ =	shalt  }
0x7d: {  	_ =	shalt  }
0x7e: {  	_ =	shalt  }
0x7f: {  	_ =	shalt  }
0x80: {  	_ =	shalt  }
0x81: {  	_ =	shalt  }
0x82: {  	_ =	shalt  }
0x83: {  	_ =	shalt  }
0x84: {  	_ =	shalt  }
0x85: {  	_ =	shalt  }
0x86: {  	_ =	shalt  }
0x87: {  	_ =	shalt  }
.Lfunc_end0:
.L_simem_size_0:
called_computation.1_lowered:
.L_overlay_start_0:
0x88: {  	s2 =	sld [smem:$0x3FD9]  }
0x89: {  	s3 =	sld [smem:$0x3FFE];
	_ =	sdelay $0x1  }
0x8a: {  	s1 =	srdreg.scid  }
0x8b: {  	s0 =	sand.u32 $0x1, s1  }
0x8c: {  	s16 =	sshll.u32 s0, $0xA;
	s2 =	sadd.s32 s3, s2  }
0x8d: {  	s2 =	sadd.s32 s2, s16  }
0x8e: {  	[smem:$0x3FB1] =	sst s2  }
0x8f: {  	_ = 	snop  }
0x90: {  	(tm) =	ssettm $0x1  }
0x91: {  	s17 =	sld [smem:$0x3FFB];
	_ =	sdelay $0x3  }
0x92: {  	_ =	strace s17  }
0x93: {  	s2 =	sld [smem:$0x3FFC];
	_ =	sdelay $0x3  }
0x94: {  	_ =	strace s2  }
0x95: {  	s2 =	sld [smem:$0x3FFD];
	_ =	sdelay $0x3  }
0x96: {  	_ =	strace s2  }
0x97: {  	_ =	strace $0x8FFFFFFF  }
0x98: {  	s18 =	sld [smem:$0x3FDB];
	_ =	sdelay $0x1  }
0x99: {  	s19 =	simm.s32 $_scs_section_size  }
0x9a: {  	s4 =	simm.s32 $_size__tile_overlayer_lowered;
	s5 =	simm.s32 $_tile_overlayer_lowered  }
0x9b: {  	s22 =	simm.s32 $0x1BFF;
	s21 =	sshll.u32 s5, $0x1;
	s2 =	sadd.s32 s19, s18  }
0x9c: {  	s6 =	simm.s32 $0x0;
	s20 =	sshll.u32 s4, $0x1;
	s4 =	sadd.s32 s21, s2  }
0x9d: {  	[timem:s6], [sflag:s22] =	dma.local [hbm:s4], s20  }
0x9e: {  	_ =	swait.ge [sflag:s22], s20  }
0x9f: {  	s3 =	ssub.s32 $0x0, s20;
	[sflag:s22] =	ssyncset.done $0x0  }
0xa0: {  	[sflag:s22] =	ssyncadd.s32 s3;
	_ =	sdelay $0x1  }
0xa1: {  	s23 =	simm.s32 $0x1B8B  }
0xa2: {  	_ =	swait.ge [sflag:s23], $0x1  }
0xa3: {  	[sflag:s23] =	ssyncset.done $0x0  }
0xa4: {  	s25 =	simm.s32 $0x1B8E;
	s24 =	sld [smem:$0x3FFE];
	[sflag:s23] =	ssyncadd.s32 $0xFFFFFFFF  }
0xa5: {  	s26 =	simm.s32 $execute0_lowered;
	[smem:$0x3FD2] =	sst s25  }
0xa6: {  	s4 =	sshll.u32 s26, $0x1;
	_ =	strace $0x80000049;
	[dreg:$0x1] =	wrdreg $0xFFFFFFFF  }
0xa7: {  	s28 =	simm.s32 $_size_execute0_lowered;
	s2 =	sadd.s32 s2, s4;
	[dreg:$0x0] =	wrdreg $0x0  }
0xa8: {  	s4 =	sshll.u32 s28, $0x1;
	[dreg:$0x2] =	wrdreg s2  }
0xa9: {  	[dreg:$0x3] =	wrdreg s4  }
0xaa: {  	[dreg:$0x4] =	wrdreg $0xC0  }
0xab: {  	_ =	task [dreg:s6], $0x5FFFF  }
0xac: {  	[dreg:$0x1] =	wrdreg $0xFFFFFFFF  }
0xad: {  	[dreg:$0x0] =	wrdreg $0x60  }
0xae: {  	[dreg:$0x2] =	wrdreg s24  }
0xaf: {  	[dreg:$0x3] =	wrdreg $0x0  }
0xb0: {  	[dreg:$0x4] =	wrdreg $0x9  }
0xb1: {  	_ =	task.clear_ibuf [dreg:s6], $0x5FFFF;
	_ =	strace $0x90000049  }
0xb2: {  	s29 =	simm.s32 $0x9;
	_ =	strace $0x8000004B  }
0xb3: {  	_ =	swait.ge [sflag:s29], $0x1  }
0xb4: {  	[sflag:s29] =	ssyncadd.s32 $0xFFFFFFFF  }
0xb5: {  	_ =	strace $0x9000004B  }
0xb6: {  	_ =	sfence  }
0xb7: {  	s30 =	sld [smem:$0x0];
	_ =	sdelay $0x2  }
0xb8: {  	s31 =	sshll.u32 s1, $0xD;
	s1 =	sshrl.u32 s1, $0x2  }
0xb9: {  	s3 =	sand.u32 $0x4000, s31;
	s1 =	sadd.s32 s1, s30  }
0xba: {  	s0 =	sor.u32 s3, s0;
	s1 =	sshll.u32 s1, $0x11  }
0xbb: {  	s0 =	sor.u32 s1, s0  }
0xbc: {  	s0 =	sadd.s32 $0x8F2B, s0  }
0xbd: {  	[sflag:s0] =	ssyncadd.remote.s32 $0x1  }
0xbe: {  	_ =	sfence.sel $0xFFFF  }
0xbf: {  	[dreg:$0x0] =	wrdreg $0xFFFFFFFF;
	(pc) =	sbr.abs _section_cstart, $3  }
0xc0: {  	[dreg:$0x1] =	wrdreg $0xFFFFFFFF  }
0xc1: {  	_ =	task.clear_ibuf [dreg:s6], $0x2FFFF;
	_ =	strace $0x9FFFFFFF  }
0xc2: {  	(tm) =	ssettm $0x7FFFFFFF  }
0xc3: {  	_ =	shalt  }
tec
execute0_lowered:
.L_overlay_start_1:
0x0: {  	(tag) =	ssettag $0x1  }
0x1: {  	s8 =	rddreg [dreg:$0x0]  }
0x2: {  	s1 =	rddreg [dreg:$0x1]  }
0x3: {  	s2 =	srdreg.scid;
	s0 =	rddreg [dreg:$0x2];
	s3 =	simm.s32 $0x0  }
0x4: {  	s16 =	simm.s32 $0x19100;
	s17 =	simm.s32 $0x2;
	s18 =	simm.s32 $0x14000  }
0x5: {  	s19 =	simm.s32 $0x14080;
	s20 =	simm.s32 $0x14100;
	s21 =	simm.s32 $0x50  }
0x6: {  	s22 =	simm.s32 $0x16900;
	s23 =	simm.s32 $0x1;
	s9 =	sand.u32 $0x1, s2  }
0x7: {  	s2 =	stileid.u32;
	s4 =	sadd.s32 $0xA57800, s8;
	s6 =	smul.u32 $0x140000, s9  }
0x8: {  	[smem:$0x7FF] =	sst s3;
	s5 =	sadd.s32 $0x4F4800, s8;
	s7 =	smul.u32 $0x14000, s2  }
0x9: {  	s11 =	smul.u32 $0x50000, s2;
	s30 =	ssub.s32 $0x2, s9;
	s9 =	sshll.u32 s9, $0x4  }
0xa: {  	_ =	strace $0x8000004A;
	s31 =	sshrl.u32 s30, $0x1;
	s9 =	sor.u32 s2, s9  }
0xb: {  	s7 =	sadd.s32 s7, s6;
	s6 =	sadd.s32 $0x4EAA00, s8;
	s11 =	sshrl.u32 s11, $0x2  }
0xc: {  	s15 =	ssub.s32 s30, s31;
	s9 =	smul.u32 $0x2710, s9;
	s10 =	sshrl.u32 s7, $0x3  }
0xd: {  	s7 =	sadd.s32 $0x4FE600, s8;
	s14 =	sadd.s32 s10, s8;
	s8 =	sadd.s32 s11, s1  }
0xe: {  	s15 =	smax.u32 s15, $0x1;
	s10 =	sadd.s32 $0x4000, s8;
	s11 =	sadd.s32 $0x8000, s8  }
0xf: {  	v0 =	vimm.f32 $0.0e+00;
	s12 =	sadd.s32 $0xC000, s8;
	s13 =	sadd.s32 $0x10000, s8;
	s14 =	sadd.s32 $0x525800, s14  }
.LBB2_1:
0x10: {  	s24 =	simm.s32 $0x0;
	s25 =	simm.s32 $0x200  }
.LBB2_2:
0x11: {  	p0 =	sne.s32 s25, $0xFE00;
	[tilespmem:s24+$0x19170] =	vst v0  }
0x12: {  	[tilespmem:s24+$0x19100] =	vst v0  }
0x13: {  	[tilespmem:s24+$0x19110] =	vst v0  }
.Ltmp0:
0x14: {  	[tilespmem:s24+$0x19120] =	vst v0;
	(pc) =	sbr.rel @p0 .LBB2_2-.Ltmp0, $4  }
0x15: {  	[tilespmem:s24+$0x19130] =	vst v0  }
0x16: {  	[tilespmem:s24+$0x19140] =	vst v0  }
0x17: {  	[tilespmem:s24+$0x19150] =	vst v0  }
0x18: {  	[tilespmem:s24+$0x19160] =	vst v0;
	s24 =	sshra.s32 s25, $0x2;
	s25 =	sadd.s32 $0x200, s25  }
0x19: {  	[tilespmem:s24+$0x19170] =	vst v0  }
0x1a: {  	[tilespmem:s24+$0x19100] =	vst v0  }
0x1b: {  	[tilespmem:s24+$0x19110] =	vst v0  }
0x1c: {  	[tilespmem:s24+$0x19120] =	vst v0  }
0x1d: {  	[tilespmem:s24+$0x19130] =	vst v0  }
0x1e: {  	[tilespmem:s24+$0x19140] =	vst v0  }
0x1f: {  	[tilespmem:s24+$0x19150] =	vst v0  }
0x20: {  	[tilespmem:s24+$0x19160] =	vst v0  }
0x21: {  	[spmem:s8] =	stream.linear.scatter [tilespmem:s16], [sflag:$0x2], $0x4000, $0x38;
	[tilespmem:$0x1D100] =	vst v63  }
0x22: {  	_ =	swait.ge [sflag:s17], $0x4000  }
0x23: {  	[sflag:s17] =	ssyncset.done $0x0  }
0x24: {  	[sflag:s17] =	ssyncadd.s32 $0xFFFFC000  }
0x25: {  	[spmem:s10] =	stream.linear.scatter [tilespmem:s16], [sflag:$0x2], $0x4000, $0x38;
	[tilespmem:$0x1D100] =	vst v63  }
0x26: {  	_ =	swait.ge [sflag:s17], $0x4000  }
0x27: {  	[sflag:s17] =	ssyncset.done $0x0  }
0x28: {  	[sflag:s17] =	ssyncadd.s32 $0xFFFFC000  }
0x29: {  	[spmem:s11] =	stream.linear.scatter [tilespmem:s16], [sflag:$0x2], $0x4000, $0x38;
	[tilespmem:$0x1D100] =	vst v63  }
0x2a: {  	_ =	swait.ge [sflag:s17], $0x4000  }
0x2b: {  	[sflag:s17] =	ssyncset.done $0x0  }
0x2c: {  	[sflag:s17] =	ssyncadd.s32 $0xFFFFC000  }
0x2d: {  	[spmem:s12] =	stream.linear.scatter [tilespmem:s16], [sflag:$0x2], $0x4000, $0x38;
	[tilespmem:$0x1D100] =	vst v63  }
0x2e: {  	_ =	swait.ge [sflag:s17], $0x4000  }
0x2f: {  	[sflag:s17] =	ssyncset.done $0x0  }
0x30: {  	[sflag:s17] =	ssyncadd.s32 $0xFFFFC000  }
0x31: {  	[spmem:s13] =	stream.linear.scatter [tilespmem:s16], [sflag:$0x2], $0x4000, $0x38;
	[tilespmem:$0x1D100] =	vst v63  }
0x32: {  	_ =	swait.ge [sflag:s17], $0x4000  }
0x33: {  	[sflag:s17] =	ssyncset.done $0x0  }
0x34: {  	[sflag:s17] =	ssyncadd.s32 $0xFFFFC000  }
0x35: {  	s24 =	simm.s32 $0x0;
	s25 =	simm.s32 $0x0;
	[bflag:$0x0] =	sbarrier.arrive $0xFFFF  }
.LBB2_4:
0x36: {  	s26 =	smul.u32 $0x50, s25;
	_ =	sdelay $0x1  }
0x37: {  	s26 =	sadd.s32 s9, s26  }
0x38: {  	s28 =	sshrl.u32 s26, $0x3  }
0x39: {  	s29 =	sadd.s32 s5, s28  }
0x3a: {  	[tilespmem:s18], [sflag:$0x2] =	stream.linear.gather [hbm4b:s29+s24], $0x50, $0x38;
	[tilespmem:$0x1D100] =	vst v63  }
0x3b: {  	_ =	swait.ge [sflag:s17], $0x50  }
0x3c: {  	[sflag:s17] =	ssyncset.done $0x0  }
0x3d: {  	s28 =	sadd.s32 s6, s28;
	[sflag:s17] =	ssyncadd.s32 $0xFFFFFFB0  }
0x3e: {  	[tilespmem:s19], [sflag:$0x2] =	stream.linear.gather [hbm4b:s28+s24], $0x50, $0x38;
	[tilespmem:$0x1D100] =	vst v63  }
0x3f: {  	_ =	swait.ge [sflag:s17], $0x50  }
0x40: {  	s26 =	sshll.u32 s26, $0x4;
	[sflag:s17] =	ssyncset.done $0x0  }
0x41: {  	s26 =	sadd.s32 s4, s26;
	[sflag:s17] =	ssyncadd.s32 $0xFFFFFFB0  }
0x42: {  	[tilespmem:s20], [sflag:$0x2] =	stream.linear.gather [hbm4b:s26+s24], $0x2800, $0x38;
	[tilespmem:$0x1D100] =	vst v63  }
0x43: {  	_ =	swait.ge [sflag:s17], $0x2800  }
0x44: {  	[sflag:s17] =	ssyncset.done $0x0  }
0x45: {  	[sflag:s17] =	ssyncadd.s32 $0xFFFFD800  }
0x46: {  	[tilespmem:s22], [sflag:$0x1] =	stream.indirect.gather [hbm4b:s7+s21], $0x80, s18, s21, $0xb8;
	[tilespmem:$0x1D100] =	vst v63  }
0x47: {  	_ =	swait.ge [sflag:s23], $0x2800  }
0x48: {  	[sflag:s23] =	ssyncset.done $0x0  }
0x49: {  	s26 =	simm.s32 $0x0;
	[sflag:s23] =	ssyncadd.s32 $0xFFFFD800  }
0x4a: {  	v7 =	vld [tilespmem:s26+$0x16900]  }
0x4b: {  	v12 =	vld [tilespmem:s26+$0x16910]  }
0x4c: {  	v6 =	vld [tilespmem:s26+$0x16920]  }
0x4d: {  	v5 =	vld [tilespmem:s26+$0x16930]  }
0x4e: {  	v4 =	vld [tilespmem:s26+$0x16940]  }
0x4f: {  	v3 =	vld [tilespmem:s26+$0x16950]  }
0x50: {  	v2 =	vld [tilespmem:s26+$0x16960]  }
0x51: {  	v1 =	vld [tilespmem:s26+$0x16970]  }
0x52: {  	v13 =	vld [tilespmem:s26+$0x14100]  }
0x53: {  	v14 =	vld [tilespmem:s26+$0x14110]  }
0x54: {  	v11 =	vld [tilespmem:s26+$0x14120]  }
0x55: {  	v10 =	vld [tilespmem:s26+$0x14130]  }
0x56: {  	v9 =	vld [tilespmem:s26+$0x14140]  }
0x57: {  	v8 =	vld [tilespmem:s26+$0x14150];
	v13 =	vadd.f32 v7, v13  }
0x58: {  	s28 =	simm.s32 $0x200;
	v12 =	vadd.f32 v12, v14;
	v7 =	vld [tilespmem:s26+$0x14160]  }
.LBB2_5:
0x59: {  	s29 =	sshra.s32 s28, $0x2;
	p0 =	sne.s32 s28, $0x9E00;
	v13 =	vmax.f32 v13, $0.0e+00;
	v6 =	vadd.f32 v6, v11;
	v11 =	vld [tilespmem:s26+$0x14170]  }
0x5a: {  	v14 =	vld [tilespmem:s29+$0x16900];
	[tilespmem:s26+$0x14100] =	vst v13;
	v12 =	vmax.f32 v12, $0.0e+00;
	v5 =	vadd.f32 v5, v10  }
0x5b: {  	v15 =	vld [tilespmem:s29+$0x16910];
	[tilespmem:s26+$0x14110] =	vst v12;
	v10 =	vmax.f32 v6, $0.0e+00;
	v4 =	vadd.f32 v4, v9  }
0x5c: {  	v6 =	vld [tilespmem:s29+$0x16920];
	[tilespmem:s26+$0x14120] =	vst v10;
	v9 =	vmax.f32 v5, $0.0e+00;
	v3 =	vadd.f32 v3, v8  }
0x5d: {  	v5 =	vld [tilespmem:s29+$0x16930];
	[tilespmem:s26+$0x14130] =	vst v9;
	v8 =	vmax.f32 v4, $0.0e+00;
	v2 =	vadd.f32 v2, v7  }
0x5e: {  	v4 =	vld [tilespmem:s29+$0x16940];
	[tilespmem:s26+$0x14140] =	vst v8;
	v7 =	vmax.f32 v3, $0.0e+00;
	v1 =	vadd.f32 v1, v11  }
0x5f: {  	v3 =	vld [tilespmem:s29+$0x16950];
	[tilespmem:s26+$0x14150] =	vst v7;
	v7 =	vmax.f32 v2, $0.0e+00  }
0x60: {  	v2 =	vld [tilespmem:s29+$0x16960];
	[tilespmem:s26+$0x14160] =	vst v7;
	v7 =	vmax.f32 v1, $0.0e+00  }
0x61: {  	v1 =	vld [tilespmem:s29+$0x16970];
	[tilespmem:s26+$0x14170] =	vst v7;
	s26 =	smov.u32 s29  }
0x62: {  	v7 =	vld [tilespmem:s26+$0x14100]  }
0x63: {  	v12 =	vld [tilespmem:s26+$0x14110]  }
.Ltmp1:
0x64: {  	v11 =	vld [tilespmem:s26+$0x14120];
	(pc) =	sbr.rel @p0 .LBB2_5-.Ltmp1, $4  }
0x65: {  	v10 =	vld [tilespmem:s26+$0x14130]  }
0x66: {  	v9 =	vld [tilespmem:s26+$0x14140]  }
0x67: {  	v13 =	vadd.f32 v14, v7;
	v8 =	vld [tilespmem:s26+$0x14150]  }
0x68: {  	s28 =	sadd.s32 $0x200, s28;
	v12 =	vadd.f32 v15, v12;
	v7 =	vld [tilespmem:s26+$0x14160]  }
0x69: {  	v13 =	vmax.f32 v13, $0.0e+00;
	v6 =	vadd.f32 v6, v11;
	v63 =	vld [tilespmem:s26+$0x14170]  }
0x6a: {  	[tilespmem:s26+$0x14100] =	vst v13;
	v12 =	vmax.f32 v12, $0.0e+00;
	v5 =	vadd.f32 v5, v10  }
0x6b: {  	[tilespmem:s26+$0x14110] =	vst v12;
	v6 =	vmax.f32 v6, $0.0e+00;
	v4 =	vadd.f32 v4, v9  }
0x6c: {  	[tilespmem:s26+$0x14120] =	vst v6;
	v5 =	vmax.f32 v5, $0.0e+00;
	v3 =	vadd.f32 v3, v8  }
0x6d: {  	[tilespmem:s26+$0x14130] =	vst v5;
	v4 =	vmax.f32 v4, $0.0e+00;
	v2 =	vadd.f32 v2, v7  }
0x6e: {  	[tilespmem:s26+$0x14140] =	vst v4;
	v3 =	vmax.f32 v3, $0.0e+00;
	v1 =	vadd.f32 v1, v63  }
0x6f: {  	s25 =	sadd.s32 $0x1, s25;
	[tilespmem:s26+$0x14150] =	vst v3;
	v2 =	vmax.f32 v2, $0.0e+00  }
0x70: {  	p0 =	sne.s32 s25, $0x7D;
	[tilespmem:s26+$0x14160] =	vst v2;
	v1 =	vmax.f32 v1, $0.0e+00  }
.Ltmp2:
0x71: {  	[tilespmem:s26+$0x14170] =	vst v1;
	(pc) =	sbr.rel @p0 .LBB2_4-.Ltmp2, $4  }
0x72: {  	[spmem:s1] =	stream.indirect.scatter.add.f32 [tilespmem:s20], [sflag:$0x2], $0x80, s19, s21, $0xb8;
	[tilespmem:$0x1D100] =	vst v63  }
0x73: {  	_ =	swait.ge [sflag:s17], $0x2800  }
0x74: {  	[sflag:s17] =	ssyncset.done $0x0  }
0x75: {  	[sflag:s17] =	ssyncadd.s32 $0xFFFFD800  }
0x76: {  	s3 =	sadd.s32 $0x1, s3  }
0x77: {  	s24 =	sshll.u32 s2, $0x6;
	[bflag:$0x0] =	sbarrier.arrive $0xFFFF;
	p0 =	sne.s32 s3, s15  }
.Ltmp3:
0x78: {  	s25 =	sshrl.u32 s8, $0x3;
	s24 =	sor.u32 $0x1C02, s24;
	(pc) =	sbr.rel @p0 .LBB2_1-.Ltmp3, $4  }
0x79: {  	[hbm:s14], [sflag:s24] =	dma.local [spmem:s25], $0x2800  }
0x7a: {  	_ =	swait.ge [sflag:s17], $0x2800  }
0x7b: {  	[sflag:s17] =	ssyncset.done $0x0  }
0x7c: {  	[sflag:s17] =	ssyncadd.s32 $0xFFFFD800  }
0x7d: {  	_ =	sfence.sel $0x180000  }
0x7e: {  	[bflag:$0x0] =	sbarrier.arrive $0xFFFF  }
0x7f: {  	p0 =	sne.s32 s2, $0x0;
	_ =	strace $0x9000004A  }
0x80: {  	s0 =	sadd.s32 @!p0 $0x100000, s0;
	[bflag:$0x2] =	sbarrier.arrive $0xFFFF  }
0x81: {  	[sflag:s0] =	ssyncadd.tile.s32 @!p0 $0x1;
	_ =	shalt  }
.Lfunc_end2:
_tile_overlayer_lowered:
.L_overlay_start_2:
0x82: {  	(tag) =	ssettag $0x2  }
0x83: {  	s0 =	rddreg [dreg:$0x0];
	s2 =	stileid.u32  }
0x84: {  	s1 =	rddreg [dreg:$0x1];
	p0 =	sne.s32 s2, $0x0  }
0x85: {  	s3 =	rddreg [dreg:$0x2];
	[bflag:$0x3] =	sbarrier.arrive $0xFFFF;
	s2 =	simm.s32 @!p0 $0x1C02  }
0x86: {  	[timem:s3], [sflag:s2] =	dma.local @!p0 [hbm:s0], s1  }
0x87: {  	s0 =	simm.s32 @!p0 $0x2  }
0x88: {  	_ =	swait.ge @!p0 [sflag:s0], s1  }
0x89: {  	s1 =	ssub.s32 @!p0 $0x0, s1;
	[sflag:s0] =	ssyncset.done @!p0 $0x0  }
0x8a: {  	[sflag:s0] =	ssyncadd.s32 @!p0 s1  }
0x8b: {  	[bflag:$0x3] =	sbarrier.arrive $0xFFFF  }
0x8c: {  	_ =	shalt  }

// kernel: sc_edge_stage.13.cloned.1.call-start
scs
__scs_entry_jumppad:
0x0: {  	(pc) =	sbr.rel $0x88, $3  }
0x1: {  	(tag) =	ssettag $0x0;
	lr =	simm.s32 $0x1  }
0x2: {  	[smem:$0x3F8A] =	sst lr;
	_ =	strace $0xD0000000  }
0x3: {  	_ = 	snop  }
0x4: {  	_ = 	snop  }
0x5: {  	_ = 	snop  }
0x6: {  	_ = 	snop  }
0x7: {  	_ = 	snop  }
__scs_overlays_trampoline_lowered:
0x8: {  	[smem:$0x3F99] =	sst s0  }
0x9: {  	[smem:$0x3F9A] =	sst s1  }
0xa: {  	[smem:$0x3F9B] =	sst s2  }
0xb: {  	[smem:$0x3F9C] =	sst s3  }
0xc: {  	[smem:$0x3F9D] =	sst s4  }
0xd: {  	[smem:$0x3F9E] =	sst s5  }
0xe: {  	[smem:$0x3F9F] =	sst s6  }
0xf: {  	[smem:$0x3FA0] =	sst s7  }
0x10: {  	[smem:$0x3FA1] =	sst s8  }
0x11: {  	[smem:$0x3FA2] =	sst s9;
	s0 =	simm.s32 @!p0 $0x0  }
0x12: {  	s1 =	sld [smem:$0x3F88];
	s0 =	simm.s32 @p0 $0x1  }
0x13: {  	[smem:$0x3FA3] =	sst s0;
	s0 =	simm.s32 @!p1 $0x0  }
0x14: {  	s2 =	sld [smem:$0x3F87];
	s0 =	simm.s32 @p1 $0x1  }
0x15: {  	[smem:$0x3FA4] =	sst s0;
	s0 =	simm.s32 @!p2 $0x0  }
0x16: {  	s3 =	sld [smem:$0x3FDB];
	s0 =	simm.s32 @p2 $0x1  }
0x17: {  	s4 =	simm.s32 $0x1BF5;
	[smem:$0x3FA6] =	sst s0  }
0x18: {  	s0 =	sld [smem:$0x3F89];
	_ =	swait.ge [sflag:s4], $0x0  }
0x19: {  	s7 =	sld [smem:$0x3F8A]  }
0x1a: {  	s8 =	sadd.s32 $0xFFFFE003, lr  }
0x1b: {  	s9 =	sadd.s32 $0xFFFFFEF7, lr;
	s5 =	simm.s32 $0xFFFFFFFF;
	p2 =	slt.u32 s8, $0xFFFFF086  }
0x1c: {  	p1 =	slt.u32 s9, $0xF7A;
	s5 =	simm.s32 @!p2 $0x0  }
0x1d: {  	s5 =	simm.s32 @p1 $0x1;
	p0 =	seq.s32 s7, s2  }
0x1e: {  	s7 =	smul.u32 @!p0 $0xF7A, s2;
	p2 =	seq.s32 @!p0 s5, $0x0  }
0x1f: {  	s9 =	smul.u32 $0xF7A, s1;
	s8 =	simm.s32 @!p0 $0x1BF5;
	p2 =	por !p2, p0  }
0x20: {  	[sflag:s8] =	ssyncset.s32 @!p0 $0xFFFFF086;
	s6 =	sadd.s32 @!p0 s3, s7;
	s7 =	simm.s32 @!p0 $0x108  }
0x21: {  	s3 =	sadd.s32 s3, s9;
	s6 =	sadd.s32 @!p0 $0x88, s6;
	s7 =	simm.s32 @p2 $0x1082  }
0x22: {  	[simem:s7], [sflag:s8] =	dma.local @!p0 [hbm:s6], $0xF7A  }
0x23: {  	s9 =	sor.u32 $0xD0000000, s2;
	s6 =	simm.s32 $0x108;
	_ =	swait.ge @!p0 [sflag:s8], $0x0  }
0x24: {  	s3 =	sadd.s32 $0x88, s3;
	s6 =	simm.s32 @!p1 $0x1082;
	[sflag:s4] =	ssyncset.s32 $0xFFFFF086  }
0x25: {  	[simem:s6], [sflag:s4] =	dma.local [hbm:s3], $0xF7A  }
0x26: {  	[smem:$0x3F8A] =	sst s1;
	(tag) =	ssettag s2;
	_ =	strace s9  }
0x27: {  	s1 =	sld [smem:$0x3F9A]  }
0x28: {  	s2 =	sld [smem:$0x3F9B]  }
0x29: {  	s4 =	sld [smem:$0x3F9D]  }
0x2a: {  	p0 =	seq.s32 s5, $0x0;
	s5 =	sld [smem:$0x3F9E]  }
0x2b: {  	s6 =	sld [smem:$0x3F9F]  }
0x2c: {  	s7 =	sld [smem:$0x3FA0]  }
0x2d: {  	s3 =	simm.s32 $0x108;
	s8 =	sld [smem:$0x3FA1]  }
0x2e: {  	s3 =	simm.s32 @!p0 $0x1082;
	s9 =	sld [smem:$0x3FA2]  }
0x2f: {  	lr =	sadd.s32 s0, s3;
	s0 =	sld [smem:$0x3F99]  }
0x30: {  	s3 =	sld [smem:$0x3F9C]  }
0x31: {  	[smem:$0x3FA5] =	sst s10  }
0x32: {  	s10 =	sld [smem:$0x3FA3];
	_ =	sdelay $0x3  }
0x33: {  	p0 =	seq.s32 s10, $0x1;
	s10 =	sld [smem:$0x3FA5];
	_ =	sdelay $0x3  }
0x34: {  	[smem:$0x3FA5] =	sst s10  }
0x35: {  	s10 =	sld [smem:$0x3FA4];
	_ =	sdelay $0x3  }
0x36: {  	p1 =	seq.s32 s10, $0x1;
	s10 =	sld [smem:$0x3FA5];
	_ =	sdelay $0x3  }
0x37: {  	[smem:$0x3FA5] =	sst s10  }
0x38: {  	s10 =	sld [smem:$0x3FA6]  }
0x39: {  	_ = 	snop;
	(pc) =	sbr.ind lr, $3  }
0x3a: {  	_ = 	snop  }
0x3b: {  	_ = 	snop  }
0x3c: {  	p2 =	seq.s32 s10, $0x1;
	s10 =	sld [smem:$0x3FA5]  }
0x3d: {  	_ =	shalt  }
0x3e: {  	_ =	shalt  }
0x3f: {  	_ =	shalt  }
0x40: {  	_ =	shalt  }
0x41: {  	_ =	shalt  }
0x42: {  	_ =	shalt  }
0x43: {  	_ =	shalt  }
0x44: {  	_ =	shalt  }
0x45: {  	_ =	shalt  }
0x46: {  	_ =	shalt  }
0x47: {  	_ =	shalt  }
0x48: {  	_ =	shalt  }
0x49: {  	_ =	shalt  }
0x4a: {  	_ =	shalt  }
0x4b: {  	_ =	shalt  }
0x4c: {  	_ =	shalt  }
0x4d: {  	_ =	shalt  }
0x4e: {  	_ =	shalt  }
0x4f: {  	_ =	shalt  }
0x50: {  	_ =	shalt  }
0x51: {  	_ =	shalt  }
0x52: {  	_ =	shalt  }
0x53: {  	_ =	shalt  }
0x54: {  	_ =	shalt  }
0x55: {  	_ =	shalt  }
0x56: {  	_ =	shalt  }
0x57: {  	_ =	shalt  }
0x58: {  	_ =	shalt  }
0x59: {  	_ =	shalt  }
0x5a: {  	_ =	shalt  }
0x5b: {  	_ =	shalt  }
0x5c: {  	_ =	shalt  }
0x5d: {  	_ =	shalt  }
0x5e: {  	_ =	shalt  }
0x5f: {  	_ =	shalt  }
0x60: {  	_ =	shalt  }
0x61: {  	_ =	shalt  }
0x62: {  	_ =	shalt  }
0x63: {  	_ =	shalt  }
0x64: {  	_ =	shalt  }
0x65: {  	_ =	shalt  }
0x66: {  	_ =	shalt  }
0x67: {  	_ =	shalt  }
0x68: {  	_ =	shalt  }
0x69: {  	_ =	shalt  }
0x6a: {  	_ =	shalt  }
0x6b: {  	_ =	shalt  }
0x6c: {  	_ =	shalt  }
0x6d: {  	_ =	shalt  }
0x6e: {  	_ =	shalt  }
0x6f: {  	_ =	shalt  }
0x70: {  	_ =	shalt  }
0x71: {  	_ =	shalt  }
0x72: {  	_ =	shalt  }
0x73: {  	_ =	shalt  }
0x74: {  	_ =	shalt  }
0x75: {  	_ =	shalt  }
0x76: {  	_ =	shalt  }
0x77: {  	_ =	shalt  }
0x78: {  	_ =	shalt  }
0x79: {  	_ =	shalt  }
0x7a: {  	_ =	shalt  }
0x7b: {  	_ =	shalt  }
0x7c: {  	_ =	shalt  }
0x7d: {  	_ =	shalt  }
0x7e: {  	_ =	shalt  }
0x7f: {  	_ =	shalt  }
0x80: {  	_ =	shalt  }
0x81: {  	_ =	shalt  }
0x82: {  	_ =	shalt  }
0x83: {  	_ =	shalt  }
0x84: {  	_ =	shalt  }
0x85: {  	_ =	shalt  }
0x86: {  	_ =	shalt  }
0x87: {  	_ =	shalt  }
.Lfunc_end0:
.L_simem_size_0:
called_computation.2_lowered:
.L_overlay_start_0:
0x88: {  	s2 =	sld [smem:$0x3FD9]  }
0x89: {  	s3 =	sld [smem:$0x3FFE];
	_ =	sdelay $0x1  }
0x8a: {  	s1 =	srdreg.scid  }
0x8b: {  	s0 =	sand.u32 $0x1, s1  }
0x8c: {  	s16 =	sshll.u32 s0, $0xA;
	s2 =	sadd.s32 s3, s2  }
0x8d: {  	s2 =	sadd.s32 s2, s16  }
0x8e: {  	[smem:$0x3FB1] =	sst s2  }
0x8f: {  	_ = 	snop  }
0x90: {  	(tm) =	ssettm $0x1  }
0x91: {  	s17 =	sld [smem:$0x3FFB];
	_ =	sdelay $0x3  }
0x92: {  	_ =	strace s17  }
0x93: {  	s2 =	sld [smem:$0x3FFC];
	_ =	sdelay $0x3  }
0x94: {  	_ =	strace s2  }
0x95: {  	s2 =	sld [smem:$0x3FFD];
	_ =	sdelay $0x3  }
0x96: {  	_ =	strace s2  }
0x97: {  	_ =	strace $0x8FFFFFFF  }
0x98: {  	s18 =	sld [smem:$0x3FDB];
	_ =	sdelay $0x1  }
0x99: {  	s19 =	simm.s32 $_scs_section_size  }
0x9a: {  	s4 =	simm.s32 $_size__tile_overlayer_lowered;
	s5 =	simm.s32 $_tile_overlayer_lowered  }
0x9b: {  	s22 =	simm.s32 $0x1BFF;
	s21 =	sshll.u32 s5, $0x1;
	s2 =	sadd.s32 s19, s18  }
0x9c: {  	s6 =	simm.s32 $0x0;
	s20 =	sshll.u32 s4, $0x1;
	s4 =	sadd.s32 s21, s2  }
0x9d: {  	[timem:s6], [sflag:s22] =	dma.local [hbm:s4], s20  }
0x9e: {  	_ =	swait.ge [sflag:s22], s20  }
0x9f: {  	s3 =	ssub.s32 $0x0, s20;
	[sflag:s22] =	ssyncset.done $0x0  }
0xa0: {  	[sflag:s22] =	ssyncadd.s32 s3;
	_ =	sdelay $0x1  }
0xa1: {  	s23 =	simm.s32 $0x1B8B  }
0xa2: {  	_ =	swait.ge [sflag:s23], $0x1  }
0xa3: {  	[sflag:s23] =	ssyncset.done $0x0  }
0xa4: {  	s25 =	simm.s32 $0x1B8E;
	s24 =	sld [smem:$0x3FFE];
	[sflag:s23] =	ssyncadd.s32 $0xFFFFFFFF  }
0xa5: {  	s26 =	simm.s32 $execute0_lowered;
	[smem:$0x3FD2] =	sst s25  }
0xa6: {  	s4 =	sshll.u32 s26, $0x1;
	_ =	strace $0x8000004C;
	[dreg:$0x1] =	wrdreg $0xFFFFFFFF  }
0xa7: {  	s28 =	simm.s32 $_size_execute0_lowered;
	s2 =	sadd.s32 s2, s4;
	[dreg:$0x0] =	wrdreg $0x0  }
0xa8: {  	s4 =	sshll.u32 s28, $0x1;
	[dreg:$0x2] =	wrdreg s2  }
0xa9: {  	[dreg:$0x3] =	wrdreg s4  }
0xaa: {  	[dreg:$0x4] =	wrdreg $0xC0  }
0xab: {  	_ =	task [dreg:s6], $0x5FFFF  }
0xac: {  	[dreg:$0x1] =	wrdreg $0xFFFFFFFF  }
0xad: {  	[dreg:$0x0] =	wrdreg $0x60  }
0xae: {  	[dreg:$0x2] =	wrdreg s24  }
0xaf: {  	[dreg:$0x3] =	wrdreg $0x0  }
0xb0: {  	[dreg:$0x4] =	wrdreg $0x9  }
0xb1: {  	_ =	task.clear_ibuf [dreg:s6], $0x5FFFF;
	_ =	strace $0x9000004C  }
0xb2: {  	s29 =	simm.s32 $0x9;
	_ =	strace $0x8000004E  }
0xb3: {  	_ =	swait.ge [sflag:s29], $0x1  }
0xb4: {  	[sflag:s29] =	ssyncadd.s32 $0xFFFFFFFF  }
0xb5: {  	_ =	strace $0x9000004E  }
0xb6: {  	_ =	sfence  }
0xb7: {  	s30 =	sld [smem:$0x0];
	_ =	sdelay $0x2  }
0xb8: {  	s31 =	sshll.u32 s1, $0xD;
	s1 =	sshrl.u32 s1, $0x2  }
0xb9: {  	s3 =	sand.u32 $0x4000, s31;
	s1 =	sadd.s32 s1, s30  }
0xba: {  	s0 =	sor.u32 s3, s0;
	s1 =	sshll.u32 s1, $0x11  }
0xbb: {  	s0 =	sor.u32 s1, s0  }
0xbc: {  	s0 =	sadd.s32 $0x8F2B, s0  }
0xbd: {  	[sflag:s0] =	ssyncadd.remote.s32 $0x1  }
0xbe: {  	_ =	sfence.sel $0xFFFF  }
0xbf: {  	[dreg:$0x0] =	wrdreg $0xFFFFFFFF;
	(pc) =	sbr.abs _section_cstart, $3  }
0xc0: {  	[dreg:$0x1] =	wrdreg $0xFFFFFFFF  }
0xc1: {  	_ =	task.clear_ibuf [dreg:s6], $0x2FFFF;
	_ =	strace $0x9FFFFFFF  }
0xc2: {  	(tm) =	ssettm $0x7FFFFFFF  }
0xc3: {  	_ =	shalt  }
tec
execute0_lowered:
.L_overlay_start_1:
0x0: {  	(tag) =	ssettag $0x1  }
0x1: {  	s8 =	rddreg [dreg:$0x0]  }
0x2: {  	s1 =	rddreg [dreg:$0x1]  }
0x3: {  	s2 =	srdreg.scid;
	s0 =	rddreg [dreg:$0x2];
	s3 =	simm.s32 $0x0  }
0x4: {  	s16 =	simm.s32 $0x19100;
	s17 =	simm.s32 $0x2;
	s18 =	simm.s32 $0x14000  }
0x5: {  	s19 =	simm.s32 $0x14080;
	s20 =	simm.s32 $0x14100;
	s21 =	simm.s32 $0x50  }
0x6: {  	s22 =	simm.s32 $0x16900;
	s23 =	simm.s32 $0x1;
	s9 =	sand.u32 $0x1, s2  }
0x7: {  	s2 =	stileid.u32;
	s4 =	sadd.s32 $0x575800, s8;
	s6 =	smul.u32 $0x140000, s9  }
0x8: {  	[smem:$0x7FF] =	sst s3;
	s5 =	sadd.s32 $0x4F4800, s8;
	s7 =	smul.u32 $0x14000, s2  }
0x9: {  	s11 =	smul.u32 $0x50000, s2;
	s30 =	ssub.s32 $0x2, s9;
	s9 =	sshll.u32 s9, $0x4  }
0xa: {  	_ =	strace $0x8000004D;
	s31 =	sshrl.u32 s30, $0x1;
	s9 =	sor.u32 s2, s9  }
0xb: {  	s7 =	sadd.s32 s7, s6;
	s6 =	sadd.s32 $0x4EAA00, s8;
	s11 =	sshrl.u32 s11, $0x2  }
0xc: {  	s15 =	ssub.s32 s30, s31;
	s9 =	smul.u32 $0x2710, s9;
	s10 =	sshrl.u32 s7, $0x3  }
0xd: {  	s7 =	sadd.s32 $0x4FE600, s8;
	s14 =	sadd.s32 s10, s8;
	s8 =	sadd.s32 s11, s1  }
0xe: {  	s15 =	smax.u32 s15, $0x1;
	s10 =	sadd.s32 $0x4000, s8;
	s11 =	sadd.s32 $0x8000, s8  }
0xf: {  	v0 =	vimm.f32 $0.0e+00;
	s12 =	sadd.s32 $0xC000, s8;
	s13 =	sadd.s32 $0x10000, s8;
	s14 =	sadd.s32 $0x525800, s14  }
.LBB2_1:
0x10: {  	s24 =	simm.s32 $0x0;
	s25 =	simm.s32 $0x200  }
.LBB2_2:
0x11: {  	p0 =	sne.s32 s25, $0xFE00;
	[tilespmem:s24+$0x19170] =	vst v0  }
0x12: {  	[tilespmem:s24+$0x19100] =	vst v0  }
0x13: {  	[tilespmem:s24+$0x19110] =	vst v0  }
.Ltmp0:
0x14: {  	[tilespmem:s24+$0x19120] =	vst v0;
	(pc) =	sbr.rel @p0 .LBB2_2-.Ltmp0, $4  }
0x15: {  	[tilespmem:s24+$0x19130] =	vst v0  }
0x16: {  	[tilespmem:s24+$0x19140] =	vst v0  }
0x17: {  	[tilespmem:s24+$0x19150] =	vst v0  }
0x18: {  	[tilespmem:s24+$0x19160] =	vst v0;
	s24 =	sshra.s32 s25, $0x2;
	s25 =	sadd.s32 $0x200, s25  }
0x19: {  	[tilespmem:s24+$0x19170] =	vst v0  }
0x1a: {  	[tilespmem:s24+$0x19100] =	vst v0  }
0x1b: {  	[tilespmem:s24+$0x19110] =	vst v0  }
0x1c: {  	[tilespmem:s24+$0x19120] =	vst v0  }
0x1d: {  	[tilespmem:s24+$0x19130] =	vst v0  }
0x1e: {  	[tilespmem:s24+$0x19140] =	vst v0  }
0x1f: {  	[tilespmem:s24+$0x19150] =	vst v0  }
0x20: {  	[tilespmem:s24+$0x19160] =	vst v0  }
0x21: {  	[spmem:s8] =	stream.linear.scatter [tilespmem:s16], [sflag:$0x2], $0x4000, $0x38;
	[tilespmem:$0x1D100] =	vst v63  }
0x22: {  	_ =	swait.ge [sflag:s17], $0x4000  }
0x23: {  	[sflag:s17] =	ssyncset.done $0x0  }
0x24: {  	[sflag:s17] =	ssyncadd.s32 $0xFFFFC000  }
0x25: {  	[spmem:s10] =	stream.linear.scatter [tilespmem:s16], [sflag:$0x2], $0x4000, $0x38;
	[tilespmem:$0x1D100] =	vst v63  }
0x26: {  	_ =	swait.ge [sflag:s17], $0x4000  }
0x27: {  	[sflag:s17] =	ssyncset.done $0x0  }
0x28: {  	[sflag:s17] =	ssyncadd.s32 $0xFFFFC000  }
0x29: {  	[spmem:s11] =	stream.linear.scatter [tilespmem:s16], [sflag:$0x2], $0x4000, $0x38;
	[tilespmem:$0x1D100] =	vst v63  }
0x2a: {  	_ =	swait.ge [sflag:s17], $0x4000  }
0x2b: {  	[sflag:s17] =	ssyncset.done $0x0  }
0x2c: {  	[sflag:s17] =	ssyncadd.s32 $0xFFFFC000  }
0x2d: {  	[spmem:s12] =	stream.linear.scatter [tilespmem:s16], [sflag:$0x2], $0x4000, $0x38;
	[tilespmem:$0x1D100] =	vst v63  }
0x2e: {  	_ =	swait.ge [sflag:s17], $0x4000  }
0x2f: {  	[sflag:s17] =	ssyncset.done $0x0  }
0x30: {  	[sflag:s17] =	ssyncadd.s32 $0xFFFFC000  }
0x31: {  	[spmem:s13] =	stream.linear.scatter [tilespmem:s16], [sflag:$0x2], $0x4000, $0x38;
	[tilespmem:$0x1D100] =	vst v63  }
0x32: {  	_ =	swait.ge [sflag:s17], $0x4000  }
0x33: {  	[sflag:s17] =	ssyncset.done $0x0  }
0x34: {  	[sflag:s17] =	ssyncadd.s32 $0xFFFFC000  }
0x35: {  	s24 =	simm.s32 $0x0;
	s25 =	simm.s32 $0x0;
	[bflag:$0x0] =	sbarrier.arrive $0xFFFF  }
.LBB2_4:
0x36: {  	s26 =	smul.u32 $0x50, s25;
	_ =	sdelay $0x1  }
0x37: {  	s26 =	sadd.s32 s9, s26  }
0x38: {  	s28 =	sshrl.u32 s26, $0x3  }
0x39: {  	s29 =	sadd.s32 s5, s28  }
0x3a: {  	[tilespmem:s18], [sflag:$0x2] =	stream.linear.gather [hbm4b:s29+s24], $0x50, $0x38;
	[tilespmem:$0x1D100] =	vst v63  }
0x3b: {  	_ =	swait.ge [sflag:s17], $0x50  }
0x3c: {  	[sflag:s17] =	ssyncset.done $0x0  }
0x3d: {  	s28 =	sadd.s32 s6, s28;
	[sflag:s17] =	ssyncadd.s32 $0xFFFFFFB0  }
0x3e: {  	[tilespmem:s19], [sflag:$0x2] =	stream.linear.gather [hbm4b:s28+s24], $0x50, $0x38;
	[tilespmem:$0x1D100] =	vst v63  }
0x3f: {  	_ =	swait.ge [sflag:s17], $0x50  }
0x40: {  	s26 =	sshll.u32 s26, $0x4;
	[sflag:s17] =	ssyncset.done $0x0  }
0x41: {  	s26 =	sadd.s32 s4, s26;
	[sflag:s17] =	ssyncadd.s32 $0xFFFFFFB0  }
0x42: {  	[tilespmem:s20], [sflag:$0x2] =	stream.linear.gather [hbm4b:s26+s24], $0x2800, $0x38;
	[tilespmem:$0x1D100] =	vst v63  }
0x43: {  	_ =	swait.ge [sflag:s17], $0x2800  }
0x44: {  	[sflag:s17] =	ssyncset.done $0x0  }
0x45: {  	[sflag:s17] =	ssyncadd.s32 $0xFFFFD800  }
0x46: {  	[tilespmem:s22], [sflag:$0x1] =	stream.indirect.gather [hbm4b:s7+s21], $0x80, s18, s21, $0xb8;
	[tilespmem:$0x1D100] =	vst v63  }
0x47: {  	_ =	swait.ge [sflag:s23], $0x2800  }
0x48: {  	[sflag:s23] =	ssyncset.done $0x0  }
0x49: {  	s26 =	simm.s32 $0x0;
	[sflag:s23] =	ssyncadd.s32 $0xFFFFD800  }
0x4a: {  	v7 =	vld [tilespmem:s26+$0x16900]  }
0x4b: {  	v12 =	vld [tilespmem:s26+$0x16910]  }
0x4c: {  	v6 =	vld [tilespmem:s26+$0x16920]  }
0x4d: {  	v5 =	vld [tilespmem:s26+$0x16930]  }
0x4e: {  	v4 =	vld [tilespmem:s26+$0x16940]  }
0x4f: {  	v3 =	vld [tilespmem:s26+$0x16950]  }
0x50: {  	v2 =	vld [tilespmem:s26+$0x16960]  }
0x51: {  	v1 =	vld [tilespmem:s26+$0x16970]  }
0x52: {  	v13 =	vld [tilespmem:s26+$0x14100]  }
0x53: {  	v14 =	vld [tilespmem:s26+$0x14110]  }
0x54: {  	v11 =	vld [tilespmem:s26+$0x14120]  }
0x55: {  	v10 =	vld [tilespmem:s26+$0x14130]  }
0x56: {  	v9 =	vld [tilespmem:s26+$0x14140]  }
0x57: {  	v8 =	vld [tilespmem:s26+$0x14150];
	v13 =	vadd.f32 v7, v13  }
0x58: {  	s28 =	simm.s32 $0x200;
	v12 =	vadd.f32 v12, v14;
	v7 =	vld [tilespmem:s26+$0x14160]  }
.LBB2_5:
0x59: {  	s29 =	sshra.s32 s28, $0x2;
	p0 =	sne.s32 s28, $0x9E00;
	v13 =	vmax.f32 v13, $0.0e+00;
	v6 =	vadd.f32 v6, v11;
	v11 =	vld [tilespmem:s26+$0x14170]  }
0x5a: {  	v14 =	vld [tilespmem:s29+$0x16900];
	[tilespmem:s26+$0x14100] =	vst v13;
	v12 =	vmax.f32 v12, $0.0e+00;
	v5 =	vadd.f32 v5, v10  }
0x5b: {  	v15 =	vld [tilespmem:s29+$0x16910];
	[tilespmem:s26+$0x14110] =	vst v12;
	v10 =	vmax.f32 v6, $0.0e+00;
	v4 =	vadd.f32 v4, v9  }
0x5c: {  	v6 =	vld [tilespmem:s29+$0x16920];
	[tilespmem:s26+$0x14120] =	vst v10;
	v9 =	vmax.f32 v5, $0.0e+00;
	v3 =	vadd.f32 v3, v8  }
0x5d: {  	v5 =	vld [tilespmem:s29+$0x16930];
	[tilespmem:s26+$0x14130] =	vst v9;
	v8 =	vmax.f32 v4, $0.0e+00;
	v2 =	vadd.f32 v2, v7  }
0x5e: {  	v4 =	vld [tilespmem:s29+$0x16940];
	[tilespmem:s26+$0x14140] =	vst v8;
	v7 =	vmax.f32 v3, $0.0e+00;
	v1 =	vadd.f32 v1, v11  }
0x5f: {  	v3 =	vld [tilespmem:s29+$0x16950];
	[tilespmem:s26+$0x14150] =	vst v7;
	v7 =	vmax.f32 v2, $0.0e+00  }
0x60: {  	v2 =	vld [tilespmem:s29+$0x16960];
	[tilespmem:s26+$0x14160] =	vst v7;
	v7 =	vmax.f32 v1, $0.0e+00  }
0x61: {  	v1 =	vld [tilespmem:s29+$0x16970];
	[tilespmem:s26+$0x14170] =	vst v7;
	s26 =	smov.u32 s29  }
0x62: {  	v7 =	vld [tilespmem:s26+$0x14100]  }
0x63: {  	v12 =	vld [tilespmem:s26+$0x14110]  }
.Ltmp1:
0x64: {  	v11 =	vld [tilespmem:s26+$0x14120];
	(pc) =	sbr.rel @p0 .LBB2_5-.Ltmp1, $4  }
0x65: {  	v10 =	vld [tilespmem:s26+$0x14130]  }
0x66: {  	v9 =	vld [tilespmem:s26+$0x14140]  }
0x67: {  	v13 =	vadd.f32 v14, v7;
	v8 =	vld [tilespmem:s26+$0x14150]  }
0x68: {  	s28 =	sadd.s32 $0x200, s28;
	v12 =	vadd.f32 v15, v12;
	v7 =	vld [tilespmem:s26+$0x14160]  }
0x69: {  	v13 =	vmax.f32 v13, $0.0e+00;
	v6 =	vadd.f32 v6, v11;
	v63 =	vld [tilespmem:s26+$0x14170]  }
0x6a: {  	[tilespmem:s26+$0x14100] =	vst v13;
	v12 =	vmax.f32 v12, $0.0e+00;
	v5 =	vadd.f32 v5, v10  }
0x6b: {  	[tilespmem:s26+$0x14110] =	vst v12;
	v6 =	vmax.f32 v6, $0.0e+00;
	v4 =	vadd.f32 v4, v9  }
0x6c: {  	[tilespmem:s26+$0x14120] =	vst v6;
	v5 =	vmax.f32 v5, $0.0e+00;
	v3 =	vadd.f32 v3, v8  }
0x6d: {  	[tilespmem:s26+$0x14130] =	vst v5;
	v4 =	vmax.f32 v4, $0.0e+00;
	v2 =	vadd.f32 v2, v7  }
0x6e: {  	[tilespmem:s26+$0x14140] =	vst v4;
	v3 =	vmax.f32 v3, $0.0e+00;
	v1 =	vadd.f32 v1, v63  }
0x6f: {  	s25 =	sadd.s32 $0x1, s25;
	[tilespmem:s26+$0x14150] =	vst v3;
	v2 =	vmax.f32 v2, $0.0e+00  }
0x70: {  	p0 =	sne.s32 s25, $0x7D;
	[tilespmem:s26+$0x14160] =	vst v2;
	v1 =	vmax.f32 v1, $0.0e+00  }
.Ltmp2:
0x71: {  	[tilespmem:s26+$0x14170] =	vst v1;
	(pc) =	sbr.rel @p0 .LBB2_4-.Ltmp2, $4  }
0x72: {  	[spmem:s1] =	stream.indirect.scatter.add.f32 [tilespmem:s20], [sflag:$0x2], $0x80, s19, s21, $0xb8;
	[tilespmem:$0x1D100] =	vst v63  }
0x73: {  	_ =	swait.ge [sflag:s17], $0x2800  }
0x74: {  	[sflag:s17] =	ssyncset.done $0x0  }
0x75: {  	[sflag:s17] =	ssyncadd.s32 $0xFFFFD800  }
0x76: {  	s3 =	sadd.s32 $0x1, s3  }
0x77: {  	s24 =	sshll.u32 s2, $0x6;
	[bflag:$0x0] =	sbarrier.arrive $0xFFFF;
	p0 =	sne.s32 s3, s15  }
.Ltmp3:
0x78: {  	s25 =	sshrl.u32 s8, $0x3;
	s24 =	sor.u32 $0x1C02, s24;
	(pc) =	sbr.rel @p0 .LBB2_1-.Ltmp3, $4  }
0x79: {  	[hbm:s14], [sflag:s24] =	dma.local [spmem:s25], $0x2800  }
0x7a: {  	_ =	swait.ge [sflag:s17], $0x2800  }
0x7b: {  	[sflag:s17] =	ssyncset.done $0x0  }
0x7c: {  	[sflag:s17] =	ssyncadd.s32 $0xFFFFD800  }
0x7d: {  	_ =	sfence.sel $0x180000  }
0x7e: {  	[bflag:$0x0] =	sbarrier.arrive $0xFFFF  }
0x7f: {  	p0 =	sne.s32 s2, $0x0;
	_ =	strace $0x9000004D  }
0x80: {  	s0 =	sadd.s32 @!p0 $0x100000, s0;
	[bflag:$0x2] =	sbarrier.arrive $0xFFFF  }
0x81: {  	[sflag:s0] =	ssyncadd.tile.s32 @!p0 $0x1;
	_ =	shalt  }
.Lfunc_end2:
_tile_overlayer_lowered:
.L_overlay_start_2:
0x82: {  	(tag) =	ssettag $0x2  }
0x83: {  	s0 =	rddreg [dreg:$0x0];
	s2 =	stileid.u32  }
0x84: {  	s1 =	rddreg [dreg:$0x1];
	p0 =	sne.s32 s2, $0x0  }
0x85: {  	s3 =	rddreg [dreg:$0x2];
	[bflag:$0x3] =	sbarrier.arrive $0xFFFF;
	s2 =	simm.s32 @!p0 $0x1C02  }
0x86: {  	[timem:s3], [sflag:s2] =	dma.local @!p0 [hbm:s0], s1  }
0x87: {  	s0 =	simm.s32 @!p0 $0x2  }
0x88: {  	_ =	swait.ge @!p0 [sflag:s0], s1  }
0x89: {  	s1 =	ssub.s32 @!p0 $0x0, s1;
	[sflag:s0] =	ssyncset.done @!p0 $0x0  }
0x8a: {  	[sflag:s0] =	ssyncadd.s32 @!p0 s1  }
0x8b: {  	[bflag:$0x3] =	sbarrier.arrive $0xFFFF  }
0x8c: {  	_ =	shalt  }

// kernel: sc_edge_stage.16.cloned.1.call-start
scs
__scs_entry_jumppad:
0x0: {  	(pc) =	sbr.rel $0x88, $3  }
0x1: {  	(tag) =	ssettag $0x0;
	lr =	simm.s32 $0x1  }
0x2: {  	[smem:$0x3F8A] =	sst lr;
	_ =	strace $0xD0000000  }
0x3: {  	_ = 	snop  }
0x4: {  	_ = 	snop  }
0x5: {  	_ = 	snop  }
0x6: {  	_ = 	snop  }
0x7: {  	_ = 	snop  }
__scs_overlays_trampoline_lowered:
0x8: {  	[smem:$0x3F99] =	sst s0  }
0x9: {  	[smem:$0x3F9A] =	sst s1  }
0xa: {  	[smem:$0x3F9B] =	sst s2  }
0xb: {  	[smem:$0x3F9C] =	sst s3  }
0xc: {  	[smem:$0x3F9D] =	sst s4  }
0xd: {  	[smem:$0x3F9E] =	sst s5  }
0xe: {  	[smem:$0x3F9F] =	sst s6  }
0xf: {  	[smem:$0x3FA0] =	sst s7  }
0x10: {  	[smem:$0x3FA1] =	sst s8  }
0x11: {  	[smem:$0x3FA2] =	sst s9;
	s0 =	simm.s32 @!p0 $0x0  }
0x12: {  	s1 =	sld [smem:$0x3F88];
	s0 =	simm.s32 @p0 $0x1  }
0x13: {  	[smem:$0x3FA3] =	sst s0;
	s0 =	simm.s32 @!p1 $0x0  }
0x14: {  	s2 =	sld [smem:$0x3F87];
	s0 =	simm.s32 @p1 $0x1  }
0x15: {  	[smem:$0x3FA4] =	sst s0;
	s0 =	simm.s32 @!p2 $0x0  }
0x16: {  	s3 =	sld [smem:$0x3FDB];
	s0 =	simm.s32 @p2 $0x1  }
0x17: {  	s4 =	simm.s32 $0x1BF5;
	[smem:$0x3FA6] =	sst s0  }
0x18: {  	s0 =	sld [smem:$0x3F89];
	_ =	swait.ge [sflag:s4], $0x0  }
0x19: {  	s7 =	sld [smem:$0x3F8A]  }
0x1a: {  	s8 =	sadd.s32 $0xFFFFE003, lr  }
0x1b: {  	s9 =	sadd.s32 $0xFFFFFEF7, lr;
	s5 =	simm.s32 $0xFFFFFFFF;
	p2 =	slt.u32 s8, $0xFFFFF086  }
0x1c: {  	p1 =	slt.u32 s9, $0xF7A;
	s5 =	simm.s32 @!p2 $0x0  }
0x1d: {  	s5 =	simm.s32 @p1 $0x1;
	p0 =	seq.s32 s7, s2  }
0x1e: {  	s7 =	smul.u32 @!p0 $0xF7A, s2;
	p2 =	seq.s32 @!p0 s5, $0x0  }
0x1f: {  	s9 =	smul.u32 $0xF7A, s1;
	s8 =	simm.s32 @!p0 $0x1BF5;
	p2 =	por !p2, p0  }
0x20: {  	[sflag:s8] =	ssyncset.s32 @!p0 $0xFFFFF086;
	s6 =	sadd.s32 @!p0 s3, s7;
	s7 =	simm.s32 @!p0 $0x108  }
0x21: {  	s3 =	sadd.s32 s3, s9;
	s6 =	sadd.s32 @!p0 $0x88, s6;
	s7 =	simm.s32 @p2 $0x1082  }
0x22: {  	[simem:s7], [sflag:s8] =	dma.local @!p0 [hbm:s6], $0xF7A  }
0x23: {  	s9 =	sor.u32 $0xD0000000, s2;
	s6 =	simm.s32 $0x108;
	_ =	swait.ge @!p0 [sflag:s8], $0x0  }
0x24: {  	s3 =	sadd.s32 $0x88, s3;
	s6 =	simm.s32 @!p1 $0x1082;
	[sflag:s4] =	ssyncset.s32 $0xFFFFF086  }
0x25: {  	[simem:s6], [sflag:s4] =	dma.local [hbm:s3], $0xF7A  }
0x26: {  	[smem:$0x3F8A] =	sst s1;
	(tag) =	ssettag s2;
	_ =	strace s9  }
0x27: {  	s1 =	sld [smem:$0x3F9A]  }
0x28: {  	s2 =	sld [smem:$0x3F9B]  }
0x29: {  	s4 =	sld [smem:$0x3F9D]  }
0x2a: {  	p0 =	seq.s32 s5, $0x0;
	s5 =	sld [smem:$0x3F9E]  }
0x2b: {  	s6 =	sld [smem:$0x3F9F]  }
0x2c: {  	s7 =	sld [smem:$0x3FA0]  }
0x2d: {  	s3 =	simm.s32 $0x108;
	s8 =	sld [smem:$0x3FA1]  }
0x2e: {  	s3 =	simm.s32 @!p0 $0x1082;
	s9 =	sld [smem:$0x3FA2]  }
0x2f: {  	lr =	sadd.s32 s0, s3;
	s0 =	sld [smem:$0x3F99]  }
0x30: {  	s3 =	sld [smem:$0x3F9C]  }
0x31: {  	[smem:$0x3FA5] =	sst s10  }
0x32: {  	s10 =	sld [smem:$0x3FA3];
	_ =	sdelay $0x3  }
0x33: {  	p0 =	seq.s32 s10, $0x1;
	s10 =	sld [smem:$0x3FA5];
	_ =	sdelay $0x3  }
0x34: {  	[smem:$0x3FA5] =	sst s10  }
0x35: {  	s10 =	sld [smem:$0x3FA4];
	_ =	sdelay $0x3  }
0x36: {  	p1 =	seq.s32 s10, $0x1;
	s10 =	sld [smem:$0x3FA5];
	_ =	sdelay $0x3  }
0x37: {  	[smem:$0x3FA5] =	sst s10  }
0x38: {  	s10 =	sld [smem:$0x3FA6]  }
0x39: {  	_ = 	snop;
	(pc) =	sbr.ind lr, $3  }
0x3a: {  	_ = 	snop  }
0x3b: {  	_ = 	snop  }
0x3c: {  	p2 =	seq.s32 s10, $0x1;
	s10 =	sld [smem:$0x3FA5]  }
0x3d: {  	_ =	shalt  }
0x3e: {  	_ =	shalt  }
0x3f: {  	_ =	shalt  }
0x40: {  	_ =	shalt  }
0x41: {  	_ =	shalt  }
0x42: {  	_ =	shalt  }
0x43: {  	_ =	shalt  }
0x44: {  	_ =	shalt  }
0x45: {  	_ =	shalt  }
0x46: {  	_ =	shalt  }
0x47: {  	_ =	shalt  }
0x48: {  	_ =	shalt  }
0x49: {  	_ =	shalt  }
0x4a: {  	_ =	shalt  }
0x4b: {  	_ =	shalt  }
0x4c: {  	_ =	shalt  }
0x4d: {  	_ =	shalt  }
0x4e: {  	_ =	shalt  }
0x4f: {  	_ =	shalt  }
0x50: {  	_ =	shalt  }
0x51: {  	_ =	shalt  }
0x52: {  	_ =	shalt  }
0x53: {  	_ =	shalt  }
0x54: {  	_ =	shalt  }
0x55: {  	_ =	shalt  }
0x56: {  	_ =	shalt  }
0x57: {  	_ =	shalt  }
0x58: {  	_ =	shalt  }
0x59: {  	_ =	shalt  }
0x5a: {  	_ =	shalt  }
0x5b: {  	_ =	shalt  }
0x5c: {  	_ =	shalt  }
0x5d: {  	_ =	shalt  }
0x5e: {  	_ =	shalt  }
0x5f: {  	_ =	shalt  }
0x60: {  	_ =	shalt  }
0x61: {  	_ =	shalt  }
0x62: {  	_ =	shalt  }
0x63: {  	_ =	shalt  }
0x64: {  	_ =	shalt  }
0x65: {  	_ =	shalt  }
0x66: {  	_ =	shalt  }
0x67: {  	_ =	shalt  }
0x68: {  	_ =	shalt  }
0x69: {  	_ =	shalt  }
0x6a: {  	_ =	shalt  }
0x6b: {  	_ =	shalt  }
0x6c: {  	_ =	shalt  }
0x6d: {  	_ =	shalt  }
0x6e: {  	_ =	shalt  }
0x6f: {  	_ =	shalt  }
0x70: {  	_ =	shalt  }
0x71: {  	_ =	shalt  }
0x72: {  	_ =	shalt  }
0x73: {  	_ =	shalt  }
0x74: {  	_ =	shalt  }
0x75: {  	_ =	shalt  }
0x76: {  	_ =	shalt  }
0x77: {  	_ =	shalt  }
0x78: {  	_ =	shalt  }
0x79: {  	_ =	shalt  }
0x7a: {  	_ =	shalt  }
0x7b: {  	_ =	shalt  }
0x7c: {  	_ =	shalt  }
0x7d: {  	_ =	shalt  }
0x7e: {  	_ =	shalt  }
0x7f: {  	_ =	shalt  }
0x80: {  	_ =	shalt  }
0x81: {  	_ =	shalt  }
0x82: {  	_ =	shalt  }
0x83: {  	_ =	shalt  }
0x84: {  	_ =	shalt  }
0x85: {  	_ =	shalt  }
0x86: {  	_ =	shalt  }
0x87: {  	_ =	shalt  }
.Lfunc_end0:
.L_simem_size_0:
called_computation.3_lowered:
.L_overlay_start_0:
0x88: {  	s2 =	sld [smem:$0x3FD9]  }
0x89: {  	s3 =	sld [smem:$0x3FFE];
	_ =	sdelay $0x1  }
0x8a: {  	s1 =	srdreg.scid  }
0x8b: {  	s0 =	sand.u32 $0x1, s1  }
0x8c: {  	s16 =	sshll.u32 s0, $0xA;
	s2 =	sadd.s32 s3, s2  }
0x8d: {  	s2 =	sadd.s32 s2, s16  }
0x8e: {  	[smem:$0x3FB1] =	sst s2  }
0x8f: {  	_ = 	snop  }
0x90: {  	(tm) =	ssettm $0x1  }
0x91: {  	s17 =	sld [smem:$0x3FFB];
	_ =	sdelay $0x3  }
0x92: {  	_ =	strace s17  }
0x93: {  	s2 =	sld [smem:$0x3FFC];
	_ =	sdelay $0x3  }
0x94: {  	_ =	strace s2  }
0x95: {  	s2 =	sld [smem:$0x3FFD];
	_ =	sdelay $0x3  }
0x96: {  	_ =	strace s2  }
0x97: {  	_ =	strace $0x8FFFFFFF  }
0x98: {  	s18 =	sld [smem:$0x3FDB];
	_ =	sdelay $0x1  }
0x99: {  	s19 =	simm.s32 $_scs_section_size  }
0x9a: {  	s4 =	simm.s32 $_size__tile_overlayer_lowered;
	s5 =	simm.s32 $_tile_overlayer_lowered  }
0x9b: {  	s22 =	simm.s32 $0x1BFF;
	s21 =	sshll.u32 s5, $0x1;
	s2 =	sadd.s32 s19, s18  }
0x9c: {  	s6 =	simm.s32 $0x0;
	s20 =	sshll.u32 s4, $0x1;
	s4 =	sadd.s32 s21, s2  }
0x9d: {  	[timem:s6], [sflag:s22] =	dma.local [hbm:s4], s20  }
0x9e: {  	_ =	swait.ge [sflag:s22], s20  }
0x9f: {  	s3 =	ssub.s32 $0x0, s20;
	[sflag:s22] =	ssyncset.done $0x0  }
0xa0: {  	[sflag:s22] =	ssyncadd.s32 s3;
	_ =	sdelay $0x1  }
0xa1: {  	s23 =	simm.s32 $0x1B8B  }
0xa2: {  	_ =	swait.ge [sflag:s23], $0x1  }
0xa3: {  	[sflag:s23] =	ssyncset.done $0x0  }
0xa4: {  	s25 =	simm.s32 $0x1B8E;
	s24 =	sld [smem:$0x3FFE];
	[sflag:s23] =	ssyncadd.s32 $0xFFFFFFFF  }
0xa5: {  	s26 =	simm.s32 $execute0_lowered;
	[smem:$0x3FD2] =	sst s25  }
0xa6: {  	s4 =	sshll.u32 s26, $0x1;
	_ =	strace $0x8000004F;
	[dreg:$0x1] =	wrdreg $0xFFFFFFFF  }
0xa7: {  	s28 =	simm.s32 $_size_execute0_lowered;
	s2 =	sadd.s32 s2, s4;
	[dreg:$0x0] =	wrdreg $0x0  }
0xa8: {  	s4 =	sshll.u32 s28, $0x1;
	[dreg:$0x2] =	wrdreg s2  }
0xa9: {  	[dreg:$0x3] =	wrdreg s4  }
0xaa: {  	[dreg:$0x4] =	wrdreg $0xC0  }
0xab: {  	_ =	task [dreg:s6], $0x5FFFF  }
0xac: {  	[dreg:$0x1] =	wrdreg $0xFFFFFFFF  }
0xad: {  	[dreg:$0x0] =	wrdreg $0x60  }
0xae: {  	[dreg:$0x2] =	wrdreg s24  }
0xaf: {  	[dreg:$0x3] =	wrdreg $0x0  }
0xb0: {  	[dreg:$0x4] =	wrdreg $0x9  }
0xb1: {  	_ =	task.clear_ibuf [dreg:s6], $0x5FFFF;
	_ =	strace $0x9000004F  }
0xb2: {  	s29 =	simm.s32 $0x9;
	_ =	strace $0x80000051  }
0xb3: {  	_ =	swait.ge [sflag:s29], $0x1  }
0xb4: {  	[sflag:s29] =	ssyncadd.s32 $0xFFFFFFFF  }
0xb5: {  	_ =	strace $0x90000051  }
0xb6: {  	_ =	sfence  }
0xb7: {  	s30 =	sld [smem:$0x0];
	_ =	sdelay $0x2  }
0xb8: {  	s31 =	sshll.u32 s1, $0xD;
	s1 =	sshrl.u32 s1, $0x2  }
0xb9: {  	s3 =	sand.u32 $0x4000, s31;
	s1 =	sadd.s32 s1, s30  }
0xba: {  	s0 =	sor.u32 s3, s0;
	s1 =	sshll.u32 s1, $0x11  }
0xbb: {  	s0 =	sor.u32 s1, s0  }
0xbc: {  	s0 =	sadd.s32 $0x8F2B, s0  }
0xbd: {  	[sflag:s0] =	ssyncadd.remote.s32 $0x1  }
0xbe: {  	_ =	sfence.sel $0xFFFF  }
0xbf: {  	[dreg:$0x0] =	wrdreg $0xFFFFFFFF;
	(pc) =	sbr.abs _section_cstart, $3  }
0xc0: {  	[dreg:$0x1] =	wrdreg $0xFFFFFFFF  }
0xc1: {  	_ =	task.clear_ibuf [dreg:s6], $0x2FFFF;
	_ =	strace $0x9FFFFFFF  }
0xc2: {  	(tm) =	ssettm $0x7FFFFFFF  }
0xc3: {  	_ =	shalt  }
tec
execute0_lowered:
.L_overlay_start_1:
0x0: {  	(tag) =	ssettag $0x1  }
0x1: {  	s8 =	rddreg [dreg:$0x0]  }
0x2: {  	s1 =	rddreg [dreg:$0x1]  }
0x3: {  	s2 =	srdreg.scid;
	s0 =	rddreg [dreg:$0x2];
	s3 =	simm.s32 $0x0  }
0x4: {  	s16 =	simm.s32 $0x19100;
	s17 =	simm.s32 $0x2;
	s18 =	simm.s32 $0x14000  }
0x5: {  	s19 =	simm.s32 $0x14080;
	s20 =	simm.s32 $0x14100;
	s21 =	simm.s32 $0x50  }
0x6: {  	s22 =	simm.s32 $0x16900;
	s23 =	simm.s32 $0x1;
	s9 =	sand.u32 $0x1, s2  }
0x7: {  	s2 =	stileid.u32;
	s4 =	sadd.s32 $0xA57800, s8;
	s6 =	smul.u32 $0x140000, s9  }
0x8: {  	[smem:$0x7FF] =	sst s3;
	s5 =	sadd.s32 $0x4F4800, s8;
	s7 =	smul.u32 $0x14000, s2  }
0x9: {  	s11 =	smul.u32 $0x50000, s2;
	s30 =	ssub.s32 $0x2, s9;
	s9 =	sshll.u32 s9, $0x4  }
0xa: {  	_ =	strace $0x80000050;
	s31 =	sshrl.u32 s30, $0x1;
	s9 =	sor.u32 s2, s9  }
0xb: {  	s7 =	sadd.s32 s7, s6;
	s6 =	sadd.s32 $0x4EAA00, s8;
	s11 =	sshrl.u32 s11, $0x2  }
0xc: {  	s15 =	ssub.s32 s30, s31;
	s9 =	smul.u32 $0x2710, s9;
	s10 =	sshrl.u32 s7, $0x3  }
0xd: {  	s7 =	sadd.s32 $0x4FE600, s8;
	s14 =	sadd.s32 s10, s8;
	s8 =	sadd.s32 s11, s1  }
0xe: {  	s15 =	smax.u32 s15, $0x1;
	s10 =	sadd.s32 $0x4000, s8;
	s11 =	sadd.s32 $0x8000, s8  }
0xf: {  	v0 =	vimm.f32 $0.0e+00;
	s12 =	sadd.s32 $0xC000, s8;
	s13 =	sadd.s32 $0x10000, s8;
	s14 =	sadd.s32 $0x525800, s14  }
.LBB2_1:
0x10: {  	s24 =	simm.s32 $0x0;
	s25 =	simm.s32 $0x200  }
.LBB2_2:
0x11: {  	p0 =	sne.s32 s25, $0xFE00;
	[tilespmem:s24+$0x19170] =	vst v0  }
0x12: {  	[tilespmem:s24+$0x19100] =	vst v0  }
0x13: {  	[tilespmem:s24+$0x19110] =	vst v0  }
.Ltmp0:
0x14: {  	[tilespmem:s24+$0x19120] =	vst v0;
	(pc) =	sbr.rel @p0 .LBB2_2-.Ltmp0, $4  }
0x15: {  	[tilespmem:s24+$0x19130] =	vst v0  }
0x16: {  	[tilespmem:s24+$0x19140] =	vst v0  }
0x17: {  	[tilespmem:s24+$0x19150] =	vst v0  }
0x18: {  	[tilespmem:s24+$0x19160] =	vst v0;
	s24 =	sshra.s32 s25, $0x2;
	s25 =	sadd.s32 $0x200, s25  }
0x19: {  	[tilespmem:s24+$0x19170] =	vst v0  }
0x1a: {  	[tilespmem:s24+$0x19100] =	vst v0  }
0x1b: {  	[tilespmem:s24+$0x19110] =	vst v0  }
0x1c: {  	[tilespmem:s24+$0x19120] =	vst v0  }
0x1d: {  	[tilespmem:s24+$0x19130] =	vst v0  }
0x1e: {  	[tilespmem:s24+$0x19140] =	vst v0  }
0x1f: {  	[tilespmem:s24+$0x19150] =	vst v0  }
0x20: {  	[tilespmem:s24+$0x19160] =	vst v0  }
0x21: {  	[spmem:s8] =	stream.linear.scatter [tilespmem:s16], [sflag:$0x2], $0x4000, $0x38;
	[tilespmem:$0x1D100] =	vst v63  }
0x22: {  	_ =	swait.ge [sflag:s17], $0x4000  }
0x23: {  	[sflag:s17] =	ssyncset.done $0x0  }
0x24: {  	[sflag:s17] =	ssyncadd.s32 $0xFFFFC000  }
0x25: {  	[spmem:s10] =	stream.linear.scatter [tilespmem:s16], [sflag:$0x2], $0x4000, $0x38;
	[tilespmem:$0x1D100] =	vst v63  }
0x26: {  	_ =	swait.ge [sflag:s17], $0x4000  }
0x27: {  	[sflag:s17] =	ssyncset.done $0x0  }
0x28: {  	[sflag:s17] =	ssyncadd.s32 $0xFFFFC000  }
0x29: {  	[spmem:s11] =	stream.linear.scatter [tilespmem:s16], [sflag:$0x2], $0x4000, $0x38;
	[tilespmem:$0x1D100] =	vst v63  }
0x2a: {  	_ =	swait.ge [sflag:s17], $0x4000  }
0x2b: {  	[sflag:s17] =	ssyncset.done $0x0  }
0x2c: {  	[sflag:s17] =	ssyncadd.s32 $0xFFFFC000  }
0x2d: {  	[spmem:s12] =	stream.linear.scatter [tilespmem:s16], [sflag:$0x2], $0x4000, $0x38;
	[tilespmem:$0x1D100] =	vst v63  }
0x2e: {  	_ =	swait.ge [sflag:s17], $0x4000  }
0x2f: {  	[sflag:s17] =	ssyncset.done $0x0  }
0x30: {  	[sflag:s17] =	ssyncadd.s32 $0xFFFFC000  }
0x31: {  	[spmem:s13] =	stream.linear.scatter [tilespmem:s16], [sflag:$0x2], $0x4000, $0x38;
	[tilespmem:$0x1D100] =	vst v63  }
0x32: {  	_ =	swait.ge [sflag:s17], $0x4000  }
0x33: {  	[sflag:s17] =	ssyncset.done $0x0  }
0x34: {  	[sflag:s17] =	ssyncadd.s32 $0xFFFFC000  }
0x35: {  	s24 =	simm.s32 $0x0;
	s25 =	simm.s32 $0x0;
	[bflag:$0x0] =	sbarrier.arrive $0xFFFF  }
.LBB2_4:
0x36: {  	s26 =	smul.u32 $0x50, s25;
	_ =	sdelay $0x1  }
0x37: {  	s26 =	sadd.s32 s9, s26  }
0x38: {  	s28 =	sshrl.u32 s26, $0x3  }
0x39: {  	s29 =	sadd.s32 s5, s28  }
0x3a: {  	[tilespmem:s18], [sflag:$0x2] =	stream.linear.gather [hbm4b:s29+s24], $0x50, $0x38;
	[tilespmem:$0x1D100] =	vst v63  }
0x3b: {  	_ =	swait.ge [sflag:s17], $0x50  }
0x3c: {  	[sflag:s17] =	ssyncset.done $0x0  }
0x3d: {  	s28 =	sadd.s32 s6, s28;
	[sflag:s17] =	ssyncadd.s32 $0xFFFFFFB0  }
0x3e: {  	[tilespmem:s19], [sflag:$0x2] =	stream.linear.gather [hbm4b:s28+s24], $0x50, $0x38;
	[tilespmem:$0x1D100] =	vst v63  }
0x3f: {  	_ =	swait.ge [sflag:s17], $0x50  }
0x40: {  	s26 =	sshll.u32 s26, $0x4;
	[sflag:s17] =	ssyncset.done $0x0  }
0x41: {  	s26 =	sadd.s32 s4, s26;
	[sflag:s17] =	ssyncadd.s32 $0xFFFFFFB0  }
0x42: {  	[tilespmem:s20], [sflag:$0x2] =	stream.linear.gather [hbm4b:s26+s24], $0x2800, $0x38;
	[tilespmem:$0x1D100] =	vst v63  }
0x43: {  	_ =	swait.ge [sflag:s17], $0x2800  }
0x44: {  	[sflag:s17] =	ssyncset.done $0x0  }
0x45: {  	[sflag:s17] =	ssyncadd.s32 $0xFFFFD800  }
0x46: {  	[tilespmem:s22], [sflag:$0x1] =	stream.indirect.gather [hbm4b:s7+s21], $0x80, s18, s21, $0xb8;
	[tilespmem:$0x1D100] =	vst v63  }
0x47: {  	_ =	swait.ge [sflag:s23], $0x2800  }
0x48: {  	[sflag:s23] =	ssyncset.done $0x0  }
0x49: {  	s26 =	simm.s32 $0x0;
	[sflag:s23] =	ssyncadd.s32 $0xFFFFD800  }
0x4a: {  	v7 =	vld [tilespmem:s26+$0x16900]  }
0x4b: {  	v12 =	vld [tilespmem:s26+$0x16910]  }
0x4c: {  	v6 =	vld [tilespmem:s26+$0x16920]  }
0x4d: {  	v5 =	vld [tilespmem:s26+$0x16930]  }
0x4e: {  	v4 =	vld [tilespmem:s26+$0x16940]  }
0x4f: {  	v3 =	vld [tilespmem:s26+$0x16950]  }
0x50: {  	v2 =	vld [tilespmem:s26+$0x16960]  }
0x51: {  	v1 =	vld [tilespmem:s26+$0x16970]  }
0x52: {  	v13 =	vld [tilespmem:s26+$0x14100]  }
0x53: {  	v14 =	vld [tilespmem:s26+$0x14110]  }
0x54: {  	v11 =	vld [tilespmem:s26+$0x14120]  }
0x55: {  	v10 =	vld [tilespmem:s26+$0x14130]  }
0x56: {  	v9 =	vld [tilespmem:s26+$0x14140]  }
0x57: {  	v8 =	vld [tilespmem:s26+$0x14150];
	v13 =	vadd.f32 v7, v13  }
0x58: {  	s28 =	simm.s32 $0x200;
	v12 =	vadd.f32 v12, v14;
	v7 =	vld [tilespmem:s26+$0x14160]  }
.LBB2_5:
0x59: {  	s29 =	sshra.s32 s28, $0x2;
	p0 =	sne.s32 s28, $0x9E00;
	v13 =	vmax.f32 v13, $0.0e+00;
	v6 =	vadd.f32 v6, v11;
	v11 =	vld [tilespmem:s26+$0x14170]  }
0x5a: {  	v14 =	vld [tilespmem:s29+$0x16900];
	[tilespmem:s26+$0x14100] =	vst v13;
	v12 =	vmax.f32 v12, $0.0e+00;
	v5 =	vadd.f32 v5, v10  }
0x5b: {  	v15 =	vld [tilespmem:s29+$0x16910];
	[tilespmem:s26+$0x14110] =	vst v12;
	v10 =	vmax.f32 v6, $0.0e+00;
	v4 =	vadd.f32 v4, v9  }
0x5c: {  	v6 =	vld [tilespmem:s29+$0x16920];
	[tilespmem:s26+$0x14120] =	vst v10;
	v9 =	vmax.f32 v5, $0.0e+00;
	v3 =	vadd.f32 v3, v8  }
0x5d: {  	v5 =	vld [tilespmem:s29+$0x16930];
	[tilespmem:s26+$0x14130] =	vst v9;
	v8 =	vmax.f32 v4, $0.0e+00;
	v2 =	vadd.f32 v2, v7  }
0x5e: {  	v4 =	vld [tilespmem:s29+$0x16940];
	[tilespmem:s26+$0x14140] =	vst v8;
	v7 =	vmax.f32 v3, $0.0e+00;
	v1 =	vadd.f32 v1, v11  }
0x5f: {  	v3 =	vld [tilespmem:s29+$0x16950];
	[tilespmem:s26+$0x14150] =	vst v7;
	v7 =	vmax.f32 v2, $0.0e+00  }
0x60: {  	v2 =	vld [tilespmem:s29+$0x16960];
	[tilespmem:s26+$0x14160] =	vst v7;
	v7 =	vmax.f32 v1, $0.0e+00  }
0x61: {  	v1 =	vld [tilespmem:s29+$0x16970];
	[tilespmem:s26+$0x14170] =	vst v7;
	s26 =	smov.u32 s29  }
0x62: {  	v7 =	vld [tilespmem:s26+$0x14100]  }
0x63: {  	v12 =	vld [tilespmem:s26+$0x14110]  }
.Ltmp1:
0x64: {  	v11 =	vld [tilespmem:s26+$0x14120];
	(pc) =	sbr.rel @p0 .LBB2_5-.Ltmp1, $4  }
0x65: {  	v10 =	vld [tilespmem:s26+$0x14130]  }
0x66: {  	v9 =	vld [tilespmem:s26+$0x14140]  }
0x67: {  	v13 =	vadd.f32 v14, v7;
	v8 =	vld [tilespmem:s26+$0x14150]  }
0x68: {  	s28 =	sadd.s32 $0x200, s28;
	v12 =	vadd.f32 v15, v12;
	v7 =	vld [tilespmem:s26+$0x14160]  }
0x69: {  	v13 =	vmax.f32 v13, $0.0e+00;
	v6 =	vadd.f32 v6, v11;
	v63 =	vld [tilespmem:s26+$0x14170]  }
0x6a: {  	[tilespmem:s26+$0x14100] =	vst v13;
	v12 =	vmax.f32 v12, $0.0e+00;
	v5 =	vadd.f32 v5, v10  }
0x6b: {  	[tilespmem:s26+$0x14110] =	vst v12;
	v6 =	vmax.f32 v6, $0.0e+00;
	v4 =	vadd.f32 v4, v9  }
0x6c: {  	[tilespmem:s26+$0x14120] =	vst v6;
	v5 =	vmax.f32 v5, $0.0e+00;
	v3 =	vadd.f32 v3, v8  }
0x6d: {  	[tilespmem:s26+$0x14130] =	vst v5;
	v4 =	vmax.f32 v4, $0.0e+00;
	v2 =	vadd.f32 v2, v7  }
0x6e: {  	[tilespmem:s26+$0x14140] =	vst v4;
	v3 =	vmax.f32 v3, $0.0e+00;
	v1 =	vadd.f32 v1, v63  }
0x6f: {  	s25 =	sadd.s32 $0x1, s25;
	[tilespmem:s26+$0x14150] =	vst v3;
	v2 =	vmax.f32 v2, $0.0e+00  }
0x70: {  	p0 =	sne.s32 s25, $0x7D;
	[tilespmem:s26+$0x14160] =	vst v2;
	v1 =	vmax.f32 v1, $0.0e+00  }
.Ltmp2:
0x71: {  	[tilespmem:s26+$0x14170] =	vst v1;
	(pc) =	sbr.rel @p0 .LBB2_4-.Ltmp2, $4  }
0x72: {  	[spmem:s1] =	stream.indirect.scatter.add.f32 [tilespmem:s20], [sflag:$0x2], $0x80, s19, s21, $0xb8;
	[tilespmem:$0x1D100] =	vst v63  }
0x73: {  	_ =	swait.ge [sflag:s17], $0x2800  }
0x74: {  	[sflag:s17] =	ssyncset.done $0x0  }
0x75: {  	[sflag:s17] =	ssyncadd.s32 $0xFFFFD800  }
0x76: {  	s3 =	sadd.s32 $0x1, s3  }
0x77: {  	s24 =	sshll.u32 s2, $0x6;
	[bflag:$0x0] =	sbarrier.arrive $0xFFFF;
	p0 =	sne.s32 s3, s15  }
.Ltmp3:
0x78: {  	s25 =	sshrl.u32 s8, $0x3;
	s24 =	sor.u32 $0x1C02, s24;
	(pc) =	sbr.rel @p0 .LBB2_1-.Ltmp3, $4  }
0x79: {  	[hbm:s14], [sflag:s24] =	dma.local [spmem:s25], $0x2800  }
0x7a: {  	_ =	swait.ge [sflag:s17], $0x2800  }
0x7b: {  	[sflag:s17] =	ssyncset.done $0x0  }
0x7c: {  	[sflag:s17] =	ssyncadd.s32 $0xFFFFD800  }
0x7d: {  	_ =	sfence.sel $0x180000  }
0x7e: {  	[bflag:$0x0] =	sbarrier.arrive $0xFFFF  }
0x7f: {  	p0 =	sne.s32 s2, $0x0;
	_ =	strace $0x90000050  }
0x80: {  	s0 =	sadd.s32 @!p0 $0x100000, s0;
	[bflag:$0x2] =	sbarrier.arrive $0xFFFF  }
0x81: {  	[sflag:s0] =	ssyncadd.tile.s32 @!p0 $0x1;
	_ =	shalt  }
.Lfunc_end2:
_tile_overlayer_lowered:
.L_overlay_start_2:
0x82: {  	(tag) =	ssettag $0x2  }
0x83: {  	s0 =	rddreg [dreg:$0x0];
	s2 =	stileid.u32  }
0x84: {  	s1 =	rddreg [dreg:$0x1];
	p0 =	sne.s32 s2, $0x0  }
0x85: {  	s3 =	rddreg [dreg:$0x2];
	[bflag:$0x3] =	sbarrier.arrive $0xFFFF;
	s2 =	simm.s32 @!p0 $0x1C02  }
0x86: {  	[timem:s3], [sflag:s2] =	dma.local @!p0 [hbm:s0], s1  }
0x87: {  	s0 =	simm.s32 @!p0 $0x2  }
0x88: {  	_ =	swait.ge @!p0 [sflag:s0], s1  }
0x89: {  	s1 =	ssub.s32 @!p0 $0x0, s1;
	[sflag:s0] =	ssyncset.done @!p0 $0x0  }
0x8a: {  	[sflag:s0] =	ssyncadd.s32 @!p0 s1  }
0x8b: {  	[bflag:$0x3] =	sbarrier.arrive $0xFFFF  }
0x8c: {  	_ =	shalt  }

// kernel: sc_edge_stage.19.cloned.1.call-start
scs
__scs_entry_jumppad:
0x0: {  	(pc) =	sbr.rel $0x88, $3  }
0x1: {  	(tag) =	ssettag $0x0;
	lr =	simm.s32 $0x1  }
0x2: {  	[smem:$0x3F8A] =	sst lr;
	_ =	strace $0xD0000000  }
0x3: {  	_ = 	snop  }
0x4: {  	_ = 	snop  }
0x5: {  	_ = 	snop  }
0x6: {  	_ = 	snop  }
0x7: {  	_ = 	snop  }
__scs_overlays_trampoline_lowered:
0x8: {  	[smem:$0x3F99] =	sst s0  }
0x9: {  	[smem:$0x3F9A] =	sst s1  }
0xa: {  	[smem:$0x3F9B] =	sst s2  }
0xb: {  	[smem:$0x3F9C] =	sst s3  }
0xc: {  	[smem:$0x3F9D] =	sst s4  }
0xd: {  	[smem:$0x3F9E] =	sst s5  }
0xe: {  	[smem:$0x3F9F] =	sst s6  }
0xf: {  	[smem:$0x3FA0] =	sst s7  }
0x10: {  	[smem:$0x3FA1] =	sst s8  }
0x11: {  	[smem:$0x3FA2] =	sst s9;
	s0 =	simm.s32 @!p0 $0x0  }
0x12: {  	s1 =	sld [smem:$0x3F88];
	s0 =	simm.s32 @p0 $0x1  }
0x13: {  	[smem:$0x3FA3] =	sst s0;
	s0 =	simm.s32 @!p1 $0x0  }
0x14: {  	s2 =	sld [smem:$0x3F87];
	s0 =	simm.s32 @p1 $0x1  }
0x15: {  	[smem:$0x3FA4] =	sst s0;
	s0 =	simm.s32 @!p2 $0x0  }
0x16: {  	s3 =	sld [smem:$0x3FDB];
	s0 =	simm.s32 @p2 $0x1  }
0x17: {  	s4 =	simm.s32 $0x1BF5;
	[smem:$0x3FA6] =	sst s0  }
0x18: {  	s0 =	sld [smem:$0x3F89];
	_ =	swait.ge [sflag:s4], $0x0  }
0x19: {  	s7 =	sld [smem:$0x3F8A]  }
0x1a: {  	s8 =	sadd.s32 $0xFFFFE003, lr  }
0x1b: {  	s9 =	sadd.s32 $0xFFFFFEF7, lr;
	s5 =	simm.s32 $0xFFFFFFFF;
	p2 =	slt.u32 s8, $0xFFFFF086  }
0x1c: {  	p1 =	slt.u32 s9, $0xF7A;
	s5 =	simm.s32 @!p2 $0x0  }
0x1d: {  	s5 =	simm.s32 @p1 $0x1;
	p0 =	seq.s32 s7, s2  }
0x1e: {  	s7 =	smul.u32 @!p0 $0xF7A, s2;
	p2 =	seq.s32 @!p0 s5, $0x0  }
0x1f: {  	s9 =	smul.u32 $0xF7A, s1;
	s8 =	simm.s32 @!p0 $0x1BF5;
	p2 =	por !p2, p0  }
0x20: {  	[sflag:s8] =	ssyncset.s32 @!p0 $0xFFFFF086;
	s6 =	sadd.s32 @!p0 s3, s7;
	s7 =	simm.s32 @!p0 $0x108  }
0x21: {  	s3 =	sadd.s32 s3, s9;
	s6 =	sadd.s32 @!p0 $0x88, s6;
	s7 =	simm.s32 @p2 $0x1082  }
0x22: {  	[simem:s7], [sflag:s8] =	dma.local @!p0 [hbm:s6], $0xF7A  }
0x23: {  	s9 =	sor.u32 $0xD0000000, s2;
	s6 =	simm.s32 $0x108;
	_ =	swait.ge @!p0 [sflag:s8], $0x0  }
0x24: {  	s3 =	sadd.s32 $0x88, s3;
	s6 =	simm.s32 @!p1 $0x1082;
	[sflag:s4] =	ssyncset.s32 $0xFFFFF086  }
0x25: {  	[simem:s6], [sflag:s4] =	dma.local [hbm:s3], $0xF7A  }
0x26: {  	[smem:$0x3F8A] =	sst s1;
	(tag) =	ssettag s2;
	_ =	strace s9  }
0x27: {  	s1 =	sld [smem:$0x3F9A]  }
0x28: {  	s2 =	sld [smem:$0x3F9B]  }
0x29: {  	s4 =	sld [smem:$0x3F9D]  }
0x2a: {  	p0 =	seq.s32 s5, $0x0;
	s5 =	sld [smem:$0x3F9E]  }
0x2b: {  	s6 =	sld [smem:$0x3F9F]  }
0x2c: {  	s7 =	sld [smem:$0x3FA0]  }
0x2d: {  	s3 =	simm.s32 $0x108;
	s8 =	sld [smem:$0x3FA1]  }
0x2e: {  	s3 =	simm.s32 @!p0 $0x1082;
	s9 =	sld [smem:$0x3FA2]  }
0x2f: {  	lr =	sadd.s32 s0, s3;
	s0 =	sld [smem:$0x3F99]  }
0x30: {  	s3 =	sld [smem:$0x3F9C]  }
0x31: {  	[smem:$0x3FA5] =	sst s10  }
0x32: {  	s10 =	sld [smem:$0x3FA3];
	_ =	sdelay $0x3  }
0x33: {  	p0 =	seq.s32 s10, $0x1;
	s10 =	sld [smem:$0x3FA5];
	_ =	sdelay $0x3  }
0x34: {  	[smem:$0x3FA5] =	sst s10  }
0x35: {  	s10 =	sld [smem:$0x3FA4];
	_ =	sdelay $0x3  }
0x36: {  	p1 =	seq.s32 s10, $0x1;
	s10 =	sld [smem:$0x3FA5];
	_ =	sdelay $0x3  }
0x37: {  	[smem:$0x3FA5] =	sst s10  }
0x38: {  	s10 =	sld [smem:$0x3FA6]  }
0x39: {  	_ = 	snop;
	(pc) =	sbr.ind lr, $3  }
0x3a: {  	_ = 	snop  }
0x3b: {  	_ = 	snop  }
0x3c: {  	p2 =	seq.s32 s10, $0x1;
	s10 =	sld [smem:$0x3FA5]  }
0x3d: {  	_ =	shalt  }
0x3e: {  	_ =	shalt  }
0x3f: {  	_ =	shalt  }
0x40: {  	_ =	shalt  }
0x41: {  	_ =	shalt  }
0x42: {  	_ =	shalt  }
0x43: {  	_ =	shalt  }
0x44: {  	_ =	shalt  }
0x45: {  	_ =	shalt  }
0x46: {  	_ =	shalt  }
0x47: {  	_ =	shalt  }
0x48: {  	_ =	shalt  }
0x49: {  	_ =	shalt  }
0x4a: {  	_ =	shalt  }
0x4b: {  	_ =	shalt  }
0x4c: {  	_ =	shalt  }
0x4d: {  	_ =	shalt  }
0x4e: {  	_ =	shalt  }
0x4f: {  	_ =	shalt  }
0x50: {  	_ =	shalt  }
0x51: {  	_ =	shalt  }
0x52: {  	_ =	shalt  }
0x53: {  	_ =	shalt  }
0x54: {  	_ =	shalt  }
0x55: {  	_ =	shalt  }
0x56: {  	_ =	shalt  }
0x57: {  	_ =	shalt  }
0x58: {  	_ =	shalt  }
0x59: {  	_ =	shalt  }
0x5a: {  	_ =	shalt  }
0x5b: {  	_ =	shalt  }
0x5c: {  	_ =	shalt  }
0x5d: {  	_ =	shalt  }
0x5e: {  	_ =	shalt  }
0x5f: {  	_ =	shalt  }
0x60: {  	_ =	shalt  }
0x61: {  	_ =	shalt  }
0x62: {  	_ =	shalt  }
0x63: {  	_ =	shalt  }
0x64: {  	_ =	shalt  }
0x65: {  	_ =	shalt  }
0x66: {  	_ =	shalt  }
0x67: {  	_ =	shalt  }
0x68: {  	_ =	shalt  }
0x69: {  	_ =	shalt  }
0x6a: {  	_ =	shalt  }
0x6b: {  	_ =	shalt  }
0x6c: {  	_ =	shalt  }
0x6d: {  	_ =	shalt  }
0x6e: {  	_ =	shalt  }
0x6f: {  	_ =	shalt  }
0x70: {  	_ =	shalt  }
0x71: {  	_ =	shalt  }
0x72: {  	_ =	shalt  }
0x73: {  	_ =	shalt  }
0x74: {  	_ =	shalt  }
0x75: {  	_ =	shalt  }
0x76: {  	_ =	shalt  }
0x77: {  	_ =	shalt  }
0x78: {  	_ =	shalt  }
0x79: {  	_ =	shalt  }
0x7a: {  	_ =	shalt  }
0x7b: {  	_ =	shalt  }
0x7c: {  	_ =	shalt  }
0x7d: {  	_ =	shalt  }
0x7e: {  	_ =	shalt  }
0x7f: {  	_ =	shalt  }
0x80: {  	_ =	shalt  }
0x81: {  	_ =	shalt  }
0x82: {  	_ =	shalt  }
0x83: {  	_ =	shalt  }
0x84: {  	_ =	shalt  }
0x85: {  	_ =	shalt  }
0x86: {  	_ =	shalt  }
0x87: {  	_ =	shalt  }
.Lfunc_end0:
.L_simem_size_0:
called_computation.4_lowered:
.L_overlay_start_0:
0x88: {  	s2 =	sld [smem:$0x3FD9]  }
0x89: {  	s3 =	sld [smem:$0x3FFE];
	_ =	sdelay $0x1  }
0x8a: {  	s1 =	srdreg.scid  }
0x8b: {  	s0 =	sand.u32 $0x1, s1  }
0x8c: {  	s16 =	sshll.u32 s0, $0xA;
	s2 =	sadd.s32 s3, s2  }
0x8d: {  	s2 =	sadd.s32 s2, s16  }
0x8e: {  	[smem:$0x3FB1] =	sst s2  }
0x8f: {  	_ = 	snop  }
0x90: {  	(tm) =	ssettm $0x1  }
0x91: {  	s17 =	sld [smem:$0x3FFB];
	_ =	sdelay $0x3  }
0x92: {  	_ =	strace s17  }
0x93: {  	s2 =	sld [smem:$0x3FFC];
	_ =	sdelay $0x3  }
0x94: {  	_ =	strace s2  }
0x95: {  	s2 =	sld [smem:$0x3FFD];
	_ =	sdelay $0x3  }
0x96: {  	_ =	strace s2  }
0x97: {  	_ =	strace $0x8FFFFFFF  }
0x98: {  	s18 =	sld [smem:$0x3FDB];
	_ =	sdelay $0x1  }
0x99: {  	s19 =	simm.s32 $_scs_section_size  }
0x9a: {  	s4 =	simm.s32 $_size__tile_overlayer_lowered;
	s5 =	simm.s32 $_tile_overlayer_lowered  }
0x9b: {  	s22 =	simm.s32 $0x1BFF;
	s21 =	sshll.u32 s5, $0x1;
	s2 =	sadd.s32 s19, s18  }
0x9c: {  	s6 =	simm.s32 $0x0;
	s20 =	sshll.u32 s4, $0x1;
	s4 =	sadd.s32 s21, s2  }
0x9d: {  	[timem:s6], [sflag:s22] =	dma.local [hbm:s4], s20  }
0x9e: {  	_ =	swait.ge [sflag:s22], s20  }
0x9f: {  	s3 =	ssub.s32 $0x0, s20;
	[sflag:s22] =	ssyncset.done $0x0  }
0xa0: {  	[sflag:s22] =	ssyncadd.s32 s3;
	_ =	sdelay $0x1  }
0xa1: {  	s23 =	simm.s32 $0x1B8B  }
0xa2: {  	_ =	swait.ge [sflag:s23], $0x1  }
0xa3: {  	[sflag:s23] =	ssyncset.done $0x0  }
0xa4: {  	s25 =	simm.s32 $0x1B8E;
	s24 =	sld [smem:$0x3FFE];
	[sflag:s23] =	ssyncadd.s32 $0xFFFFFFFF  }
0xa5: {  	s26 =	simm.s32 $execute0_lowered;
	[smem:$0x3FD2] =	sst s25  }
0xa6: {  	s4 =	sshll.u32 s26, $0x1;
	_ =	strace $0x80000052;
	[dreg:$0x1] =	wrdreg $0xFFFFFFFF  }
0xa7: {  	s28 =	simm.s32 $_size_execute0_lowered;
	s2 =	sadd.s32 s2, s4;
	[dreg:$0x0] =	wrdreg $0x0  }
0xa8: {  	s4 =	sshll.u32 s28, $0x1;
	[dreg:$0x2] =	wrdreg s2  }
0xa9: {  	[dreg:$0x3] =	wrdreg s4  }
0xaa: {  	[dreg:$0x4] =	wrdreg $0xC0  }
0xab: {  	_ =	task [dreg:s6], $0x5FFFF  }
0xac: {  	[dreg:$0x1] =	wrdreg $0xFFFFFFFF  }
0xad: {  	[dreg:$0x0] =	wrdreg $0x60  }
0xae: {  	[dreg:$0x2] =	wrdreg s24  }
0xaf: {  	[dreg:$0x3] =	wrdreg $0x0  }
0xb0: {  	[dreg:$0x4] =	wrdreg $0x9  }
0xb1: {  	_ =	task.clear_ibuf [dreg:s6], $0x5FFFF;
	_ =	strace $0x90000052  }
0xb2: {  	s29 =	simm.s32 $0x9;
	_ =	strace $0x80000054  }
0xb3: {  	_ =	swait.ge [sflag:s29], $0x1  }
0xb4: {  	[sflag:s29] =	ssyncadd.s32 $0xFFFFFFFF  }
0xb5: {  	_ =	strace $0x90000054  }
0xb6: {  	_ =	sfence  }
0xb7: {  	s30 =	sld [smem:$0x0];
	_ =	sdelay $0x2  }
0xb8: {  	s31 =	sshll.u32 s1, $0xD;
	s1 =	sshrl.u32 s1, $0x2  }
0xb9: {  	s3 =	sand.u32 $0x4000, s31;
	s1 =	sadd.s32 s1, s30  }
0xba: {  	s0 =	sor.u32 s3, s0;
	s1 =	sshll.u32 s1, $0x11  }
0xbb: {  	s0 =	sor.u32 s1, s0  }
0xbc: {  	s0 =	sadd.s32 $0x8F2B, s0  }
0xbd: {  	[sflag:s0] =	ssyncadd.remote.s32 $0x1  }
0xbe: {  	_ =	sfence.sel $0xFFFF  }
0xbf: {  	[dreg:$0x0] =	wrdreg $0xFFFFFFFF;
	(pc) =	sbr.abs _section_cstart, $3  }
0xc0: {  	[dreg:$0x1] =	wrdreg $0xFFFFFFFF  }
0xc1: {  	_ =	task.clear_ibuf [dreg:s6], $0x2FFFF;
	_ =	strace $0x9FFFFFFF  }
0xc2: {  	(tm) =	ssettm $0x7FFFFFFF  }
0xc3: {  	_ =	shalt  }
tec
execute0_lowered:
.L_overlay_start_1:
0x0: {  	(tag) =	ssettag $0x1  }
0x1: {  	s8 =	rddreg [dreg:$0x0]  }
0x2: {  	s1 =	rddreg [dreg:$0x1]  }
0x3: {  	s2 =	srdreg.scid;
	s0 =	rddreg [dreg:$0x2];
	s3 =	simm.s32 $0x0  }
0x4: {  	s16 =	simm.s32 $0x19100;
	s17 =	simm.s32 $0x2;
	s18 =	simm.s32 $0x14000  }
0x5: {  	s19 =	simm.s32 $0x14080;
	s20 =	simm.s32 $0x14100;
	s21 =	simm.s32 $0x50  }
0x6: {  	s22 =	simm.s32 $0x16900;
	s23 =	simm.s32 $0x1;
	s9 =	sand.u32 $0x1, s2  }
0x7: {  	s2 =	stileid.u32;
	s4 =	sadd.s32 $0x575800, s8;
	s6 =	smul.u32 $0x140000, s9  }
0x8: {  	[smem:$0x7FF] =	sst s3;
	s5 =	sadd.s32 $0x4F4800, s8;
	s7 =	smul.u32 $0x14000, s2  }
0x9: {  	s11 =	smul.u32 $0x50000, s2;
	s30 =	ssub.s32 $0x2, s9;
	s9 =	sshll.u32 s9, $0x4  }
0xa: {  	_ =	strace $0x80000053;
	s31 =	sshrl.u32 s30, $0x1;
	s9 =	sor.u32 s2, s9  }
0xb: {  	s7 =	sadd.s32 s7, s6;
	s6 =	sadd.s32 $0x4EAA00, s8;
	s11 =	sshrl.u32 s11, $0x2  }
0xc: {  	s15 =	ssub.s32 s30, s31;
	s9 =	smul.u32 $0x2710, s9;
	s10 =	sshrl.u32 s7, $0x3  }
0xd: {  	s7 =	sadd.s32 $0x4FE600, s8;
	s14 =	sadd.s32 s10, s8;
	s8 =	sadd.s32 s11, s1  }
0xe: {  	s15 =	smax.u32 s15, $0x1;
	s10 =	sadd.s32 $0x4000, s8;
	s11 =	sadd.s32 $0x8000, s8  }
0xf: {  	v0 =	vimm.f32 $0.0e+00;
	s12 =	sadd.s32 $0xC000, s8;
	s13 =	sadd.s32 $0x10000, s8;
	s14 =	sadd.s32 $0x525800, s14  }
.LBB2_1:
0x10: {  	s24 =	simm.s32 $0x0;
	s25 =	simm.s32 $0x200  }
.LBB2_2:
0x11: {  	p0 =	sne.s32 s25, $0xFE00;
	[tilespmem:s24+$0x19170] =	vst v0  }
0x12: {  	[tilespmem:s24+$0x19100] =	vst v0  }
0x13: {  	[tilespmem:s24+$0x19110] =	vst v0  }
.Ltmp0:
0x14: {  	[tilespmem:s24+$0x19120] =	vst v0;
	(pc) =	sbr.rel @p0 .LBB2_2-.Ltmp0, $4  }
0x15: {  	[tilespmem:s24+$0x19130] =	vst v0  }
0x16: {  	[tilespmem:s24+$0x19140] =	vst v0  }
0x17: {  	[tilespmem:s24+$0x19150] =	vst v0  }
0x18: {  	[tilespmem:s24+$0x19160] =	vst v0;
	s24 =	sshra.s32 s25, $0x2;
	s25 =	sadd.s32 $0x200, s25  }
0x19: {  	[tilespmem:s24+$0x19170] =	vst v0  }
0x1a: {  	[tilespmem:s24+$0x19100] =	vst v0  }
0x1b: {  	[tilespmem:s24+$0x19110] =	vst v0  }
0x1c: {  	[tilespmem:s24+$0x19120] =	vst v0  }
0x1d: {  	[tilespmem:s24+$0x19130] =	vst v0  }
0x1e: {  	[tilespmem:s24+$0x19140] =	vst v0  }
0x1f: {  	[tilespmem:s24+$0x19150] =	vst v0  }
0x20: {  	[tilespmem:s24+$0x19160] =	vst v0  }
0x21: {  	[spmem:s8] =	stream.linear.scatter [tilespmem:s16], [sflag:$0x2], $0x4000, $0x38;
	[tilespmem:$0x1D100] =	vst v63  }
0x22: {  	_ =	swait.ge [sflag:s17], $0x4000  }
0x23: {  	[sflag:s17] =	ssyncset.done $0x0  }
0x24: {  	[sflag:s17] =	ssyncadd.s32 $0xFFFFC000  }
0x25: {  	[spmem:s10] =	stream.linear.scatter [tilespmem:s16], [sflag:$0x2], $0x4000, $0x38;
	[tilespmem:$0x1D100] =	vst v63  }
0x26: {  	_ =	swait.ge [sflag:s17], $0x4000  }
0x27: {  	[sflag:s17] =	ssyncset.done $0x0  }
0x28: {  	[sflag:s17] =	ssyncadd.s32 $0xFFFFC000  }
0x29: {  	[spmem:s11] =	stream.linear.scatter [tilespmem:s16], [sflag:$0x2], $0x4000, $0x38;
	[tilespmem:$0x1D100] =	vst v63  }
0x2a: {  	_ =	swait.ge [sflag:s17], $0x4000  }
0x2b: {  	[sflag:s17] =	ssyncset.done $0x0  }
0x2c: {  	[sflag:s17] =	ssyncadd.s32 $0xFFFFC000  }
0x2d: {  	[spmem:s12] =	stream.linear.scatter [tilespmem:s16], [sflag:$0x2], $0x4000, $0x38;
	[tilespmem:$0x1D100] =	vst v63  }
0x2e: {  	_ =	swait.ge [sflag:s17], $0x4000  }
0x2f: {  	[sflag:s17] =	ssyncset.done $0x0  }
0x30: {  	[sflag:s17] =	ssyncadd.s32 $0xFFFFC000  }
0x31: {  	[spmem:s13] =	stream.linear.scatter [tilespmem:s16], [sflag:$0x2], $0x4000, $0x38;
	[tilespmem:$0x1D100] =	vst v63  }
0x32: {  	_ =	swait.ge [sflag:s17], $0x4000  }
0x33: {  	[sflag:s17] =	ssyncset.done $0x0  }
0x34: {  	[sflag:s17] =	ssyncadd.s32 $0xFFFFC000  }
0x35: {  	s24 =	simm.s32 $0x0;
	s25 =	simm.s32 $0x0;
	[bflag:$0x0] =	sbarrier.arrive $0xFFFF  }
.LBB2_4:
0x36: {  	s26 =	smul.u32 $0x50, s25;
	_ =	sdelay $0x1  }
0x37: {  	s26 =	sadd.s32 s9, s26  }
0x38: {  	s28 =	sshrl.u32 s26, $0x3  }
0x39: {  	s29 =	sadd.s32 s5, s28  }
0x3a: {  	[tilespmem:s18], [sflag:$0x2] =	stream.linear.gather [hbm4b:s29+s24], $0x50, $0x38;
	[tilespmem:$0x1D100] =	vst v63  }
0x3b: {  	_ =	swait.ge [sflag:s17], $0x50  }
0x3c: {  	[sflag:s17] =	ssyncset.done $0x0  }
0x3d: {  	s28 =	sadd.s32 s6, s28;
	[sflag:s17] =	ssyncadd.s32 $0xFFFFFFB0  }
0x3e: {  	[tilespmem:s19], [sflag:$0x2] =	stream.linear.gather [hbm4b:s28+s24], $0x50, $0x38;
	[tilespmem:$0x1D100] =	vst v63  }
0x3f: {  	_ =	swait.ge [sflag:s17], $0x50  }
0x40: {  	s26 =	sshll.u32 s26, $0x4;
	[sflag:s17] =	ssyncset.done $0x0  }
0x41: {  	s26 =	sadd.s32 s4, s26;
	[sflag:s17] =	ssyncadd.s32 $0xFFFFFFB0  }
0x42: {  	[tilespmem:s20], [sflag:$0x2] =	stream.linear.gather [hbm4b:s26+s24], $0x2800, $0x38;
	[tilespmem:$0x1D100] =	vst v63  }
0x43: {  	_ =	swait.ge [sflag:s17], $0x2800  }
0x44: {  	[sflag:s17] =	ssyncset.done $0x0  }
0x45: {  	[sflag:s17] =	ssyncadd.s32 $0xFFFFD800  }
0x46: {  	[tilespmem:s22], [sflag:$0x1] =	stream.indirect.gather [hbm4b:s7+s21], $0x80, s18, s21, $0xb8;
	[tilespmem:$0x1D100] =	vst v63  }
0x47: {  	_ =	swait.ge [sflag:s23], $0x2800  }
0x48: {  	[sflag:s23] =	ssyncset.done $0x0  }
0x49: {  	s26 =	simm.s32 $0x0;
	[sflag:s23] =	ssyncadd.s32 $0xFFFFD800  }
0x4a: {  	v7 =	vld [tilespmem:s26+$0x16900]  }
0x4b: {  	v12 =	vld [tilespmem:s26+$0x16910]  }
0x4c: {  	v6 =	vld [tilespmem:s26+$0x16920]  }
0x4d: {  	v5 =	vld [tilespmem:s26+$0x16930]  }
0x4e: {  	v4 =	vld [tilespmem:s26+$0x16940]  }
0x4f: {  	v3 =	vld [tilespmem:s26+$0x16950]  }
0x50: {  	v2 =	vld [tilespmem:s26+$0x16960]  }
0x51: {  	v1 =	vld [tilespmem:s26+$0x16970]  }
0x52: {  	v13 =	vld [tilespmem:s26+$0x14100]  }
0x53: {  	v14 =	vld [tilespmem:s26+$0x14110]  }
0x54: {  	v11 =	vld [tilespmem:s26+$0x14120]  }
0x55: {  	v10 =	vld [tilespmem:s26+$0x14130]  }
0x56: {  	v9 =	vld [tilespmem:s26+$0x14140]  }
0x57: {  	v8 =	vld [tilespmem:s26+$0x14150];
	v13 =	vadd.f32 v7, v13  }
0x58: {  	s28 =	simm.s32 $0x200;
	v12 =	vadd.f32 v12, v14;
	v7 =	vld [tilespmem:s26+$0x14160]  }
.LBB2_5:
0x59: {  	s29 =	sshra.s32 s28, $0x2;
	p0 =	sne.s32 s28, $0x9E00;
	v13 =	vmax.f32 v13, $0.0e+00;
	v6 =	vadd.f32 v6, v11;
	v11 =	vld [tilespmem:s26+$0x14170]  }
0x5a: {  	v14 =	vld [tilespmem:s29+$0x16900];
	[tilespmem:s26+$0x14100] =	vst v13;
	v12 =	vmax.f32 v12, $0.0e+00;
	v5 =	vadd.f32 v5, v10  }
0x5b: {  	v15 =	vld [tilespmem:s29+$0x16910];
	[tilespmem:s26+$0x14110] =	vst v12;
	v10 =	vmax.f32 v6, $0.0e+00;
	v4 =	vadd.f32 v4, v9  }
0x5c: {  	v6 =	vld [tilespmem:s29+$0x16920];
	[tilespmem:s26+$0x14120] =	vst v10;
	v9 =	vmax.f32 v5, $0.0e+00;
	v3 =	vadd.f32 v3, v8  }
0x5d: {  	v5 =	vld [tilespmem:s29+$0x16930];
	[tilespmem:s26+$0x14130] =	vst v9;
	v8 =	vmax.f32 v4, $0.0e+00;
	v2 =	vadd.f32 v2, v7  }
0x5e: {  	v4 =	vld [tilespmem:s29+$0x16940];
	[tilespmem:s26+$0x14140] =	vst v8;
	v7 =	vmax.f32 v3, $0.0e+00;
	v1 =	vadd.f32 v1, v11  }
0x5f: {  	v3 =	vld [tilespmem:s29+$0x16950];
	[tilespmem:s26+$0x14150] =	vst v7;
	v7 =	vmax.f32 v2, $0.0e+00  }
0x60: {  	v2 =	vld [tilespmem:s29+$0x16960];
	[tilespmem:s26+$0x14160] =	vst v7;
	v7 =	vmax.f32 v1, $0.0e+00  }
0x61: {  	v1 =	vld [tilespmem:s29+$0x16970];
	[tilespmem:s26+$0x14170] =	vst v7;
	s26 =	smov.u32 s29  }
0x62: {  	v7 =	vld [tilespmem:s26+$0x14100]  }
0x63: {  	v12 =	vld [tilespmem:s26+$0x14110]  }
.Ltmp1:
0x64: {  	v11 =	vld [tilespmem:s26+$0x14120];
	(pc) =	sbr.rel @p0 .LBB2_5-.Ltmp1, $4  }
0x65: {  	v10 =	vld [tilespmem:s26+$0x14130]  }
0x66: {  	v9 =	vld [tilespmem:s26+$0x14140]  }
0x67: {  	v13 =	vadd.f32 v14, v7;
	v8 =	vld [tilespmem:s26+$0x14150]  }
0x68: {  	s28 =	sadd.s32 $0x200, s28;
	v12 =	vadd.f32 v15, v12;
	v7 =	vld [tilespmem:s26+$0x14160]  }
0x69: {  	v13 =	vmax.f32 v13, $0.0e+00;
	v6 =	vadd.f32 v6, v11;
	v63 =	vld [tilespmem:s26+$0x14170]  }
0x6a: {  	[tilespmem:s26+$0x14100] =	vst v13;
	v12 =	vmax.f32 v12, $0.0e+00;
	v5 =	vadd.f32 v5, v10  }
0x6b: {  	[tilespmem:s26+$0x14110] =	vst v12;
	v6 =	vmax.f32 v6, $0.0e+00;
	v4 =	vadd.f32 v4, v9  }
0x6c: {  	[tilespmem:s26+$0x14120] =	vst v6;
	v5 =	vmax.f32 v5, $0.0e+00;
	v3 =	vadd.f32 v3, v8  }
0x6d: {  	[tilespmem:s26+$0x14130] =	vst v5;
	v4 =	vmax.f32 v4, $0.0e+00;
	v2 =	vadd.f32 v2, v7  }
0x6e: {  	[tilespmem:s26+$0x14140] =	vst v4;
	v3 =	vmax.f32 v3, $0.0e+00;
	v1 =	vadd.f32 v1, v63  }
0x6f: {  	s25 =	sadd.s32 $0x1, s25;
	[tilespmem:s26+$0x14150] =	vst v3;
	v2 =	vmax.f32 v2, $0.0e+00  }
0x70: {  	p0 =	sne.s32 s25, $0x7D;
	[tilespmem:s26+$0x14160] =	vst v2;
	v1 =	vmax.f32 v1, $0.0e+00  }
.Ltmp2:
0x71: {  	[tilespmem:s26+$0x14170] =	vst v1;
	(pc) =	sbr.rel @p0 .LBB2_4-.Ltmp2, $4  }
0x72: {  	[spmem:s1] =	stream.indirect.scatter.add.f32 [tilespmem:s20], [sflag:$0x2], $0x80, s19, s21, $0xb8;
	[tilespmem:$0x1D100] =	vst v63  }
0x73: {  	_ =	swait.ge [sflag:s17], $0x2800  }
0x74: {  	[sflag:s17] =	ssyncset.done $0x0  }
0x75: {  	[sflag:s17] =	ssyncadd.s32 $0xFFFFD800  }
0x76: {  	s3 =	sadd.s32 $0x1, s3  }
0x77: {  	s24 =	sshll.u32 s2, $0x6;
	[bflag:$0x0] =	sbarrier.arrive $0xFFFF;
	p0 =	sne.s32 s3, s15  }
.Ltmp3:
0x78: {  	s25 =	sshrl.u32 s8, $0x3;
	s24 =	sor.u32 $0x1C02, s24;
	(pc) =	sbr.rel @p0 .LBB2_1-.Ltmp3, $4  }
0x79: {  	[hbm:s14], [sflag:s24] =	dma.local [spmem:s25], $0x2800  }
0x7a: {  	_ =	swait.ge [sflag:s17], $0x2800  }
0x7b: {  	[sflag:s17] =	ssyncset.done $0x0  }
0x7c: {  	[sflag:s17] =	ssyncadd.s32 $0xFFFFD800  }
0x7d: {  	_ =	sfence.sel $0x180000  }
0x7e: {  	[bflag:$0x0] =	sbarrier.arrive $0xFFFF  }
0x7f: {  	p0 =	sne.s32 s2, $0x0;
	_ =	strace $0x90000053  }
0x80: {  	s0 =	sadd.s32 @!p0 $0x100000, s0;
	[bflag:$0x2] =	sbarrier.arrive $0xFFFF  }
0x81: {  	[sflag:s0] =	ssyncadd.tile.s32 @!p0 $0x1;
	_ =	shalt  }
.Lfunc_end2:
_tile_overlayer_lowered:
.L_overlay_start_2:
0x82: {  	(tag) =	ssettag $0x2  }
0x83: {  	s0 =	rddreg [dreg:$0x0];
	s2 =	stileid.u32  }
0x84: {  	s1 =	rddreg [dreg:$0x1];
	p0 =	sne.s32 s2, $0x0  }
0x85: {  	s3 =	rddreg [dreg:$0x2];
	[bflag:$0x3] =	sbarrier.arrive $0xFFFF;
	s2 =	simm.s32 @!p0 $0x1C02  }
0x86: {  	[timem:s3], [sflag:s2] =	dma.local @!p0 [hbm:s0], s1  }
0x87: {  	s0 =	simm.s32 @!p0 $0x2  }
0x88: {  	_ =	swait.ge @!p0 [sflag:s0], s1  }
0x89: {  	s1 =	ssub.s32 @!p0 $0x0, s1;
	[sflag:s0] =	ssyncset.done @!p0 $0x0  }
0x8a: {  	[sflag:s0] =	ssyncadd.s32 @!p0 s1  }
0x8b: {  	[bflag:$0x3] =	sbarrier.arrive $0xFFFF  }
0x8c: {  	_ =	shalt  }

// kernel: sc_edge_stage.7.cloned.1.call-start
scs
__scs_entry_jumppad:
0x0: {  	(pc) =	sbr.rel $0x88, $3  }
0x1: {  	(tag) =	ssettag $0x0;
	lr =	simm.s32 $0x1  }
0x2: {  	[smem:$0x3F8A] =	sst lr;
	_ =	strace $0xD0000000  }
0x3: {  	_ = 	snop  }
0x4: {  	_ = 	snop  }
0x5: {  	_ = 	snop  }
0x6: {  	_ = 	snop  }
0x7: {  	_ = 	snop  }
__scs_overlays_trampoline_lowered:
0x8: {  	[smem:$0x3F99] =	sst s0  }
0x9: {  	[smem:$0x3F9A] =	sst s1  }
0xa: {  	[smem:$0x3F9B] =	sst s2  }
0xb: {  	[smem:$0x3F9C] =	sst s3  }
0xc: {  	[smem:$0x3F9D] =	sst s4  }
0xd: {  	[smem:$0x3F9E] =	sst s5  }
0xe: {  	[smem:$0x3F9F] =	sst s6  }
0xf: {  	[smem:$0x3FA0] =	sst s7  }
0x10: {  	[smem:$0x3FA1] =	sst s8  }
0x11: {  	[smem:$0x3FA2] =	sst s9;
	s0 =	simm.s32 @!p0 $0x0  }
0x12: {  	s1 =	sld [smem:$0x3F88];
	s0 =	simm.s32 @p0 $0x1  }
0x13: {  	[smem:$0x3FA3] =	sst s0;
	s0 =	simm.s32 @!p1 $0x0  }
0x14: {  	s2 =	sld [smem:$0x3F87];
	s0 =	simm.s32 @p1 $0x1  }
0x15: {  	[smem:$0x3FA4] =	sst s0;
	s0 =	simm.s32 @!p2 $0x0  }
0x16: {  	s3 =	sld [smem:$0x3FDB];
	s0 =	simm.s32 @p2 $0x1  }
0x17: {  	s4 =	simm.s32 $0x1BF5;
	[smem:$0x3FA6] =	sst s0  }
0x18: {  	s0 =	sld [smem:$0x3F89];
	_ =	swait.ge [sflag:s4], $0x0  }
0x19: {  	s7 =	sld [smem:$0x3F8A]  }
0x1a: {  	s8 =	sadd.s32 $0xFFFFE003, lr  }
0x1b: {  	s9 =	sadd.s32 $0xFFFFFEF7, lr;
	s5 =	simm.s32 $0xFFFFFFFF;
	p2 =	slt.u32 s8, $0xFFFFF086  }
0x1c: {  	p1 =	slt.u32 s9, $0xF7A;
	s5 =	simm.s32 @!p2 $0x0  }
0x1d: {  	s5 =	simm.s32 @p1 $0x1;
	p0 =	seq.s32 s7, s2  }
0x1e: {  	s7 =	smul.u32 @!p0 $0xF7A, s2;
	p2 =	seq.s32 @!p0 s5, $0x0  }
0x1f: {  	s9 =	smul.u32 $0xF7A, s1;
	s8 =	simm.s32 @!p0 $0x1BF5;
	p2 =	por !p2, p0  }
0x20: {  	[sflag:s8] =	ssyncset.s32 @!p0 $0xFFFFF086;
	s6 =	sadd.s32 @!p0 s3, s7;
	s7 =	simm.s32 @!p0 $0x108  }
0x21: {  	s3 =	sadd.s32 s3, s9;
	s6 =	sadd.s32 @!p0 $0x88, s6;
	s7 =	simm.s32 @p2 $0x1082  }
0x22: {  	[simem:s7], [sflag:s8] =	dma.local @!p0 [hbm:s6], $0xF7A  }
0x23: {  	s9 =	sor.u32 $0xD0000000, s2;
	s6 =	simm.s32 $0x108;
	_ =	swait.ge @!p0 [sflag:s8], $0x0  }
0x24: {  	s3 =	sadd.s32 $0x88, s3;
	s6 =	simm.s32 @!p1 $0x1082;
	[sflag:s4] =	ssyncset.s32 $0xFFFFF086  }
0x25: {  	[simem:s6], [sflag:s4] =	dma.local [hbm:s3], $0xF7A  }
0x26: {  	[smem:$0x3F8A] =	sst s1;
	(tag) =	ssettag s2;
	_ =	strace s9  }
0x27: {  	s1 =	sld [smem:$0x3F9A]  }
0x28: {  	s2 =	sld [smem:$0x3F9B]  }
0x29: {  	s4 =	sld [smem:$0x3F9D]  }
0x2a: {  	p0 =	seq.s32 s5, $0x0;
	s5 =	sld [smem:$0x3F9E]  }
0x2b: {  	s6 =	sld [smem:$0x3F9F]  }
0x2c: {  	s7 =	sld [smem:$0x3FA0]  }
0x2d: {  	s3 =	simm.s32 $0x108;
	s8 =	sld [smem:$0x3FA1]  }
0x2e: {  	s3 =	simm.s32 @!p0 $0x1082;
	s9 =	sld [smem:$0x3FA2]  }
0x2f: {  	lr =	sadd.s32 s0, s3;
	s0 =	sld [smem:$0x3F99]  }
0x30: {  	s3 =	sld [smem:$0x3F9C]  }
0x31: {  	[smem:$0x3FA5] =	sst s10  }
0x32: {  	s10 =	sld [smem:$0x3FA3];
	_ =	sdelay $0x3  }
0x33: {  	p0 =	seq.s32 s10, $0x1;
	s10 =	sld [smem:$0x3FA5];
	_ =	sdelay $0x3  }
0x34: {  	[smem:$0x3FA5] =	sst s10  }
0x35: {  	s10 =	sld [smem:$0x3FA4];
	_ =	sdelay $0x3  }
0x36: {  	p1 =	seq.s32 s10, $0x1;
	s10 =	sld [smem:$0x3FA5];
	_ =	sdelay $0x3  }
0x37: {  	[smem:$0x3FA5] =	sst s10  }
0x38: {  	s10 =	sld [smem:$0x3FA6]  }
0x39: {  	_ = 	snop;
	(pc) =	sbr.ind lr, $3  }
0x3a: {  	_ = 	snop  }
0x3b: {  	_ = 	snop  }
0x3c: {  	p2 =	seq.s32 s10, $0x1;
	s10 =	sld [smem:$0x3FA5]  }
0x3d: {  	_ =	shalt  }
0x3e: {  	_ =	shalt  }
0x3f: {  	_ =	shalt  }
0x40: {  	_ =	shalt  }
0x41: {  	_ =	shalt  }
0x42: {  	_ =	shalt  }
0x43: {  	_ =	shalt  }
0x44: {  	_ =	shalt  }
0x45: {  	_ =	shalt  }
0x46: {  	_ =	shalt  }
0x47: {  	_ =	shalt  }
0x48: {  	_ =	shalt  }
0x49: {  	_ =	shalt  }
0x4a: {  	_ =	shalt  }
0x4b: {  	_ =	shalt  }
0x4c: {  	_ =	shalt  }
0x4d: {  	_ =	shalt  }
0x4e: {  	_ =	shalt  }
0x4f: {  	_ =	shalt  }
0x50: {  	_ =	shalt  }
0x51: {  	_ =	shalt  }
0x52: {  	_ =	shalt  }
0x53: {  	_ =	shalt  }
0x54: {  	_ =	shalt  }
0x55: {  	_ =	shalt  }
0x56: {  	_ =	shalt  }
0x57: {  	_ =	shalt  }
0x58: {  	_ =	shalt  }
0x59: {  	_ =	shalt  }
0x5a: {  	_ =	shalt  }
0x5b: {  	_ =	shalt  }
0x5c: {  	_ =	shalt  }
0x5d: {  	_ =	shalt  }
0x5e: {  	_ =	shalt  }
0x5f: {  	_ =	shalt  }
0x60: {  	_ =	shalt  }
0x61: {  	_ =	shalt  }
0x62: {  	_ =	shalt  }
0x63: {  	_ =	shalt  }
0x64: {  	_ =	shalt  }
0x65: {  	_ =	shalt  }
0x66: {  	_ =	shalt  }
0x67: {  	_ =	shalt  }
0x68: {  	_ =	shalt  }
0x69: {  	_ =	shalt  }
0x6a: {  	_ =	shalt  }
0x6b: {  	_ =	shalt  }
0x6c: {  	_ =	shalt  }
0x6d: {  	_ =	shalt  }
0x6e: {  	_ =	shalt  }
0x6f: {  	_ =	shalt  }
0x70: {  	_ =	shalt  }
0x71: {  	_ =	shalt  }
0x72: {  	_ =	shalt  }
0x73: {  	_ =	shalt  }
0x74: {  	_ =	shalt  }
0x75: {  	_ =	shalt  }
0x76: {  	_ =	shalt  }
0x77: {  	_ =	shalt  }
0x78: {  	_ =	shalt  }
0x79: {  	_ =	shalt  }
0x7a: {  	_ =	shalt  }
0x7b: {  	_ =	shalt  }
0x7c: {  	_ =	shalt  }
0x7d: {  	_ =	shalt  }
0x7e: {  	_ =	shalt  }
0x7f: {  	_ =	shalt  }
0x80: {  	_ =	shalt  }
0x81: {  	_ =	shalt  }
0x82: {  	_ =	shalt  }
0x83: {  	_ =	shalt  }
0x84: {  	_ =	shalt  }
0x85: {  	_ =	shalt  }
0x86: {  	_ =	shalt  }
0x87: {  	_ =	shalt  }
.Lfunc_end0:
.L_simem_size_0:
called_computation_lowered:
.L_overlay_start_0:
0x88: {  	s2 =	sld [smem:$0x3FD9]  }
0x89: {  	s3 =	sld [smem:$0x3FFE];
	_ =	sdelay $0x1  }
0x8a: {  	s1 =	srdreg.scid  }
0x8b: {  	s0 =	sand.u32 $0x1, s1  }
0x8c: {  	s16 =	sshll.u32 s0, $0xA;
	s2 =	sadd.s32 s3, s2  }
0x8d: {  	s2 =	sadd.s32 s2, s16  }
0x8e: {  	[smem:$0x3FB1] =	sst s2  }
0x8f: {  	_ = 	snop  }
0x90: {  	(tm) =	ssettm $0x1  }
0x91: {  	s17 =	sld [smem:$0x3FFB];
	_ =	sdelay $0x3  }
0x92: {  	_ =	strace s17  }
0x93: {  	s2 =	sld [smem:$0x3FFC];
	_ =	sdelay $0x3  }
0x94: {  	_ =	strace s2  }
0x95: {  	s2 =	sld [smem:$0x3FFD];
	_ =	sdelay $0x3  }
0x96: {  	_ =	strace s2  }
0x97: {  	_ =	strace $0x8FFFFFFF  }
0x98: {  	s18 =	sld [smem:$0x3FDB];
	_ =	sdelay $0x1  }
0x99: {  	s19 =	simm.s32 $_scs_section_size  }
0x9a: {  	s4 =	simm.s32 $_size__tile_overlayer_lowered;
	s5 =	simm.s32 $_tile_overlayer_lowered  }
0x9b: {  	s22 =	simm.s32 $0x1BFF;
	s21 =	sshll.u32 s5, $0x1;
	s2 =	sadd.s32 s19, s18  }
0x9c: {  	s6 =	simm.s32 $0x0;
	s20 =	sshll.u32 s4, $0x1;
	s4 =	sadd.s32 s21, s2  }
0x9d: {  	[timem:s6], [sflag:s22] =	dma.local [hbm:s4], s20  }
0x9e: {  	_ =	swait.ge [sflag:s22], s20  }
0x9f: {  	s3 =	ssub.s32 $0x0, s20;
	[sflag:s22] =	ssyncset.done $0x0  }
0xa0: {  	[sflag:s22] =	ssyncadd.s32 s3;
	_ =	sdelay $0x1  }
0xa1: {  	s23 =	simm.s32 $0x1B8B  }
0xa2: {  	_ =	swait.ge [sflag:s23], $0x1  }
0xa3: {  	[sflag:s23] =	ssyncset.done $0x0  }
0xa4: {  	s25 =	simm.s32 $0x1B8E;
	s24 =	sld [smem:$0x3FFE];
	[sflag:s23] =	ssyncadd.s32 $0xFFFFFFFF  }
0xa5: {  	s26 =	simm.s32 $execute0_lowered;
	[smem:$0x3FD2] =	sst s25  }
0xa6: {  	s4 =	sshll.u32 s26, $0x1;
	_ =	strace $0x80000046;
	[dreg:$0x1] =	wrdreg $0xFFFFFFFF  }
0xa7: {  	s28 =	simm.s32 $_size_execute0_lowered;
	s2 =	sadd.s32 s2, s4;
	[dreg:$0x0] =	wrdreg $0x0  }
0xa8: {  	s4 =	sshll.u32 s28, $0x1;
	[dreg:$0x2] =	wrdreg s2  }
0xa9: {  	[dreg:$0x3] =	wrdreg s4  }
0xaa: {  	[dreg:$0x4] =	wrdreg $0xC0  }
0xab: {  	_ =	task [dreg:s6], $0x5FFFF  }
0xac: {  	[dreg:$0x1] =	wrdreg $0xFFFFFFFF  }
0xad: {  	[dreg:$0x0] =	wrdreg $0x60  }
0xae: {  	[dreg:$0x2] =	wrdreg s24  }
0xaf: {  	[dreg:$0x3] =	wrdreg $0x0  }
0xb0: {  	[dreg:$0x4] =	wrdreg $0x9  }
0xb1: {  	_ =	task.clear_ibuf [dreg:s6], $0x5FFFF;
	_ =	strace $0x90000046  }
0xb2: {  	s29 =	simm.s32 $0x9;
	_ =	strace $0x80000048  }
0xb3: {  	_ =	swait.ge [sflag:s29], $0x1  }
0xb4: {  	[sflag:s29] =	ssyncadd.s32 $0xFFFFFFFF  }
0xb5: {  	_ =	strace $0x90000048  }
0xb6: {  	_ =	sfence  }
0xb7: {  	s30 =	sld [smem:$0x0];
	_ =	sdelay $0x2  }
0xb8: {  	s31 =	sshll.u32 s1, $0xD;
	s1 =	sshrl.u32 s1, $0x2  }
0xb9: {  	s3 =	sand.u32 $0x4000, s31;
	s1 =	sadd.s32 s1, s30  }
0xba: {  	s0 =	sor.u32 s3, s0;
	s1 =	sshll.u32 s1, $0x11  }
0xbb: {  	s0 =	sor.u32 s1, s0  }
0xbc: {  	s0 =	sadd.s32 $0x8F2B, s0  }
0xbd: {  	[sflag:s0] =	ssyncadd.remote.s32 $0x1  }
0xbe: {  	_ =	sfence.sel $0xFFFF  }
0xbf: {  	[dreg:$0x0] =	wrdreg $0xFFFFFFFF;
	(pc) =	sbr.abs _section_cstart, $3  }
0xc0: {  	[dreg:$0x1] =	wrdreg $0xFFFFFFFF  }
0xc1: {  	_ =	task.clear_ibuf [dreg:s6], $0x2FFFF;
	_ =	strace $0x9FFFFFFF  }
0xc2: {  	(tm) =	ssettm $0x7FFFFFFF  }
0xc3: {  	_ =	shalt  }
tec
execute0_lowered:
.L_overlay_start_1:
0x0: {  	(tag) =	ssettag $0x1  }
0x1: {  	s8 =	rddreg [dreg:$0x0]  }
0x2: {  	s1 =	rddreg [dreg:$0x1]  }
0x3: {  	s2 =	srdreg.scid;
	s0 =	rddreg [dreg:$0x2];
	s3 =	simm.s32 $0x0  }
0x4: {  	s16 =	simm.s32 $0x19100;
	s17 =	simm.s32 $0x2;
	s18 =	simm.s32 $0x14000  }
0x5: {  	s19 =	simm.s32 $0x14080;
	s20 =	simm.s32 $0x14100;
	s21 =	simm.s32 $0x50  }
0x6: {  	s22 =	simm.s32 $0x16900;
	s23 =	simm.s32 $0x1;
	s9 =	sand.u32 $0x1, s2  }
0x7: {  	s2 =	stileid.u32;
	s4 =	sadd.s32 $0x525800, s8;
	s6 =	smul.u32 $0x140000, s9  }
0x8: {  	[smem:$0x7FF] =	sst s3;
	s5 =	sadd.s32 $0x4F4800, s8;
	s7 =	smul.u32 $0x14000, s2  }
0x9: {  	s11 =	smul.u32 $0x50000, s2;
	s30 =	ssub.s32 $0x2, s9;
	s9 =	sshll.u32 s9, $0x4  }
0xa: {  	_ =	strace $0x80000047;
	s31 =	sshrl.u32 s30, $0x1;
	s9 =	sor.u32 s2, s9  }
0xb: {  	s7 =	sadd.s32 s7, s6;
	s6 =	sadd.s32 $0x4EAA00, s8;
	s11 =	sshrl.u32 s11, $0x2  }
0xc: {  	s15 =	ssub.s32 s30, s31;
	s9 =	smul.u32 $0x2710, s9;
	s10 =	sshrl.u32 s7, $0x3  }
0xd: {  	s7 =	sadd.s32 $0x4FE600, s8;
	s14 =	sadd.s32 s10, s8;
	s8 =	sadd.s32 s11, s1  }
0xe: {  	s15 =	smax.u32 s15, $0x1;
	s10 =	sadd.s32 $0x4000, s8;
	s11 =	sadd.s32 $0x8000, s8  }
0xf: {  	v0 =	vimm.f32 $0.0e+00;
	s12 =	sadd.s32 $0xC000, s8;
	s13 =	sadd.s32 $0x10000, s8;
	s14 =	sadd.s32 $0xA07800, s14  }
.LBB2_1:
0x10: {  	s24 =	simm.s32 $0x0;
	s25 =	simm.s32 $0x200  }
.LBB2_2:
0x11: {  	p0 =	sne.s32 s25, $0xFE00;
	[tilespmem:s24+$0x19170] =	vst v0  }
0x12: {  	[tilespmem:s24+$0x19100] =	vst v0  }
0x13: {  	[tilespmem:s24+$0x19110] =	vst v0  }
.Ltmp0:
0x14: {  	[tilespmem:s24+$0x19120] =	vst v0;
	(pc) =	sbr.rel @p0 .LBB2_2-.Ltmp0, $4  }
0x15: {  	[tilespmem:s24+$0x19130] =	vst v0  }
0x16: {  	[tilespmem:s24+$0x19140] =	vst v0  }
0x17: {  	[tilespmem:s24+$0x19150] =	vst v0  }
0x18: {  	[tilespmem:s24+$0x19160] =	vst v0;
	s24 =	sshra.s32 s25, $0x2;
	s25 =	sadd.s32 $0x200, s25  }
0x19: {  	[tilespmem:s24+$0x19170] =	vst v0  }
0x1a: {  	[tilespmem:s24+$0x19100] =	vst v0  }
0x1b: {  	[tilespmem:s24+$0x19110] =	vst v0  }
0x1c: {  	[tilespmem:s24+$0x19120] =	vst v0  }
0x1d: {  	[tilespmem:s24+$0x19130] =	vst v0  }
0x1e: {  	[tilespmem:s24+$0x19140] =	vst v0  }
0x1f: {  	[tilespmem:s24+$0x19150] =	vst v0  }
0x20: {  	[tilespmem:s24+$0x19160] =	vst v0  }
0x21: {  	[spmem:s8] =	stream.linear.scatter [tilespmem:s16], [sflag:$0x2], $0x4000, $0x38;
	[tilespmem:$0x1D100] =	vst v63  }
0x22: {  	_ =	swait.ge [sflag:s17], $0x4000  }
0x23: {  	[sflag:s17] =	ssyncset.done $0x0  }
0x24: {  	[sflag:s17] =	ssyncadd.s32 $0xFFFFC000  }
0x25: {  	[spmem:s10] =	stream.linear.scatter [tilespmem:s16], [sflag:$0x2], $0x4000, $0x38;
	[tilespmem:$0x1D100] =	vst v63  }
0x26: {  	_ =	swait.ge [sflag:s17], $0x4000  }
0x27: {  	[sflag:s17] =	ssyncset.done $0x0  }
0x28: {  	[sflag:s17] =	ssyncadd.s32 $0xFFFFC000  }
0x29: {  	[spmem:s11] =	stream.linear.scatter [tilespmem:s16], [sflag:$0x2], $0x4000, $0x38;
	[tilespmem:$0x1D100] =	vst v63  }
0x2a: {  	_ =	swait.ge [sflag:s17], $0x4000  }
0x2b: {  	[sflag:s17] =	ssyncset.done $0x0  }
0x2c: {  	[sflag:s17] =	ssyncadd.s32 $0xFFFFC000  }
0x2d: {  	[spmem:s12] =	stream.linear.scatter [tilespmem:s16], [sflag:$0x2], $0x4000, $0x38;
	[tilespmem:$0x1D100] =	vst v63  }
0x2e: {  	_ =	swait.ge [sflag:s17], $0x4000  }
0x2f: {  	[sflag:s17] =	ssyncset.done $0x0  }
0x30: {  	[sflag:s17] =	ssyncadd.s32 $0xFFFFC000  }
0x31: {  	[spmem:s13] =	stream.linear.scatter [tilespmem:s16], [sflag:$0x2], $0x4000, $0x38;
	[tilespmem:$0x1D100] =	vst v63  }
0x32: {  	_ =	swait.ge [sflag:s17], $0x4000  }
0x33: {  	[sflag:s17] =	ssyncset.done $0x0  }
0x34: {  	[sflag:s17] =	ssyncadd.s32 $0xFFFFC000  }
0x35: {  	s24 =	simm.s32 $0x0;
	s25 =	simm.s32 $0x0;
	[bflag:$0x0] =	sbarrier.arrive $0xFFFF  }
.LBB2_4:
0x36: {  	s26 =	smul.u32 $0x50, s25;
	_ =	sdelay $0x1  }
0x37: {  	s26 =	sadd.s32 s9, s26  }
0x38: {  	s28 =	sshrl.u32 s26, $0x3  }
0x39: {  	s29 =	sadd.s32 s5, s28  }
0x3a: {  	[tilespmem:s18], [sflag:$0x2] =	stream.linear.gather [hbm4b:s29+s24], $0x50, $0x38;
	[tilespmem:$0x1D100] =	vst v63  }
0x3b: {  	_ =	swait.ge [sflag:s17], $0x50  }
0x3c: {  	[sflag:s17] =	ssyncset.done $0x0  }
0x3d: {  	s28 =	sadd.s32 s6, s28;
	[sflag:s17] =	ssyncadd.s32 $0xFFFFFFB0  }
0x3e: {  	[tilespmem:s19], [sflag:$0x2] =	stream.linear.gather [hbm4b:s28+s24], $0x50, $0x38;
	[tilespmem:$0x1D100] =	vst v63  }
0x3f: {  	_ =	swait.ge [sflag:s17], $0x50  }
0x40: {  	s26 =	sshll.u32 s26, $0x4;
	[sflag:s17] =	ssyncset.done $0x0  }
0x41: {  	s26 =	sadd.s32 s4, s26;
	[sflag:s17] =	ssyncadd.s32 $0xFFFFFFB0  }
0x42: {  	[tilespmem:s20], [sflag:$0x2] =	stream.linear.gather [hbm4b:s26+s24], $0x2800, $0x38;
	[tilespmem:$0x1D100] =	vst v63  }
0x43: {  	_ =	swait.ge [sflag:s17], $0x2800  }
0x44: {  	[sflag:s17] =	ssyncset.done $0x0  }
0x45: {  	[sflag:s17] =	ssyncadd.s32 $0xFFFFD800  }
0x46: {  	[tilespmem:s22], [sflag:$0x1] =	stream.indirect.gather [hbm4b:s7+s21], $0x80, s18, s21, $0xb8;
	[tilespmem:$0x1D100] =	vst v63  }
0x47: {  	_ =	swait.ge [sflag:s23], $0x2800  }
0x48: {  	[sflag:s23] =	ssyncset.done $0x0  }
0x49: {  	s26 =	simm.s32 $0x0;
	[sflag:s23] =	ssyncadd.s32 $0xFFFFD800  }
0x4a: {  	v7 =	vld [tilespmem:s26+$0x16900]  }
0x4b: {  	v12 =	vld [tilespmem:s26+$0x16910]  }
0x4c: {  	v6 =	vld [tilespmem:s26+$0x16920]  }
0x4d: {  	v5 =	vld [tilespmem:s26+$0x16930]  }
0x4e: {  	v4 =	vld [tilespmem:s26+$0x16940]  }
0x4f: {  	v3 =	vld [tilespmem:s26+$0x16950]  }
0x50: {  	v2 =	vld [tilespmem:s26+$0x16960]  }
0x51: {  	v1 =	vld [tilespmem:s26+$0x16970]  }
0x52: {  	v13 =	vld [tilespmem:s26+$0x14100]  }
0x53: {  	v14 =	vld [tilespmem:s26+$0x14110]  }
0x54: {  	v11 =	vld [tilespmem:s26+$0x14120]  }
0x55: {  	v10 =	vld [tilespmem:s26+$0x14130]  }
0x56: {  	v9 =	vld [tilespmem:s26+$0x14140]  }
0x57: {  	v8 =	vld [tilespmem:s26+$0x14150];
	v13 =	vadd.f32 v7, v13  }
0x58: {  	s28 =	simm.s32 $0x200;
	v12 =	vadd.f32 v12, v14;
	v7 =	vld [tilespmem:s26+$0x14160]  }
.LBB2_5:
0x59: {  	s29 =	sshra.s32 s28, $0x2;
	p0 =	sne.s32 s28, $0x9E00;
	v13 =	vmax.f32 v13, $0.0e+00;
	v6 =	vadd.f32 v6, v11;
	v11 =	vld [tilespmem:s26+$0x14170]  }
0x5a: {  	v14 =	vld [tilespmem:s29+$0x16900];
	[tilespmem:s26+$0x14100] =	vst v13;
	v12 =	vmax.f32 v12, $0.0e+00;
	v5 =	vadd.f32 v5, v10  }
0x5b: {  	v15 =	vld [tilespmem:s29+$0x16910];
	[tilespmem:s26+$0x14110] =	vst v12;
	v10 =	vmax.f32 v6, $0.0e+00;
	v4 =	vadd.f32 v4, v9  }
0x5c: {  	v6 =	vld [tilespmem:s29+$0x16920];
	[tilespmem:s26+$0x14120] =	vst v10;
	v9 =	vmax.f32 v5, $0.0e+00;
	v3 =	vadd.f32 v3, v8  }
0x5d: {  	v5 =	vld [tilespmem:s29+$0x16930];
	[tilespmem:s26+$0x14130] =	vst v9;
	v8 =	vmax.f32 v4, $0.0e+00;
	v2 =	vadd.f32 v2, v7  }
0x5e: {  	v4 =	vld [tilespmem:s29+$0x16940];
	[tilespmem:s26+$0x14140] =	vst v8;
	v7 =	vmax.f32 v3, $0.0e+00;
	v1 =	vadd.f32 v1, v11  }
0x5f: {  	v3 =	vld [tilespmem:s29+$0x16950];
	[tilespmem:s26+$0x14150] =	vst v7;
	v7 =	vmax.f32 v2, $0.0e+00  }
0x60: {  	v2 =	vld [tilespmem:s29+$0x16960];
	[tilespmem:s26+$0x14160] =	vst v7;
	v7 =	vmax.f32 v1, $0.0e+00  }
0x61: {  	v1 =	vld [tilespmem:s29+$0x16970];
	[tilespmem:s26+$0x14170] =	vst v7;
	s26 =	smov.u32 s29  }
0x62: {  	v7 =	vld [tilespmem:s26+$0x14100]  }
0x63: {  	v12 =	vld [tilespmem:s26+$0x14110]  }
.Ltmp1:
0x64: {  	v11 =	vld [tilespmem:s26+$0x14120];
	(pc) =	sbr.rel @p0 .LBB2_5-.Ltmp1, $4  }
0x65: {  	v10 =	vld [tilespmem:s26+$0x14130]  }
0x66: {  	v9 =	vld [tilespmem:s26+$0x14140]  }
0x67: {  	v13 =	vadd.f32 v14, v7;
	v8 =	vld [tilespmem:s26+$0x14150]  }
0x68: {  	s28 =	sadd.s32 $0x200, s28;
	v12 =	vadd.f32 v15, v12;
	v7 =	vld [tilespmem:s26+$0x14160]  }
0x69: {  	v13 =	vmax.f32 v13, $0.0e+00;
	v6 =	vadd.f32 v6, v11;
	v63 =	vld [tilespmem:s26+$0x14170]  }
0x6a: {  	[tilespmem:s26+$0x14100] =	vst v13;
	v12 =	vmax.f32 v12, $0.0e+00;
	v5 =	vadd.f32 v5, v10  }
0x6b: {  	[tilespmem:s26+$0x14110] =	vst v12;
	v6 =	vmax.f32 v6, $0.0e+00;
	v4 =	vadd.f32 v4, v9  }
0x6c: {  	[tilespmem:s26+$0x14120] =	vst v6;
	v5 =	vmax.f32 v5, $0.0e+00;
	v3 =	vadd.f32 v3, v8  }
0x6d: {  	[tilespmem:s26+$0x14130] =	vst v5;
	v4 =	vmax.f32 v4, $0.0e+00;
	v2 =	vadd.f32 v2, v7  }
0x6e: {  	[tilespmem:s26+$0x14140] =	vst v4;
	v3 =	vmax.f32 v3, $0.0e+00;
	v1 =	vadd.f32 v1, v63  }
0x6f: {  	s25 =	sadd.s32 $0x1, s25;
	[tilespmem:s26+$0x14150] =	vst v3;
	v2 =	vmax.f32 v2, $0.0e+00  }
0x70: {  	p0 =	sne.s32 s25, $0x7D;
	[tilespmem:s26+$0x14160] =	vst v2;
	v1 =	vmax.f32 v1, $0.0e+00  }
.Ltmp2:
0x71: {  	[tilespmem:s26+$0x14170] =	vst v1;
	(pc) =	sbr.rel @p0 .LBB2_4-.Ltmp2, $4  }
0x72: {  	[spmem:s1] =	stream.indirect.scatter.add.f32 [tilespmem:s20], [sflag:$0x2], $0x80, s19, s21, $0xb8;
	[tilespmem:$0x1D100] =	vst v63  }
0x73: {  	_ =	swait.ge [sflag:s17], $0x2800  }
0x74: {  	[sflag:s17] =	ssyncset.done $0x0  }
0x75: {  	[sflag:s17] =	ssyncadd.s32 $0xFFFFD800  }
0x76: {  	s3 =	sadd.s32 $0x1, s3  }
0x77: {  	s24 =	sshll.u32 s2, $0x6;
	[bflag:$0x0] =	sbarrier.arrive $0xFFFF;
	p0 =	sne.s32 s3, s15  }
.Ltmp3:
0x78: {  	s25 =	sshrl.u32 s8, $0x3;
	s24 =	sor.u32 $0x1C02, s24;
	(pc) =	sbr.rel @p0 .LBB2_1-.Ltmp3, $4  }
0x79: {  	[hbm:s14], [sflag:s24] =	dma.local [spmem:s25], $0x2800  }
0x7a: {  	_ =	swait.ge [sflag:s17], $0x2800  }
0x7b: {  	[sflag:s17] =	ssyncset.done $0x0  }
0x7c: {  	[sflag:s17] =	ssyncadd.s32 $0xFFFFD800  }
0x7d: {  	_ =	sfence.sel $0x180000  }
0x7e: {  	[bflag:$0x0] =	sbarrier.arrive $0xFFFF  }
0x7f: {  	p0 =	sne.s32 s2, $0x0;
	_ =	strace $0x90000047  }
0x80: {  	s0 =	sadd.s32 @!p0 $0x100000, s0;
	[bflag:$0x2] =	sbarrier.arrive $0xFFFF  }
0x81: {  	[sflag:s0] =	ssyncadd.tile.s32 @!p0 $0x1;
	_ =	shalt  }
.Lfunc_end2:
_tile_overlayer_lowered:
.L_overlay_start_2:
0x82: {  	(tag) =	ssettag $0x2  }
0x83: {  	s0 =	rddreg [dreg:$0x0];
	s2 =	stileid.u32  }
0x84: {  	s1 =	rddreg [dreg:$0x1];
	p0 =	sne.s32 s2, $0x0  }
0x85: {  	s3 =	rddreg [dreg:$0x2];
	[bflag:$0x3] =	sbarrier.arrive $0xFFFF;
	s2 =	simm.s32 @!p0 $0x1C02  }
0x86: {  	[timem:s3], [sflag:s2] =	dma.local @!p0 [hbm:s0], s1  }
0x87: {  	s0 =	simm.s32 @!p0 $0x2  }
0x88: {  	_ =	swait.ge @!p0 [sflag:s0], s1  }
0x89: {  	s1 =	ssub.s32 @!p0 $0x0, s1;
	[sflag:s0] =	ssyncset.done @!p0 $0x0  }
0x8a: {  	[sflag:s0] =	ssyncadd.s32 @!p0 s1  }
0x8b: {  	[bflag:$0x3] =	sbarrier.arrive $0xFFFF  }
0x8c: {  	_ =	shalt  }

</sc_bundles>
